<compile_context>
chip_gen: v7x
topology: tpu7x:2x2x1
jax: 0.10.2.dev20260603
libtpu: 0.0.44.dev20260713+nightly
codegen_flags: <defaults>
</compile_context>

<pallas_src>
import functools

import jax
import jax.numpy as jnp
from jax import lax
from jax.experimental import pallas as pl
from jax.experimental.pallas import tpu as pltpu
from jax.experimental.pallas import tpu_sc as plsc

N = 10000
E = 320000
D = 256
HD = 128
NSUB = 16
SR = 624
TAIL = N - NSUB * SR
K = 80

BM = 400
NB = N // BM


def _sc_mesh():
    return plsc.VectorSubcoreMesh(core_axis_name="c", subcore_axis_name="s")


def _stripe_copy(src_ref, src_base, dst_ref, dst_base, s):
    o1 = pl.multiple_of(src_base + s * SR, 8)
    o2 = pl.multiple_of(dst_base + s * SR, 8)
    pltpu.sync_copy(src_ref.at[pl.ds(o1, SR)], dst_ref.at[pl.ds(o2, SR)])

    @pl.when(s == NSUB - 1)
    def _():
        t1 = pl.multiple_of(src_base + NSUB * SR, 8)
        t2 = pl.multiple_of(dst_base + NSUB * SR, 8)
        pltpu.sync_copy(src_ref.at[pl.ds(t1, TAIL)],
                        dst_ref.at[pl.ds(t2, TAIL)])


def _sc_degree(dst):
    z = jnp.zeros((N, HD), jnp.float32)
    ones = jnp.ones((K, HD), jnp.float32)
    ept = (E // 2) // NSUB

    @functools.partial(
        pl.kernel,
        mesh=_sc_mesh(),
        out_type=jax.ShapeDtypeStruct((2 * N, HD), jnp.float32),
        scratch_types=[
            pltpu.VMEM((K,), jnp.int32),
            pltpu.VMEM((K, HD), jnp.float32),
            pltpu.VMEM_SHARED((N, HD), jnp.float32),
        ],
    )
    def k(dst_hbm, z_hbm, ones_hbm, out_hbm, dst_v, ones_v, deg_sh):
        c = lax.axis_index("c")
        s = lax.axis_index("s")
        _stripe_copy(z_hbm, 0, deg_sh, 0, s)
        pltpu.sync_copy(ones_hbm, ones_v)
        plsc.subcore_barrier()
        base = c * (E // 2) + s * ept

        def body(j, carry):
            pltpu.sync_copy(dst_hbm.at[pl.ds(base + j * K, K)], dst_v)
            pltpu.sync_copy(ones_v, deg_sh.at[dst_v], add=True)
            return carry

        lax.fori_loop(0, ept // K, body, 0)
        plsc.subcore_barrier()
        _stripe_copy(deg_sh, 0, out_hbm, c * N, s)

    return k(dst, z, ones)


KS = 128
GS = 10
NGS = 16
EPT = KS * GS * NGS


def _sc_segsum(g2, src3, dst3):
    z = jnp.zeros((N, HD), jnp.float32)

    @functools.partial(
        pl.kernel,
        mesh=_sc_mesh(),
        out_type=jax.ShapeDtypeStruct((2 * N, HD), jnp.float32),
        scratch_types=[
            pltpu.VMEM((2, GS, KS), jnp.int32),
            pltpu.VMEM((2, GS, KS), jnp.int32),
            pltpu.VMEM((2, KS, HD), jnp.float32),
            pltpu.VMEM_SHARED((N + 8, HD), jnp.float32),
            pltpu.SemaphoreType.DMA,
            pltpu.SemaphoreType.DMA,
        ],
    )
    def k(g2_hbm, src3_hbm, dst3_hbm, z_hbm, out_hbm,
          srcg, dstg, rows_v, acc_sh, sem_g, sem_i):
        c = lax.axis_index("c")
        s = lax.axis_index("s")
        w = c * NSUB + s
        pltpu.sync_copy(src3_hbm.at[w * NGS], srcg.at[0])
        pltpu.sync_copy(dst3_hbm.at[s * NGS], dstg.at[0])
        _stripe_copy(z_hbm, 0, acc_sh, 0, s)
        plsc.subcore_barrier()

        pltpu.async_copy(g2_hbm.at[srcg.at[0].at[0]], rows_v.at[0], sem_g)

        def body(gi, carry):
            gp = gi % 2

            @pl.when(gi + 1 < NGS)
            def _():
                pltpu.async_copy(src3_hbm.at[w * NGS + gi + 1],
                                 srcg.at[(gi + 1) % 2], sem_i)
                pltpu.async_copy(dst3_hbm.at[s * NGS + gi + 1],
                                 dstg.at[(gi + 1) % 2], sem_i)

            for j in range(GS):
                pltpu.make_async_copy(g2_hbm.at[pl.ds(0, KS)],
                                      rows_v.at[j % 2], sem_g).wait()
                if j < GS - 1:
                    pltpu.async_copy(g2_hbm.at[srcg.at[gp].at[j + 1]],
                                     rows_v.at[(j + 1) % 2], sem_g)
                else:
                    @pl.when(gi + 1 < NGS)
                    def _():
                        pltpu.make_async_copy(src3_hbm.at[0],
                                              srcg.at[0], sem_i).wait()
                        pltpu.make_async_copy(dst3_hbm.at[0],
                                              dstg.at[0], sem_i).wait()
                        pltpu.async_copy(
                            g2_hbm.at[srcg.at[(gi + 1) % 2].at[0]],
                            rows_v.at[(j + 1) % 2], sem_g)
                pltpu.sync_copy(rows_v.at[j % 2],
                                acc_sh.at[dstg.at[gp].at[j]], add=True)
            return carry

        lax.fori_loop(0, NGS, body, 0)
        plsc.subcore_barrier()
        _stripe_copy(acc_sh, 0, out_hbm, c * N, s)

    return k(g2, src3, dst3, z)


def _enc(x, W1, b1, W2, b2):
    def body(x_ref, w1_ref, b1_ref, w2_ref, b2_ref, o_ref):
        t = jnp.dot(x_ref[...], w1_ref[...], preferred_element_type=jnp.float32)
        t = jnp.maximum(t + b1_ref[...], 0.0)
        o_ref[...] = (jnp.dot(t, w2_ref[...], preferred_element_type=jnp.float32)
                      + b2_ref[...])

    return pl.pallas_call(
        body,
        grid=(NB,),
        in_specs=[
            pl.BlockSpec((BM, 128), lambda i: (i, 0)),
            pl.BlockSpec((128, D), lambda i: (0, 0)),
            pl.BlockSpec((1, D), lambda i: (0, 0)),
            pl.BlockSpec((D, D), lambda i: (0, 0)),
            pl.BlockSpec((1, D), lambda i: (0, 0)),
        ],
        out_specs=pl.BlockSpec((BM, D), lambda i: (i, 0)),
        out_shape=jax.ShapeDtypeStruct((N, D), jnp.float32),
    )(x, W1, b1.reshape(1, D), W2, b2.reshape(1, D))


def _gmm(h, W, deg2):
    def body(h_ref, w_ref, da_ref, db_ref, o_ref):
        dinv = lax.rsqrt(da_ref[...] + db_ref[...] + 1.0)
        g = dinv * jnp.dot(h_ref[...], w_ref[...],
                           preferred_element_type=jnp.float32)
        o_ref[0] = g[:, :HD]
        o_ref[1] = g[:, HD:]

    return pl.pallas_call(
        body,
        grid=(NB,),
        in_specs=[
            pl.BlockSpec((BM, D), lambda i: (i, 0)),
            pl.BlockSpec((D, D), lambda i: (0, 0)),
            pl.BlockSpec((BM, 1), lambda i: (i, 0)),
            pl.BlockSpec((BM, 1), lambda i: (NB + i, 0)),
        ],
        out_specs=pl.BlockSpec((2, BM, HD), lambda i: (0, i, 0)),
        out_shape=jax.ShapeDtypeStruct((2, N, HD), jnp.float32),
    )(h, W, deg2, deg2)


def _post(acc2, g2, deg2, b):
    def body(aL, aR, gL, gR, da, db, b_ref, o_ref):
        dinv = lax.rsqrt(da[...] + db[...] + 1.0)
        o_ref[:, :HD] = jnp.maximum(
            dinv * (aL[...] + gL[...]) + b_ref[:, :HD], 0.0)
        o_ref[:, HD:] = jnp.maximum(
            dinv * (aR[...] + gR[...]) + b_ref[:, HD:], 0.0)

    return pl.pallas_call(
        body,
        grid=(NB,),
        in_specs=[
            pl.BlockSpec((BM, HD), lambda i: (i, 0)),
            pl.BlockSpec((BM, HD), lambda i: (NB + i, 0)),
            pl.BlockSpec((BM, HD), lambda i: (i, 0)),
            pl.BlockSpec((BM, HD), lambda i: (NB + i, 0)),
            pl.BlockSpec((BM, 1), lambda i: (i, 0)),
            pl.BlockSpec((BM, 1), lambda i: (NB + i, 0)),
            pl.BlockSpec((1, D), lambda i: (0, 0)),
        ],
        out_specs=pl.BlockSpec((BM, D), lambda i: (i, 0)),
        out_shape=jax.ShapeDtypeStruct((N, D), jnp.float32),
    )(acc2, acc2, g2, g2, deg2, deg2, b.reshape(1, D))


def _head(h, idx2, ea0, Wp1, bp1, Wp2, bp2, Wf1, bf1, Wf2, bf2,
          Ws1, bs1, Ws2, bs2):
    def body(idx_ref, hs_ref, hd_ref, ea_ref,
             wp1, bp1r, wp2, bp2r, wf1, bf1r, wf2, bf2r,
             ws1, bs1r, ws2, bs2r, c_ref, s_ref):
        rs = idx_ref[0] % 8
        rd = idx_ref[1] % 8
        hs = hs_ref[pl.ds(rs, 1), :]
        hd = hd_ref[pl.ds(rd, 1), :]
        dot = functools.partial(jnp.dot, preferred_element_type=jnp.float32)
        e = dot(hs, wp1[:D, :]) + dot(hd, wp1[D:, :]) + bp1r[...]
        e = jnp.maximum(e, 0.0)
        e = dot(e, wp2[...]) + bp2r[...]
        f = dot(e, wf1[:HD, :]) + dot(ea_ref[...], wf1[HD:, :]) + bf1r[...]
        f = jnp.maximum(f, 0.0)
        f = dot(f, wf2[...]) + bf2r[...]
        c_ref[...] = f
        s = jnp.maximum(dot(f, ws1[...]) + bs1r[...], 0.0)
        z = dot(s, ws2[...]) + bs2r[...]
        s_ref[...] = 1.0 / (1.0 + jnp.exp(-z))

    grid_spec = pltpu.PrefetchScalarGridSpec(
        num_scalar_prefetch=1,
        grid=(1,),
        in_specs=[
            pl.BlockSpec((8, D), lambda i, idx: (idx[0] // 8, 0)),
            pl.BlockSpec((8, D), lambda i, idx: (idx[1] // 8, 0)),
            pl.BlockSpec((1, 16), lambda i, idx: (0, 0)),
            pl.BlockSpec((2 * D, D), lambda i, idx: (0, 0)),
            pl.BlockSpec((1, D), lambda i, idx: (0, 0)),
            pl.BlockSpec((D, HD), lambda i, idx: (0, 0)),
            pl.BlockSpec((1, HD), lambda i, idx: (0, 0)),
            pl.BlockSpec((HD + 16, D), lambda i, idx: (0, 0)),
            pl.BlockSpec((1, D), lambda i, idx: (0, 0)),
            pl.BlockSpec((D, HD), lambda i, idx: (0, 0)),
            pl.BlockSpec((1, HD), lambda i, idx: (0, 0)),
            pl.BlockSpec((HD, D), lambda i, idx: (0, 0)),
            pl.BlockSpec((1, D), lambda i, idx: (0, 0)),
            pl.BlockSpec((D, 1), lambda i, idx: (0, 0)),
            pl.BlockSpec((1, 1), lambda i, idx: (0, 0)),
        ],
        out_specs=[
            pl.BlockSpec((1, HD), lambda i, idx: (0, 0)),
            pl.BlockSpec((1, 1), lambda i, idx: (0, 0)),
        ],
    )
    return pl.pallas_call(
        body,
        grid_spec=grid_spec,
        out_shape=[
            jax.ShapeDtypeStruct((1, HD), jnp.float32),
            jax.ShapeDtypeStruct((1, 1), jnp.float32),
        ],
    )(idx2, h, h, ea0,
      Wp1, bp1.reshape(1, D), Wp2, bp2.reshape(1, HD),
      Wf1, bf1.reshape(1, D), Wf2, bf2.reshape(1, HD),
      Ws1, bs1.reshape(1, D), Ws2, bs2.reshape(1, 1))


def kernel(x, edge_index, edge_attr,
           W_ne1, b_ne1, W_ne2, b_ne2,
           Wc1, bc1, Wc2, bc2, Wc3, bc3,
           Wp1, bp1, Wp2, bp2,
           Wf1, bf1, Wf2, bf2,
           Ws1, bs1, Ws2, bs2):
    ei = edge_index.astype(jnp.int32)
    src, dst = ei[0], ei[1]
    pad = EPT - E // NSUB
    srcp = jnp.concatenate(
        [src.reshape(NSUB, E // NSUB),
         jnp.zeros((NSUB, pad), jnp.int32)], axis=1)
    dstp = jnp.concatenate(
        [dst.reshape(NSUB, E // NSUB),
         jnp.full((NSUB, pad), N, jnp.int32)], axis=1)
    src3 = jnp.concatenate([srcp, srcp + N]).reshape(2 * NSUB * NGS, GS, KS)
    dst3 = dstp.reshape(NSUB * NGS, GS, KS)
    idx2 = ei[:, 0]
    ea0 = edge_attr[0:1]

    deg2 = _sc_degree(dst)[:, :1]
    h = _enc(x, W_ne1, b_ne1, W_ne2, b_ne2)
    for (W, b) in ((Wc1, bc1), (Wc2, bc2), (Wc3, bc3)):
        g2 = _gmm(h, W, deg2).reshape(2 * N, HD)
        acc2 = _sc_segsum(g2, src3, dst3)
        h = _post(acc2, g2, deg2, b)

    center, score = _head(h, idx2, ea0, Wp1, bp1, Wp2, bp2,
                          Wf1, bf1, Wf2, bf2, Ws1, bs1, Ws2, bs2)
    return center, score.reshape(1)

# --- scband reference (transcript-rebuilt; emitter-appended) ---
"""Pipeline reference for scband-edge-embedding-model-41884521071005 (READ-ONLY COPY).

The authoritative reference and input builder live on the scoring server;
editing this copy changes nothing except your own understanding.
"""

import jax, jax.numpy as jnp
import numpy as np

N = 10000
E = 320000
DF = 128
DE = 16
H = 256
EMB = 128


def setup_inputs(seed: int = 0) -> dict:
    key = jax.random.key(seed)
    ks = jax.random.split(key, 32)

    def lin(k, i, o):
        return jax.random.normal(k, (i, o), jnp.float32) * (1.0 / np.sqrt(i))

    inp = {}
    inp["x"] = jax.random.normal(ks[0], (N, DF), jnp.float32)
    inp["edge_index"] = jax.random.randint(ks[1], (2, E), 0, N, dtype=jnp.int64)
    inp["edge_attr"] = jax.random.normal(ks[2], (E, DE), jnp.float32)
    # node_encoder: Linear(DF,H), Linear(H,H)
    inp["W_ne1"] = lin(ks[3], DF, H); inp["b_ne1"] = jnp.zeros((H,), jnp.float32)
    inp["W_ne2"] = lin(ks[4], H, H); inp["b_ne2"] = jnp.zeros((H,), jnp.float32)
    # 3 GCNConv layers (H,H)
    inp["Wc1"] = lin(ks[5], H, H); inp["bc1"] = jnp.zeros((H,), jnp.float32)
    inp["Wc2"] = lin(ks[6], H, H); inp["bc2"] = jnp.zeros((H,), jnp.float32)
    inp["Wc3"] = lin(ks[7], H, H); inp["bc3"] = jnp.zeros((H,), jnp.float32)
    # edge_projection: Linear(2H,H), Linear(H,EMB)
    inp["Wp1"] = lin(ks[8], 2 * H, H); inp["bp1"] = jnp.zeros((H,), jnp.float32)
    inp["Wp2"] = lin(ks[9], H, EMB); inp["bp2"] = jnp.zeros((EMB,), jnp.float32)
    # edge_fusion: Linear(EMB+DE,H), Linear(H,EMB)
    inp["Wf1"] = lin(ks[10], EMB + DE, H); inp["bf1"] = jnp.zeros((H,), jnp.float32)
    inp["Wf2"] = lin(ks[11], H, EMB); inp["bf2"] = jnp.zeros((EMB,), jnp.float32)
    # structural_scorer: Linear(EMB,H), Linear(H,1)
    inp["Ws1"] = lin(ks[12], EMB, H); inp["bs1"] = jnp.zeros((H,), jnp.float32)
    inp["Ws2"] = lin(ks[13], H, 1); inp["bs2"] = jnp.zeros((1,), jnp.float32)
    return inp


def _gcn_conv(h, src, dst, W, b, n):
    # GCNConv with added self loops and symmetric normalization
    h = h @ W
    loop = jnp.arange(n)
    si = jnp.concatenate([src, loop])
    di = jnp.concatenate([dst, loop])
    deg = jnp.zeros((n,), h.dtype).at[di].add(1.0)
    dinv = jnp.where(deg > 0, deg ** -0.5, 0.0)
    norm = dinv[si] * dinv[di]
    out = jnp.zeros((n, h.shape[1]), h.dtype).at[di].add(norm[:, None] * h[si])
    return out + b


def reference(x, edge_index, edge_attr,
              W_ne1, b_ne1, W_ne2, b_ne2,
              Wc1, bc1, Wc2, bc2, Wc3, bc3,
              Wp1, bp1, Wp2, bp2,
              Wf1, bf1, Wf2, bf2,
              Ws1, bs1, Ws2, bs2):
    n = x.shape[0]
    src, dst = edge_index[0], edge_index[1]
    # node_encoder (dropout = identity in eval)
    h = jax.nn.relu(x @ W_ne1 + b_ne1)
    h = h @ W_ne2 + b_ne2
    # GCN stack
    for (W, b) in ((Wc1, bc1), (Wc2, bc2), (Wc3, bc3)):
        h = _gcn_conv(h, src, dst, W, b, n)
        h = jax.nn.relu(h)
    # edge-centric features
    h_edges = jnp.concatenate([h[src], h[dst]], axis=1)
    e = jax.nn.relu(h_edges @ Wp1 + bp1)
    e = e @ Wp2 + bp2
    e = jnp.concatenate([e, edge_attr], axis=1)
    e = jax.nn.relu(e @ Wf1 + bf1)
    e = e @ Wf2 + bf2
    center = e[0:1]
    s = jax.nn.relu(center @ Ws1 + bs1)
    score = jax.nn.sigmoid(s @ Ws2 + bs2).squeeze(-1)
    return (center, score)

if __name__ == "__main__":
    import jax
    _d = setup_inputs()
    print(jax.jit(kernel)(*tuple(_d.values())))

</pallas_src>

<mosaic_0001>
#map = affine_map<(d0, d1) -> (0)>
#map1 = affine_map<(d0, d1) -> (0, 0)>
module attributes {stable_mosaic.version = 14 : i64} {
  func.func @k(%arg0: i32, %arg1: i32, %arg2: memref<320000xi32, #tpu.memory_space<hbm>>, %arg3: memref<10000x128xf32, #tpu.memory_space<hbm>>, %arg4: memref<80x128xf32, #tpu.memory_space<hbm>>, %arg5: memref<20000x128xf32, #tpu.memory_space<hbm>>, %arg6: memref<80xi32, #tpu.memory_space<vmem>>, %arg7: memref<80x128xf32, #tpu.memory_space<vmem>>, %arg8: memref<10000x128xf32, #tpu.memory_space<vmem_shared>>) attributes {dimension_semantics = [#tpu.dimension_semantics<core_parallel>, #tpu.dimension_semantics<subcore_parallel>], iteration_bounds = array<i64: 2, 16>, scalar_prefetch = 0 : i64, scratch_operands = 3 : i64, tpu.core_type = #tpu.core_type<sc_vector_subcore>, window_params = [{transform_indices = #map}, {transform_indices = #map1}, {transform_indices = #map1}, {transform_indices = #map1}]} {
    %mul3A = arith.constant 624 : i32
    %mul3A_0 = arith.muli %arg1, %mul3A : i32
    %add3A = arith.constant 0 : i32
    %add3A_1 = arith.addi %add3A, %mul3A_0 : i32
    %multiple_of3A = tpu.assume_multiple %add3A_1, 8 : i32
    %mul3A_2 = arith.constant 624 : i32
    %mul3A_3 = arith.muli %arg1, %mul3A_2 : i32
    %add3A_4 = arith.constant 0 : i32
    %add3A_5 = arith.addi %add3A_4, %mul3A_3 : i32
    %multiple_of3A_6 = tpu.assume_multiple %add3A_5, 8 : i32
    "tpu.region"() ({
      %run_scoped3A = tpu.sem_alloc : memref<!tpu.dma_semaphore, #tpu.memory_space<semaphore_mem>>
      %dma_start3A = arith.constant 0 : i32
      %dma_start3A_36 = tpu.memref_slice %arg8[%multiple_of3A_6, %dma_start3A] : memref<10000x128xf32, #tpu.memory_space<vmem_shared>> -> memref<624x128xf32, #tpu.memory_space<vmem_shared>>
      %dma_start3A_37 = arith.constant 0 : i32
      %dma_start3A_38 = tpu.memref_slice %arg3[%multiple_of3A, %dma_start3A_37] : memref<10000x128xf32, #tpu.memory_space<hbm>> -> memref<624x128xf32, #tpu.memory_space<hbm>>
      tpu.enqueue_dma source(%dma_start3A_38 : memref<624x128xf32, #tpu.memory_space<hbm>>) target(%dma_start3A_36 : memref<624x128xf32, #tpu.memory_space<vmem_shared>>) target_semaphore(%run_scoped3A : memref<!tpu.dma_semaphore, #tpu.memory_space<semaphore_mem>>)
      %dma_wait3A = arith.constant 0 : i32
      %dma_wait3A_39 = tpu.memref_slice %arg8[%multiple_of3A_6, %dma_wait3A] : memref<10000x128xf32, #tpu.memory_space<vmem_shared>> -> memref<624x128xf32, #tpu.memory_space<vmem_shared>>
      %dma_wait3A_40 = arith.constant 0 : i32
      %dma_wait3A_41 = tpu.memref_slice %arg3[%multiple_of3A, %dma_wait3A_40] : memref<10000x128xf32, #tpu.memory_space<hbm>> -> memref<624x128xf32, #tpu.memory_space<hbm>>
      tpu.wait_dma2 semaphore(%run_scoped3A : memref<!tpu.dma_semaphore, #tpu.memory_space<semaphore_mem>>) src(%dma_wait3A_41 : memref<624x128xf32, #tpu.memory_space<hbm>>) dst(%dma_wait3A_39 : memref<624x128xf32, #tpu.memory_space<vmem_shared>>)
      tpu.yield
    }) : () -> ()
    %eq3A = arith.constant 15 : i32
    %eq3A_7 = arith.cmpi eq, %arg1, %eq3A : i32
    %convert_element_type3A = arith.extui %eq3A_7 : i1 to i32
    %cond3A = arith.constant 0 : i32
    %cond3A_8 = arith.cmpi ne, %convert_element_type3A, %cond3A : i32
    scf.if %cond3A_8 {
      %multiple_of3A_36 = arith.constant 9984 : i32
      %multiple_of3A_37 = tpu.assume_multiple %multiple_of3A_36, 8 : i32
      %multiple_of3A_38 = arith.constant 9984 : i32
      %multiple_of3A_39 = tpu.assume_multiple %multiple_of3A_38, 8 : i32
      "tpu.region"() ({
        %run_scoped3A = tpu.sem_alloc : memref<!tpu.dma_semaphore, #tpu.memory_space<semaphore_mem>>
        %dma_start3A = arith.constant 0 : i32
        %dma_start3A_40 = tpu.memref_slice %arg8[%multiple_of3A_39, %dma_start3A] : memref<10000x128xf32, #tpu.memory_space<vmem_shared>> -> memref<16x128xf32, #tpu.memory_space<vmem_shared>>
        %dma_start3A_41 = arith.constant 0 : i32
        %dma_start3A_42 = tpu.memref_slice %arg3[%multiple_of3A_37, %dma_start3A_41] : memref<10000x128xf32, #tpu.memory_space<hbm>> -> memref<16x128xf32, #tpu.memory_space<hbm>>
        tpu.enqueue_dma source(%dma_start3A_42 : memref<16x128xf32, #tpu.memory_space<hbm>>) target(%dma_start3A_40 : memref<16x128xf32, #tpu.memory_space<vmem_shared>>) target_semaphore(%run_scoped3A : memref<!tpu.dma_semaphore, #tpu.memory_space<semaphore_mem>>)
        %dma_wait3A = arith.constant 0 : i32
        %dma_wait3A_43 = tpu.memref_slice %arg8[%multiple_of3A_39, %dma_wait3A] : memref<10000x128xf32, #tpu.memory_space<vmem_shared>> -> memref<16x128xf32, #tpu.memory_space<vmem_shared>>
        %dma_wait3A_44 = arith.constant 0 : i32
        %dma_wait3A_45 = tpu.memref_slice %arg3[%multiple_of3A_37, %dma_wait3A_44] : memref<10000x128xf32, #tpu.memory_space<hbm>> -> memref<16x128xf32, #tpu.memory_space<hbm>>
        tpu.wait_dma2 semaphore(%run_scoped3A : memref<!tpu.dma_semaphore, #tpu.memory_space<semaphore_mem>>) src(%dma_wait3A_45 : memref<16x128xf32, #tpu.memory_space<hbm>>) dst(%dma_wait3A_43 : memref<16x128xf32, #tpu.memory_space<vmem_shared>>)
        tpu.yield
      }) : () -> ()
    } else {
    }
    "tpu.region"() ({
      %run_scoped3A = tpu.sem_alloc : memref<!tpu.dma_semaphore, #tpu.memory_space<semaphore_mem>>
      tpu.enqueue_dma source(%arg4 : memref<80x128xf32, #tpu.memory_space<hbm>>) target(%arg7 : memref<80x128xf32, #tpu.memory_space<vmem>>) target_semaphore(%run_scoped3A : memref<!tpu.dma_semaphore, #tpu.memory_space<semaphore_mem>>)
      tpu.wait_dma2 semaphore(%run_scoped3A : memref<!tpu.dma_semaphore, #tpu.memory_space<semaphore_mem>>) src(%arg4 : memref<80x128xf32, #tpu.memory_space<hbm>>) dst(%arg7 : memref<80x128xf32, #tpu.memory_space<vmem>>)
      tpu.yield
    }) : () -> ()
    %barrier3A = arith.constant 0 : index
    tpu.barrier barrier_id(%barrier3A)
    %mul3A_9 = arith.constant 160000 : i32
    %mul3A_10 = arith.muli %arg0, %mul3A_9 : i32
    %mul3A_11 = arith.constant 10000 : i32
    %mul3A_12 = arith.muli %arg1, %mul3A_11 : i32
    %add3A_13 = arith.addi %mul3A_10, %mul3A_12 : i32
    %scan3A = arith.constant 0 : i32
    %scan3A_14 = arith.constant 0 : i32
    %scan3A_15 = arith.constant 125 : i32
    %scan3A_16 = arith.addi %scan3A_14, %scan3A_15 : i32
    %scan3A_17 = arith.constant 1 : i32
    scf.for %scan3A_36 = %scan3A_14 to %scan3A_16 step %scan3A_17  : i32 {
      %mul3A_37 = arith.constant 80 : i32
      %mul3A_38 = arith.muli %scan3A_36, %mul3A_37 : i32
      %add3A_39 = arith.addi %add3A_13, %mul3A_38 : i32
      "tpu.region"() ({
        %run_scoped3A = tpu.sem_alloc : memref<!tpu.dma_semaphore, #tpu.memory_space<semaphore_mem>>
        %dma_start3A = tpu.memref_slice %arg2[%add3A_39] : memref<320000xi32, #tpu.memory_space<hbm>> -> memref<80xi32, #tpu.memory_space<hbm>>
        %dma_start3A_40 = tpu.memref_slice %arg2[%add3A_39] : memref<320000xi32, #tpu.memory_space<hbm>> -> memref<80xi32, #tpu.memory_space<hbm>>
        tpu.enqueue_dma source(%dma_start3A_40 : memref<80xi32, #tpu.memory_space<hbm>>) target(%arg6 : memref<80xi32, #tpu.memory_space<vmem>>) target_semaphore(%run_scoped3A : memref<!tpu.dma_semaphore, #tpu.memory_space<semaphore_mem>>)
        %dma_wait3A = tpu.memref_slice %arg2[%add3A_39] : memref<320000xi32, #tpu.memory_space<hbm>> -> memref<80xi32, #tpu.memory_space<hbm>>
        %dma_wait3A_41 = tpu.memref_slice %arg2[%add3A_39] : memref<320000xi32, #tpu.memory_space<hbm>> -> memref<80xi32, #tpu.memory_space<hbm>>
        tpu.wait_dma2 semaphore(%run_scoped3A : memref<!tpu.dma_semaphore, #tpu.memory_space<semaphore_mem>>) src(%dma_wait3A_41 : memref<80xi32, #tpu.memory_space<hbm>>) dst(%arg6 : memref<80xi32, #tpu.memory_space<vmem>>)
        tpu.yield
      }) : () -> ()
      "tpu.region"() ({
        %run_scoped3A = tpu.sem_alloc : memref<!tpu.dma_semaphore, #tpu.memory_space<semaphore_mem>>
        %dma_start3A = arith.constant 0 : i32
        %dma_start3A_40 = arith.constant 0 : i32
        %dma_start3A_41 = tpu.memref_slice %arg8[%dma_start3A, %dma_start3A_40] : memref<10000x128xf32, #tpu.memory_space<vmem_shared>> -> memref<10000x128xf32, #tpu.memory_space<vmem_shared>>
        tpu.enqueue_indirect_dma source(%arg7 : memref<80x128xf32, #tpu.memory_space<vmem>>) target(%dma_start3A_41 : memref<10000x128xf32, #tpu.memory_space<vmem_shared>>) offsets(%arg6 : memref<80xi32, #tpu.memory_space<vmem>>) semaphore(%run_scoped3A : memref<!tpu.dma_semaphore, #tpu.memory_space<semaphore_mem>>) {add = true}
        %dma_wait3A = arith.constant 0 : i32
        %dma_wait3A_42 = arith.constant 0 : i32
        %dma_wait3A_43 = tpu.memref_slice %arg8[%dma_wait3A, %dma_wait3A_42] : memref<10000x128xf32, #tpu.memory_space<vmem_shared>> -> memref<10000x128xf32, #tpu.memory_space<vmem_shared>>
        tpu.wait_indirect_dma semaphore(%run_scoped3A : memref<!tpu.dma_semaphore, #tpu.memory_space<semaphore_mem>>) src(%arg7 : memref<80x128xf32, #tpu.memory_space<vmem>>) dst(%dma_wait3A_43 : memref<10000x128xf32, #tpu.memory_space<vmem_shared>>)
        tpu.yield
      }) : () -> ()
    }
    %scan3A_18 = arith.constant 125 : i32
    %barrier3A_19 = arith.constant 0 : index
    tpu.barrier barrier_id(%barrier3A_19)
    %mul3A_20 = arith.constant 10000 : i32
    %mul3A_21 = arith.muli %arg0, %mul3A_20 : i32
    %mul3A_22 = arith.constant 624 : i32
    %mul3A_23 = arith.muli %arg1, %mul3A_22 : i32
    %add3A_24 = arith.constant 0 : i32
    %add3A_25 = arith.addi %add3A_24, %mul3A_23 : i32
    %multiple_of3A_26 = tpu.assume_multiple %add3A_25, 8 : i32
    %mul3A_27 = arith.constant 624 : i32
    %mul3A_28 = arith.muli %arg1, %mul3A_27 : i32
    %add3A_29 = arith.addi %mul3A_21, %mul3A_28 : i32
    %multiple_of3A_30 = tpu.assume_multiple %add3A_29, 8 : i32
    "tpu.region"() ({
      %run_scoped3A = tpu.sem_alloc : memref<!tpu.dma_semaphore, #tpu.memory_space<semaphore_mem>>
      %dma_start3A = arith.constant 0 : i32
      %dma_start3A_36 = tpu.memref_slice %arg5[%multiple_of3A_30, %dma_start3A] : memref<20000x128xf32, #tpu.memory_space<hbm>> -> memref<624x128xf32, #tpu.memory_space<hbm>>
      %dma_start3A_37 = arith.constant 0 : i32
      %dma_start3A_38 = tpu.memref_slice %arg8[%multiple_of3A_26, %dma_start3A_37] : memref<10000x128xf32, #tpu.memory_space<vmem_shared>> -> memref<624x128xf32, #tpu.memory_space<vmem_shared>>
      tpu.enqueue_dma source(%dma_start3A_38 : memref<624x128xf32, #tpu.memory_space<vmem_shared>>) target(%dma_start3A_36 : memref<624x128xf32, #tpu.memory_space<hbm>>) target_semaphore(%run_scoped3A : memref<!tpu.dma_semaphore, #tpu.memory_space<semaphore_mem>>)
      %dma_wait3A = arith.constant 0 : i32
      %dma_wait3A_39 = tpu.memref_slice %arg5[%multiple_of3A_30, %dma_wait3A] : memref<20000x128xf32, #tpu.memory_space<hbm>> -> memref<624x128xf32, #tpu.memory_space<hbm>>
      %dma_wait3A_40 = arith.constant 0 : i32
      %dma_wait3A_41 = tpu.memref_slice %arg8[%multiple_of3A_26, %dma_wait3A_40] : memref<10000x128xf32, #tpu.memory_space<vmem_shared>> -> memref<624x128xf32, #tpu.memory_space<vmem_shared>>
      tpu.wait_dma2 semaphore(%run_scoped3A : memref<!tpu.dma_semaphore, #tpu.memory_space<semaphore_mem>>) src(%dma_wait3A_41 : memref<624x128xf32, #tpu.memory_space<vmem_shared>>) dst(%dma_wait3A_39 : memref<624x128xf32, #tpu.memory_space<hbm>>)
      tpu.yield
    }) : () -> ()
    %eq3A_31 = arith.constant 15 : i32
    %eq3A_32 = arith.cmpi eq, %arg1, %eq3A_31 : i32
    %convert_element_type3A_33 = arith.extui %eq3A_32 : i1 to i32
    %cond3A_34 = arith.constant 0 : i32
    %cond3A_35 = arith.cmpi ne, %convert_element_type3A_33, %cond3A_34 : i32
    scf.if %cond3A_35 {
      %multiple_of3A_36 = arith.constant 9984 : i32
      %multiple_of3A_37 = tpu.assume_multiple %multiple_of3A_36, 8 : i32
      %add3A_38 = arith.constant 9984 : i32
      %add3A_39 = arith.addi %mul3A_21, %add3A_38 : i32
      %multiple_of3A_40 = tpu.assume_multiple %add3A_39, 8 : i32
      "tpu.region"() ({
        %run_scoped3A = tpu.sem_alloc : memref<!tpu.dma_semaphore, #tpu.memory_space<semaphore_mem>>
        %dma_start3A = arith.constant 0 : i32
        %dma_start3A_41 = tpu.memref_slice %arg5[%multiple_of3A_40, %dma_start3A] : memref<20000x128xf32, #tpu.memory_space<hbm>> -> memref<16x128xf32, #tpu.memory_space<hbm>>
        %dma_start3A_42 = arith.constant 0 : i32
        %dma_start3A_43 = tpu.memref_slice %arg8[%multiple_of3A_37, %dma_start3A_42] : memref<10000x128xf32, #tpu.memory_space<vmem_shared>> -> memref<16x128xf32, #tpu.memory_space<vmem_shared>>
        tpu.enqueue_dma source(%dma_start3A_43 : memref<16x128xf32, #tpu.memory_space<vmem_shared>>) target(%dma_start3A_41 : memref<16x128xf32, #tpu.memory_space<hbm>>) target_semaphore(%run_scoped3A : memref<!tpu.dma_semaphore, #tpu.memory_space<semaphore_mem>>)
        %dma_wait3A = arith.constant 0 : i32
        %dma_wait3A_44 = tpu.memref_slice %arg5[%multiple_of3A_40, %dma_wait3A] : memref<20000x128xf32, #tpu.memory_space<hbm>> -> memref<16x128xf32, #tpu.memory_space<hbm>>
        %dma_wait3A_45 = arith.constant 0 : i32
        %dma_wait3A_46 = tpu.memref_slice %arg8[%multiple_of3A_37, %dma_wait3A_45] : memref<10000x128xf32, #tpu.memory_space<vmem_shared>> -> memref<16x128xf32, #tpu.memory_space<vmem_shared>>
        tpu.wait_dma2 semaphore(%run_scoped3A : memref<!tpu.dma_semaphore, #tpu.memory_space<semaphore_mem>>) src(%dma_wait3A_46 : memref<16x128xf32, #tpu.memory_space<vmem_shared>>) dst(%dma_wait3A_44 : memref<16x128xf32, #tpu.memory_space<hbm>>)
        tpu.yield
      }) : () -> ()
    } else {
    }
    return
  }
}

#map = affine_map<(d0, d1) -> (0, 0)>
#map1 = affine_map<(d0, d1) -> (0, 0, 0)>
module attributes {stable_mosaic.version = 14 : i64} {
  func.func @k(%arg0: i32, %arg1: i32, %arg2: memref<20000x128xf32, #tpu.memory_space<hbm>>, %arg3: memref<512x10x128xi32, #tpu.memory_space<hbm>>, %arg4: memref<256x10x128xi32, #tpu.memory_space<hbm>>, %arg5: memref<10000x128xf32, #tpu.memory_space<hbm>>, %arg6: memref<20000x128xf32, #tpu.memory_space<hbm>>, %arg7: memref<2x10x128xi32, #tpu.memory_space<vmem>>, %arg8: memref<2x10x128xi32, #tpu.memory_space<vmem>>, %arg9: memref<2x128x128xf32, #tpu.memory_space<vmem>>, %arg10: memref<10008x128xf32, #tpu.memory_space<vmem_shared>>, %arg11: memref<!tpu.dma_semaphore, #tpu.memory_space<semaphore_mem>>, %arg12: memref<!tpu.dma_semaphore, #tpu.memory_space<semaphore_mem>>) attributes {dimension_semantics = [#tpu.dimension_semantics<core_parallel>, #tpu.dimension_semantics<subcore_parallel>], iteration_bounds = array<i64: 2, 16>, scalar_prefetch = 0 : i64, scratch_operands = 6 : i64, tpu.core_type = #tpu.core_type<sc_vector_subcore>, window_params = [{transform_indices = #map}, {transform_indices = #map1}, {transform_indices = #map1}, {transform_indices = #map}, {transform_indices = #map}]} {
    %mul3A = arith.constant 16 : i32
    %mul3A_0 = arith.muli %arg0, %mul3A : i32
    %add3A = arith.addi %mul3A_0, %arg1 : i32
    %mul3A_1 = arith.constant 16 : i32
    %mul3A_2 = arith.muli %add3A, %mul3A_1 : i32
    %run_scoped3A = arith.constant 0 : i32
    "tpu.region"() ({
      %run_scoped3A_55 = tpu.sem_alloc : memref<!tpu.dma_semaphore, #tpu.memory_space<semaphore_mem>>
      %dma_start3A_56 = arith.constant 0 : i32
      %dma_start3A_57 = arith.constant 0 : i32
      %dma_start3A_58 = tpu.memref_slice %arg7[%run_scoped3A, %dma_start3A_56, %dma_start3A_57] : memref<2x10x128xi32, #tpu.memory_space<vmem>> -> memref<1x10x128xi32, #tpu.memory_space<vmem>>
      %dma_start3A_59 = tpu.memref_squeeze %dma_start3A_58 : memref<1x10x128xi32, #tpu.memory_space<vmem>> -> memref<10x128xi32, #tpu.memory_space<vmem>>
      %dma_start3A_60 = arith.constant 0 : i32
      %dma_start3A_61 = arith.constant 0 : i32
      %dma_start3A_62 = tpu.memref_slice %arg3[%mul3A_2, %dma_start3A_60, %dma_start3A_61] : memref<512x10x128xi32, #tpu.memory_space<hbm>> -> memref<1x10x128xi32, #tpu.memory_space<hbm>>
      %dma_start3A_63 = tpu.memref_squeeze %dma_start3A_62 : memref<1x10x128xi32, #tpu.memory_space<hbm>> -> memref<10x128xi32, #tpu.memory_space<hbm>>
      %dma_start3A_64 = arith.constant 0 : i32
      %dma_start3A_65 = arith.constant 0 : i32
      %dma_start3A_66 = tpu.memref_slice %arg7[%run_scoped3A, %dma_start3A_64, %dma_start3A_65] : memref<2x10x128xi32, #tpu.memory_space<vmem>> -> memref<1x10x128xi32, #tpu.memory_space<vmem>>
      %dma_start3A_67 = tpu.memref_squeeze %dma_start3A_66 : memref<1x10x128xi32, #tpu.memory_space<vmem>> -> memref<10x128xi32, #tpu.memory_space<vmem>>
      %dma_start3A_68 = arith.constant 0 : i32
      %dma_start3A_69 = arith.constant 0 : i32
      %dma_start3A_70 = tpu.memref_slice %arg3[%mul3A_2, %dma_start3A_68, %dma_start3A_69] : memref<512x10x128xi32, #tpu.memory_space<hbm>> -> memref<1x10x128xi32, #tpu.memory_space<hbm>>
      %dma_start3A_71 = tpu.memref_squeeze %dma_start3A_70 : memref<1x10x128xi32, #tpu.memory_space<hbm>> -> memref<10x128xi32, #tpu.memory_space<hbm>>
      tpu.enqueue_dma source(%dma_start3A_71 : memref<10x128xi32, #tpu.memory_space<hbm>>) target(%dma_start3A_67 : memref<10x128xi32, #tpu.memory_space<vmem>>) target_semaphore(%run_scoped3A_55 : memref<!tpu.dma_semaphore, #tpu.memory_space<semaphore_mem>>)
      %dma_wait3A = arith.constant 0 : i32
      %dma_wait3A_72 = arith.constant 0 : i32
      %dma_wait3A_73 = tpu.memref_slice %arg7[%run_scoped3A, %dma_wait3A, %dma_wait3A_72] : memref<2x10x128xi32, #tpu.memory_space<vmem>> -> memref<1x10x128xi32, #tpu.memory_space<vmem>>
      %dma_wait3A_74 = tpu.memref_squeeze %dma_wait3A_73 : memref<1x10x128xi32, #tpu.memory_space<vmem>> -> memref<10x128xi32, #tpu.memory_space<vmem>>
      %dma_wait3A_75 = arith.constant 0 : i32
      %dma_wait3A_76 = arith.constant 0 : i32
      %dma_wait3A_77 = tpu.memref_slice %arg3[%mul3A_2, %dma_wait3A_75, %dma_wait3A_76] : memref<512x10x128xi32, #tpu.memory_space<hbm>> -> memref<1x10x128xi32, #tpu.memory_space<hbm>>
      %dma_wait3A_78 = tpu.memref_squeeze %dma_wait3A_77 : memref<1x10x128xi32, #tpu.memory_space<hbm>> -> memref<10x128xi32, #tpu.memory_space<hbm>>
      %dma_wait3A_79 = arith.constant 0 : i32
      %dma_wait3A_80 = arith.constant 0 : i32
      %dma_wait3A_81 = tpu.memref_slice %arg7[%run_scoped3A, %dma_wait3A_79, %dma_wait3A_80] : memref<2x10x128xi32, #tpu.memory_space<vmem>> -> memref<1x10x128xi32, #tpu.memory_space<vmem>>
      %dma_wait3A_82 = tpu.memref_squeeze %dma_wait3A_81 : memref<1x10x128xi32, #tpu.memory_space<vmem>> -> memref<10x128xi32, #tpu.memory_space<vmem>>
      %dma_wait3A_83 = arith.constant 0 : i32
      %dma_wait3A_84 = arith.constant 0 : i32
      %dma_wait3A_85 = tpu.memref_slice %arg3[%mul3A_2, %dma_wait3A_83, %dma_wait3A_84] : memref<512x10x128xi32, #tpu.memory_space<hbm>> -> memref<1x10x128xi32, #tpu.memory_space<hbm>>
      %dma_wait3A_86 = tpu.memref_squeeze %dma_wait3A_85 : memref<1x10x128xi32, #tpu.memory_space<hbm>> -> memref<10x128xi32, #tpu.memory_space<hbm>>
      tpu.wait_dma2 semaphore(%run_scoped3A_55 : memref<!tpu.dma_semaphore, #tpu.memory_space<semaphore_mem>>) src(%dma_wait3A_86 : memref<10x128xi32, #tpu.memory_space<hbm>>) dst(%dma_wait3A_82 : memref<10x128xi32, #tpu.memory_space<vmem>>)
      tpu.yield
    }) : () -> ()
    %mul3A_3 = arith.constant 16 : i32
    %mul3A_4 = arith.muli %arg1, %mul3A_3 : i32
    %run_scoped3A_5 = arith.constant 0 : i32
    "tpu.region"() ({
      %run_scoped3A_55 = tpu.sem_alloc : memref<!tpu.dma_semaphore, #tpu.memory_space<semaphore_mem>>
      %dma_start3A_56 = arith.constant 0 : i32
      %dma_start3A_57 = arith.constant 0 : i32
      %dma_start3A_58 = tpu.memref_slice %arg8[%run_scoped3A_5, %dma_start3A_56, %dma_start3A_57] : memref<2x10x128xi32, #tpu.memory_space<vmem>> -> memref<1x10x128xi32, #tpu.memory_space<vmem>>
      %dma_start3A_59 = tpu.memref_squeeze %dma_start3A_58 : memref<1x10x128xi32, #tpu.memory_space<vmem>> -> memref<10x128xi32, #tpu.memory_space<vmem>>
      %dma_start3A_60 = arith.constant 0 : i32
      %dma_start3A_61 = arith.constant 0 : i32
      %dma_start3A_62 = tpu.memref_slice %arg4[%mul3A_4, %dma_start3A_60, %dma_start3A_61] : memref<256x10x128xi32, #tpu.memory_space<hbm>> -> memref<1x10x128xi32, #tpu.memory_space<hbm>>
      %dma_start3A_63 = tpu.memref_squeeze %dma_start3A_62 : memref<1x10x128xi32, #tpu.memory_space<hbm>> -> memref<10x128xi32, #tpu.memory_space<hbm>>
      %dma_start3A_64 = arith.constant 0 : i32
      %dma_start3A_65 = arith.constant 0 : i32
      %dma_start3A_66 = tpu.memref_slice %arg8[%run_scoped3A_5, %dma_start3A_64, %dma_start3A_65] : memref<2x10x128xi32, #tpu.memory_space<vmem>> -> memref<1x10x128xi32, #tpu.memory_space<vmem>>
      %dma_start3A_67 = tpu.memref_squeeze %dma_start3A_66 : memref<1x10x128xi32, #tpu.memory_space<vmem>> -> memref<10x128xi32, #tpu.memory_space<vmem>>
      %dma_start3A_68 = arith.constant 0 : i32
      %dma_start3A_69 = arith.constant 0 : i32
      %dma_start3A_70 = tpu.memref_slice %arg4[%mul3A_4, %dma_start3A_68, %dma_start3A_69] : memref<256x10x128xi32, #tpu.memory_space<hbm>> -> memref<1x10x128xi32, #tpu.memory_space<hbm>>
      %dma_start3A_71 = tpu.memref_squeeze %dma_start3A_70 : memref<1x10x128xi32, #tpu.memory_space<hbm>> -> memref<10x128xi32, #tpu.memory_space<hbm>>
      tpu.enqueue_dma source(%dma_start3A_71 : memref<10x128xi32, #tpu.memory_space<hbm>>) target(%dma_start3A_67 : memref<10x128xi32, #tpu.memory_space<vmem>>) target_semaphore(%run_scoped3A_55 : memref<!tpu.dma_semaphore, #tpu.memory_space<semaphore_mem>>)
      %dma_wait3A = arith.constant 0 : i32
      %dma_wait3A_72 = arith.constant 0 : i32
      %dma_wait3A_73 = tpu.memref_slice %arg8[%run_scoped3A_5, %dma_wait3A, %dma_wait3A_72] : memref<2x10x128xi32, #tpu.memory_space<vmem>> -> memref<1x10x128xi32, #tpu.memory_space<vmem>>
      %dma_wait3A_74 = tpu.memref_squeeze %dma_wait3A_73 : memref<1x10x128xi32, #tpu.memory_space<vmem>> -> memref<10x128xi32, #tpu.memory_space<vmem>>
      %dma_wait3A_75 = arith.constant 0 : i32
      %dma_wait3A_76 = arith.constant 0 : i32
      %dma_wait3A_77 = tpu.memref_slice %arg4[%mul3A_4, %dma_wait3A_75, %dma_wait3A_76] : memref<256x10x128xi32, #tpu.memory_space<hbm>> -> memref<1x10x128xi32, #tpu.memory_space<hbm>>
      %dma_wait3A_78 = tpu.memref_squeeze %dma_wait3A_77 : memref<1x10x128xi32, #tpu.memory_space<hbm>> -> memref<10x128xi32, #tpu.memory_space<hbm>>
      %dma_wait3A_79 = arith.constant 0 : i32
      %dma_wait3A_80 = arith.constant 0 : i32
      %dma_wait3A_81 = tpu.memref_slice %arg8[%run_scoped3A_5, %dma_wait3A_79, %dma_wait3A_80] : memref<2x10x128xi32, #tpu.memory_space<vmem>> -> memref<1x10x128xi32, #tpu.memory_space<vmem>>
      %dma_wait3A_82 = tpu.memref_squeeze %dma_wait3A_81 : memref<1x10x128xi32, #tpu.memory_space<vmem>> -> memref<10x128xi32, #tpu.memory_space<vmem>>
      %dma_wait3A_83 = arith.constant 0 : i32
      %dma_wait3A_84 = arith.constant 0 : i32
      %dma_wait3A_85 = tpu.memref_slice %arg4[%mul3A_4, %dma_wait3A_83, %dma_wait3A_84] : memref<256x10x128xi32, #tpu.memory_space<hbm>> -> memref<1x10x128xi32, #tpu.memory_space<hbm>>
      %dma_wait3A_86 = tpu.memref_squeeze %dma_wait3A_85 : memref<1x10x128xi32, #tpu.memory_space<hbm>> -> memref<10x128xi32, #tpu.memory_space<hbm>>
      tpu.wait_dma2 semaphore(%run_scoped3A_55 : memref<!tpu.dma_semaphore, #tpu.memory_space<semaphore_mem>>) src(%dma_wait3A_86 : memref<10x128xi32, #tpu.memory_space<hbm>>) dst(%dma_wait3A_82 : memref<10x128xi32, #tpu.memory_space<vmem>>)
      tpu.yield
    }) : () -> ()
    %mul3A_6 = arith.constant 624 : i32
    %mul3A_7 = arith.muli %arg1, %mul3A_6 : i32
    %add3A_8 = arith.constant 0 : i32
    %add3A_9 = arith.addi %add3A_8, %mul3A_7 : i32
    %multiple_of3A = tpu.assume_multiple %add3A_9, 8 : i32
    %mul3A_10 = arith.constant 624 : i32
    %mul3A_11 = arith.muli %arg1, %mul3A_10 : i32
    %add3A_12 = arith.constant 0 : i32
    %add3A_13 = arith.addi %add3A_12, %mul3A_11 : i32
    %multiple_of3A_14 = tpu.assume_multiple %add3A_13, 8 : i32
    "tpu.region"() ({
      %run_scoped3A_55 = tpu.sem_alloc : memref<!tpu.dma_semaphore, #tpu.memory_space<semaphore_mem>>
      %dma_start3A_56 = arith.constant 0 : i32
      %dma_start3A_57 = tpu.memref_slice %arg10[%multiple_of3A_14, %dma_start3A_56] : memref<10008x128xf32, #tpu.memory_space<vmem_shared>> -> memref<624x128xf32, #tpu.memory_space<vmem_shared>>
      %dma_start3A_58 = arith.constant 0 : i32
      %dma_start3A_59 = tpu.memref_slice %arg5[%multiple_of3A, %dma_start3A_58] : memref<10000x128xf32, #tpu.memory_space<hbm>> -> memref<624x128xf32, #tpu.memory_space<hbm>>
      tpu.enqueue_dma source(%dma_start3A_59 : memref<624x128xf32, #tpu.memory_space<hbm>>) target(%dma_start3A_57 : memref<624x128xf32, #tpu.memory_space<vmem_shared>>) target_semaphore(%run_scoped3A_55 : memref<!tpu.dma_semaphore, #tpu.memory_space<semaphore_mem>>)
      %dma_wait3A = arith.constant 0 : i32
      %dma_wait3A_60 = tpu.memref_slice %arg10[%multiple_of3A_14, %dma_wait3A] : memref<10008x128xf32, #tpu.memory_space<vmem_shared>> -> memref<624x128xf32, #tpu.memory_space<vmem_shared>>
      %dma_wait3A_61 = arith.constant 0 : i32
      %dma_wait3A_62 = tpu.memref_slice %arg5[%multiple_of3A, %dma_wait3A_61] : memref<10000x128xf32, #tpu.memory_space<hbm>> -> memref<624x128xf32, #tpu.memory_space<hbm>>
      tpu.wait_dma2 semaphore(%run_scoped3A_55 : memref<!tpu.dma_semaphore, #tpu.memory_space<semaphore_mem>>) src(%dma_wait3A_62 : memref<624x128xf32, #tpu.memory_space<hbm>>) dst(%dma_wait3A_60 : memref<624x128xf32, #tpu.memory_space<vmem_shared>>)
      tpu.yield
    }) : () -> ()
    %eq3A = arith.constant 15 : i32
    %eq3A_15 = arith.cmpi eq, %arg1, %eq3A : i32
    %convert_element_type3A = arith.extui %eq3A_15 : i1 to i32
    %cond3A = arith.constant 0 : i32
    %cond3A_16 = arith.cmpi ne, %convert_element_type3A, %cond3A : i32
    scf.if %cond3A_16 {
      %multiple_of3A_55 = arith.constant 9984 : i32
      %multiple_of3A_56 = tpu.assume_multiple %multiple_of3A_55, 8 : i32
      %multiple_of3A_57 = arith.constant 9984 : i32
      %multiple_of3A_58 = tpu.assume_multiple %multiple_of3A_57, 8 : i32
      "tpu.region"() ({
        %run_scoped3A_59 = tpu.sem_alloc : memref<!tpu.dma_semaphore, #tpu.memory_space<semaphore_mem>>
        %dma_start3A_60 = arith.constant 0 : i32
        %dma_start3A_61 = tpu.memref_slice %arg10[%multiple_of3A_58, %dma_start3A_60] : memref<10008x128xf32, #tpu.memory_space<vmem_shared>> -> memref<16x128xf32, #tpu.memory_space<vmem_shared>>
        %dma_start3A_62 = arith.constant 0 : i32
        %dma_start3A_63 = tpu.memref_slice %arg5[%multiple_of3A_56, %dma_start3A_62] : memref<10000x128xf32, #tpu.memory_space<hbm>> -> memref<16x128xf32, #tpu.memory_space<hbm>>
        tpu.enqueue_dma source(%dma_start3A_63 : memref<16x128xf32, #tpu.memory_space<hbm>>) target(%dma_start3A_61 : memref<16x128xf32, #tpu.memory_space<vmem_shared>>) target_semaphore(%run_scoped3A_59 : memref<!tpu.dma_semaphore, #tpu.memory_space<semaphore_mem>>)
        %dma_wait3A = arith.constant 0 : i32
        %dma_wait3A_64 = tpu.memref_slice %arg10[%multiple_of3A_58, %dma_wait3A] : memref<10008x128xf32, #tpu.memory_space<vmem_shared>> -> memref<16x128xf32, #tpu.memory_space<vmem_shared>>
        %dma_wait3A_65 = arith.constant 0 : i32
        %dma_wait3A_66 = tpu.memref_slice %arg5[%multiple_of3A_56, %dma_wait3A_65] : memref<10000x128xf32, #tpu.memory_space<hbm>> -> memref<16x128xf32, #tpu.memory_space<hbm>>
        tpu.wait_dma2 semaphore(%run_scoped3A_59 : memref<!tpu.dma_semaphore, #tpu.memory_space<semaphore_mem>>) src(%dma_wait3A_66 : memref<16x128xf32, #tpu.memory_space<hbm>>) dst(%dma_wait3A_64 : memref<16x128xf32, #tpu.memory_space<vmem_shared>>)
        tpu.yield
      }) : () -> ()
    } else {
    }
    %barrier3A = arith.constant 0 : index
    tpu.barrier barrier_id(%barrier3A)
    %dma_start3A = arith.constant 0 : i32
    %dma_start3A_17 = arith.constant 0 : i32
    %dma_start3A_18 = arith.constant 0 : i32
    %dma_start3A_19 = arith.constant 0 : i32
    %dma_start3A_20 = arith.constant 0 : i32
    %dma_start3A_21 = tpu.memref_slice %arg9[%dma_start3A_18, %dma_start3A_19, %dma_start3A_20] : memref<2x128x128xf32, #tpu.memory_space<vmem>> -> memref<1x128x128xf32, #tpu.memory_space<vmem>>
    %dma_start3A_22 = tpu.memref_squeeze %dma_start3A_21 : memref<1x128x128xf32, #tpu.memory_space<vmem>> -> memref<128x128xf32, #tpu.memory_space<vmem>>
    %dma_start3A_23 = arith.constant 0 : i32
    %dma_start3A_24 = arith.constant 0 : i32
    %dma_start3A_25 = tpu.memref_slice %arg7[%dma_start3A, %dma_start3A_23, %dma_start3A_24] : memref<2x10x128xi32, #tpu.memory_space<vmem>> -> memref<1x10x128xi32, #tpu.memory_space<vmem>>
    %dma_start3A_26 = tpu.memref_squeeze %dma_start3A_25 : memref<1x10x128xi32, #tpu.memory_space<vmem>> -> memref<10x128xi32, #tpu.memory_space<vmem>>
    %dma_start3A_27 = arith.constant 0 : i32
    %dma_start3A_28 = tpu.memref_slice %dma_start3A_26[%dma_start3A_17, %dma_start3A_27] : memref<10x128xi32, #tpu.memory_space<vmem>> -> memref<1x128xi32, #tpu.memory_space<vmem>>
    %dma_start3A_29 = tpu.memref_squeeze %dma_start3A_28 : memref<1x128xi32, #tpu.memory_space<vmem>> -> memref<128xi32, #tpu.memory_space<vmem>>
    %dma_start3A_30 = arith.constant 0 : i32
    %dma_start3A_31 = arith.constant 0 : i32
    %dma_start3A_32 = tpu.memref_slice %arg2[%dma_start3A_30, %dma_start3A_31] : memref<20000x128xf32, #tpu.memory_space<hbm>> -> memref<20000x128xf32, #tpu.memory_space<hbm>>
    tpu.enqueue_indirect_dma source(%dma_start3A_32 : memref<20000x128xf32, #tpu.memory_space<hbm>>) target(%dma_start3A_22 : memref<128x128xf32, #tpu.memory_space<vmem>>) offsets(%dma_start3A_29 : memref<128xi32, #tpu.memory_space<vmem>>) semaphore(%arg11 : memref<!tpu.dma_semaphore, #tpu.memory_space<semaphore_mem>>)
    %scan3A = arith.constant 0 : i32
    %scan3A_33 = arith.constant 0 : i32
    %scan3A_34 = arith.constant 16 : i32
    %scan3A_35 = arith.addi %scan3A_33, %scan3A_34 : i32
    %scan3A_36 = arith.constant 1 : i32
    scf.for %scan3A_55 = %scan3A_33 to %scan3A_35 step %scan3A_36  : i32 {
      %jit3A = arith.constant 2 : i32
      %eq3A_56 = arith.constant 0 : i32
      %eq3A_57 = arith.cmpi eq, %jit3A, %eq3A_56 : i32
      %jit3A_58 = arith.constant 1 : i32
      %select_n3A = arith.select %eq3A_57, %jit3A_58, %jit3A : i32
      %rem3A = arith.remsi %scan3A_55, %select_n3A : i32
      %ne3A = arith.constant 0 : i32
      %ne3A_59 = arith.cmpi ne, %rem3A, %ne3A : i32
      %lt3A = arith.constant 0 : i32
      %lt3A_60 = arith.cmpi slt, %rem3A, %lt3A : i32
      %lt3A_61 = arith.constant 0 : i32
      %lt3A_62 = arith.cmpi slt, %select_n3A, %lt3A_61 : i32
      %ne3A_63 = arith.xori %lt3A_60, %lt3A_62 : i1
      %and3A = arith.andi %ne3A_63, %ne3A_59 : i1
      %add3A_64 = arith.addi %rem3A, %select_n3A : i32
      %select_n3A_65 = arith.select %and3A, %add3A_64, %rem3A : i32
      %add3A_66 = arith.constant 1 : i32
      %add3A_67 = arith.addi %scan3A_55, %add3A_66 : i32
      %lt3A_68 = arith.constant 16 : i32
      %lt3A_69 = arith.cmpi slt, %add3A_67, %lt3A_68 : i32
      %convert_element_type3A_70 = arith.extui %lt3A_69 : i1 to i32
      %cond3A_71 = arith.constant 0 : i32
      %cond3A_72 = arith.cmpi ne, %convert_element_type3A_70, %cond3A_71 : i32
      scf.if %cond3A_72 {
        %mul3A_393 = arith.constant 16 : i32
        %mul3A_394 = arith.muli %add3A, %mul3A_393 : i32
        %add3A_395 = arith.addi %mul3A_394, %scan3A_55 : i32
        %add3A_396 = arith.constant 1 : i32
        %add3A_397 = arith.addi %add3A_395, %add3A_396 : i32
        %add3A_398 = arith.constant 1 : i32
        %add3A_399 = arith.addi %scan3A_55, %add3A_398 : i32
        %jit3A_400 = arith.constant 2 : i32
        %eq3A_401 = arith.constant 0 : i32
        %eq3A_402 = arith.cmpi eq, %jit3A_400, %eq3A_401 : i32
        %jit3A_403 = arith.constant 1 : i32
        %select_n3A_404 = arith.select %eq3A_402, %jit3A_403, %jit3A_400 : i32
        %rem3A_405 = arith.remsi %add3A_399, %select_n3A_404 : i32
        %ne3A_406 = arith.constant 0 : i32
        %ne3A_407 = arith.cmpi ne, %rem3A_405, %ne3A_406 : i32
        %lt3A_408 = arith.constant 0 : i32
        %lt3A_409 = arith.cmpi slt, %rem3A_405, %lt3A_408 : i32
        %lt3A_410 = arith.constant 0 : i32
        %lt3A_411 = arith.cmpi slt, %select_n3A_404, %lt3A_410 : i32
        %ne3A_412 = arith.xori %lt3A_409, %lt3A_411 : i1
        %and3A_413 = arith.andi %ne3A_412, %ne3A_407 : i1
        %add3A_414 = arith.addi %rem3A_405, %select_n3A_404 : i32
        %select_n3A_415 = arith.select %and3A_413, %add3A_414, %rem3A_405 : i32
        %dma_start3A_416 = arith.constant 0 : i32
        %dma_start3A_417 = arith.constant 0 : i32
        %dma_start3A_418 = tpu.memref_slice %arg7[%select_n3A_415, %dma_start3A_416, %dma_start3A_417] : memref<2x10x128xi32, #tpu.memory_space<vmem>> -> memref<1x10x128xi32, #tpu.memory_space<vmem>>
        %dma_start3A_419 = tpu.memref_squeeze %dma_start3A_418 : memref<1x10x128xi32, #tpu.memory_space<vmem>> -> memref<10x128xi32, #tpu.memory_space<vmem>>
        %dma_start3A_420 = arith.constant 0 : i32
        %dma_start3A_421 = arith.constant 0 : i32
        %dma_start3A_422 = tpu.memref_slice %arg3[%add3A_397, %dma_start3A_420, %dma_start3A_421] : memref<512x10x128xi32, #tpu.memory_space<hbm>> -> memref<1x10x128xi32, #tpu.memory_space<hbm>>
        %dma_start3A_423 = tpu.memref_squeeze %dma_start3A_422 : memref<1x10x128xi32, #tpu.memory_space<hbm>> -> memref<10x128xi32, #tpu.memory_space<hbm>>
        %dma_start3A_424 = arith.constant 0 : i32
        %dma_start3A_425 = arith.constant 0 : i32
        %dma_start3A_426 = tpu.memref_slice %arg7[%select_n3A_415, %dma_start3A_424, %dma_start3A_425] : memref<2x10x128xi32, #tpu.memory_space<vmem>> -> memref<1x10x128xi32, #tpu.memory_space<vmem>>
        %dma_start3A_427 = tpu.memref_squeeze %dma_start3A_426 : memref<1x10x128xi32, #tpu.memory_space<vmem>> -> memref<10x128xi32, #tpu.memory_space<vmem>>
        %dma_start3A_428 = arith.constant 0 : i32
        %dma_start3A_429 = arith.constant 0 : i32
        %dma_start3A_430 = tpu.memref_slice %arg3[%add3A_397, %dma_start3A_428, %dma_start3A_429] : memref<512x10x128xi32, #tpu.memory_space<hbm>> -> memref<1x10x128xi32, #tpu.memory_space<hbm>>
        %dma_start3A_431 = tpu.memref_squeeze %dma_start3A_430 : memref<1x10x128xi32, #tpu.memory_space<hbm>> -> memref<10x128xi32, #tpu.memory_space<hbm>>
        tpu.enqueue_dma source(%dma_start3A_431 : memref<10x128xi32, #tpu.memory_space<hbm>>) target(%dma_start3A_427 : memref<10x128xi32, #tpu.memory_space<vmem>>) target_semaphore(%arg12 : memref<!tpu.dma_semaphore, #tpu.memory_space<semaphore_mem>>)
        %mul3A_432 = arith.constant 16 : i32
        %mul3A_433 = arith.muli %arg1, %mul3A_432 : i32
        %add3A_434 = arith.addi %mul3A_433, %scan3A_55 : i32
        %add3A_435 = arith.constant 1 : i32
        %add3A_436 = arith.addi %add3A_434, %add3A_435 : i32
        %add3A_437 = arith.constant 1 : i32
        %add3A_438 = arith.addi %scan3A_55, %add3A_437 : i32
        %jit3A_439 = arith.constant 2 : i32
        %eq3A_440 = arith.constant 0 : i32
        %eq3A_441 = arith.cmpi eq, %jit3A_439, %eq3A_440 : i32
        %jit3A_442 = arith.constant 1 : i32
        %select_n3A_443 = arith.select %eq3A_441, %jit3A_442, %jit3A_439 : i32
        %rem3A_444 = arith.remsi %add3A_438, %select_n3A_443 : i32
        %ne3A_445 = arith.constant 0 : i32
        %ne3A_446 = arith.cmpi ne, %rem3A_444, %ne3A_445 : i32
        %lt3A_447 = arith.constant 0 : i32
        %lt3A_448 = arith.cmpi slt, %rem3A_444, %lt3A_447 : i32
        %lt3A_449 = arith.constant 0 : i32
        %lt3A_450 = arith.cmpi slt, %select_n3A_443, %lt3A_449 : i32
        %ne3A_451 = arith.xori %lt3A_448, %lt3A_450 : i1
        %and3A_452 = arith.andi %ne3A_451, %ne3A_446 : i1
        %add3A_453 = arith.addi %rem3A_444, %select_n3A_443 : i32
        %select_n3A_454 = arith.select %and3A_452, %add3A_453, %rem3A_444 : i32
        %dma_start3A_455 = arith.constant 0 : i32
        %dma_start3A_456 = arith.constant 0 : i32
        %dma_start3A_457 = tpu.memref_slice %arg8[%select_n3A_454, %dma_start3A_455, %dma_start3A_456] : memref<2x10x128xi32, #tpu.memory_space<vmem>> -> memref<1x10x128xi32, #tpu.memory_space<vmem>>
        %dma_start3A_458 = tpu.memref_squeeze %dma_start3A_457 : memref<1x10x128xi32, #tpu.memory_space<vmem>> -> memref<10x128xi32, #tpu.memory_space<vmem>>
        %dma_start3A_459 = arith.constant 0 : i32
        %dma_start3A_460 = arith.constant 0 : i32
        %dma_start3A_461 = tpu.memref_slice %arg4[%add3A_436, %dma_start3A_459, %dma_start3A_460] : memref<256x10x128xi32, #tpu.memory_space<hbm>> -> memref<1x10x128xi32, #tpu.memory_space<hbm>>
        %dma_start3A_462 = tpu.memref_squeeze %dma_start3A_461 : memref<1x10x128xi32, #tpu.memory_space<hbm>> -> memref<10x128xi32, #tpu.memory_space<hbm>>
        %dma_start3A_463 = arith.constant 0 : i32
        %dma_start3A_464 = arith.constant 0 : i32
        %dma_start3A_465 = tpu.memref_slice %arg8[%select_n3A_454, %dma_start3A_463, %dma_start3A_464] : memref<2x10x128xi32, #tpu.memory_space<vmem>> -> memref<1x10x128xi32, #tpu.memory_space<vmem>>
        %dma_start3A_466 = tpu.memref_squeeze %dma_start3A_465 : memref<1x10x128xi32, #tpu.memory_space<vmem>> -> memref<10x128xi32, #tpu.memory_space<vmem>>
        %dma_start3A_467 = arith.constant 0 : i32
        %dma_start3A_468 = arith.constant 0 : i32
        %dma_start3A_469 = tpu.memref_slice %arg4[%add3A_436, %dma_start3A_467, %dma_start3A_468] : memref<256x10x128xi32, #tpu.memory_space<hbm>> -> memref<1x10x128xi32, #tpu.memory_space<hbm>>
        %dma_start3A_470 = tpu.memref_squeeze %dma_start3A_469 : memref<1x10x128xi32, #tpu.memory_space<hbm>> -> memref<10x128xi32, #tpu.memory_space<hbm>>
        tpu.enqueue_dma source(%dma_start3A_470 : memref<10x128xi32, #tpu.memory_space<hbm>>) target(%dma_start3A_466 : memref<10x128xi32, #tpu.memory_space<vmem>>) target_semaphore(%arg12 : memref<!tpu.dma_semaphore, #tpu.memory_space<semaphore_mem>>)
      } else {
      }
      %dma_wait3A = arith.constant 0 : i32
      %dma_wait3A_73 = arith.constant 0 : i32
      %dma_wait3A_74 = arith.constant 0 : i32
      %dma_wait3A_75 = tpu.memref_slice %arg9[%dma_wait3A, %dma_wait3A_73, %dma_wait3A_74] : memref<2x128x128xf32, #tpu.memory_space<vmem>> -> memref<1x128x128xf32, #tpu.memory_space<vmem>>
      %dma_wait3A_76 = tpu.memref_squeeze %dma_wait3A_75 : memref<1x128x128xf32, #tpu.memory_space<vmem>> -> memref<128x128xf32, #tpu.memory_space<vmem>>
      %dma_wait3A_77 = arith.constant 0 : i32
      %dma_wait3A_78 = arith.constant 0 : i32
      %dma_wait3A_79 = tpu.memref_slice %arg2[%dma_wait3A_77, %dma_wait3A_78] : memref<20000x128xf32, #tpu.memory_space<hbm>> -> memref<128x128xf32, #tpu.memory_space<hbm>>
      %dma_wait3A_80 = arith.constant 0 : i32
      %dma_wait3A_81 = arith.constant 0 : i32
      %dma_wait3A_82 = tpu.memref_slice %arg9[%dma_wait3A, %dma_wait3A_80, %dma_wait3A_81] : memref<2x128x128xf32, #tpu.memory_space<vmem>> -> memref<1x128x128xf32, #tpu.memory_space<vmem>>
      %dma_wait3A_83 = tpu.memref_squeeze %dma_wait3A_82 : memref<1x128x128xf32, #tpu.memory_space<vmem>> -> memref<128x128xf32, #tpu.memory_space<vmem>>
      %dma_wait3A_84 = arith.constant 0 : i32
      %dma_wait3A_85 = arith.constant 0 : i32
      %dma_wait3A_86 = tpu.memref_slice %arg2[%dma_wait3A_84, %dma_wait3A_85] : memref<20000x128xf32, #tpu.memory_space<hbm>> -> memref<128x128xf32, #tpu.memory_space<hbm>>
      tpu.wait_dma2 semaphore(%arg11 : memref<!tpu.dma_semaphore, #tpu.memory_space<semaphore_mem>>) src(%dma_wait3A_86 : memref<128x128xf32, #tpu.memory_space<hbm>>) dst(%dma_wait3A_83 : memref<128x128xf32, #tpu.memory_space<vmem>>)
      %dma_start3A_87 = arith.constant 1 : i32
      %dma_start3A_88 = arith.constant 1 : i32
      %dma_start3A_89 = arith.constant 0 : i32
      %dma_start3A_90 = arith.constant 0 : i32
      %dma_start3A_91 = tpu.memref_slice %arg9[%dma_start3A_88, %dma_start3A_89, %dma_start3A_90] : memref<2x128x128xf32, #tpu.memory_space<vmem>> -> memref<1x128x128xf32, #tpu.memory_space<vmem>>
      %dma_start3A_92 = tpu.memref_squeeze %dma_start3A_91 : memref<1x128x128xf32, #tpu.memory_space<vmem>> -> memref<128x128xf32, #tpu.memory_space<vmem>>
      %dma_start3A_93 = arith.constant 0 : i32
      %dma_start3A_94 = arith.constant 0 : i32
      %dma_start3A_95 = tpu.memref_slice %arg7[%select_n3A_65, %dma_start3A_93, %dma_start3A_94] : memref<2x10x128xi32, #tpu.memory_space<vmem>> -> memref<1x10x128xi32, #tpu.memory_space<vmem>>
      %dma_start3A_96 = tpu.memref_squeeze %dma_start3A_95 : memref<1x10x128xi32, #tpu.memory_space<vmem>> -> memref<10x128xi32, #tpu.memory_space<vmem>>
      %dma_start3A_97 = arith.constant 0 : i32
      %dma_start3A_98 = tpu.memref_slice %dma_start3A_96[%dma_start3A_87, %dma_start3A_97] : memref<10x128xi32, #tpu.memory_space<vmem>> -> memref<1x128xi32, #tpu.memory_space<vmem>>
      %dma_start3A_99 = tpu.memref_squeeze %dma_start3A_98 : memref<1x128xi32, #tpu.memory_space<vmem>> -> memref<128xi32, #tpu.memory_space<vmem>>
      %dma_start3A_100 = arith.constant 0 : i32
      %dma_start3A_101 = arith.constant 0 : i32
      %dma_start3A_102 = tpu.memref_slice %arg2[%dma_start3A_100, %dma_start3A_101] : memref<20000x128xf32, #tpu.memory_space<hbm>> -> memref<20000x128xf32, #tpu.memory_space<hbm>>
      tpu.enqueue_indirect_dma source(%dma_start3A_102 : memref<20000x128xf32, #tpu.memory_space<hbm>>) target(%dma_start3A_92 : memref<128x128xf32, #tpu.memory_space<vmem>>) offsets(%dma_start3A_99 : memref<128xi32, #tpu.memory_space<vmem>>) semaphore(%arg11 : memref<!tpu.dma_semaphore, #tpu.memory_space<semaphore_mem>>)
      %run_scoped3A_103 = arith.constant 0 : i32
      %run_scoped3A_104 = arith.constant 0 : i32
      "tpu.region"() ({
        %run_scoped3A_393 = tpu.sem_alloc : memref<!tpu.dma_semaphore, #tpu.memory_space<semaphore_mem>>
        %dma_start3A_394 = arith.constant 0 : i32
        %dma_start3A_395 = arith.constant 0 : i32
        %dma_start3A_396 = tpu.memref_slice %arg9[%run_scoped3A_103, %dma_start3A_394, %dma_start3A_395] : memref<2x128x128xf32, #tpu.memory_space<vmem>> -> memref<1x128x128xf32, #tpu.memory_space<vmem>>
        %dma_start3A_397 = tpu.memref_squeeze %dma_start3A_396 : memref<1x128x128xf32, #tpu.memory_space<vmem>> -> memref<128x128xf32, #tpu.memory_space<vmem>>
        %dma_start3A_398 = arith.constant 0 : i32
        %dma_start3A_399 = arith.constant 0 : i32
        %dma_start3A_400 = tpu.memref_slice %arg8[%select_n3A_65, %dma_start3A_398, %dma_start3A_399] : memref<2x10x128xi32, #tpu.memory_space<vmem>> -> memref<1x10x128xi32, #tpu.memory_space<vmem>>
        %dma_start3A_401 = tpu.memref_squeeze %dma_start3A_400 : memref<1x10x128xi32, #tpu.memory_space<vmem>> -> memref<10x128xi32, #tpu.memory_space<vmem>>
        %dma_start3A_402 = arith.constant 0 : i32
        %dma_start3A_403 = tpu.memref_slice %dma_start3A_401[%run_scoped3A_104, %dma_start3A_402] : memref<10x128xi32, #tpu.memory_space<vmem>> -> memref<1x128xi32, #tpu.memory_space<vmem>>
        %dma_start3A_404 = tpu.memref_squeeze %dma_start3A_403 : memref<1x128xi32, #tpu.memory_space<vmem>> -> memref<128xi32, #tpu.memory_space<vmem>>
        %dma_start3A_405 = arith.constant 0 : i32
        %dma_start3A_406 = arith.constant 0 : i32
        %dma_start3A_407 = tpu.memref_slice %arg10[%dma_start3A_405, %dma_start3A_406] : memref<10008x128xf32, #tpu.memory_space<vmem_shared>> -> memref<10008x128xf32, #tpu.memory_space<vmem_shared>>
        tpu.enqueue_indirect_dma source(%dma_start3A_397 : memref<128x128xf32, #tpu.memory_space<vmem>>) target(%dma_start3A_407 : memref<10008x128xf32, #tpu.memory_space<vmem_shared>>) offsets(%dma_start3A_404 : memref<128xi32, #tpu.memory_space<vmem>>) semaphore(%run_scoped3A_393 : memref<!tpu.dma_semaphore, #tpu.memory_space<semaphore_mem>>) {add = true}
        %dma_wait3A_408 = arith.constant 0 : i32
        %dma_wait3A_409 = arith.constant 0 : i32
        %dma_wait3A_410 = tpu.memref_slice %arg9[%run_scoped3A_103, %dma_wait3A_408, %dma_wait3A_409] : memref<2x128x128xf32, #tpu.memory_space<vmem>> -> memref<1x128x128xf32, #tpu.memory_space<vmem>>
        %dma_wait3A_411 = tpu.memref_squeeze %dma_wait3A_410 : memref<1x128x128xf32, #tpu.memory_space<vmem>> -> memref<128x128xf32, #tpu.memory_space<vmem>>
        %dma_wait3A_412 = arith.constant 0 : i32
        %dma_wait3A_413 = arith.constant 0 : i32
        %dma_wait3A_414 = tpu.memref_slice %arg8[%select_n3A_65, %dma_wait3A_412, %dma_wait3A_413] : memref<2x10x128xi32, #tpu.memory_space<vmem>> -> memref<1x10x128xi32, #tpu.memory_space<vmem>>
        %dma_wait3A_415 = tpu.memref_squeeze %dma_wait3A_414 : memref<1x10x128xi32, #tpu.memory_space<vmem>> -> memref<10x128xi32, #tpu.memory_space<vmem>>
        %dma_wait3A_416 = arith.constant 0 : i32
        %dma_wait3A_417 = tpu.memref_slice %dma_wait3A_415[%run_scoped3A_104, %dma_wait3A_416] : memref<10x128xi32, #tpu.memory_space<vmem>> -> memref<1x128xi32, #tpu.memory_space<vmem>>
        %dma_wait3A_418 = tpu.memref_squeeze %dma_wait3A_417 : memref<1x128xi32, #tpu.memory_space<vmem>> -> memref<128xi32, #tpu.memory_space<vmem>>
        %dma_wait3A_419 = arith.constant 0 : i32
        %dma_wait3A_420 = arith.constant 0 : i32
        %dma_wait3A_421 = tpu.memref_slice %arg10[%dma_wait3A_419, %dma_wait3A_420] : memref<10008x128xf32, #tpu.memory_space<vmem_shared>> -> memref<10008x128xf32, #tpu.memory_space<vmem_shared>>
        tpu.wait_indirect_dma semaphore(%run_scoped3A_393 : memref<!tpu.dma_semaphore, #tpu.memory_space<semaphore_mem>>) src(%dma_wait3A_411 : memref<128x128xf32, #tpu.memory_space<vmem>>) dst(%dma_wait3A_421 : memref<10008x128xf32, #tpu.memory_space<vmem_shared>>)
        tpu.yield
      }) : () -> ()
      %dma_wait3A_105 = arith.constant 1 : i32
      %dma_wait3A_106 = arith.constant 0 : i32
      %dma_wait3A_107 = arith.constant 0 : i32
      %dma_wait3A_108 = tpu.memref_slice %arg9[%dma_wait3A_105, %dma_wait3A_106, %dma_wait3A_107] : memref<2x128x128xf32, #tpu.memory_space<vmem>> -> memref<1x128x128xf32, #tpu.memory_space<vmem>>
      %dma_wait3A_109 = tpu.memref_squeeze %dma_wait3A_108 : memref<1x128x128xf32, #tpu.memory_space<vmem>> -> memref<128x128xf32, #tpu.memory_space<vmem>>
      %dma_wait3A_110 = arith.constant 0 : i32
      %dma_wait3A_111 = arith.constant 0 : i32
      %dma_wait3A_112 = tpu.memref_slice %arg2[%dma_wait3A_110, %dma_wait3A_111] : memref<20000x128xf32, #tpu.memory_space<hbm>> -> memref<128x128xf32, #tpu.memory_space<hbm>>
      %dma_wait3A_113 = arith.constant 0 : i32
      %dma_wait3A_114 = arith.constant 0 : i32
      %dma_wait3A_115 = tpu.memref_slice %arg9[%dma_wait3A_105, %dma_wait3A_113, %dma_wait3A_114] : memref<2x128x128xf32, #tpu.memory_space<vmem>> -> memref<1x128x128xf32, #tpu.memory_space<vmem>>
      %dma_wait3A_116 = tpu.memref_squeeze %dma_wait3A_115 : memref<1x128x128xf32, #tpu.memory_space<vmem>> -> memref<128x128xf32, #tpu.memory_space<vmem>>
      %dma_wait3A_117 = arith.constant 0 : i32
      %dma_wait3A_118 = arith.constant 0 : i32
      %dma_wait3A_119 = tpu.memref_slice %arg2[%dma_wait3A_117, %dma_wait3A_118] : memref<20000x128xf32, #tpu.memory_space<hbm>> -> memref<128x128xf32, #tpu.memory_space<hbm>>
      tpu.wait_dma2 semaphore(%arg11 : memref<!tpu.dma_semaphore, #tpu.memory_space<semaphore_mem>>) src(%dma_wait3A_119 : memref<128x128xf32, #tpu.memory_space<hbm>>) dst(%dma_wait3A_116 : memref<128x128xf32, #tpu.memory_space<vmem>>)
      %dma_start3A_120 = arith.constant 2 : i32
      %dma_start3A_121 = arith.constant 0 : i32
      %dma_start3A_122 = arith.constant 0 : i32
      %dma_start3A_123 = arith.constant 0 : i32
      %dma_start3A_124 = tpu.memref_slice %arg9[%dma_start3A_121, %dma_start3A_122, %dma_start3A_123] : memref<2x128x128xf32, #tpu.memory_space<vmem>> -> memref<1x128x128xf32, #tpu.memory_space<vmem>>
      %dma_start3A_125 = tpu.memref_squeeze %dma_start3A_124 : memref<1x128x128xf32, #tpu.memory_space<vmem>> -> memref<128x128xf32, #tpu.memory_space<vmem>>
      %dma_start3A_126 = arith.constant 0 : i32
      %dma_start3A_127 = arith.constant 0 : i32
      %dma_start3A_128 = tpu.memref_slice %arg7[%select_n3A_65, %dma_start3A_126, %dma_start3A_127] : memref<2x10x128xi32, #tpu.memory_space<vmem>> -> memref<1x10x128xi32, #tpu.memory_space<vmem>>
      %dma_start3A_129 = tpu.memref_squeeze %dma_start3A_128 : memref<1x10x128xi32, #tpu.memory_space<vmem>> -> memref<10x128xi32, #tpu.memory_space<vmem>>
      %dma_start3A_130 = arith.constant 0 : i32
      %dma_start3A_131 = tpu.memref_slice %dma_start3A_129[%dma_start3A_120, %dma_start3A_130] : memref<10x128xi32, #tpu.memory_space<vmem>> -> memref<1x128xi32, #tpu.memory_space<vmem>>
      %dma_start3A_132 = tpu.memref_squeeze %dma_start3A_131 : memref<1x128xi32, #tpu.memory_space<vmem>> -> memref<128xi32, #tpu.memory_space<vmem>>
      %dma_start3A_133 = arith.constant 0 : i32
      %dma_start3A_134 = arith.constant 0 : i32
      %dma_start3A_135 = tpu.memref_slice %arg2[%dma_start3A_133, %dma_start3A_134] : memref<20000x128xf32, #tpu.memory_space<hbm>> -> memref<20000x128xf32, #tpu.memory_space<hbm>>
      tpu.enqueue_indirect_dma source(%dma_start3A_135 : memref<20000x128xf32, #tpu.memory_space<hbm>>) target(%dma_start3A_125 : memref<128x128xf32, #tpu.memory_space<vmem>>) offsets(%dma_start3A_132 : memref<128xi32, #tpu.memory_space<vmem>>) semaphore(%arg11 : memref<!tpu.dma_semaphore, #tpu.memory_space<semaphore_mem>>)
      %run_scoped3A_136 = arith.constant 1 : i32
      %run_scoped3A_137 = arith.constant 1 : i32
      "tpu.region"() ({
        %run_scoped3A_393 = tpu.sem_alloc : memref<!tpu.dma_semaphore, #tpu.memory_space<semaphore_mem>>
        %dma_start3A_394 = arith.constant 0 : i32
        %dma_start3A_395 = arith.constant 0 : i32
        %dma_start3A_396 = tpu.memref_slice %arg9[%run_scoped3A_136, %dma_start3A_394, %dma_start3A_395] : memref<2x128x128xf32, #tpu.memory_space<vmem>> -> memref<1x128x128xf32, #tpu.memory_space<vmem>>
        %dma_start3A_397 = tpu.memref_squeeze %dma_start3A_396 : memref<1x128x128xf32, #tpu.memory_space<vmem>> -> memref<128x128xf32, #tpu.memory_space<vmem>>
        %dma_start3A_398 = arith.constant 0 : i32
        %dma_start3A_399 = arith.constant 0 : i32
        %dma_start3A_400 = tpu.memref_slice %arg8[%select_n3A_65, %dma_start3A_398, %dma_start3A_399] : memref<2x10x128xi32, #tpu.memory_space<vmem>> -> memref<1x10x128xi32, #tpu.memory_space<vmem>>
        %dma_start3A_401 = tpu.memref_squeeze %dma_start3A_400 : memref<1x10x128xi32, #tpu.memory_space<vmem>> -> memref<10x128xi32, #tpu.memory_space<vmem>>
        %dma_start3A_402 = arith.constant 0 : i32
        %dma_start3A_403 = tpu.memref_slice %dma_start3A_401[%run_scoped3A_137, %dma_start3A_402] : memref<10x128xi32, #tpu.memory_space<vmem>> -> memref<1x128xi32, #tpu.memory_space<vmem>>
        %dma_start3A_404 = tpu.memref_squeeze %dma_start3A_403 : memref<1x128xi32, #tpu.memory_space<vmem>> -> memref<128xi32, #tpu.memory_space<vmem>>
        %dma_start3A_405 = arith.constant 0 : i32
        %dma_start3A_406 = arith.constant 0 : i32
        %dma_start3A_407 = tpu.memref_slice %arg10[%dma_start3A_405, %dma_start3A_406] : memref<10008x128xf32, #tpu.memory_space<vmem_shared>> -> memref<10008x128xf32, #tpu.memory_space<vmem_shared>>
        tpu.enqueue_indirect_dma source(%dma_start3A_397 : memref<128x128xf32, #tpu.memory_space<vmem>>) target(%dma_start3A_407 : memref<10008x128xf32, #tpu.memory_space<vmem_shared>>) offsets(%dma_start3A_404 : memref<128xi32, #tpu.memory_space<vmem>>) semaphore(%run_scoped3A_393 : memref<!tpu.dma_semaphore, #tpu.memory_space<semaphore_mem>>) {add = true}
        %dma_wait3A_408 = arith.constant 0 : i32
        %dma_wait3A_409 = arith.constant 0 : i32
        %dma_wait3A_410 = tpu.memref_slice %arg9[%run_scoped3A_136, %dma_wait3A_408, %dma_wait3A_409] : memref<2x128x128xf32, #tpu.memory_space<vmem>> -> memref<1x128x128xf32, #tpu.memory_space<vmem>>
        %dma_wait3A_411 = tpu.memref_squeeze %dma_wait3A_410 : memref<1x128x128xf32, #tpu.memory_space<vmem>> -> memref<128x128xf32, #tpu.memory_space<vmem>>
        %dma_wait3A_412 = arith.constant 0 : i32
        %dma_wait3A_413 = arith.constant 0 : i32
        %dma_wait3A_414 = tpu.memref_slice %arg8[%select_n3A_65, %dma_wait3A_412, %dma_wait3A_413] : memref<2x10x128xi32, #tpu.memory_space<vmem>> -> memref<1x10x128xi32, #tpu.memory_space<vmem>>
        %dma_wait3A_415 = tpu.memref_squeeze %dma_wait3A_414 : memref<1x10x128xi32, #tpu.memory_space<vmem>> -> memref<10x128xi32, #tpu.memory_space<vmem>>
        %dma_wait3A_416 = arith.constant 0 : i32
        %dma_wait3A_417 = tpu.memref_slice %dma_wait3A_415[%run_scoped3A_137, %dma_wait3A_416] : memref<10x128xi32, #tpu.memory_space<vmem>> -> memref<1x128xi32, #tpu.memory_space<vmem>>
        %dma_wait3A_418 = tpu.memref_squeeze %dma_wait3A_417 : memref<1x128xi32, #tpu.memory_space<vmem>> -> memref<128xi32, #tpu.memory_space<vmem>>
        %dma_wait3A_419 = arith.constant 0 : i32
        %dma_wait3A_420 = arith.constant 0 : i32
        %dma_wait3A_421 = tpu.memref_slice %arg10[%dma_wait3A_419, %dma_wait3A_420] : memref<10008x128xf32, #tpu.memory_space<vmem_shared>> -> memref<10008x128xf32, #tpu.memory_space<vmem_shared>>
        tpu.wait_indirect_dma semaphore(%run_scoped3A_393 : memref<!tpu.dma_semaphore, #tpu.memory_space<semaphore_mem>>) src(%dma_wait3A_411 : memref<128x128xf32, #tpu.memory_space<vmem>>) dst(%dma_wait3A_421 : memref<10008x128xf32, #tpu.memory_space<vmem_shared>>)
        tpu.yield
      }) : () -> ()
      %dma_wait3A_138 = arith.constant 0 : i32
      %dma_wait3A_139 = arith.constant 0 : i32
      %dma_wait3A_140 = arith.constant 0 : i32
      %dma_wait3A_141 = tpu.memref_slice %arg9[%dma_wait3A_138, %dma_wait3A_139, %dma_wait3A_140] : memref<2x128x128xf32, #tpu.memory_space<vmem>> -> memref<1x128x128xf32, #tpu.memory_space<vmem>>
      %dma_wait3A_142 = tpu.memref_squeeze %dma_wait3A_141 : memref<1x128x128xf32, #tpu.memory_space<vmem>> -> memref<128x128xf32, #tpu.memory_space<vmem>>
      %dma_wait3A_143 = arith.constant 0 : i32
      %dma_wait3A_144 = arith.constant 0 : i32
      %dma_wait3A_145 = tpu.memref_slice %arg2[%dma_wait3A_143, %dma_wait3A_144] : memref<20000x128xf32, #tpu.memory_space<hbm>> -> memref<128x128xf32, #tpu.memory_space<hbm>>
      %dma_wait3A_146 = arith.constant 0 : i32
      %dma_wait3A_147 = arith.constant 0 : i32
      %dma_wait3A_148 = tpu.memref_slice %arg9[%dma_wait3A_138, %dma_wait3A_146, %dma_wait3A_147] : memref<2x128x128xf32, #tpu.memory_space<vmem>> -> memref<1x128x128xf32, #tpu.memory_space<vmem>>
      %dma_wait3A_149 = tpu.memref_squeeze %dma_wait3A_148 : memref<1x128x128xf32, #tpu.memory_space<vmem>> -> memref<128x128xf32, #tpu.memory_space<vmem>>
      %dma_wait3A_150 = arith.constant 0 : i32
      %dma_wait3A_151 = arith.constant 0 : i32
      %dma_wait3A_152 = tpu.memref_slice %arg2[%dma_wait3A_150, %dma_wait3A_151] : memref<20000x128xf32, #tpu.memory_space<hbm>> -> memref<128x128xf32, #tpu.memory_space<hbm>>
      tpu.wait_dma2 semaphore(%arg11 : memref<!tpu.dma_semaphore, #tpu.memory_space<semaphore_mem>>) src(%dma_wait3A_152 : memref<128x128xf32, #tpu.memory_space<hbm>>) dst(%dma_wait3A_149 : memref<128x128xf32, #tpu.memory_space<vmem>>)
      %dma_start3A_153 = arith.constant 3 : i32
      %dma_start3A_154 = arith.constant 1 : i32
      %dma_start3A_155 = arith.constant 0 : i32
      %dma_start3A_156 = arith.constant 0 : i32
      %dma_start3A_157 = tpu.memref_slice %arg9[%dma_start3A_154, %dma_start3A_155, %dma_start3A_156] : memref<2x128x128xf32, #tpu.memory_space<vmem>> -> memref<1x128x128xf32, #tpu.memory_space<vmem>>
      %dma_start3A_158 = tpu.memref_squeeze %dma_start3A_157 : memref<1x128x128xf32, #tpu.memory_space<vmem>> -> memref<128x128xf32, #tpu.memory_space<vmem>>
      %dma_start3A_159 = arith.constant 0 : i32
      %dma_start3A_160 = arith.constant 0 : i32
      %dma_start3A_161 = tpu.memref_slice %arg7[%select_n3A_65, %dma_start3A_159, %dma_start3A_160] : memref<2x10x128xi32, #tpu.memory_space<vmem>> -> memref<1x10x128xi32, #tpu.memory_space<vmem>>
      %dma_start3A_162 = tpu.memref_squeeze %dma_start3A_161 : memref<1x10x128xi32, #tpu.memory_space<vmem>> -> memref<10x128xi32, #tpu.memory_space<vmem>>
      %dma_start3A_163 = arith.constant 0 : i32
      %dma_start3A_164 = tpu.memref_slice %dma_start3A_162[%dma_start3A_153, %dma_start3A_163] : memref<10x128xi32, #tpu.memory_space<vmem>> -> memref<1x128xi32, #tpu.memory_space<vmem>>
      %dma_start3A_165 = tpu.memref_squeeze %dma_start3A_164 : memref<1x128xi32, #tpu.memory_space<vmem>> -> memref<128xi32, #tpu.memory_space<vmem>>
      %dma_start3A_166 = arith.constant 0 : i32
      %dma_start3A_167 = arith.constant 0 : i32
      %dma_start3A_168 = tpu.memref_slice %arg2[%dma_start3A_166, %dma_start3A_167] : memref<20000x128xf32, #tpu.memory_space<hbm>> -> memref<20000x128xf32, #tpu.memory_space<hbm>>
      tpu.enqueue_indirect_dma source(%dma_start3A_168 : memref<20000x128xf32, #tpu.memory_space<hbm>>) target(%dma_start3A_158 : memref<128x128xf32, #tpu.memory_space<vmem>>) offsets(%dma_start3A_165 : memref<128xi32, #tpu.memory_space<vmem>>) semaphore(%arg11 : memref<!tpu.dma_semaphore, #tpu.memory_space<semaphore_mem>>)
      %run_scoped3A_169 = arith.constant 0 : i32
      %run_scoped3A_170 = arith.constant 2 : i32
      "tpu.region"() ({
        %run_scoped3A_393 = tpu.sem_alloc : memref<!tpu.dma_semaphore, #tpu.memory_space<semaphore_mem>>
        %dma_start3A_394 = arith.constant 0 : i32
        %dma_start3A_395 = arith.constant 0 : i32
        %dma_start3A_396 = tpu.memref_slice %arg9[%run_scoped3A_169, %dma_start3A_394, %dma_start3A_395] : memref<2x128x128xf32, #tpu.memory_space<vmem>> -> memref<1x128x128xf32, #tpu.memory_space<vmem>>
        %dma_start3A_397 = tpu.memref_squeeze %dma_start3A_396 : memref<1x128x128xf32, #tpu.memory_space<vmem>> -> memref<128x128xf32, #tpu.memory_space<vmem>>
        %dma_start3A_398 = arith.constant 0 : i32
        %dma_start3A_399 = arith.constant 0 : i32
        %dma_start3A_400 = tpu.memref_slice %arg8[%select_n3A_65, %dma_start3A_398, %dma_start3A_399] : memref<2x10x128xi32, #tpu.memory_space<vmem>> -> memref<1x10x128xi32, #tpu.memory_space<vmem>>
        %dma_start3A_401 = tpu.memref_squeeze %dma_start3A_400 : memref<1x10x128xi32, #tpu.memory_space<vmem>> -> memref<10x128xi32, #tpu.memory_space<vmem>>
        %dma_start3A_402 = arith.constant 0 : i32
        %dma_start3A_403 = tpu.memref_slice %dma_start3A_401[%run_scoped3A_170, %dma_start3A_402] : memref<10x128xi32, #tpu.memory_space<vmem>> -> memref<1x128xi32, #tpu.memory_space<vmem>>
        %dma_start3A_404 = tpu.memref_squeeze %dma_start3A_403 : memref<1x128xi32, #tpu.memory_space<vmem>> -> memref<128xi32, #tpu.memory_space<vmem>>
        %dma_start3A_405 = arith.constant 0 : i32
        %dma_start3A_406 = arith.constant 0 : i32
        %dma_start3A_407 = tpu.memref_slice %arg10[%dma_start3A_405, %dma_start3A_406] : memref<10008x128xf32, #tpu.memory_space<vmem_shared>> -> memref<10008x128xf32, #tpu.memory_space<vmem_shared>>
        tpu.enqueue_indirect_dma source(%dma_start3A_397 : memref<128x128xf32, #tpu.memory_space<vmem>>) target(%dma_start3A_407 : memref<10008x128xf32, #tpu.memory_space<vmem_shared>>) offsets(%dma_start3A_404 : memref<128xi32, #tpu.memory_space<vmem>>) semaphore(%run_scoped3A_393 : memref<!tpu.dma_semaphore, #tpu.memory_space<semaphore_mem>>) {add = true}
        %dma_wait3A_408 = arith.constant 0 : i32
        %dma_wait3A_409 = arith.constant 0 : i32
        %dma_wait3A_410 = tpu.memref_slice %arg9[%run_scoped3A_169, %dma_wait3A_408, %dma_wait3A_409] : memref<2x128x128xf32, #tpu.memory_space<vmem>> -> memref<1x128x128xf32, #tpu.memory_space<vmem>>
        %dma_wait3A_411 = tpu.memref_squeeze %dma_wait3A_410 : memref<1x128x128xf32, #tpu.memory_space<vmem>> -> memref<128x128xf32, #tpu.memory_space<vmem>>
        %dma_wait3A_412 = arith.constant 0 : i32
        %dma_wait3A_413 = arith.constant 0 : i32
        %dma_wait3A_414 = tpu.memref_slice %arg8[%select_n3A_65, %dma_wait3A_412, %dma_wait3A_413] : memref<2x10x128xi32, #tpu.memory_space<vmem>> -> memref<1x10x128xi32, #tpu.memory_space<vmem>>
        %dma_wait3A_415 = tpu.memref_squeeze %dma_wait3A_414 : memref<1x10x128xi32, #tpu.memory_space<vmem>> -> memref<10x128xi32, #tpu.memory_space<vmem>>
        %dma_wait3A_416 = arith.constant 0 : i32
        %dma_wait3A_417 = tpu.memref_slice %dma_wait3A_415[%run_scoped3A_170, %dma_wait3A_416] : memref<10x128xi32, #tpu.memory_space<vmem>> -> memref<1x128xi32, #tpu.memory_space<vmem>>
        %dma_wait3A_418 = tpu.memref_squeeze %dma_wait3A_417 : memref<1x128xi32, #tpu.memory_space<vmem>> -> memref<128xi32, #tpu.memory_space<vmem>>
        %dma_wait3A_419 = arith.constant 0 : i32
        %dma_wait3A_420 = arith.constant 0 : i32
        %dma_wait3A_421 = tpu.memref_slice %arg10[%dma_wait3A_419, %dma_wait3A_420] : memref<10008x128xf32, #tpu.memory_space<vmem_shared>> -> memref<10008x128xf32, #tpu.memory_space<vmem_shared>>
        tpu.wait_indirect_dma semaphore(%run_scoped3A_393 : memref<!tpu.dma_semaphore, #tpu.memory_space<semaphore_mem>>) src(%dma_wait3A_411 : memref<128x128xf32, #tpu.memory_space<vmem>>) dst(%dma_wait3A_421 : memref<10008x128xf32, #tpu.memory_space<vmem_shared>>)
        tpu.yield
      }) : () -> ()
      %dma_wait3A_171 = arith.constant 1 : i32
      %dma_wait3A_172 = arith.constant 0 : i32
      %dma_wait3A_173 = arith.constant 0 : i32
      %dma_wait3A_174 = tpu.memref_slice %arg9[%dma_wait3A_171, %dma_wait3A_172, %dma_wait3A_173] : memref<2x128x128xf32, #tpu.memory_space<vmem>> -> memref<1x128x128xf32, #tpu.memory_space<vmem>>
      %dma_wait3A_175 = tpu.memref_squeeze %dma_wait3A_174 : memref<1x128x128xf32, #tpu.memory_space<vmem>> -> memref<128x128xf32, #tpu.memory_space<vmem>>
      %dma_wait3A_176 = arith.constant 0 : i32
      %dma_wait3A_177 = arith.constant 0 : i32
      %dma_wait3A_178 = tpu.memref_slice %arg2[%dma_wait3A_176, %dma_wait3A_177] : memref<20000x128xf32, #tpu.memory_space<hbm>> -> memref<128x128xf32, #tpu.memory_space<hbm>>
      %dma_wait3A_179 = arith.constant 0 : i32
      %dma_wait3A_180 = arith.constant 0 : i32
      %dma_wait3A_181 = tpu.memref_slice %arg9[%dma_wait3A_171, %dma_wait3A_179, %dma_wait3A_180] : memref<2x128x128xf32, #tpu.memory_space<vmem>> -> memref<1x128x128xf32, #tpu.memory_space<vmem>>
      %dma_wait3A_182 = tpu.memref_squeeze %dma_wait3A_181 : memref<1x128x128xf32, #tpu.memory_space<vmem>> -> memref<128x128xf32, #tpu.memory_space<vmem>>
      %dma_wait3A_183 = arith.constant 0 : i32
      %dma_wait3A_184 = arith.constant 0 : i32
      %dma_wait3A_185 = tpu.memref_slice %arg2[%dma_wait3A_183, %dma_wait3A_184] : memref<20000x128xf32, #tpu.memory_space<hbm>> -> memref<128x128xf32, #tpu.memory_space<hbm>>
      tpu.wait_dma2 semaphore(%arg11 : memref<!tpu.dma_semaphore, #tpu.memory_space<semaphore_mem>>) src(%dma_wait3A_185 : memref<128x128xf32, #tpu.memory_space<hbm>>) dst(%dma_wait3A_182 : memref<128x128xf32, #tpu.memory_space<vmem>>)
      %dma_start3A_186 = arith.constant 4 : i32
      %dma_start3A_187 = arith.constant 0 : i32
      %dma_start3A_188 = arith.constant 0 : i32
      %dma_start3A_189 = arith.constant 0 : i32
      %dma_start3A_190 = tpu.memref_slice %arg9[%dma_start3A_187, %dma_start3A_188, %dma_start3A_189] : memref<2x128x128xf32, #tpu.memory_space<vmem>> -> memref<1x128x128xf32, #tpu.memory_space<vmem>>
      %dma_start3A_191 = tpu.memref_squeeze %dma_start3A_190 : memref<1x128x128xf32, #tpu.memory_space<vmem>> -> memref<128x128xf32, #tpu.memory_space<vmem>>
      %dma_start3A_192 = arith.constant 0 : i32
      %dma_start3A_193 = arith.constant 0 : i32
      %dma_start3A_194 = tpu.memref_slice %arg7[%select_n3A_65, %dma_start3A_192, %dma_start3A_193] : memref<2x10x128xi32, #tpu.memory_space<vmem>> -> memref<1x10x128xi32, #tpu.memory_space<vmem>>
      %dma_start3A_195 = tpu.memref_squeeze %dma_start3A_194 : memref<1x10x128xi32, #tpu.memory_space<vmem>> -> memref<10x128xi32, #tpu.memory_space<vmem>>
      %dma_start3A_196 = arith.constant 0 : i32
      %dma_start3A_197 = tpu.memref_slice %dma_start3A_195[%dma_start3A_186, %dma_start3A_196] : memref<10x128xi32, #tpu.memory_space<vmem>> -> memref<1x128xi32, #tpu.memory_space<vmem>>
      %dma_start3A_198 = tpu.memref_squeeze %dma_start3A_197 : memref<1x128xi32, #tpu.memory_space<vmem>> -> memref<128xi32, #tpu.memory_space<vmem>>
      %dma_start3A_199 = arith.constant 0 : i32
      %dma_start3A_200 = arith.constant 0 : i32
      %dma_start3A_201 = tpu.memref_slice %arg2[%dma_start3A_199, %dma_start3A_200] : memref<20000x128xf32, #tpu.memory_space<hbm>> -> memref<20000x128xf32, #tpu.memory_space<hbm>>
      tpu.enqueue_indirect_dma source(%dma_start3A_201 : memref<20000x128xf32, #tpu.memory_space<hbm>>) target(%dma_start3A_191 : memref<128x128xf32, #tpu.memory_space<vmem>>) offsets(%dma_start3A_198 : memref<128xi32, #tpu.memory_space<vmem>>) semaphore(%arg11 : memref<!tpu.dma_semaphore, #tpu.memory_space<semaphore_mem>>)
      %run_scoped3A_202 = arith.constant 1 : i32
      %run_scoped3A_203 = arith.constant 3 : i32
      "tpu.region"() ({
        %run_scoped3A_393 = tpu.sem_alloc : memref<!tpu.dma_semaphore, #tpu.memory_space<semaphore_mem>>
        %dma_start3A_394 = arith.constant 0 : i32
        %dma_start3A_395 = arith.constant 0 : i32
        %dma_start3A_396 = tpu.memref_slice %arg9[%run_scoped3A_202, %dma_start3A_394, %dma_start3A_395] : memref<2x128x128xf32, #tpu.memory_space<vmem>> -> memref<1x128x128xf32, #tpu.memory_space<vmem>>
        %dma_start3A_397 = tpu.memref_squeeze %dma_start3A_396 : memref<1x128x128xf32, #tpu.memory_space<vmem>> -> memref<128x128xf32, #tpu.memory_space<vmem>>
        %dma_start3A_398 = arith.constant 0 : i32
        %dma_start3A_399 = arith.constant 0 : i32
        %dma_start3A_400 = tpu.memref_slice %arg8[%select_n3A_65, %dma_start3A_398, %dma_start3A_399] : memref<2x10x128xi32, #tpu.memory_space<vmem>> -> memref<1x10x128xi32, #tpu.memory_space<vmem>>
        %dma_start3A_401 = tpu.memref_squeeze %dma_start3A_400 : memref<1x10x128xi32, #tpu.memory_space<vmem>> -> memref<10x128xi32, #tpu.memory_space<vmem>>
        %dma_start3A_402 = arith.constant 0 : i32
        %dma_start3A_403 = tpu.memref_slice %dma_start3A_401[%run_scoped3A_203, %dma_start3A_402] : memref<10x128xi32, #tpu.memory_space<vmem>> -> memref<1x128xi32, #tpu.memory_space<vmem>>
        %dma_start3A_404 = tpu.memref_squeeze %dma_start3A_403 : memref<1x128xi32, #tpu.memory_space<vmem>> -> memref<128xi32, #tpu.memory_space<vmem>>
        %dma_start3A_405 = arith.constant 0 : i32
        %dma_start3A_406 = arith.constant 0 : i32
        %dma_start3A_407 = tpu.memref_slice %arg10[%dma_start3A_405, %dma_start3A_406] : memref<10008x128xf32, #tpu.memory_space<vmem_shared>> -> memref<10008x128xf32, #tpu.memory_space<vmem_shared>>
        tpu.enqueue_indirect_dma source(%dma_start3A_397 : memref<128x128xf32, #tpu.memory_space<vmem>>) target(%dma_start3A_407 : memref<10008x128xf32, #tpu.memory_space<vmem_shared>>) offsets(%dma_start3A_404 : memref<128xi32, #tpu.memory_space<vmem>>) semaphore(%run_scoped3A_393 : memref<!tpu.dma_semaphore, #tpu.memory_space<semaphore_mem>>) {add = true}
        %dma_wait3A_408 = arith.constant 0 : i32
        %dma_wait3A_409 = arith.constant 0 : i32
        %dma_wait3A_410 = tpu.memref_slice %arg9[%run_scoped3A_202, %dma_wait3A_408, %dma_wait3A_409] : memref<2x128x128xf32, #tpu.memory_space<vmem>> -> memref<1x128x128xf32, #tpu.memory_space<vmem>>
        %dma_wait3A_411 = tpu.memref_squeeze %dma_wait3A_410 : memref<1x128x128xf32, #tpu.memory_space<vmem>> -> memref<128x128xf32, #tpu.memory_space<vmem>>
        %dma_wait3A_412 = arith.constant 0 : i32
        %dma_wait3A_413 = arith.constant 0 : i32
        %dma_wait3A_414 = tpu.memref_slice %arg8[%select_n3A_65, %dma_wait3A_412, %dma_wait3A_413] : memref<2x10x128xi32, #tpu.memory_space<vmem>> -> memref<1x10x128xi32, #tpu.memory_space<vmem>>
        %dma_wait3A_415 = tpu.memref_squeeze %dma_wait3A_414 : memref<1x10x128xi32, #tpu.memory_space<vmem>> -> memref<10x128xi32, #tpu.memory_space<vmem>>
        %dma_wait3A_416 = arith.constant 0 : i32
        %dma_wait3A_417 = tpu.memref_slice %dma_wait3A_415[%run_scoped3A_203, %dma_wait3A_416] : memref<10x128xi32, #tpu.memory_space<vmem>> -> memref<1x128xi32, #tpu.memory_space<vmem>>
        %dma_wait3A_418 = tpu.memref_squeeze %dma_wait3A_417 : memref<1x128xi32, #tpu.memory_space<vmem>> -> memref<128xi32, #tpu.memory_space<vmem>>
        %dma_wait3A_419 = arith.constant 0 : i32
        %dma_wait3A_420 = arith.constant 0 : i32
        %dma_wait3A_421 = tpu.memref_slice %arg10[%dma_wait3A_419, %dma_wait3A_420] : memref<10008x128xf32, #tpu.memory_space<vmem_shared>> -> memref<10008x128xf32, #tpu.memory_space<vmem_shared>>
        tpu.wait_indirect_dma semaphore(%run_scoped3A_393 : memref<!tpu.dma_semaphore, #tpu.memory_space<semaphore_mem>>) src(%dma_wait3A_411 : memref<128x128xf32, #tpu.memory_space<vmem>>) dst(%dma_wait3A_421 : memref<10008x128xf32, #tpu.memory_space<vmem_shared>>)
        tpu.yield
      }) : () -> ()
      %dma_wait3A_204 = arith.constant 0 : i32
      %dma_wait3A_205 = arith.constant 0 : i32
      %dma_wait3A_206 = arith.constant 0 : i32
      %dma_wait3A_207 = tpu.memref_slice %arg9[%dma_wait3A_204, %dma_wait3A_205, %dma_wait3A_206] : memref<2x128x128xf32, #tpu.memory_space<vmem>> -> memref<1x128x128xf32, #tpu.memory_space<vmem>>
      %dma_wait3A_208 = tpu.memref_squeeze %dma_wait3A_207 : memref<1x128x128xf32, #tpu.memory_space<vmem>> -> memref<128x128xf32, #tpu.memory_space<vmem>>
      %dma_wait3A_209 = arith.constant 0 : i32
      %dma_wait3A_210 = arith.constant 0 : i32
      %dma_wait3A_211 = tpu.memref_slice %arg2[%dma_wait3A_209, %dma_wait3A_210] : memref<20000x128xf32, #tpu.memory_space<hbm>> -> memref<128x128xf32, #tpu.memory_space<hbm>>
      %dma_wait3A_212 = arith.constant 0 : i32
      %dma_wait3A_213 = arith.constant 0 : i32
      %dma_wait3A_214 = tpu.memref_slice %arg9[%dma_wait3A_204, %dma_wait3A_212, %dma_wait3A_213] : memref<2x128x128xf32, #tpu.memory_space<vmem>> -> memref<1x128x128xf32, #tpu.memory_space<vmem>>
      %dma_wait3A_215 = tpu.memref_squeeze %dma_wait3A_214 : memref<1x128x128xf32, #tpu.memory_space<vmem>> -> memref<128x128xf32, #tpu.memory_space<vmem>>
      %dma_wait3A_216 = arith.constant 0 : i32
      %dma_wait3A_217 = arith.constant 0 : i32
      %dma_wait3A_218 = tpu.memref_slice %arg2[%dma_wait3A_216, %dma_wait3A_217] : memref<20000x128xf32, #tpu.memory_space<hbm>> -> memref<128x128xf32, #tpu.memory_space<hbm>>
      tpu.wait_dma2 semaphore(%arg11 : memref<!tpu.dma_semaphore, #tpu.memory_space<semaphore_mem>>) src(%dma_wait3A_218 : memref<128x128xf32, #tpu.memory_space<hbm>>) dst(%dma_wait3A_215 : memref<128x128xf32, #tpu.memory_space<vmem>>)
      %dma_start3A_219 = arith.constant 5 : i32
      %dma_start3A_220 = arith.constant 1 : i32
      %dma_start3A_221 = arith.constant 0 : i32
      %dma_start3A_222 = arith.constant 0 : i32
      %dma_start3A_223 = tpu.memref_slice %arg9[%dma_start3A_220, %dma_start3A_221, %dma_start3A_222] : memref<2x128x128xf32, #tpu.memory_space<vmem>> -> memref<1x128x128xf32, #tpu.memory_space<vmem>>
      %dma_start3A_224 = tpu.memref_squeeze %dma_start3A_223 : memref<1x128x128xf32, #tpu.memory_space<vmem>> -> memref<128x128xf32, #tpu.memory_space<vmem>>
      %dma_start3A_225 = arith.constant 0 : i32
      %dma_start3A_226 = arith.constant 0 : i32
      %dma_start3A_227 = tpu.memref_slice %arg7[%select_n3A_65, %dma_start3A_225, %dma_start3A_226] : memref<2x10x128xi32, #tpu.memory_space<vmem>> -> memref<1x10x128xi32, #tpu.memory_space<vmem>>
      %dma_start3A_228 = tpu.memref_squeeze %dma_start3A_227 : memref<1x10x128xi32, #tpu.memory_space<vmem>> -> memref<10x128xi32, #tpu.memory_space<vmem>>
      %dma_start3A_229 = arith.constant 0 : i32
      %dma_start3A_230 = tpu.memref_slice %dma_start3A_228[%dma_start3A_219, %dma_start3A_229] : memref<10x128xi32, #tpu.memory_space<vmem>> -> memref<1x128xi32, #tpu.memory_space<vmem>>
      %dma_start3A_231 = tpu.memref_squeeze %dma_start3A_230 : memref<1x128xi32, #tpu.memory_space<vmem>> -> memref<128xi32, #tpu.memory_space<vmem>>
      %dma_start3A_232 = arith.constant 0 : i32
      %dma_start3A_233 = arith.constant 0 : i32
      %dma_start3A_234 = tpu.memref_slice %arg2[%dma_start3A_232, %dma_start3A_233] : memref<20000x128xf32, #tpu.memory_space<hbm>> -> memref<20000x128xf32, #tpu.memory_space<hbm>>
      tpu.enqueue_indirect_dma source(%dma_start3A_234 : memref<20000x128xf32, #tpu.memory_space<hbm>>) target(%dma_start3A_224 : memref<128x128xf32, #tpu.memory_space<vmem>>) offsets(%dma_start3A_231 : memref<128xi32, #tpu.memory_space<vmem>>) semaphore(%arg11 : memref<!tpu.dma_semaphore, #tpu.memory_space<semaphore_mem>>)
      %run_scoped3A_235 = arith.constant 0 : i32
      %run_scoped3A_236 = arith.constant 4 : i32
      "tpu.region"() ({
        %run_scoped3A_393 = tpu.sem_alloc : memref<!tpu.dma_semaphore, #tpu.memory_space<semaphore_mem>>
        %dma_start3A_394 = arith.constant 0 : i32
        %dma_start3A_395 = arith.constant 0 : i32
        %dma_start3A_396 = tpu.memref_slice %arg9[%run_scoped3A_235, %dma_start3A_394, %dma_start3A_395] : memref<2x128x128xf32, #tpu.memory_space<vmem>> -> memref<1x128x128xf32, #tpu.memory_space<vmem>>
        %dma_start3A_397 = tpu.memref_squeeze %dma_start3A_396 : memref<1x128x128xf32, #tpu.memory_space<vmem>> -> memref<128x128xf32, #tpu.memory_space<vmem>>
        %dma_start3A_398 = arith.constant 0 : i32
        %dma_start3A_399 = arith.constant 0 : i32
        %dma_start3A_400 = tpu.memref_slice %arg8[%select_n3A_65, %dma_start3A_398, %dma_start3A_399] : memref<2x10x128xi32, #tpu.memory_space<vmem>> -> memref<1x10x128xi32, #tpu.memory_space<vmem>>
        %dma_start3A_401 = tpu.memref_squeeze %dma_start3A_400 : memref<1x10x128xi32, #tpu.memory_space<vmem>> -> memref<10x128xi32, #tpu.memory_space<vmem>>
        %dma_start3A_402 = arith.constant 0 : i32
        %dma_start3A_403 = tpu.memref_slice %dma_start3A_401[%run_scoped3A_236, %dma_start3A_402] : memref<10x128xi32, #tpu.memory_space<vmem>> -> memref<1x128xi32, #tpu.memory_space<vmem>>
        %dma_start3A_404 = tpu.memref_squeeze %dma_start3A_403 : memref<1x128xi32, #tpu.memory_space<vmem>> -> memref<128xi32, #tpu.memory_space<vmem>>
        %dma_start3A_405 = arith.constant 0 : i32
        %dma_start3A_406 = arith.constant 0 : i32
        %dma_start3A_407 = tpu.memref_slice %arg10[%dma_start3A_405, %dma_start3A_406] : memref<10008x128xf32, #tpu.memory_space<vmem_shared>> -> memref<10008x128xf32, #tpu.memory_space<vmem_shared>>
        tpu.enqueue_indirect_dma source(%dma_start3A_397 : memref<128x128xf32, #tpu.memory_space<vmem>>) target(%dma_start3A_407 : memref<10008x128xf32, #tpu.memory_space<vmem_shared>>) offsets(%dma_start3A_404 : memref<128xi32, #tpu.memory_space<vmem>>) semaphore(%run_scoped3A_393 : memref<!tpu.dma_semaphore, #tpu.memory_space<semaphore_mem>>) {add = true}
        %dma_wait3A_408 = arith.constant 0 : i32
        %dma_wait3A_409 = arith.constant 0 : i32
        %dma_wait3A_410 = tpu.memref_slice %arg9[%run_scoped3A_235, %dma_wait3A_408, %dma_wait3A_409] : memref<2x128x128xf32, #tpu.memory_space<vmem>> -> memref<1x128x128xf32, #tpu.memory_space<vmem>>
        %dma_wait3A_411 = tpu.memref_squeeze %dma_wait3A_410 : memref<1x128x128xf32, #tpu.memory_space<vmem>> -> memref<128x128xf32, #tpu.memory_space<vmem>>
        %dma_wait3A_412 = arith.constant 0 : i32
        %dma_wait3A_413 = arith.constant 0 : i32
        %dma_wait3A_414 = tpu.memref_slice %arg8[%select_n3A_65, %dma_wait3A_412, %dma_wait3A_413] : memref<2x10x128xi32, #tpu.memory_space<vmem>> -> memref<1x10x128xi32, #tpu.memory_space<vmem>>
        %dma_wait3A_415 = tpu.memref_squeeze %dma_wait3A_414 : memref<1x10x128xi32, #tpu.memory_space<vmem>> -> memref<10x128xi32, #tpu.memory_space<vmem>>
        %dma_wait3A_416 = arith.constant 0 : i32
        %dma_wait3A_417 = tpu.memref_slice %dma_wait3A_415[%run_scoped3A_236, %dma_wait3A_416] : memref<10x128xi32, #tpu.memory_space<vmem>> -> memref<1x128xi32, #tpu.memory_space<vmem>>
        %dma_wait3A_418 = tpu.memref_squeeze %dma_wait3A_417 : memref<1x128xi32, #tpu.memory_space<vmem>> -> memref<128xi32, #tpu.memory_space<vmem>>
        %dma_wait3A_419 = arith.constant 0 : i32
        %dma_wait3A_420 = arith.constant 0 : i32
        %dma_wait3A_421 = tpu.memref_slice %arg10[%dma_wait3A_419, %dma_wait3A_420] : memref<10008x128xf32, #tpu.memory_space<vmem_shared>> -> memref<10008x128xf32, #tpu.memory_space<vmem_shared>>
        tpu.wait_indirect_dma semaphore(%run_scoped3A_393 : memref<!tpu.dma_semaphore, #tpu.memory_space<semaphore_mem>>) src(%dma_wait3A_411 : memref<128x128xf32, #tpu.memory_space<vmem>>) dst(%dma_wait3A_421 : memref<10008x128xf32, #tpu.memory_space<vmem_shared>>)
        tpu.yield
      }) : () -> ()
      %dma_wait3A_237 = arith.constant 1 : i32
      %dma_wait3A_238 = arith.constant 0 : i32
      %dma_wait3A_239 = arith.constant 0 : i32
      %dma_wait3A_240 = tpu.memref_slice %arg9[%dma_wait3A_237, %dma_wait3A_238, %dma_wait3A_239] : memref<2x128x128xf32, #tpu.memory_space<vmem>> -> memref<1x128x128xf32, #tpu.memory_space<vmem>>
      %dma_wait3A_241 = tpu.memref_squeeze %dma_wait3A_240 : memref<1x128x128xf32, #tpu.memory_space<vmem>> -> memref<128x128xf32, #tpu.memory_space<vmem>>
      %dma_wait3A_242 = arith.constant 0 : i32
      %dma_wait3A_243 = arith.constant 0 : i32
      %dma_wait3A_244 = tpu.memref_slice %arg2[%dma_wait3A_242, %dma_wait3A_243] : memref<20000x128xf32, #tpu.memory_space<hbm>> -> memref<128x128xf32, #tpu.memory_space<hbm>>
      %dma_wait3A_245 = arith.constant 0 : i32
      %dma_wait3A_246 = arith.constant 0 : i32
      %dma_wait3A_247 = tpu.memref_slice %arg9[%dma_wait3A_237, %dma_wait3A_245, %dma_wait3A_246] : memref<2x128x128xf32, #tpu.memory_space<vmem>> -> memref<1x128x128xf32, #tpu.memory_space<vmem>>
      %dma_wait3A_248 = tpu.memref_squeeze %dma_wait3A_247 : memref<1x128x128xf32, #tpu.memory_space<vmem>> -> memref<128x128xf32, #tpu.memory_space<vmem>>
      %dma_wait3A_249 = arith.constant 0 : i32
      %dma_wait3A_250 = arith.constant 0 : i32
      %dma_wait3A_251 = tpu.memref_slice %arg2[%dma_wait3A_249, %dma_wait3A_250] : memref<20000x128xf32, #tpu.memory_space<hbm>> -> memref<128x128xf32, #tpu.memory_space<hbm>>
      tpu.wait_dma2 semaphore(%arg11 : memref<!tpu.dma_semaphore, #tpu.memory_space<semaphore_mem>>) src(%dma_wait3A_251 : memref<128x128xf32, #tpu.memory_space<hbm>>) dst(%dma_wait3A_248 : memref<128x128xf32, #tpu.memory_space<vmem>>)
      %dma_start3A_252 = arith.constant 6 : i32
      %dma_start3A_253 = arith.constant 0 : i32
      %dma_start3A_254 = arith.constant 0 : i32
      %dma_start3A_255 = arith.constant 0 : i32
      %dma_start3A_256 = tpu.memref_slice %arg9[%dma_start3A_253, %dma_start3A_254, %dma_start3A_255] : memref<2x128x128xf32, #tpu.memory_space<vmem>> -> memref<1x128x128xf32, #tpu.memory_space<vmem>>
      %dma_start3A_257 = tpu.memref_squeeze %dma_start3A_256 : memref<1x128x128xf32, #tpu.memory_space<vmem>> -> memref<128x128xf32, #tpu.memory_space<vmem>>
      %dma_start3A_258 = arith.constant 0 : i32
      %dma_start3A_259 = arith.constant 0 : i32
      %dma_start3A_260 = tpu.memref_slice %arg7[%select_n3A_65, %dma_start3A_258, %dma_start3A_259] : memref<2x10x128xi32, #tpu.memory_space<vmem>> -> memref<1x10x128xi32, #tpu.memory_space<vmem>>
      %dma_start3A_261 = tpu.memref_squeeze %dma_start3A_260 : memref<1x10x128xi32, #tpu.memory_space<vmem>> -> memref<10x128xi32, #tpu.memory_space<vmem>>
      %dma_start3A_262 = arith.constant 0 : i32
      %dma_start3A_263 = tpu.memref_slice %dma_start3A_261[%dma_start3A_252, %dma_start3A_262] : memref<10x128xi32, #tpu.memory_space<vmem>> -> memref<1x128xi32, #tpu.memory_space<vmem>>
      %dma_start3A_264 = tpu.memref_squeeze %dma_start3A_263 : memref<1x128xi32, #tpu.memory_space<vmem>> -> memref<128xi32, #tpu.memory_space<vmem>>
      %dma_start3A_265 = arith.constant 0 : i32
      %dma_start3A_266 = arith.constant 0 : i32
      %dma_start3A_267 = tpu.memref_slice %arg2[%dma_start3A_265, %dma_start3A_266] : memref<20000x128xf32, #tpu.memory_space<hbm>> -> memref<20000x128xf32, #tpu.memory_space<hbm>>
      tpu.enqueue_indirect_dma source(%dma_start3A_267 : memref<20000x128xf32, #tpu.memory_space<hbm>>) target(%dma_start3A_257 : memref<128x128xf32, #tpu.memory_space<vmem>>) offsets(%dma_start3A_264 : memref<128xi32, #tpu.memory_space<vmem>>) semaphore(%arg11 : memref<!tpu.dma_semaphore, #tpu.memory_space<semaphore_mem>>)
      %run_scoped3A_268 = arith.constant 1 : i32
      %run_scoped3A_269 = arith.constant 5 : i32
      "tpu.region"() ({
        %run_scoped3A_393 = tpu.sem_alloc : memref<!tpu.dma_semaphore, #tpu.memory_space<semaphore_mem>>
        %dma_start3A_394 = arith.constant 0 : i32
        %dma_start3A_395 = arith.constant 0 : i32
        %dma_start3A_396 = tpu.memref_slice %arg9[%run_scoped3A_268, %dma_start3A_394, %dma_start3A_395] : memref<2x128x128xf32, #tpu.memory_space<vmem>> -> memref<1x128x128xf32, #tpu.memory_space<vmem>>
        %dma_start3A_397 = tpu.memref_squeeze %dma_start3A_396 : memref<1x128x128xf32, #tpu.memory_space<vmem>> -> memref<128x128xf32, #tpu.memory_space<vmem>>
        %dma_start3A_398 = arith.constant 0 : i32
        %dma_start3A_399 = arith.constant 0 : i32
        %dma_start3A_400 = tpu.memref_slice %arg8[%select_n3A_65, %dma_start3A_398, %dma_start3A_399] : memref<2x10x128xi32, #tpu.memory_space<vmem>> -> memref<1x10x128xi32, #tpu.memory_space<vmem>>
        %dma_start3A_401 = tpu.memref_squeeze %dma_start3A_400 : memref<1x10x128xi32, #tpu.memory_space<vmem>> -> memref<10x128xi32, #tpu.memory_space<vmem>>
        %dma_start3A_402 = arith.constant 0 : i32
        %dma_start3A_403 = tpu.memref_slice %dma_start3A_401[%run_scoped3A_269, %dma_start3A_402] : memref<10x128xi32, #tpu.memory_space<vmem>> -> memref<1x128xi32, #tpu.memory_space<vmem>>
        %dma_start3A_404 = tpu.memref_squeeze %dma_start3A_403 : memref<1x128xi32, #tpu.memory_space<vmem>> -> memref<128xi32, #tpu.memory_space<vmem>>
        %dma_start3A_405 = arith.constant 0 : i32
        %dma_start3A_406 = arith.constant 0 : i32
        %dma_start3A_407 = tpu.memref_slice %arg10[%dma_start3A_405, %dma_start3A_406] : memref<10008x128xf32, #tpu.memory_space<vmem_shared>> -> memref<10008x128xf32, #tpu.memory_space<vmem_shared>>
        tpu.enqueue_indirect_dma source(%dma_start3A_397 : memref<128x128xf32, #tpu.memory_space<vmem>>) target(%dma_start3A_407 : memref<10008x128xf32, #tpu.memory_space<vmem_shared>>) offsets(%dma_start3A_404 : memref<128xi32, #tpu.memory_space<vmem>>) semaphore(%run_scoped3A_393 : memref<!tpu.dma_semaphore, #tpu.memory_space<semaphore_mem>>) {add = true}
        %dma_wait3A_408 = arith.constant 0 : i32
        %dma_wait3A_409 = arith.constant 0 : i32
        %dma_wait3A_410 = tpu.memref_slice %arg9[%run_scoped3A_268, %dma_wait3A_408, %dma_wait3A_409] : memref<2x128x128xf32, #tpu.memory_space<vmem>> -> memref<1x128x128xf32, #tpu.memory_space<vmem>>
        %dma_wait3A_411 = tpu.memref_squeeze %dma_wait3A_410 : memref<1x128x128xf32, #tpu.memory_space<vmem>> -> memref<128x128xf32, #tpu.memory_space<vmem>>
        %dma_wait3A_412 = arith.constant 0 : i32
        %dma_wait3A_413 = arith.constant 0 : i32
        %dma_wait3A_414 = tpu.memref_slice %arg8[%select_n3A_65, %dma_wait3A_412, %dma_wait3A_413] : memref<2x10x128xi32, #tpu.memory_space<vmem>> -> memref<1x10x128xi32, #tpu.memory_space<vmem>>
        %dma_wait3A_415 = tpu.memref_squeeze %dma_wait3A_414 : memref<1x10x128xi32, #tpu.memory_space<vmem>> -> memref<10x128xi32, #tpu.memory_space<vmem>>
        %dma_wait3A_416 = arith.constant 0 : i32
        %dma_wait3A_417 = tpu.memref_slice %dma_wait3A_415[%run_scoped3A_269, %dma_wait3A_416] : memref<10x128xi32, #tpu.memory_space<vmem>> -> memref<1x128xi32, #tpu.memory_space<vmem>>
        %dma_wait3A_418 = tpu.memref_squeeze %dma_wait3A_417 : memref<1x128xi32, #tpu.memory_space<vmem>> -> memref<128xi32, #tpu.memory_space<vmem>>
        %dma_wait3A_419 = arith.constant 0 : i32
        %dma_wait3A_420 = arith.constant 0 : i32
        %dma_wait3A_421 = tpu.memref_slice %arg10[%dma_wait3A_419, %dma_wait3A_420] : memref<10008x128xf32, #tpu.memory_space<vmem_shared>> -> memref<10008x128xf32, #tpu.memory_space<vmem_shared>>
        tpu.wait_indirect_dma semaphore(%run_scoped3A_393 : memref<!tpu.dma_semaphore, #tpu.memory_space<semaphore_mem>>) src(%dma_wait3A_411 : memref<128x128xf32, #tpu.memory_space<vmem>>) dst(%dma_wait3A_421 : memref<10008x128xf32, #tpu.memory_space<vmem_shared>>)
        tpu.yield
      }) : () -> ()
      %dma_wait3A_270 = arith.constant 0 : i32
      %dma_wait3A_271 = arith.constant 0 : i32
      %dma_wait3A_272 = arith.constant 0 : i32
      %dma_wait3A_273 = tpu.memref_slice %arg9[%dma_wait3A_270, %dma_wait3A_271, %dma_wait3A_272] : memref<2x128x128xf32, #tpu.memory_space<vmem>> -> memref<1x128x128xf32, #tpu.memory_space<vmem>>
      %dma_wait3A_274 = tpu.memref_squeeze %dma_wait3A_273 : memref<1x128x128xf32, #tpu.memory_space<vmem>> -> memref<128x128xf32, #tpu.memory_space<vmem>>
      %dma_wait3A_275 = arith.constant 0 : i32
      %dma_wait3A_276 = arith.constant 0 : i32
      %dma_wait3A_277 = tpu.memref_slice %arg2[%dma_wait3A_275, %dma_wait3A_276] : memref<20000x128xf32, #tpu.memory_space<hbm>> -> memref<128x128xf32, #tpu.memory_space<hbm>>
      %dma_wait3A_278 = arith.constant 0 : i32
      %dma_wait3A_279 = arith.constant 0 : i32
      %dma_wait3A_280 = tpu.memref_slice %arg9[%dma_wait3A_270, %dma_wait3A_278, %dma_wait3A_279] : memref<2x128x128xf32, #tpu.memory_space<vmem>> -> memref<1x128x128xf32, #tpu.memory_space<vmem>>
      %dma_wait3A_281 = tpu.memref_squeeze %dma_wait3A_280 : memref<1x128x128xf32, #tpu.memory_space<vmem>> -> memref<128x128xf32, #tpu.memory_space<vmem>>
      %dma_wait3A_282 = arith.constant 0 : i32
      %dma_wait3A_283 = arith.constant 0 : i32
      %dma_wait3A_284 = tpu.memref_slice %arg2[%dma_wait3A_282, %dma_wait3A_283] : memref<20000x128xf32, #tpu.memory_space<hbm>> -> memref<128x128xf32, #tpu.memory_space<hbm>>
      tpu.wait_dma2 semaphore(%arg11 : memref<!tpu.dma_semaphore, #tpu.memory_space<semaphore_mem>>) src(%dma_wait3A_284 : memref<128x128xf32, #tpu.memory_space<hbm>>) dst(%dma_wait3A_281 : memref<128x128xf32, #tpu.memory_space<vmem>>)
      %dma_start3A_285 = arith.constant 7 : i32
      %dma_start3A_286 = arith.constant 1 : i32
      %dma_start3A_287 = arith.constant 0 : i32
      %dma_start3A_288 = arith.constant 0 : i32
      %dma_start3A_289 = tpu.memref_slice %arg9[%dma_start3A_286, %dma_start3A_287, %dma_start3A_288] : memref<2x128x128xf32, #tpu.memory_space<vmem>> -> memref<1x128x128xf32, #tpu.memory_space<vmem>>
      %dma_start3A_290 = tpu.memref_squeeze %dma_start3A_289 : memref<1x128x128xf32, #tpu.memory_space<vmem>> -> memref<128x128xf32, #tpu.memory_space<vmem>>
      %dma_start3A_291 = arith.constant 0 : i32
      %dma_start3A_292 = arith.constant 0 : i32
      %dma_start3A_293 = tpu.memref_slice %arg7[%select_n3A_65, %dma_start3A_291, %dma_start3A_292] : memref<2x10x128xi32, #tpu.memory_space<vmem>> -> memref<1x10x128xi32, #tpu.memory_space<vmem>>
      %dma_start3A_294 = tpu.memref_squeeze %dma_start3A_293 : memref<1x10x128xi32, #tpu.memory_space<vmem>> -> memref<10x128xi32, #tpu.memory_space<vmem>>
      %dma_start3A_295 = arith.constant 0 : i32
      %dma_start3A_296 = tpu.memref_slice %dma_start3A_294[%dma_start3A_285, %dma_start3A_295] : memref<10x128xi32, #tpu.memory_space<vmem>> -> memref<1x128xi32, #tpu.memory_space<vmem>>
      %dma_start3A_297 = tpu.memref_squeeze %dma_start3A_296 : memref<1x128xi32, #tpu.memory_space<vmem>> -> memref<128xi32, #tpu.memory_space<vmem>>
      %dma_start3A_298 = arith.constant 0 : i32
      %dma_start3A_299 = arith.constant 0 : i32
      %dma_start3A_300 = tpu.memref_slice %arg2[%dma_start3A_298, %dma_start3A_299] : memref<20000x128xf32, #tpu.memory_space<hbm>> -> memref<20000x128xf32, #tpu.memory_space<hbm>>
      tpu.enqueue_indirect_dma source(%dma_start3A_300 : memref<20000x128xf32, #tpu.memory_space<hbm>>) target(%dma_start3A_290 : memref<128x128xf32, #tpu.memory_space<vmem>>) offsets(%dma_start3A_297 : memref<128xi32, #tpu.memory_space<vmem>>) semaphore(%arg11 : memref<!tpu.dma_semaphore, #tpu.memory_space<semaphore_mem>>)
      %run_scoped3A_301 = arith.constant 0 : i32
      %run_scoped3A_302 = arith.constant 6 : i32
      "tpu.region"() ({
        %run_scoped3A_393 = tpu.sem_alloc : memref<!tpu.dma_semaphore, #tpu.memory_space<semaphore_mem>>
        %dma_start3A_394 = arith.constant 0 : i32
        %dma_start3A_395 = arith.constant 0 : i32
        %dma_start3A_396 = tpu.memref_slice %arg9[%run_scoped3A_301, %dma_start3A_394, %dma_start3A_395] : memref<2x128x128xf32, #tpu.memory_space<vmem>> -> memref<1x128x128xf32, #tpu.memory_space<vmem>>
        %dma_start3A_397 = tpu.memref_squeeze %dma_start3A_396 : memref<1x128x128xf32, #tpu.memory_space<vmem>> -> memref<128x128xf32, #tpu.memory_space<vmem>>
        %dma_start3A_398 = arith.constant 0 : i32
        %dma_start3A_399 = arith.constant 0 : i32
        %dma_start3A_400 = tpu.memref_slice %arg8[%select_n3A_65, %dma_start3A_398, %dma_start3A_399] : memref<2x10x128xi32, #tpu.memory_space<vmem>> -> memref<1x10x128xi32, #tpu.memory_space<vmem>>
        %dma_start3A_401 = tpu.memref_squeeze %dma_start3A_400 : memref<1x10x128xi32, #tpu.memory_space<vmem>> -> memref<10x128xi32, #tpu.memory_space<vmem>>
        %dma_start3A_402 = arith.constant 0 : i32
        %dma_start3A_403 = tpu.memref_slice %dma_start3A_401[%run_scoped3A_302, %dma_start3A_402] : memref<10x128xi32, #tpu.memory_space<vmem>> -> memref<1x128xi32, #tpu.memory_space<vmem>>
        %dma_start3A_404 = tpu.memref_squeeze %dma_start3A_403 : memref<1x128xi32, #tpu.memory_space<vmem>> -> memref<128xi32, #tpu.memory_space<vmem>>
        %dma_start3A_405 = arith.constant 0 : i32
        %dma_start3A_406 = arith.constant 0 : i32
        %dma_start3A_407 = tpu.memref_slice %arg10[%dma_start3A_405, %dma_start3A_406] : memref<10008x128xf32, #tpu.memory_space<vmem_shared>> -> memref<10008x128xf32, #tpu.memory_space<vmem_shared>>
        tpu.enqueue_indirect_dma source(%dma_start3A_397 : memref<128x128xf32, #tpu.memory_space<vmem>>) target(%dma_start3A_407 : memref<10008x128xf32, #tpu.memory_space<vmem_shared>>) offsets(%dma_start3A_404 : memref<128xi32, #tpu.memory_space<vmem>>) semaphore(%run_scoped3A_393 : memref<!tpu.dma_semaphore, #tpu.memory_space<semaphore_mem>>) {add = true}
        %dma_wait3A_408 = arith.constant 0 : i32
        %dma_wait3A_409 = arith.constant 0 : i32
        %dma_wait3A_410 = tpu.memref_slice %arg9[%run_scoped3A_301, %dma_wait3A_408, %dma_wait3A_409] : memref<2x128x128xf32, #tpu.memory_space<vmem>> -> memref<1x128x128xf32, #tpu.memory_space<vmem>>
        %dma_wait3A_411 = tpu.memref_squeeze %dma_wait3A_410 : memref<1x128x128xf32, #tpu.memory_space<vmem>> -> memref<128x128xf32, #tpu.memory_space<vmem>>
        %dma_wait3A_412 = arith.constant 0 : i32
        %dma_wait3A_413 = arith.constant 0 : i32
        %dma_wait3A_414 = tpu.memref_slice %arg8[%select_n3A_65, %dma_wait3A_412, %dma_wait3A_413] : memref<2x10x128xi32, #tpu.memory_space<vmem>> -> memref<1x10x128xi32, #tpu.memory_space<vmem>>
        %dma_wait3A_415 = tpu.memref_squeeze %dma_wait3A_414 : memref<1x10x128xi32, #tpu.memory_space<vmem>> -> memref<10x128xi32, #tpu.memory_space<vmem>>
        %dma_wait3A_416 = arith.constant 0 : i32
        %dma_wait3A_417 = tpu.memref_slice %dma_wait3A_415[%run_scoped3A_302, %dma_wait3A_416] : memref<10x128xi32, #tpu.memory_space<vmem>> -> memref<1x128xi32, #tpu.memory_space<vmem>>
        %dma_wait3A_418 = tpu.memref_squeeze %dma_wait3A_417 : memref<1x128xi32, #tpu.memory_space<vmem>> -> memref<128xi32, #tpu.memory_space<vmem>>
        %dma_wait3A_419 = arith.constant 0 : i32
        %dma_wait3A_420 = arith.constant 0 : i32
        %dma_wait3A_421 = tpu.memref_slice %arg10[%dma_wait3A_419, %dma_wait3A_420] : memref<10008x128xf32, #tpu.memory_space<vmem_shared>> -> memref<10008x128xf32, #tpu.memory_space<vmem_shared>>
        tpu.wait_indirect_dma semaphore(%run_scoped3A_393 : memref<!tpu.dma_semaphore, #tpu.memory_space<semaphore_mem>>) src(%dma_wait3A_411 : memref<128x128xf32, #tpu.memory_space<vmem>>) dst(%dma_wait3A_421 : memref<10008x128xf32, #tpu.memory_space<vmem_shared>>)
        tpu.yield
      }) : () -> ()
      %dma_wait3A_303 = arith.constant 1 : i32
      %dma_wait3A_304 = arith.constant 0 : i32
      %dma_wait3A_305 = arith.constant 0 : i32
      %dma_wait3A_306 = tpu.memref_slice %arg9[%dma_wait3A_303, %dma_wait3A_304, %dma_wait3A_305] : memref<2x128x128xf32, #tpu.memory_space<vmem>> -> memref<1x128x128xf32, #tpu.memory_space<vmem>>
      %dma_wait3A_307 = tpu.memref_squeeze %dma_wait3A_306 : memref<1x128x128xf32, #tpu.memory_space<vmem>> -> memref<128x128xf32, #tpu.memory_space<vmem>>
      %dma_wait3A_308 = arith.constant 0 : i32
      %dma_wait3A_309 = arith.constant 0 : i32
      %dma_wait3A_310 = tpu.memref_slice %arg2[%dma_wait3A_308, %dma_wait3A_309] : memref<20000x128xf32, #tpu.memory_space<hbm>> -> memref<128x128xf32, #tpu.memory_space<hbm>>
      %dma_wait3A_311 = arith.constant 0 : i32
      %dma_wait3A_312 = arith.constant 0 : i32
      %dma_wait3A_313 = tpu.memref_slice %arg9[%dma_wait3A_303, %dma_wait3A_311, %dma_wait3A_312] : memref<2x128x128xf32, #tpu.memory_space<vmem>> -> memref<1x128x128xf32, #tpu.memory_space<vmem>>
      %dma_wait3A_314 = tpu.memref_squeeze %dma_wait3A_313 : memref<1x128x128xf32, #tpu.memory_space<vmem>> -> memref<128x128xf32, #tpu.memory_space<vmem>>
      %dma_wait3A_315 = arith.constant 0 : i32
      %dma_wait3A_316 = arith.constant 0 : i32
      %dma_wait3A_317 = tpu.memref_slice %arg2[%dma_wait3A_315, %dma_wait3A_316] : memref<20000x128xf32, #tpu.memory_space<hbm>> -> memref<128x128xf32, #tpu.memory_space<hbm>>
      tpu.wait_dma2 semaphore(%arg11 : memref<!tpu.dma_semaphore, #tpu.memory_space<semaphore_mem>>) src(%dma_wait3A_317 : memref<128x128xf32, #tpu.memory_space<hbm>>) dst(%dma_wait3A_314 : memref<128x128xf32, #tpu.memory_space<vmem>>)
      %dma_start3A_318 = arith.constant 8 : i32
      %dma_start3A_319 = arith.constant 0 : i32
      %dma_start3A_320 = arith.constant 0 : i32
      %dma_start3A_321 = arith.constant 0 : i32
      %dma_start3A_322 = tpu.memref_slice %arg9[%dma_start3A_319, %dma_start3A_320, %dma_start3A_321] : memref<2x128x128xf32, #tpu.memory_space<vmem>> -> memref<1x128x128xf32, #tpu.memory_space<vmem>>
      %dma_start3A_323 = tpu.memref_squeeze %dma_start3A_322 : memref<1x128x128xf32, #tpu.memory_space<vmem>> -> memref<128x128xf32, #tpu.memory_space<vmem>>
      %dma_start3A_324 = arith.constant 0 : i32
      %dma_start3A_325 = arith.constant 0 : i32
      %dma_start3A_326 = tpu.memref_slice %arg7[%select_n3A_65, %dma_start3A_324, %dma_start3A_325] : memref<2x10x128xi32, #tpu.memory_space<vmem>> -> memref<1x10x128xi32, #tpu.memory_space<vmem>>
      %dma_start3A_327 = tpu.memref_squeeze %dma_start3A_326 : memref<1x10x128xi32, #tpu.memory_space<vmem>> -> memref<10x128xi32, #tpu.memory_space<vmem>>
      %dma_start3A_328 = arith.constant 0 : i32
      %dma_start3A_329 = tpu.memref_slice %dma_start3A_327[%dma_start3A_318, %dma_start3A_328] : memref<10x128xi32, #tpu.memory_space<vmem>> -> memref<1x128xi32, #tpu.memory_space<vmem>>
      %dma_start3A_330 = tpu.memref_squeeze %dma_start3A_329 : memref<1x128xi32, #tpu.memory_space<vmem>> -> memref<128xi32, #tpu.memory_space<vmem>>
      %dma_start3A_331 = arith.constant 0 : i32
      %dma_start3A_332 = arith.constant 0 : i32
      %dma_start3A_333 = tpu.memref_slice %arg2[%dma_start3A_331, %dma_start3A_332] : memref<20000x128xf32, #tpu.memory_space<hbm>> -> memref<20000x128xf32, #tpu.memory_space<hbm>>
      tpu.enqueue_indirect_dma source(%dma_start3A_333 : memref<20000x128xf32, #tpu.memory_space<hbm>>) target(%dma_start3A_323 : memref<128x128xf32, #tpu.memory_space<vmem>>) offsets(%dma_start3A_330 : memref<128xi32, #tpu.memory_space<vmem>>) semaphore(%arg11 : memref<!tpu.dma_semaphore, #tpu.memory_space<semaphore_mem>>)
      %run_scoped3A_334 = arith.constant 1 : i32
      %run_scoped3A_335 = arith.constant 7 : i32
      "tpu.region"() ({
        %run_scoped3A_393 = tpu.sem_alloc : memref<!tpu.dma_semaphore, #tpu.memory_space<semaphore_mem>>
        %dma_start3A_394 = arith.constant 0 : i32
        %dma_start3A_395 = arith.constant 0 : i32
        %dma_start3A_396 = tpu.memref_slice %arg9[%run_scoped3A_334, %dma_start3A_394, %dma_start3A_395] : memref<2x128x128xf32, #tpu.memory_space<vmem>> -> memref<1x128x128xf32, #tpu.memory_space<vmem>>
        %dma_start3A_397 = tpu.memref_squeeze %dma_start3A_396 : memref<1x128x128xf32, #tpu.memory_space<vmem>> -> memref<128x128xf32, #tpu.memory_space<vmem>>
        %dma_start3A_398 = arith.constant 0 : i32
        %dma_start3A_399 = arith.constant 0 : i32
        %dma_start3A_400 = tpu.memref_slice %arg8[%select_n3A_65, %dma_start3A_398, %dma_start3A_399] : memref<2x10x128xi32, #tpu.memory_space<vmem>> -> memref<1x10x128xi32, #tpu.memory_space<vmem>>
        %dma_start3A_401 = tpu.memref_squeeze %dma_start3A_400 : memref<1x10x128xi32, #tpu.memory_space<vmem>> -> memref<10x128xi32, #tpu.memory_space<vmem>>
        %dma_start3A_402 = arith.constant 0 : i32
        %dma_start3A_403 = tpu.memref_slice %dma_start3A_401[%run_scoped3A_335, %dma_start3A_402] : memref<10x128xi32, #tpu.memory_space<vmem>> -> memref<1x128xi32, #tpu.memory_space<vmem>>
        %dma_start3A_404 = tpu.memref_squeeze %dma_start3A_403 : memref<1x128xi32, #tpu.memory_space<vmem>> -> memref<128xi32, #tpu.memory_space<vmem>>
        %dma_start3A_405 = arith.constant 0 : i32
        %dma_start3A_406 = arith.constant 0 : i32
        %dma_start3A_407 = tpu.memref_slice %arg10[%dma_start3A_405, %dma_start3A_406] : memref<10008x128xf32, #tpu.memory_space<vmem_shared>> -> memref<10008x128xf32, #tpu.memory_space<vmem_shared>>
        tpu.enqueue_indirect_dma source(%dma_start3A_397 : memref<128x128xf32, #tpu.memory_space<vmem>>) target(%dma_start3A_407 : memref<10008x128xf32, #tpu.memory_space<vmem_shared>>) offsets(%dma_start3A_404 : memref<128xi32, #tpu.memory_space<vmem>>) semaphore(%run_scoped3A_393 : memref<!tpu.dma_semaphore, #tpu.memory_space<semaphore_mem>>) {add = true}
        %dma_wait3A_408 = arith.constant 0 : i32
        %dma_wait3A_409 = arith.constant 0 : i32
        %dma_wait3A_410 = tpu.memref_slice %arg9[%run_scoped3A_334, %dma_wait3A_408, %dma_wait3A_409] : memref<2x128x128xf32, #tpu.memory_space<vmem>> -> memref<1x128x128xf32, #tpu.memory_space<vmem>>
        %dma_wait3A_411 = tpu.memref_squeeze %dma_wait3A_410 : memref<1x128x128xf32, #tpu.memory_space<vmem>> -> memref<128x128xf32, #tpu.memory_space<vmem>>
        %dma_wait3A_412 = arith.constant 0 : i32
        %dma_wait3A_413 = arith.constant 0 : i32
        %dma_wait3A_414 = tpu.memref_slice %arg8[%select_n3A_65, %dma_wait3A_412, %dma_wait3A_413] : memref<2x10x128xi32, #tpu.memory_space<vmem>> -> memref<1x10x128xi32, #tpu.memory_space<vmem>>
        %dma_wait3A_415 = tpu.memref_squeeze %dma_wait3A_414 : memref<1x10x128xi32, #tpu.memory_space<vmem>> -> memref<10x128xi32, #tpu.memory_space<vmem>>
        %dma_wait3A_416 = arith.constant 0 : i32
        %dma_wait3A_417 = tpu.memref_slice %dma_wait3A_415[%run_scoped3A_335, %dma_wait3A_416] : memref<10x128xi32, #tpu.memory_space<vmem>> -> memref<1x128xi32, #tpu.memory_space<vmem>>
        %dma_wait3A_418 = tpu.memref_squeeze %dma_wait3A_417 : memref<1x128xi32, #tpu.memory_space<vmem>> -> memref<128xi32, #tpu.memory_space<vmem>>
        %dma_wait3A_419 = arith.constant 0 : i32
        %dma_wait3A_420 = arith.constant 0 : i32
        %dma_wait3A_421 = tpu.memref_slice %arg10[%dma_wait3A_419, %dma_wait3A_420] : memref<10008x128xf32, #tpu.memory_space<vmem_shared>> -> memref<10008x128xf32, #tpu.memory_space<vmem_shared>>
        tpu.wait_indirect_dma semaphore(%run_scoped3A_393 : memref<!tpu.dma_semaphore, #tpu.memory_space<semaphore_mem>>) src(%dma_wait3A_411 : memref<128x128xf32, #tpu.memory_space<vmem>>) dst(%dma_wait3A_421 : memref<10008x128xf32, #tpu.memory_space<vmem_shared>>)
        tpu.yield
      }) : () -> ()
      %dma_wait3A_336 = arith.constant 0 : i32
      %dma_wait3A_337 = arith.constant 0 : i32
      %dma_wait3A_338 = arith.constant 0 : i32
      %dma_wait3A_339 = tpu.memref_slice %arg9[%dma_wait3A_336, %dma_wait3A_337, %dma_wait3A_338] : memref<2x128x128xf32, #tpu.memory_space<vmem>> -> memref<1x128x128xf32, #tpu.memory_space<vmem>>
      %dma_wait3A_340 = tpu.memref_squeeze %dma_wait3A_339 : memref<1x128x128xf32, #tpu.memory_space<vmem>> -> memref<128x128xf32, #tpu.memory_space<vmem>>
      %dma_wait3A_341 = arith.constant 0 : i32
      %dma_wait3A_342 = arith.constant 0 : i32
      %dma_wait3A_343 = tpu.memref_slice %arg2[%dma_wait3A_341, %dma_wait3A_342] : memref<20000x128xf32, #tpu.memory_space<hbm>> -> memref<128x128xf32, #tpu.memory_space<hbm>>
      %dma_wait3A_344 = arith.constant 0 : i32
      %dma_wait3A_345 = arith.constant 0 : i32
      %dma_wait3A_346 = tpu.memref_slice %arg9[%dma_wait3A_336, %dma_wait3A_344, %dma_wait3A_345] : memref<2x128x128xf32, #tpu.memory_space<vmem>> -> memref<1x128x128xf32, #tpu.memory_space<vmem>>
      %dma_wait3A_347 = tpu.memref_squeeze %dma_wait3A_346 : memref<1x128x128xf32, #tpu.memory_space<vmem>> -> memref<128x128xf32, #tpu.memory_space<vmem>>
      %dma_wait3A_348 = arith.constant 0 : i32
      %dma_wait3A_349 = arith.constant 0 : i32
      %dma_wait3A_350 = tpu.memref_slice %arg2[%dma_wait3A_348, %dma_wait3A_349] : memref<20000x128xf32, #tpu.memory_space<hbm>> -> memref<128x128xf32, #tpu.memory_space<hbm>>
      tpu.wait_dma2 semaphore(%arg11 : memref<!tpu.dma_semaphore, #tpu.memory_space<semaphore_mem>>) src(%dma_wait3A_350 : memref<128x128xf32, #tpu.memory_space<hbm>>) dst(%dma_wait3A_347 : memref<128x128xf32, #tpu.memory_space<vmem>>)
      %dma_start3A_351 = arith.constant 9 : i32
      %dma_start3A_352 = arith.constant 1 : i32
      %dma_start3A_353 = arith.constant 0 : i32
      %dma_start3A_354 = arith.constant 0 : i32
      %dma_start3A_355 = tpu.memref_slice %arg9[%dma_start3A_352, %dma_start3A_353, %dma_start3A_354] : memref<2x128x128xf32, #tpu.memory_space<vmem>> -> memref<1x128x128xf32, #tpu.memory_space<vmem>>
      %dma_start3A_356 = tpu.memref_squeeze %dma_start3A_355 : memref<1x128x128xf32, #tpu.memory_space<vmem>> -> memref<128x128xf32, #tpu.memory_space<vmem>>
      %dma_start3A_357 = arith.constant 0 : i32
      %dma_start3A_358 = arith.constant 0 : i32
      %dma_start3A_359 = tpu.memref_slice %arg7[%select_n3A_65, %dma_start3A_357, %dma_start3A_358] : memref<2x10x128xi32, #tpu.memory_space<vmem>> -> memref<1x10x128xi32, #tpu.memory_space<vmem>>
      %dma_start3A_360 = tpu.memref_squeeze %dma_start3A_359 : memref<1x10x128xi32, #tpu.memory_space<vmem>> -> memref<10x128xi32, #tpu.memory_space<vmem>>
      %dma_start3A_361 = arith.constant 0 : i32
      %dma_start3A_362 = tpu.memref_slice %dma_start3A_360[%dma_start3A_351, %dma_start3A_361] : memref<10x128xi32, #tpu.memory_space<vmem>> -> memref<1x128xi32, #tpu.memory_space<vmem>>
      %dma_start3A_363 = tpu.memref_squeeze %dma_start3A_362 : memref<1x128xi32, #tpu.memory_space<vmem>> -> memref<128xi32, #tpu.memory_space<vmem>>
      %dma_start3A_364 = arith.constant 0 : i32
      %dma_start3A_365 = arith.constant 0 : i32
      %dma_start3A_366 = tpu.memref_slice %arg2[%dma_start3A_364, %dma_start3A_365] : memref<20000x128xf32, #tpu.memory_space<hbm>> -> memref<20000x128xf32, #tpu.memory_space<hbm>>
      tpu.enqueue_indirect_dma source(%dma_start3A_366 : memref<20000x128xf32, #tpu.memory_space<hbm>>) target(%dma_start3A_356 : memref<128x128xf32, #tpu.memory_space<vmem>>) offsets(%dma_start3A_363 : memref<128xi32, #tpu.memory_space<vmem>>) semaphore(%arg11 : memref<!tpu.dma_semaphore, #tpu.memory_space<semaphore_mem>>)
      %run_scoped3A_367 = arith.constant 0 : i32
      %run_scoped3A_368 = arith.constant 8 : i32
      "tpu.region"() ({
        %run_scoped3A_393 = tpu.sem_alloc : memref<!tpu.dma_semaphore, #tpu.memory_space<semaphore_mem>>
        %dma_start3A_394 = arith.constant 0 : i32
        %dma_start3A_395 = arith.constant 0 : i32
        %dma_start3A_396 = tpu.memref_slice %arg9[%run_scoped3A_367, %dma_start3A_394, %dma_start3A_395] : memref<2x128x128xf32, #tpu.memory_space<vmem>> -> memref<1x128x128xf32, #tpu.memory_space<vmem>>
        %dma_start3A_397 = tpu.memref_squeeze %dma_start3A_396 : memref<1x128x128xf32, #tpu.memory_space<vmem>> -> memref<128x128xf32, #tpu.memory_space<vmem>>
        %dma_start3A_398 = arith.constant 0 : i32
        %dma_start3A_399 = arith.constant 0 : i32
        %dma_start3A_400 = tpu.memref_slice %arg8[%select_n3A_65, %dma_start3A_398, %dma_start3A_399] : memref<2x10x128xi32, #tpu.memory_space<vmem>> -> memref<1x10x128xi32, #tpu.memory_space<vmem>>
        %dma_start3A_401 = tpu.memref_squeeze %dma_start3A_400 : memref<1x10x128xi32, #tpu.memory_space<vmem>> -> memref<10x128xi32, #tpu.memory_space<vmem>>
        %dma_start3A_402 = arith.constant 0 : i32
        %dma_start3A_403 = tpu.memref_slice %dma_start3A_401[%run_scoped3A_368, %dma_start3A_402] : memref<10x128xi32, #tpu.memory_space<vmem>> -> memref<1x128xi32, #tpu.memory_space<vmem>>
        %dma_start3A_404 = tpu.memref_squeeze %dma_start3A_403 : memref<1x128xi32, #tpu.memory_space<vmem>> -> memref<128xi32, #tpu.memory_space<vmem>>
        %dma_start3A_405 = arith.constant 0 : i32
        %dma_start3A_406 = arith.constant 0 : i32
        %dma_start3A_407 = tpu.memref_slice %arg10[%dma_start3A_405, %dma_start3A_406] : memref<10008x128xf32, #tpu.memory_space<vmem_shared>> -> memref<10008x128xf32, #tpu.memory_space<vmem_shared>>
        tpu.enqueue_indirect_dma source(%dma_start3A_397 : memref<128x128xf32, #tpu.memory_space<vmem>>) target(%dma_start3A_407 : memref<10008x128xf32, #tpu.memory_space<vmem_shared>>) offsets(%dma_start3A_404 : memref<128xi32, #tpu.memory_space<vmem>>) semaphore(%run_scoped3A_393 : memref<!tpu.dma_semaphore, #tpu.memory_space<semaphore_mem>>) {add = true}
        %dma_wait3A_408 = arith.constant 0 : i32
        %dma_wait3A_409 = arith.constant 0 : i32
        %dma_wait3A_410 = tpu.memref_slice %arg9[%run_scoped3A_367, %dma_wait3A_408, %dma_wait3A_409] : memref<2x128x128xf32, #tpu.memory_space<vmem>> -> memref<1x128x128xf32, #tpu.memory_space<vmem>>
        %dma_wait3A_411 = tpu.memref_squeeze %dma_wait3A_410 : memref<1x128x128xf32, #tpu.memory_space<vmem>> -> memref<128x128xf32, #tpu.memory_space<vmem>>
        %dma_wait3A_412 = arith.constant 0 : i32
        %dma_wait3A_413 = arith.constant 0 : i32
        %dma_wait3A_414 = tpu.memref_slice %arg8[%select_n3A_65, %dma_wait3A_412, %dma_wait3A_413] : memref<2x10x128xi32, #tpu.memory_space<vmem>> -> memref<1x10x128xi32, #tpu.memory_space<vmem>>
        %dma_wait3A_415 = tpu.memref_squeeze %dma_wait3A_414 : memref<1x10x128xi32, #tpu.memory_space<vmem>> -> memref<10x128xi32, #tpu.memory_space<vmem>>
        %dma_wait3A_416 = arith.constant 0 : i32
        %dma_wait3A_417 = tpu.memref_slice %dma_wait3A_415[%run_scoped3A_368, %dma_wait3A_416] : memref<10x128xi32, #tpu.memory_space<vmem>> -> memref<1x128xi32, #tpu.memory_space<vmem>>
        %dma_wait3A_418 = tpu.memref_squeeze %dma_wait3A_417 : memref<1x128xi32, #tpu.memory_space<vmem>> -> memref<128xi32, #tpu.memory_space<vmem>>
        %dma_wait3A_419 = arith.constant 0 : i32
        %dma_wait3A_420 = arith.constant 0 : i32
        %dma_wait3A_421 = tpu.memref_slice %arg10[%dma_wait3A_419, %dma_wait3A_420] : memref<10008x128xf32, #tpu.memory_space<vmem_shared>> -> memref<10008x128xf32, #tpu.memory_space<vmem_shared>>
        tpu.wait_indirect_dma semaphore(%run_scoped3A_393 : memref<!tpu.dma_semaphore, #tpu.memory_space<semaphore_mem>>) src(%dma_wait3A_411 : memref<128x128xf32, #tpu.memory_space<vmem>>) dst(%dma_wait3A_421 : memref<10008x128xf32, #tpu.memory_space<vmem_shared>>)
        tpu.yield
      }) : () -> ()
      %dma_wait3A_369 = arith.constant 1 : i32
      %dma_wait3A_370 = arith.constant 0 : i32
      %dma_wait3A_371 = arith.constant 0 : i32
      %dma_wait3A_372 = tpu.memref_slice %arg9[%dma_wait3A_369, %dma_wait3A_370, %dma_wait3A_371] : memref<2x128x128xf32, #tpu.memory_space<vmem>> -> memref<1x128x128xf32, #tpu.memory_space<vmem>>
      %dma_wait3A_373 = tpu.memref_squeeze %dma_wait3A_372 : memref<1x128x128xf32, #tpu.memory_space<vmem>> -> memref<128x128xf32, #tpu.memory_space<vmem>>
      %dma_wait3A_374 = arith.constant 0 : i32
      %dma_wait3A_375 = arith.constant 0 : i32
      %dma_wait3A_376 = tpu.memref_slice %arg2[%dma_wait3A_374, %dma_wait3A_375] : memref<20000x128xf32, #tpu.memory_space<hbm>> -> memref<128x128xf32, #tpu.memory_space<hbm>>
      %dma_wait3A_377 = arith.constant 0 : i32
      %dma_wait3A_378 = arith.constant 0 : i32
      %dma_wait3A_379 = tpu.memref_slice %arg9[%dma_wait3A_369, %dma_wait3A_377, %dma_wait3A_378] : memref<2x128x128xf32, #tpu.memory_space<vmem>> -> memref<1x128x128xf32, #tpu.memory_space<vmem>>
      %dma_wait3A_380 = tpu.memref_squeeze %dma_wait3A_379 : memref<1x128x128xf32, #tpu.memory_space<vmem>> -> memref<128x128xf32, #tpu.memory_space<vmem>>
      %dma_wait3A_381 = arith.constant 0 : i32
      %dma_wait3A_382 = arith.constant 0 : i32
      %dma_wait3A_383 = tpu.memref_slice %arg2[%dma_wait3A_381, %dma_wait3A_382] : memref<20000x128xf32, #tpu.memory_space<hbm>> -> memref<128x128xf32, #tpu.memory_space<hbm>>
      tpu.wait_dma2 semaphore(%arg11 : memref<!tpu.dma_semaphore, #tpu.memory_space<semaphore_mem>>) src(%dma_wait3A_383 : memref<128x128xf32, #tpu.memory_space<hbm>>) dst(%dma_wait3A_380 : memref<128x128xf32, #tpu.memory_space<vmem>>)
      %add3A_384 = arith.constant 1 : i32
      %add3A_385 = arith.addi %scan3A_55, %add3A_384 : i32
      %lt3A_386 = arith.constant 16 : i32
      %lt3A_387 = arith.cmpi slt, %add3A_385, %lt3A_386 : i32
      %convert_element_type3A_388 = arith.extui %lt3A_387 : i1 to i32
      %cond3A_389 = arith.constant 0 : i32
      %cond3A_390 = arith.cmpi ne, %convert_element_type3A_388, %cond3A_389 : i32
      scf.if %cond3A_390 {
        %dma_wait3A_393 = arith.constant 0 : i32
        %dma_wait3A_394 = arith.constant 0 : i32
        %dma_wait3A_395 = arith.constant 0 : i32
        %dma_wait3A_396 = arith.constant 0 : i32
        %dma_wait3A_397 = tpu.memref_slice %arg7[%dma_wait3A_394, %dma_wait3A_395, %dma_wait3A_396] : memref<2x10x128xi32, #tpu.memory_space<vmem>> -> memref<1x10x128xi32, #tpu.memory_space<vmem>>
        %dma_wait3A_398 = tpu.memref_squeeze %dma_wait3A_397 : memref<1x10x128xi32, #tpu.memory_space<vmem>> -> memref<10x128xi32, #tpu.memory_space<vmem>>
        %dma_wait3A_399 = arith.constant 0 : i32
        %dma_wait3A_400 = arith.constant 0 : i32
        %dma_wait3A_401 = tpu.memref_slice %arg3[%dma_wait3A_393, %dma_wait3A_399, %dma_wait3A_400] : memref<512x10x128xi32, #tpu.memory_space<hbm>> -> memref<1x10x128xi32, #tpu.memory_space<hbm>>
        %dma_wait3A_402 = tpu.memref_squeeze %dma_wait3A_401 : memref<1x10x128xi32, #tpu.memory_space<hbm>> -> memref<10x128xi32, #tpu.memory_space<hbm>>
        %dma_wait3A_403 = arith.constant 0 : i32
        %dma_wait3A_404 = arith.constant 0 : i32
        %dma_wait3A_405 = tpu.memref_slice %arg7[%dma_wait3A_394, %dma_wait3A_403, %dma_wait3A_404] : memref<2x10x128xi32, #tpu.memory_space<vmem>> -> memref<1x10x128xi32, #tpu.memory_space<vmem>>
        %dma_wait3A_406 = tpu.memref_squeeze %dma_wait3A_405 : memref<1x10x128xi32, #tpu.memory_space<vmem>> -> memref<10x128xi32, #tpu.memory_space<vmem>>
        %dma_wait3A_407 = arith.constant 0 : i32
        %dma_wait3A_408 = arith.constant 0 : i32
        %dma_wait3A_409 = tpu.memref_slice %arg3[%dma_wait3A_393, %dma_wait3A_407, %dma_wait3A_408] : memref<512x10x128xi32, #tpu.memory_space<hbm>> -> memref<1x10x128xi32, #tpu.memory_space<hbm>>
        %dma_wait3A_410 = tpu.memref_squeeze %dma_wait3A_409 : memref<1x10x128xi32, #tpu.memory_space<hbm>> -> memref<10x128xi32, #tpu.memory_space<hbm>>
        tpu.wait_dma2 semaphore(%arg12 : memref<!tpu.dma_semaphore, #tpu.memory_space<semaphore_mem>>) src(%dma_wait3A_410 : memref<10x128xi32, #tpu.memory_space<hbm>>) dst(%dma_wait3A_406 : memref<10x128xi32, #tpu.memory_space<vmem>>)
        %dma_wait3A_411 = arith.constant 0 : i32
        %dma_wait3A_412 = arith.constant 0 : i32
        %dma_wait3A_413 = arith.constant 0 : i32
        %dma_wait3A_414 = arith.constant 0 : i32
        %dma_wait3A_415 = tpu.memref_slice %arg8[%dma_wait3A_412, %dma_wait3A_413, %dma_wait3A_414] : memref<2x10x128xi32, #tpu.memory_space<vmem>> -> memref<1x10x128xi32, #tpu.memory_space<vmem>>
        %dma_wait3A_416 = tpu.memref_squeeze %dma_wait3A_415 : memref<1x10x128xi32, #tpu.memory_space<vmem>> -> memref<10x128xi32, #tpu.memory_space<vmem>>
        %dma_wait3A_417 = arith.constant 0 : i32
        %dma_wait3A_418 = arith.constant 0 : i32
        %dma_wait3A_419 = tpu.memref_slice %arg4[%dma_wait3A_411, %dma_wait3A_417, %dma_wait3A_418] : memref<256x10x128xi32, #tpu.memory_space<hbm>> -> memref<1x10x128xi32, #tpu.memory_space<hbm>>
        %dma_wait3A_420 = tpu.memref_squeeze %dma_wait3A_419 : memref<1x10x128xi32, #tpu.memory_space<hbm>> -> memref<10x128xi32, #tpu.memory_space<hbm>>
        %dma_wait3A_421 = arith.constant 0 : i32
        %dma_wait3A_422 = arith.constant 0 : i32
        %dma_wait3A_423 = tpu.memref_slice %arg8[%dma_wait3A_412, %dma_wait3A_421, %dma_wait3A_422] : memref<2x10x128xi32, #tpu.memory_space<vmem>> -> memref<1x10x128xi32, #tpu.memory_space<vmem>>
        %dma_wait3A_424 = tpu.memref_squeeze %dma_wait3A_423 : memref<1x10x128xi32, #tpu.memory_space<vmem>> -> memref<10x128xi32, #tpu.memory_space<vmem>>
        %dma_wait3A_425 = arith.constant 0 : i32
        %dma_wait3A_426 = arith.constant 0 : i32
        %dma_wait3A_427 = tpu.memref_slice %arg4[%dma_wait3A_411, %dma_wait3A_425, %dma_wait3A_426] : memref<256x10x128xi32, #tpu.memory_space<hbm>> -> memref<1x10x128xi32, #tpu.memory_space<hbm>>
        %dma_wait3A_428 = tpu.memref_squeeze %dma_wait3A_427 : memref<1x10x128xi32, #tpu.memory_space<hbm>> -> memref<10x128xi32, #tpu.memory_space<hbm>>
        tpu.wait_dma2 semaphore(%arg12 : memref<!tpu.dma_semaphore, #tpu.memory_space<semaphore_mem>>) src(%dma_wait3A_428 : memref<10x128xi32, #tpu.memory_space<hbm>>) dst(%dma_wait3A_424 : memref<10x128xi32, #tpu.memory_space<vmem>>)
        %add3A_429 = arith.constant 1 : i32
        %add3A_430 = arith.addi %scan3A_55, %add3A_429 : i32
        %jit3A_431 = arith.constant 2 : i32
        %eq3A_432 = arith.constant 0 : i32
        %eq3A_433 = arith.cmpi eq, %jit3A_431, %eq3A_432 : i32
        %jit3A_434 = arith.constant 1 : i32
        %select_n3A_435 = arith.select %eq3A_433, %jit3A_434, %jit3A_431 : i32
        %rem3A_436 = arith.remsi %add3A_430, %select_n3A_435 : i32
        %ne3A_437 = arith.constant 0 : i32
        %ne3A_438 = arith.cmpi ne, %rem3A_436, %ne3A_437 : i32
        %lt3A_439 = arith.constant 0 : i32
        %lt3A_440 = arith.cmpi slt, %rem3A_436, %lt3A_439 : i32
        %lt3A_441 = arith.constant 0 : i32
        %lt3A_442 = arith.cmpi slt, %select_n3A_435, %lt3A_441 : i32
        %ne3A_443 = arith.xori %lt3A_440, %lt3A_442 : i1
        %and3A_444 = arith.andi %ne3A_443, %ne3A_438 : i1
        %add3A_445 = arith.addi %rem3A_436, %select_n3A_435 : i32
        %select_n3A_446 = arith.select %and3A_444, %add3A_445, %rem3A_436 : i32
        %dma_start3A_447 = arith.constant 0 : i32
        %dma_start3A_448 = arith.constant 0 : i32
        %dma_start3A_449 = arith.constant 0 : i32
        %dma_start3A_450 = arith.constant 0 : i32
        %dma_start3A_451 = tpu.memref_slice %arg9[%dma_start3A_448, %dma_start3A_449, %dma_start3A_450] : memref<2x128x128xf32, #tpu.memory_space<vmem>> -> memref<1x128x128xf32, #tpu.memory_space<vmem>>
        %dma_start3A_452 = tpu.memref_squeeze %dma_start3A_451 : memref<1x128x128xf32, #tpu.memory_space<vmem>> -> memref<128x128xf32, #tpu.memory_space<vmem>>
        %dma_start3A_453 = arith.constant 0 : i32
        %dma_start3A_454 = arith.constant 0 : i32
        %dma_start3A_455 = tpu.memref_slice %arg7[%select_n3A_446, %dma_start3A_453, %dma_start3A_454] : memref<2x10x128xi32, #tpu.memory_space<vmem>> -> memref<1x10x128xi32, #tpu.memory_space<vmem>>
        %dma_start3A_456 = tpu.memref_squeeze %dma_start3A_455 : memref<1x10x128xi32, #tpu.memory_space<vmem>> -> memref<10x128xi32, #tpu.memory_space<vmem>>
        %dma_start3A_457 = arith.constant 0 : i32
        %dma_start3A_458 = tpu.memref_slice %dma_start3A_456[%dma_start3A_447, %dma_start3A_457] : memref<10x128xi32, #tpu.memory_space<vmem>> -> memref<1x128xi32, #tpu.memory_space<vmem>>
        %dma_start3A_459 = tpu.memref_squeeze %dma_start3A_458 : memref<1x128xi32, #tpu.memory_space<vmem>> -> memref<128xi32, #tpu.memory_space<vmem>>
        %dma_start3A_460 = arith.constant 0 : i32
        %dma_start3A_461 = arith.constant 0 : i32
        %dma_start3A_462 = tpu.memref_slice %arg2[%dma_start3A_460, %dma_start3A_461] : memref<20000x128xf32, #tpu.memory_space<hbm>> -> memref<20000x128xf32, #tpu.memory_space<hbm>>
        tpu.enqueue_indirect_dma source(%dma_start3A_462 : memref<20000x128xf32, #tpu.memory_space<hbm>>) target(%dma_start3A_452 : memref<128x128xf32, #tpu.memory_space<vmem>>) offsets(%dma_start3A_459 : memref<128xi32, #tpu.memory_space<vmem>>) semaphore(%arg11 : memref<!tpu.dma_semaphore, #tpu.memory_space<semaphore_mem>>)
      } else {
      }
      %run_scoped3A_391 = arith.constant 1 : i32
      %run_scoped3A_392 = arith.constant 9 : i32
      "tpu.region"() ({
        %run_scoped3A_393 = tpu.sem_alloc : memref<!tpu.dma_semaphore, #tpu.memory_space<semaphore_mem>>
        %dma_start3A_394 = arith.constant 0 : i32
        %dma_start3A_395 = arith.constant 0 : i32
        %dma_start3A_396 = tpu.memref_slice %arg9[%run_scoped3A_391, %dma_start3A_394, %dma_start3A_395] : memref<2x128x128xf32, #tpu.memory_space<vmem>> -> memref<1x128x128xf32, #tpu.memory_space<vmem>>
        %dma_start3A_397 = tpu.memref_squeeze %dma_start3A_396 : memref<1x128x128xf32, #tpu.memory_space<vmem>> -> memref<128x128xf32, #tpu.memory_space<vmem>>
        %dma_start3A_398 = arith.constant 0 : i32
        %dma_start3A_399 = arith.constant 0 : i32
        %dma_start3A_400 = tpu.memref_slice %arg8[%select_n3A_65, %dma_start3A_398, %dma_start3A_399] : memref<2x10x128xi32, #tpu.memory_space<vmem>> -> memref<1x10x128xi32, #tpu.memory_space<vmem>>
        %dma_start3A_401 = tpu.memref_squeeze %dma_start3A_400 : memref<1x10x128xi32, #tpu.memory_space<vmem>> -> memref<10x128xi32, #tpu.memory_space<vmem>>
        %dma_start3A_402 = arith.constant 0 : i32
        %dma_start3A_403 = tpu.memref_slice %dma_start3A_401[%run_scoped3A_392, %dma_start3A_402] : memref<10x128xi32, #tpu.memory_space<vmem>> -> memref<1x128xi32, #tpu.memory_space<vmem>>
        %dma_start3A_404 = tpu.memref_squeeze %dma_start3A_403 : memref<1x128xi32, #tpu.memory_space<vmem>> -> memref<128xi32, #tpu.memory_space<vmem>>
        %dma_start3A_405 = arith.constant 0 : i32
        %dma_start3A_406 = arith.constant 0 : i32
        %dma_start3A_407 = tpu.memref_slice %arg10[%dma_start3A_405, %dma_start3A_406] : memref<10008x128xf32, #tpu.memory_space<vmem_shared>> -> memref<10008x128xf32, #tpu.memory_space<vmem_shared>>
        tpu.enqueue_indirect_dma source(%dma_start3A_397 : memref<128x128xf32, #tpu.memory_space<vmem>>) target(%dma_start3A_407 : memref<10008x128xf32, #tpu.memory_space<vmem_shared>>) offsets(%dma_start3A_404 : memref<128xi32, #tpu.memory_space<vmem>>) semaphore(%run_scoped3A_393 : memref<!tpu.dma_semaphore, #tpu.memory_space<semaphore_mem>>) {add = true}
        %dma_wait3A_408 = arith.constant 0 : i32
        %dma_wait3A_409 = arith.constant 0 : i32
        %dma_wait3A_410 = tpu.memref_slice %arg9[%run_scoped3A_391, %dma_wait3A_408, %dma_wait3A_409] : memref<2x128x128xf32, #tpu.memory_space<vmem>> -> memref<1x128x128xf32, #tpu.memory_space<vmem>>
        %dma_wait3A_411 = tpu.memref_squeeze %dma_wait3A_410 : memref<1x128x128xf32, #tpu.memory_space<vmem>> -> memref<128x128xf32, #tpu.memory_space<vmem>>
        %dma_wait3A_412 = arith.constant 0 : i32
        %dma_wait3A_413 = arith.constant 0 : i32
        %dma_wait3A_414 = tpu.memref_slice %arg8[%select_n3A_65, %dma_wait3A_412, %dma_wait3A_413] : memref<2x10x128xi32, #tpu.memory_space<vmem>> -> memref<1x10x128xi32, #tpu.memory_space<vmem>>
        %dma_wait3A_415 = tpu.memref_squeeze %dma_wait3A_414 : memref<1x10x128xi32, #tpu.memory_space<vmem>> -> memref<10x128xi32, #tpu.memory_space<vmem>>
        %dma_wait3A_416 = arith.constant 0 : i32
        %dma_wait3A_417 = tpu.memref_slice %dma_wait3A_415[%run_scoped3A_392, %dma_wait3A_416] : memref<10x128xi32, #tpu.memory_space<vmem>> -> memref<1x128xi32, #tpu.memory_space<vmem>>
        %dma_wait3A_418 = tpu.memref_squeeze %dma_wait3A_417 : memref<1x128xi32, #tpu.memory_space<vmem>> -> memref<128xi32, #tpu.memory_space<vmem>>
        %dma_wait3A_419 = arith.constant 0 : i32
        %dma_wait3A_420 = arith.constant 0 : i32
        %dma_wait3A_421 = tpu.memref_slice %arg10[%dma_wait3A_419, %dma_wait3A_420] : memref<10008x128xf32, #tpu.memory_space<vmem_shared>> -> memref<10008x128xf32, #tpu.memory_space<vmem_shared>>
        tpu.wait_indirect_dma semaphore(%run_scoped3A_393 : memref<!tpu.dma_semaphore, #tpu.memory_space<semaphore_mem>>) src(%dma_wait3A_411 : memref<128x128xf32, #tpu.memory_space<vmem>>) dst(%dma_wait3A_421 : memref<10008x128xf32, #tpu.memory_space<vmem_shared>>)
        tpu.yield
      }) : () -> ()
    }
    %scan3A_37 = arith.constant 16 : i32
    %barrier3A_38 = arith.constant 0 : index
    tpu.barrier barrier_id(%barrier3A_38)
    %mul3A_39 = arith.constant 10000 : i32
    %mul3A_40 = arith.muli %arg0, %mul3A_39 : i32
    %mul3A_41 = arith.constant 624 : i32
    %mul3A_42 = arith.muli %arg1, %mul3A_41 : i32
    %add3A_43 = arith.constant 0 : i32
    %add3A_44 = arith.addi %add3A_43, %mul3A_42 : i32
    %multiple_of3A_45 = tpu.assume_multiple %add3A_44, 8 : i32
    %mul3A_46 = arith.constant 624 : i32
    %mul3A_47 = arith.muli %arg1, %mul3A_46 : i32
    %add3A_48 = arith.addi %mul3A_40, %mul3A_47 : i32
    %multiple_of3A_49 = tpu.assume_multiple %add3A_48, 8 : i32
    "tpu.region"() ({
      %run_scoped3A_55 = tpu.sem_alloc : memref<!tpu.dma_semaphore, #tpu.memory_space<semaphore_mem>>
      %dma_start3A_56 = arith.constant 0 : i32
      %dma_start3A_57 = tpu.memref_slice %arg6[%multiple_of3A_49, %dma_start3A_56] : memref<20000x128xf32, #tpu.memory_space<hbm>> -> memref<624x128xf32, #tpu.memory_space<hbm>>
      %dma_start3A_58 = arith.constant 0 : i32
      %dma_start3A_59 = tpu.memref_slice %arg10[%multiple_of3A_45, %dma_start3A_58] : memref<10008x128xf32, #tpu.memory_space<vmem_shared>> -> memref<624x128xf32, #tpu.memory_space<vmem_shared>>
      tpu.enqueue_dma source(%dma_start3A_59 : memref<624x128xf32, #tpu.memory_space<vmem_shared>>) target(%dma_start3A_57 : memref<624x128xf32, #tpu.memory_space<hbm>>) target_semaphore(%run_scoped3A_55 : memref<!tpu.dma_semaphore, #tpu.memory_space<semaphore_mem>>)
      %dma_wait3A = arith.constant 0 : i32
      %dma_wait3A_60 = tpu.memref_slice %arg6[%multiple_of3A_49, %dma_wait3A] : memref<20000x128xf32, #tpu.memory_space<hbm>> -> memref<624x128xf32, #tpu.memory_space<hbm>>
      %dma_wait3A_61 = arith.constant 0 : i32
      %dma_wait3A_62 = tpu.memref_slice %arg10[%multiple_of3A_45, %dma_wait3A_61] : memref<10008x128xf32, #tpu.memory_space<vmem_shared>> -> memref<624x128xf32, #tpu.memory_space<vmem_shared>>
      tpu.wait_dma2 semaphore(%run_scoped3A_55 : memref<!tpu.dma_semaphore, #tpu.memory_space<semaphore_mem>>) src(%dma_wait3A_62 : memref<624x128xf32, #tpu.memory_space<vmem_shared>>) dst(%dma_wait3A_60 : memref<624x128xf32, #tpu.memory_space<hbm>>)
      tpu.yield
    }) : () -> ()
    %eq3A_50 = arith.constant 15 : i32
    %eq3A_51 = arith.cmpi eq, %arg1, %eq3A_50 : i32
    %convert_element_type3A_52 = arith.extui %eq3A_51 : i1 to i32
    %cond3A_53 = arith.constant 0 : i32
    %cond3A_54 = arith.cmpi ne, %convert_element_type3A_52, %cond3A_53 : i32
    scf.if %cond3A_54 {
      %multiple_of3A_55 = arith.constant 9984 : i32
      %multiple_of3A_56 = tpu.assume_multiple %multiple_of3A_55, 8 : i32
      %add3A_57 = arith.constant 9984 : i32
      %add3A_58 = arith.addi %mul3A_40, %add3A_57 : i32
      %multiple_of3A_59 = tpu.assume_multiple %add3A_58, 8 : i32
      "tpu.region"() ({
        %run_scoped3A_60 = tpu.sem_alloc : memref<!tpu.dma_semaphore, #tpu.memory_space<semaphore_mem>>
        %dma_start3A_61 = arith.constant 0 : i32
        %dma_start3A_62 = tpu.memref_slice %arg6[%multiple_of3A_59, %dma_start3A_61] : memref<20000x128xf32, #tpu.memory_space<hbm>> -> memref<16x128xf32, #tpu.memory_space<hbm>>
        %dma_start3A_63 = arith.constant 0 : i32
        %dma_start3A_64 = tpu.memref_slice %arg10[%multiple_of3A_56, %dma_start3A_63] : memref<10008x128xf32, #tpu.memory_space<vmem_shared>> -> memref<16x128xf32, #tpu.memory_space<vmem_shared>>
        tpu.enqueue_dma source(%dma_start3A_64 : memref<16x128xf32, #tpu.memory_space<vmem_shared>>) target(%dma_start3A_62 : memref<16x128xf32, #tpu.memory_space<hbm>>) target_semaphore(%run_scoped3A_60 : memref<!tpu.dma_semaphore, #tpu.memory_space<semaphore_mem>>)
        %dma_wait3A = arith.constant 0 : i32
        %dma_wait3A_65 = tpu.memref_slice %arg6[%multiple_of3A_59, %dma_wait3A] : memref<20000x128xf32, #tpu.memory_space<hbm>> -> memref<16x128xf32, #tpu.memory_space<hbm>>
        %dma_wait3A_66 = arith.constant 0 : i32
        %dma_wait3A_67 = tpu.memref_slice %arg10[%multiple_of3A_56, %dma_wait3A_66] : memref<10008x128xf32, #tpu.memory_space<vmem_shared>> -> memref<16x128xf32, #tpu.memory_space<vmem_shared>>
        tpu.wait_dma2 semaphore(%run_scoped3A_60 : memref<!tpu.dma_semaphore, #tpu.memory_space<semaphore_mem>>) src(%dma_wait3A_67 : memref<16x128xf32, #tpu.memory_space<vmem_shared>>) dst(%dma_wait3A_65 : memref<16x128xf32, #tpu.memory_space<hbm>>)
        tpu.yield
      }) : () -> ()
    } else {
    }
    return
  }
}

#map = affine_map<(d0, d1) -> (0, 0)>
#map1 = affine_map<(d0, d1) -> (0, 0, 0)>
module attributes {stable_mosaic.version = 14 : i64} {
  func.func @k(%arg0: i32, %arg1: i32, %arg2: memref<20000x128xf32, #tpu.memory_space<hbm>>, %arg3: memref<512x10x128xi32, #tpu.memory_space<hbm>>, %arg4: memref<256x10x128xi32, #tpu.memory_space<hbm>>, %arg5: memref<10000x128xf32, #tpu.memory_space<hbm>>, %arg6: memref<20000x128xf32, #tpu.memory_space<hbm>>, %arg7: memref<2x10x128xi32, #tpu.memory_space<vmem>>, %arg8: memref<2x10x128xi32, #tpu.memory_space<vmem>>, %arg9: memref<2x128x128xf32, #tpu.memory_space<vmem>>, %arg10: memref<10008x128xf32, #tpu.memory_space<vmem_shared>>, %arg11: memref<!tpu.dma_semaphore, #tpu.memory_space<semaphore_mem>>, %arg12: memref<!tpu.dma_semaphore, #tpu.memory_space<semaphore_mem>>) attributes {dimension_semantics = [#tpu.dimension_semantics<core_parallel>, #tpu.dimension_semantics<subcore_parallel>], iteration_bounds = array<i64: 2, 16>, scalar_prefetch = 0 : i64, scratch_operands = 6 : i64, tpu.core_type = #tpu.core_type<sc_vector_subcore>, window_params = [{transform_indices = #map}, {transform_indices = #map1}, {transform_indices = #map1}, {transform_indices = #map}, {transform_indices = #map}]} {
    %mul3A = arith.constant 16 : i32
    %mul3A_0 = arith.muli %arg0, %mul3A : i32
    %add3A = arith.addi %mul3A_0, %arg1 : i32
    %mul3A_1 = arith.constant 16 : i32
    %mul3A_2 = arith.muli %add3A, %mul3A_1 : i32
    %run_scoped3A = arith.constant 0 : i32
    "tpu.region"() ({
      %run_scoped3A_55 = tpu.sem_alloc : memref<!tpu.dma_semaphore, #tpu.memory_space<semaphore_mem>>
      %dma_start3A_56 = arith.constant 0 : i32
      %dma_start3A_57 = arith.constant 0 : i32
      %dma_start3A_58 = tpu.memref_slice %arg7[%run_scoped3A, %dma_start3A_56, %dma_start3A_57] : memref<2x10x128xi32, #tpu.memory_space<vmem>> -> memref<1x10x128xi32, #tpu.memory_space<vmem>>
      %dma_start3A_59 = tpu.memref_squeeze %dma_start3A_58 : memref<1x10x128xi32, #tpu.memory_space<vmem>> -> memref<10x128xi32, #tpu.memory_space<vmem>>
      %dma_start3A_60 = arith.constant 0 : i32
      %dma_start3A_61 = arith.constant 0 : i32
      %dma_start3A_62 = tpu.memref_slice %arg3[%mul3A_2, %dma_start3A_60, %dma_start3A_61] : memref<512x10x128xi32, #tpu.memory_space<hbm>> -> memref<1x10x128xi32, #tpu.memory_space<hbm>>
      %dma_start3A_63 = tpu.memref_squeeze %dma_start3A_62 : memref<1x10x128xi32, #tpu.memory_space<hbm>> -> memref<10x128xi32, #tpu.memory_space<hbm>>
      %dma_start3A_64 = arith.constant 0 : i32
      %dma_start3A_65 = arith.constant 0 : i32
      %dma_start3A_66 = tpu.memref_slice %arg7[%run_scoped3A, %dma_start3A_64, %dma_start3A_65] : memref<2x10x128xi32, #tpu.memory_space<vmem>> -> memref<1x10x128xi32, #tpu.memory_space<vmem>>
      %dma_start3A_67 = tpu.memref_squeeze %dma_start3A_66 : memref<1x10x128xi32, #tpu.memory_space<vmem>> -> memref<10x128xi32, #tpu.memory_space<vmem>>
      %dma_start3A_68 = arith.constant 0 : i32
      %dma_start3A_69 = arith.constant 0 : i32
      %dma_start3A_70 = tpu.memref_slice %arg3[%mul3A_2, %dma_start3A_68, %dma_start3A_69] : memref<512x10x128xi32, #tpu.memory_space<hbm>> -> memref<1x10x128xi32, #tpu.memory_space<hbm>>
      %dma_start3A_71 = tpu.memref_squeeze %dma_start3A_70 : memref<1x10x128xi32, #tpu.memory_space<hbm>> -> memref<10x128xi32, #tpu.memory_space<hbm>>
      tpu.enqueue_dma source(%dma_start3A_71 : memref<10x128xi32, #tpu.memory_space<hbm>>) target(%dma_start3A_67 : memref<10x128xi32, #tpu.memory_space<vmem>>) target_semaphore(%run_scoped3A_55 : memref<!tpu.dma_semaphore, #tpu.memory_space<semaphore_mem>>)
      %dma_wait3A = arith.constant 0 : i32
      %dma_wait3A_72 = arith.constant 0 : i32
      %dma_wait3A_73 = tpu.memref_slice %arg7[%run_scoped3A, %dma_wait3A, %dma_wait3A_72] : memref<2x10x128xi32, #tpu.memory_space<vmem>> -> memref<1x10x128xi32, #tpu.memory_space<vmem>>
      %dma_wait3A_74 = tpu.memref_squeeze %dma_wait3A_73 : memref<1x10x128xi32, #tpu.memory_space<vmem>> -> memref<10x128xi32, #tpu.memory_space<vmem>>
      %dma_wait3A_75 = arith.constant 0 : i32
      %dma_wait3A_76 = arith.constant 0 : i32
      %dma_wait3A_77 = tpu.memref_slice %arg3[%mul3A_2, %dma_wait3A_75, %dma_wait3A_76] : memref<512x10x128xi32, #tpu.memory_space<hbm>> -> memref<1x10x128xi32, #tpu.memory_space<hbm>>
      %dma_wait3A_78 = tpu.memref_squeeze %dma_wait3A_77 : memref<1x10x128xi32, #tpu.memory_space<hbm>> -> memref<10x128xi32, #tpu.memory_space<hbm>>
      %dma_wait3A_79 = arith.constant 0 : i32
      %dma_wait3A_80 = arith.constant 0 : i32
      %dma_wait3A_81 = tpu.memref_slice %arg7[%run_scoped3A, %dma_wait3A_79, %dma_wait3A_80] : memref<2x10x128xi32, #tpu.memory_space<vmem>> -> memref<1x10x128xi32, #tpu.memory_space<vmem>>
      %dma_wait3A_82 = tpu.memref_squeeze %dma_wait3A_81 : memref<1x10x128xi32, #tpu.memory_space<vmem>> -> memref<10x128xi32, #tpu.memory_space<vmem>>
      %dma_wait3A_83 = arith.constant 0 : i32
      %dma_wait3A_84 = arith.constant 0 : i32
      %dma_wait3A_85 = tpu.memref_slice %arg3[%mul3A_2, %dma_wait3A_83, %dma_wait3A_84] : memref<512x10x128xi32, #tpu.memory_space<hbm>> -> memref<1x10x128xi32, #tpu.memory_space<hbm>>
      %dma_wait3A_86 = tpu.memref_squeeze %dma_wait3A_85 : memref<1x10x128xi32, #tpu.memory_space<hbm>> -> memref<10x128xi32, #tpu.memory_space<hbm>>
      tpu.wait_dma2 semaphore(%run_scoped3A_55 : memref<!tpu.dma_semaphore, #tpu.memory_space<semaphore_mem>>) src(%dma_wait3A_86 : memref<10x128xi32, #tpu.memory_space<hbm>>) dst(%dma_wait3A_82 : memref<10x128xi32, #tpu.memory_space<vmem>>)
      tpu.yield
    }) : () -> ()
    %mul3A_3 = arith.constant 16 : i32
    %mul3A_4 = arith.muli %arg1, %mul3A_3 : i32
    %run_scoped3A_5 = arith.constant 0 : i32
    "tpu.region"() ({
      %run_scoped3A_55 = tpu.sem_alloc : memref<!tpu.dma_semaphore, #tpu.memory_space<semaphore_mem>>
      %dma_start3A_56 = arith.constant 0 : i32
      %dma_start3A_57 = arith.constant 0 : i32
      %dma_start3A_58 = tpu.memref_slice %arg8[%run_scoped3A_5, %dma_start3A_56, %dma_start3A_57] : memref<2x10x128xi32, #tpu.memory_space<vmem>> -> memref<1x10x128xi32, #tpu.memory_space<vmem>>
      %dma_start3A_59 = tpu.memref_squeeze %dma_start3A_58 : memref<1x10x128xi32, #tpu.memory_space<vmem>> -> memref<10x128xi32, #tpu.memory_space<vmem>>
      %dma_start3A_60 = arith.constant 0 : i32
      %dma_start3A_61 = arith.constant 0 : i32
      %dma_start3A_62 = tpu.memref_slice %arg4[%mul3A_4, %dma_start3A_60, %dma_start3A_61] : memref<256x10x128xi32, #tpu.memory_space<hbm>> -> memref<1x10x128xi32, #tpu.memory_space<hbm>>
      %dma_start3A_63 = tpu.memref_squeeze %dma_start3A_62 : memref<1x10x128xi32, #tpu.memory_space<hbm>> -> memref<10x128xi32, #tpu.memory_space<hbm>>
      %dma_start3A_64 = arith.constant 0 : i32
      %dma_start3A_65 = arith.constant 0 : i32
      %dma_start3A_66 = tpu.memref_slice %arg8[%run_scoped3A_5, %dma_start3A_64, %dma_start3A_65] : memref<2x10x128xi32, #tpu.memory_space<vmem>> -> memref<1x10x128xi32, #tpu.memory_space<vmem>>
      %dma_start3A_67 = tpu.memref_squeeze %dma_start3A_66 : memref<1x10x128xi32, #tpu.memory_space<vmem>> -> memref<10x128xi32, #tpu.memory_space<vmem>>
      %dma_start3A_68 = arith.constant 0 : i32
      %dma_start3A_69 = arith.constant 0 : i32
      %dma_start3A_70 = tpu.memref_slice %arg4[%mul3A_4, %dma_start3A_68, %dma_start3A_69] : memref<256x10x128xi32, #tpu.memory_space<hbm>> -> memref<1x10x128xi32, #tpu.memory_space<hbm>>
      %dma_start3A_71 = tpu.memref_squeeze %dma_start3A_70 : memref<1x10x128xi32, #tpu.memory_space<hbm>> -> memref<10x128xi32, #tpu.memory_space<hbm>>
      tpu.enqueue_dma source(%dma_start3A_71 : memref<10x128xi32, #tpu.memory_space<hbm>>) target(%dma_start3A_67 : memref<10x128xi32, #tpu.memory_space<vmem>>) target_semaphore(%run_scoped3A_55 : memref<!tpu.dma_semaphore, #tpu.memory_space<semaphore_mem>>)
      %dma_wait3A = arith.constant 0 : i32
      %dma_wait3A_72 = arith.constant 0 : i32
      %dma_wait3A_73 = tpu.memref_slice %arg8[%run_scoped3A_5, %dma_wait3A, %dma_wait3A_72] : memref<2x10x128xi32, #tpu.memory_space<vmem>> -> memref<1x10x128xi32, #tpu.memory_space<vmem>>
      %dma_wait3A_74 = tpu.memref_squeeze %dma_wait3A_73 : memref<1x10x128xi32, #tpu.memory_space<vmem>> -> memref<10x128xi32, #tpu.memory_space<vmem>>
      %dma_wait3A_75 = arith.constant 0 : i32
      %dma_wait3A_76 = arith.constant 0 : i32
      %dma_wait3A_77 = tpu.memref_slice %arg4[%mul3A_4, %dma_wait3A_75, %dma_wait3A_76] : memref<256x10x128xi32, #tpu.memory_space<hbm>> -> memref<1x10x128xi32, #tpu.memory_space<hbm>>
      %dma_wait3A_78 = tpu.memref_squeeze %dma_wait3A_77 : memref<1x10x128xi32, #tpu.memory_space<hbm>> -> memref<10x128xi32, #tpu.memory_space<hbm>>
      %dma_wait3A_79 = arith.constant 0 : i32
      %dma_wait3A_80 = arith.constant 0 : i32
      %dma_wait3A_81 = tpu.memref_slice %arg8[%run_scoped3A_5, %dma_wait3A_79, %dma_wait3A_80] : memref<2x10x128xi32, #tpu.memory_space<vmem>> -> memref<1x10x128xi32, #tpu.memory_space<vmem>>
      %dma_wait3A_82 = tpu.memref_squeeze %dma_wait3A_81 : memref<1x10x128xi32, #tpu.memory_space<vmem>> -> memref<10x128xi32, #tpu.memory_space<vmem>>
      %dma_wait3A_83 = arith.constant 0 : i32
      %dma_wait3A_84 = arith.constant 0 : i32
      %dma_wait3A_85 = tpu.memref_slice %arg4[%mul3A_4, %dma_wait3A_83, %dma_wait3A_84] : memref<256x10x128xi32, #tpu.memory_space<hbm>> -> memref<1x10x128xi32, #tpu.memory_space<hbm>>
      %dma_wait3A_86 = tpu.memref_squeeze %dma_wait3A_85 : memref<1x10x128xi32, #tpu.memory_space<hbm>> -> memref<10x128xi32, #tpu.memory_space<hbm>>
      tpu.wait_dma2 semaphore(%run_scoped3A_55 : memref<!tpu.dma_semaphore, #tpu.memory_space<semaphore_mem>>) src(%dma_wait3A_86 : memref<10x128xi32, #tpu.memory_space<hbm>>) dst(%dma_wait3A_82 : memref<10x128xi32, #tpu.memory_space<vmem>>)
      tpu.yield
    }) : () -> ()
    %mul3A_6 = arith.constant 624 : i32
    %mul3A_7 = arith.muli %arg1, %mul3A_6 : i32
    %add3A_8 = arith.constant 0 : i32
    %add3A_9 = arith.addi %add3A_8, %mul3A_7 : i32
    %multiple_of3A = tpu.assume_multiple %add3A_9, 8 : i32
    %mul3A_10 = arith.constant 624 : i32
    %mul3A_11 = arith.muli %arg1, %mul3A_10 : i32
    %add3A_12 = arith.constant 0 : i32
    %add3A_13 = arith.addi %add3A_12, %mul3A_11 : i32
    %multiple_of3A_14 = tpu.assume_multiple %add3A_13, 8 : i32
    "tpu.region"() ({
      %run_scoped3A_55 = tpu.sem_alloc : memref<!tpu.dma_semaphore, #tpu.memory_space<semaphore_mem>>
      %dma_start3A_56 = arith.constant 0 : i32
      %dma_start3A_57 = tpu.memref_slice %arg10[%multiple_of3A_14, %dma_start3A_56] : memref<10008x128xf32, #tpu.memory_space<vmem_shared>> -> memref<624x128xf32, #tpu.memory_space<vmem_shared>>
      %dma_start3A_58 = arith.constant 0 : i32
      %dma_start3A_59 = tpu.memref_slice %arg5[%multiple_of3A, %dma_start3A_58] : memref<10000x128xf32, #tpu.memory_space<hbm>> -> memref<624x128xf32, #tpu.memory_space<hbm>>
      tpu.enqueue_dma source(%dma_start3A_59 : memref<624x128xf32, #tpu.memory_space<hbm>>) target(%dma_start3A_57 : memref<624x128xf32, #tpu.memory_space<vmem_shared>>) target_semaphore(%run_scoped3A_55 : memref<!tpu.dma_semaphore, #tpu.memory_space<semaphore_mem>>)
      %dma_wait3A = arith.constant 0 : i32
      %dma_wait3A_60 = tpu.memref_slice %arg10[%multiple_of3A_14, %dma_wait3A] : memref<10008x128xf32, #tpu.memory_space<vmem_shared>> -> memref<624x128xf32, #tpu.memory_space<vmem_shared>>
      %dma_wait3A_61 = arith.constant 0 : i32
      %dma_wait3A_62 = tpu.memref_slice %arg5[%multiple_of3A, %dma_wait3A_61] : memref<10000x128xf32, #tpu.memory_space<hbm>> -> memref<624x128xf32, #tpu.memory_space<hbm>>
      tpu.wait_dma2 semaphore(%run_scoped3A_55 : memref<!tpu.dma_semaphore, #tpu.memory_space<semaphore_mem>>) src(%dma_wait3A_62 : memref<624x128xf32, #tpu.memory_space<hbm>>) dst(%dma_wait3A_60 : memref<624x128xf32, #tpu.memory_space<vmem_shared>>)
      tpu.yield
    }) : () -> ()
    %eq3A = arith.constant 15 : i32
    %eq3A_15 = arith.cmpi eq, %arg1, %eq3A : i32
    %convert_element_type3A = arith.extui %eq3A_15 : i1 to i32
    %cond3A = arith.constant 0 : i32
    %cond3A_16 = arith.cmpi ne, %convert_element_type3A, %cond3A : i32
    scf.if %cond3A_16 {
      %multiple_of3A_55 = arith.constant 9984 : i32
      %multiple_of3A_56 = tpu.assume_multiple %multiple_of3A_55, 8 : i32
      %multiple_of3A_57 = arith.constant 9984 : i32
      %multiple_of3A_58 = tpu.assume_multiple %multiple_of3A_57, 8 : i32
      "tpu.region"() ({
        %run_scoped3A_59 = tpu.sem_alloc : memref<!tpu.dma_semaphore, #tpu.memory_space<semaphore_mem>>
        %dma_start3A_60 = arith.constant 0 : i32
        %dma_start3A_61 = tpu.memref_slice %arg10[%multiple_of3A_58, %dma_start3A_60] : memref<10008x128xf32, #tpu.memory_space<vmem_shared>> -> memref<16x128xf32, #tpu.memory_space<vmem_shared>>
        %dma_start3A_62 = arith.constant 0 : i32
        %dma_start3A_63 = tpu.memref_slice %arg5[%multiple_of3A_56, %dma_start3A_62] : memref<10000x128xf32, #tpu.memory_space<hbm>> -> memref<16x128xf32, #tpu.memory_space<hbm>>
        tpu.enqueue_dma source(%dma_start3A_63 : memref<16x128xf32, #tpu.memory_space<hbm>>) target(%dma_start3A_61 : memref<16x128xf32, #tpu.memory_space<vmem_shared>>) target_semaphore(%run_scoped3A_59 : memref<!tpu.dma_semaphore, #tpu.memory_space<semaphore_mem>>)
        %dma_wait3A = arith.constant 0 : i32
        %dma_wait3A_64 = tpu.memref_slice %arg10[%multiple_of3A_58, %dma_wait3A] : memref<10008x128xf32, #tpu.memory_space<vmem_shared>> -> memref<16x128xf32, #tpu.memory_space<vmem_shared>>
        %dma_wait3A_65 = arith.constant 0 : i32
        %dma_wait3A_66 = tpu.memref_slice %arg5[%multiple_of3A_56, %dma_wait3A_65] : memref<10000x128xf32, #tpu.memory_space<hbm>> -> memref<16x128xf32, #tpu.memory_space<hbm>>
        tpu.wait_dma2 semaphore(%run_scoped3A_59 : memref<!tpu.dma_semaphore, #tpu.memory_space<semaphore_mem>>) src(%dma_wait3A_66 : memref<16x128xf32, #tpu.memory_space<hbm>>) dst(%dma_wait3A_64 : memref<16x128xf32, #tpu.memory_space<vmem_shared>>)
        tpu.yield
      }) : () -> ()
    } else {
    }
    %barrier3A = arith.constant 0 : index
    tpu.barrier barrier_id(%barrier3A)
    %dma_start3A = arith.constant 0 : i32
    %dma_start3A_17 = arith.constant 0 : i32
    %dma_start3A_18 = arith.constant 0 : i32
    %dma_start3A_19 = arith.constant 0 : i32
    %dma_start3A_20 = arith.constant 0 : i32
    %dma_start3A_21 = tpu.memref_slice %arg9[%dma_start3A_18, %dma_start3A_19, %dma_start3A_20] : memref<2x128x128xf32, #tpu.memory_space<vmem>> -> memref<1x128x128xf32, #tpu.memory_space<vmem>>
    %dma_start3A_22 = tpu.memref_squeeze %dma_start3A_21 : memref<1x128x128xf32, #tpu.memory_space<vmem>> -> memref<128x128xf32, #tpu.memory_space<vmem>>
    %dma_start3A_23 = arith.constant 0 : i32
    %dma_start3A_24 = arith.constant 0 : i32
    %dma_start3A_25 = tpu.memref_slice %arg7[%dma_start3A, %dma_start3A_23, %dma_start3A_24] : memref<2x10x128xi32, #tpu.memory_space<vmem>> -> memref<1x10x128xi32, #tpu.memory_space<vmem>>
    %dma_start3A_26 = tpu.memref_squeeze %dma_start3A_25 : memref<1x10x128xi32, #tpu.memory_space<vmem>> -> memref<10x128xi32, #tpu.memory_space<vmem>>
    %dma_start3A_27 = arith.constant 0 : i32
    %dma_start3A_28 = tpu.memref_slice %dma_start3A_26[%dma_start3A_17, %dma_start3A_27] : memref<10x128xi32, #tpu.memory_space<vmem>> -> memref<1x128xi32, #tpu.memory_space<vmem>>
    %dma_start3A_29 = tpu.memref_squeeze %dma_start3A_28 : memref<1x128xi32, #tpu.memory_space<vmem>> -> memref<128xi32, #tpu.memory_space<vmem>>
    %dma_start3A_30 = arith.constant 0 : i32
    %dma_start3A_31 = arith.constant 0 : i32
    %dma_start3A_32 = tpu.memref_slice %arg2[%dma_start3A_30, %dma_start3A_31] : memref<20000x128xf32, #tpu.memory_space<hbm>> -> memref<20000x128xf32, #tpu.memory_space<hbm>>
    tpu.enqueue_indirect_dma source(%dma_start3A_32 : memref<20000x128xf32, #tpu.memory_space<hbm>>) target(%dma_start3A_22 : memref<128x128xf32, #tpu.memory_space<vmem>>) offsets(%dma_start3A_29 : memref<128xi32, #tpu.memory_space<vmem>>) semaphore(%arg11 : memref<!tpu.dma_semaphore, #tpu.memory_space<semaphore_mem>>)
    %scan3A = arith.constant 0 : i32
    %scan3A_33 = arith.constant 0 : i32
    %scan3A_34 = arith.constant 16 : i32
    %scan3A_35 = arith.addi %scan3A_33, %scan3A_34 : i32
    %scan3A_36 = arith.constant 1 : i32
    scf.for %scan3A_55 = %scan3A_33 to %scan3A_35 step %scan3A_36  : i32 {
      %jit3A = arith.constant 2 : i32
      %eq3A_56 = arith.constant 0 : i32
      %eq3A_57 = arith.cmpi eq, %jit3A, %eq3A_56 : i32
      %jit3A_58 = arith.constant 1 : i32
      %select_n3A = arith.select %eq3A_57, %jit3A_58, %jit3A : i32
      %rem3A = arith.remsi %scan3A_55, %select_n3A : i32
      %ne3A = arith.constant 0 : i32
      %ne3A_59 = arith.cmpi ne, %rem3A, %ne3A : i32
      %lt3A = arith.constant 0 : i32
      %lt3A_60 = arith.cmpi slt, %rem3A, %lt3A : i32
      %lt3A_61 = arith.constant 0 : i32
      %lt3A_62 = arith.cmpi slt, %select_n3A, %lt3A_61 : i32
      %ne3A_63 = arith.xori %lt3A_60, %lt3A_62 : i1
      %and3A = arith.andi %ne3A_63, %ne3A_59 : i1
      %add3A_64 = arith.addi %rem3A, %select_n3A : i32
      %select_n3A_65 = arith.select %and3A, %add3A_64, %rem3A : i32
      %add3A_66 = arith.constant 1 : i32
      %add3A_67 = arith.addi %scan3A_55, %add3A_66 : i32
      %lt3A_68 = arith.constant 16 : i32
      %lt3A_69 = arith.cmpi slt, %add3A_67, %lt3A_68 : i32
      %convert_element_type3A_70 = arith.extui %lt3A_69 : i1 to i32
      %cond3A_71 = arith.constant 0 : i32
      %cond3A_72 = arith.cmpi ne, %convert_element_type3A_70, %cond3A_71 : i32
      scf.if %cond3A_72 {
        %mul3A_393 = arith.constant 16 : i32
        %mul3A_394 = arith.muli %add3A, %mul3A_393 : i32
        %add3A_395 = arith.addi %mul3A_394, %scan3A_55 : i32
        %add3A_396 = arith.constant 1 : i32
        %add3A_397 = arith.addi %add3A_395, %add3A_396 : i32
        %add3A_398 = arith.constant 1 : i32
        %add3A_399 = arith.addi %scan3A_55, %add3A_398 : i32
        %jit3A_400 = arith.constant 2 : i32
        %eq3A_401 = arith.constant 0 : i32
        %eq3A_402 = arith.cmpi eq, %jit3A_400, %eq3A_401 : i32
        %jit3A_403 = arith.constant 1 : i32
        %select_n3A_404 = arith.select %eq3A_402, %jit3A_403, %jit3A_400 : i32
        %rem3A_405 = arith.remsi %add3A_399, %select_n3A_404 : i32
        %ne3A_406 = arith.constant 0 : i32
        %ne3A_407 = arith.cmpi ne, %rem3A_405, %ne3A_406 : i32
        %lt3A_408 = arith.constant 0 : i32
        %lt3A_409 = arith.cmpi slt, %rem3A_405, %lt3A_408 : i32
        %lt3A_410 = arith.constant 0 : i32
        %lt3A_411 = arith.cmpi slt, %select_n3A_404, %lt3A_410 : i32
        %ne3A_412 = arith.xori %lt3A_409, %lt3A_411 : i1
        %and3A_413 = arith.andi %ne3A_412, %ne3A_407 : i1
        %add3A_414 = arith.addi %rem3A_405, %select_n3A_404 : i32
        %select_n3A_415 = arith.select %and3A_413, %add3A_414, %rem3A_405 : i32
        %dma_start3A_416 = arith.constant 0 : i32
        %dma_start3A_417 = arith.constant 0 : i32
        %dma_start3A_418 = tpu.memref_slice %arg7[%select_n3A_415, %dma_start3A_416, %dma_start3A_417] : memref<2x10x128xi32, #tpu.memory_space<vmem>> -> memref<1x10x128xi32, #tpu.memory_space<vmem>>
        %dma_start3A_419 = tpu.memref_squeeze %dma_start3A_418 : memref<1x10x128xi32, #tpu.memory_space<vmem>> -> memref<10x128xi32, #tpu.memory_space<vmem>>
        %dma_start3A_420 = arith.constant 0 : i32
        %dma_start3A_421 = arith.constant 0 : i32
        %dma_start3A_422 = tpu.memref_slice %arg3[%add3A_397, %dma_start3A_420, %dma_start3A_421] : memref<512x10x128xi32, #tpu.memory_space<hbm>> -> memref<1x10x128xi32, #tpu.memory_space<hbm>>
        %dma_start3A_423 = tpu.memref_squeeze %dma_start3A_422 : memref<1x10x128xi32, #tpu.memory_space<hbm>> -> memref<10x128xi32, #tpu.memory_space<hbm>>
        %dma_start3A_424 = arith.constant 0 : i32
        %dma_start3A_425 = arith.constant 0 : i32
        %dma_start3A_426 = tpu.memref_slice %arg7[%select_n3A_415, %dma_start3A_424, %dma_start3A_425] : memref<2x10x128xi32, #tpu.memory_space<vmem>> -> memref<1x10x128xi32, #tpu.memory_space<vmem>>
        %dma_start3A_427 = tpu.memref_squeeze %dma_start3A_426 : memref<1x10x128xi32, #tpu.memory_space<vmem>> -> memref<10x128xi32, #tpu.memory_space<vmem>>
        %dma_start3A_428 = arith.constant 0 : i32
        %dma_start3A_429 = arith.constant 0 : i32
        %dma_start3A_430 = tpu.memref_slice %arg3[%add3A_397, %dma_start3A_428, %dma_start3A_429] : memref<512x10x128xi32, #tpu.memory_space<hbm>> -> memref<1x10x128xi32, #tpu.memory_space<hbm>>
        %dma_start3A_431 = tpu.memref_squeeze %dma_start3A_430 : memref<1x10x128xi32, #tpu.memory_space<hbm>> -> memref<10x128xi32, #tpu.memory_space<hbm>>
        tpu.enqueue_dma source(%dma_start3A_431 : memref<10x128xi32, #tpu.memory_space<hbm>>) target(%dma_start3A_427 : memref<10x128xi32, #tpu.memory_space<vmem>>) target_semaphore(%arg12 : memref<!tpu.dma_semaphore, #tpu.memory_space<semaphore_mem>>)
        %mul3A_432 = arith.constant 16 : i32
        %mul3A_433 = arith.muli %arg1, %mul3A_432 : i32
        %add3A_434 = arith.addi %mul3A_433, %scan3A_55 : i32
        %add3A_435 = arith.constant 1 : i32
        %add3A_436 = arith.addi %add3A_434, %add3A_435 : i32
        %add3A_437 = arith.constant 1 : i32
        %add3A_438 = arith.addi %scan3A_55, %add3A_437 : i32
        %jit3A_439 = arith.constant 2 : i32
        %eq3A_440 = arith.constant 0 : i32
        %eq3A_441 = arith.cmpi eq, %jit3A_439, %eq3A_440 : i32
        %jit3A_442 = arith.constant 1 : i32
        %select_n3A_443 = arith.select %eq3A_441, %jit3A_442, %jit3A_439 : i32
        %rem3A_444 = arith.remsi %add3A_438, %select_n3A_443 : i32
        %ne3A_445 = arith.constant 0 : i32
        %ne3A_446 = arith.cmpi ne, %rem3A_444, %ne3A_445 : i32
        %lt3A_447 = arith.constant 0 : i32
        %lt3A_448 = arith.cmpi slt, %rem3A_444, %lt3A_447 : i32
        %lt3A_449 = arith.constant 0 : i32
        %lt3A_450 = arith.cmpi slt, %select_n3A_443, %lt3A_449 : i32
        %ne3A_451 = arith.xori %lt3A_448, %lt3A_450 : i1
        %and3A_452 = arith.andi %ne3A_451, %ne3A_446 : i1
        %add3A_453 = arith.addi %rem3A_444, %select_n3A_443 : i32
        %select_n3A_454 = arith.select %and3A_452, %add3A_453, %rem3A_444 : i32
        %dma_start3A_455 = arith.constant 0 : i32
        %dma_start3A_456 = arith.constant 0 : i32
        %dma_start3A_457 = tpu.memref_slice %arg8[%select_n3A_454, %dma_start3A_455, %dma_start3A_456] : memref<2x10x128xi32, #tpu.memory_space<vmem>> -> memref<1x10x128xi32, #tpu.memory_space<vmem>>
        %dma_start3A_458 = tpu.memref_squeeze %dma_start3A_457 : memref<1x10x128xi32, #tpu.memory_space<vmem>> -> memref<10x128xi32, #tpu.memory_space<vmem>>
        %dma_start3A_459 = arith.constant 0 : i32
        %dma_start3A_460 = arith.constant 0 : i32
        %dma_start3A_461 = tpu.memref_slice %arg4[%add3A_436, %dma_start3A_459, %dma_start3A_460] : memref<256x10x128xi32, #tpu.memory_space<hbm>> -> memref<1x10x128xi32, #tpu.memory_space<hbm>>
        %dma_start3A_462 = tpu.memref_squeeze %dma_start3A_461 : memref<1x10x128xi32, #tpu.memory_space<hbm>> -> memref<10x128xi32, #tpu.memory_space<hbm>>
        %dma_start3A_463 = arith.constant 0 : i32
        %dma_start3A_464 = arith.constant 0 : i32
        %dma_start3A_465 = tpu.memref_slice %arg8[%select_n3A_454, %dma_start3A_463, %dma_start3A_464] : memref<2x10x128xi32, #tpu.memory_space<vmem>> -> memref<1x10x128xi32, #tpu.memory_space<vmem>>
        %dma_start3A_466 = tpu.memref_squeeze %dma_start3A_465 : memref<1x10x128xi32, #tpu.memory_space<vmem>> -> memref<10x128xi32, #tpu.memory_space<vmem>>
        %dma_start3A_467 = arith.constant 0 : i32
        %dma_start3A_468 = arith.constant 0 : i32
        %dma_start3A_469 = tpu.memref_slice %arg4[%add3A_436, %dma_start3A_467, %dma_start3A_468] : memref<256x10x128xi32, #tpu.memory_space<hbm>> -> memref<1x10x128xi32, #tpu.memory_space<hbm>>
        %dma_start3A_470 = tpu.memref_squeeze %dma_start3A_469 : memref<1x10x128xi32, #tpu.memory_space<hbm>> -> memref<10x128xi32, #tpu.memory_space<hbm>>
        tpu.enqueue_dma source(%dma_start3A_470 : memref<10x128xi32, #tpu.memory_space<hbm>>) target(%dma_start3A_466 : memref<10x128xi32, #tpu.memory_space<vmem>>) target_semaphore(%arg12 : memref<!tpu.dma_semaphore, #tpu.memory_space<semaphore_mem>>)
      } else {
      }
      %dma_wait3A = arith.constant 0 : i32
      %dma_wait3A_73 = arith.constant 0 : i32
      %dma_wait3A_74 = arith.constant 0 : i32
      %dma_wait3A_75 = tpu.memref_slice %arg9[%dma_wait3A, %dma_wait3A_73, %dma_wait3A_74] : memref<2x128x128xf32, #tpu.memory_space<vmem>> -> memref<1x128x128xf32, #tpu.memory_space<vmem>>
      %dma_wait3A_76 = tpu.memref_squeeze %dma_wait3A_75 : memref<1x128x128xf32, #tpu.memory_space<vmem>> -> memref<128x128xf32, #tpu.memory_space<vmem>>
      %dma_wait3A_77 = arith.constant 0 : i32
      %dma_wait3A_78 = arith.constant 0 : i32
      %dma_wait3A_79 = tpu.memref_slice %arg2[%dma_wait3A_77, %dma_wait3A_78] : memref<20000x128xf32, #tpu.memory_space<hbm>> -> memref<128x128xf32, #tpu.memory_space<hbm>>
      %dma_wait3A_80 = arith.constant 0 : i32
      %dma_wait3A_81 = arith.constant 0 : i32
      %dma_wait3A_82 = tpu.memref_slice %arg9[%dma_wait3A, %dma_wait3A_80, %dma_wait3A_81] : memref<2x128x128xf32, #tpu.memory_space<vmem>> -> memref<1x128x128xf32, #tpu.memory_space<vmem>>
      %dma_wait3A_83 = tpu.memref_squeeze %dma_wait3A_82 : memref<1x128x128xf32, #tpu.memory_space<vmem>> -> memref<128x128xf32, #tpu.memory_space<vmem>>
      %dma_wait3A_84 = arith.constant 0 : i32
      %dma_wait3A_85 = arith.constant 0 : i32
      %dma_wait3A_86 = tpu.memref_slice %arg2[%dma_wait3A_84, %dma_wait3A_85] : memref<20000x128xf32, #tpu.memory_space<hbm>> -> memref<128x128xf32, #tpu.memory_space<hbm>>
      tpu.wait_dma2 semaphore(%arg11 : memref<!tpu.dma_semaphore, #tpu.memory_space<semaphore_mem>>) src(%dma_wait3A_86 : memref<128x128xf32, #tpu.memory_space<hbm>>) dst(%dma_wait3A_83 : memref<128x128xf32, #tpu.memory_space<vmem>>)
      %dma_start3A_87 = arith.constant 1 : i32
      %dma_start3A_88 = arith.constant 1 : i32
      %dma_start3A_89 = arith.constant 0 : i32
      %dma_start3A_90 = arith.constant 0 : i32
      %dma_start3A_91 = tpu.memref_slice %arg9[%dma_start3A_88, %dma_start3A_89, %dma_start3A_90] : memref<2x128x128xf32, #tpu.memory_space<vmem>> -> memref<1x128x128xf32, #tpu.memory_space<vmem>>
      %dma_start3A_92 = tpu.memref_squeeze %dma_start3A_91 : memref<1x128x128xf32, #tpu.memory_space<vmem>> -> memref<128x128xf32, #tpu.memory_space<vmem>>
      %dma_start3A_93 = arith.constant 0 : i32
      %dma_start3A_94 = arith.constant 0 : i32
      %dma_start3A_95 = tpu.memref_slice %arg7[%select_n3A_65, %dma_start3A_93, %dma_start3A_94] : memref<2x10x128xi32, #tpu.memory_space<vmem>> -> memref<1x10x128xi32, #tpu.memory_space<vmem>>
      %dma_start3A_96 = tpu.memref_squeeze %dma_start3A_95 : memref<1x10x128xi32, #tpu.memory_space<vmem>> -> memref<10x128xi32, #tpu.memory_space<vmem>>
      %dma_start3A_97 = arith.constant 0 : i32
      %dma_start3A_98 = tpu.memref_slice %dma_start3A_96[%dma_start3A_87, %dma_start3A_97] : memref<10x128xi32, #tpu.memory_space<vmem>> -> memref<1x128xi32, #tpu.memory_space<vmem>>
      %dma_start3A_99 = tpu.memref_squeeze %dma_start3A_98 : memref<1x128xi32, #tpu.memory_space<vmem>> -> memref<128xi32, #tpu.memory_space<vmem>>
      %dma_start3A_100 = arith.constant 0 : i32
      %dma_start3A_101 = arith.constant 0 : i32
      %dma_start3A_102 = tpu.memref_slice %arg2[%dma_start3A_100, %dma_start3A_101] : memref<20000x128xf32, #tpu.memory_space<hbm>> -> memref<20000x128xf32, #tpu.memory_space<hbm>>
      tpu.enqueue_indirect_dma source(%dma_start3A_102 : memref<20000x128xf32, #tpu.memory_space<hbm>>) target(%dma_start3A_92 : memref<128x128xf32, #tpu.memory_space<vmem>>) offsets(%dma_start3A_99 : memref<128xi32, #tpu.memory_space<vmem>>) semaphore(%arg11 : memref<!tpu.dma_semaphore, #tpu.memory_space<semaphore_mem>>)
      %run_scoped3A_103 = arith.constant 0 : i32
      %run_scoped3A_104 = arith.constant 0 : i32
      "tpu.region"() ({
        %run_scoped3A_393 = tpu.sem_alloc : memref<!tpu.dma_semaphore, #tpu.memory_space<semaphore_mem>>
        %dma_start3A_394 = arith.constant 0 : i32
        %dma_start3A_395 = arith.constant 0 : i32
        %dma_start3A_396 = tpu.memref_slice %arg9[%run_scoped3A_103, %dma_start3A_394, %dma_start3A_395] : memref<2x128x128xf32, #tpu.memory_space<vmem>> -> memref<1x128x128xf32, #tpu.memory_space<vmem>>
        %dma_start3A_397 = tpu.memref_squeeze %dma_start3A_396 : memref<1x128x128xf32, #tpu.memory_space<vmem>> -> memref<128x128xf32, #tpu.memory_space<vmem>>
        %dma_start3A_398 = arith.constant 0 : i32
        %dma_start3A_399 = arith.constant 0 : i32
        %dma_start3A_400 = tpu.memref_slice %arg8[%select_n3A_65, %dma_start3A_398, %dma_start3A_399] : memref<2x10x128xi32, #tpu.memory_space<vmem>> -> memref<1x10x128xi32, #tpu.memory_space<vmem>>
        %dma_start3A_401 = tpu.memref_squeeze %dma_start3A_400 : memref<1x10x128xi32, #tpu.memory_space<vmem>> -> memref<10x128xi32, #tpu.memory_space<vmem>>
        %dma_start3A_402 = arith.constant 0 : i32
        %dma_start3A_403 = tpu.memref_slice %dma_start3A_401[%run_scoped3A_104, %dma_start3A_402] : memref<10x128xi32, #tpu.memory_space<vmem>> -> memref<1x128xi32, #tpu.memory_space<vmem>>
        %dma_start3A_404 = tpu.memref_squeeze %dma_start3A_403 : memref<1x128xi32, #tpu.memory_space<vmem>> -> memref<128xi32, #tpu.memory_space<vmem>>
        %dma_start3A_405 = arith.constant 0 : i32
        %dma_start3A_406 = arith.constant 0 : i32
        %dma_start3A_407 = tpu.memref_slice %arg10[%dma_start3A_405, %dma_start3A_406] : memref<10008x128xf32, #tpu.memory_space<vmem_shared>> -> memref<10008x128xf32, #tpu.memory_space<vmem_shared>>
        tpu.enqueue_indirect_dma source(%dma_start3A_397 : memref<128x128xf32, #tpu.memory_space<vmem>>) target(%dma_start3A_407 : memref<10008x128xf32, #tpu.memory_space<vmem_shared>>) offsets(%dma_start3A_404 : memref<128xi32, #tpu.memory_space<vmem>>) semaphore(%run_scoped3A_393 : memref<!tpu.dma_semaphore, #tpu.memory_space<semaphore_mem>>) {add = true}
        %dma_wait3A_408 = arith.constant 0 : i32
        %dma_wait3A_409 = arith.constant 0 : i32
        %dma_wait3A_410 = tpu.memref_slice %arg9[%run_scoped3A_103, %dma_wait3A_408, %dma_wait3A_409] : memref<2x128x128xf32, #tpu.memory_space<vmem>> -> memref<1x128x128xf32, #tpu.memory_space<vmem>>
        %dma_wait3A_411 = tpu.memref_squeeze %dma_wait3A_410 : memref<1x128x128xf32, #tpu.memory_space<vmem>> -> memref<128x128xf32, #tpu.memory_space<vmem>>
        %dma_wait3A_412 = arith.constant 0 : i32
        %dma_wait3A_413 = arith.constant 0 : i32
        %dma_wait3A_414 = tpu.memref_slice %arg8[%select_n3A_65, %dma_wait3A_412, %dma_wait3A_413] : memref<2x10x128xi32, #tpu.memory_space<vmem>> -> memref<1x10x128xi32, #tpu.memory_space<vmem>>
        %dma_wait3A_415 = tpu.memref_squeeze %dma_wait3A_414 : memref<1x10x128xi32, #tpu.memory_space<vmem>> -> memref<10x128xi32, #tpu.memory_space<vmem>>
        %dma_wait3A_416 = arith.constant 0 : i32
        %dma_wait3A_417 = tpu.memref_slice %dma_wait3A_415[%run_scoped3A_104, %dma_wait3A_416] : memref<10x128xi32, #tpu.memory_space<vmem>> -> memref<1x128xi32, #tpu.memory_space<vmem>>
        %dma_wait3A_418 = tpu.memref_squeeze %dma_wait3A_417 : memref<1x128xi32, #tpu.memory_space<vmem>> -> memref<128xi32, #tpu.memory_space<vmem>>
        %dma_wait3A_419 = arith.constant 0 : i32
        %dma_wait3A_420 = arith.constant 0 : i32
        %dma_wait3A_421 = tpu.memref_slice %arg10[%dma_wait3A_419, %dma_wait3A_420] : memref<10008x128xf32, #tpu.memory_space<vmem_shared>> -> memref<10008x128xf32, #tpu.memory_space<vmem_shared>>
        tpu.wait_indirect_dma semaphore(%run_scoped3A_393 : memref<!tpu.dma_semaphore, #tpu.memory_space<semaphore_mem>>) src(%dma_wait3A_411 : memref<128x128xf32, #tpu.memory_space<vmem>>) dst(%dma_wait3A_421 : memref<10008x128xf32, #tpu.memory_space<vmem_shared>>)
        tpu.yield
      }) : () -> ()
      %dma_wait3A_105 = arith.constant 1 : i32
      %dma_wait3A_106 = arith.constant 0 : i32
      %dma_wait3A_107 = arith.constant 0 : i32
      %dma_wait3A_108 = tpu.memref_slice %arg9[%dma_wait3A_105, %dma_wait3A_106, %dma_wait3A_107] : memref<2x128x128xf32, #tpu.memory_space<vmem>> -> memref<1x128x128xf32, #tpu.memory_space<vmem>>
      %dma_wait3A_109 = tpu.memref_squeeze %dma_wait3A_108 : memref<1x128x128xf32, #tpu.memory_space<vmem>> -> memref<128x128xf32, #tpu.memory_space<vmem>>
      %dma_wait3A_110 = arith.constant 0 : i32
      %dma_wait3A_111 = arith.constant 0 : i32
      %dma_wait3A_112 = tpu.memref_slice %arg2[%dma_wait3A_110, %dma_wait3A_111] : memref<20000x128xf32, #tpu.memory_space<hbm>> -> memref<128x128xf32, #tpu.memory_space<hbm>>
      %dma_wait3A_113 = arith.constant 0 : i32
      %dma_wait3A_114 = arith.constant 0 : i32
      %dma_wait3A_115 = tpu.memref_slice %arg9[%dma_wait3A_105, %dma_wait3A_113, %dma_wait3A_114] : memref<2x128x128xf32, #tpu.memory_space<vmem>> -> memref<1x128x128xf32, #tpu.memory_space<vmem>>
      %dma_wait3A_116 = tpu.memref_squeeze %dma_wait3A_115 : memref<1x128x128xf32, #tpu.memory_space<vmem>> -> memref<128x128xf32, #tpu.memory_space<vmem>>
      %dma_wait3A_117 = arith.constant 0 : i32
      %dma_wait3A_118 = arith.constant 0 : i32
      %dma_wait3A_119 = tpu.memref_slice %arg2[%dma_wait3A_117, %dma_wait3A_118] : memref<20000x128xf32, #tpu.memory_space<hbm>> -> memref<128x128xf32, #tpu.memory_space<hbm>>
      tpu.wait_dma2 semaphore(%arg11 : memref<!tpu.dma_semaphore, #tpu.memory_space<semaphore_mem>>) src(%dma_wait3A_119 : memref<128x128xf32, #tpu.memory_space<hbm>>) dst(%dma_wait3A_116 : memref<128x128xf32, #tpu.memory_space<vmem>>)
      %dma_start3A_120 = arith.constant 2 : i32
      %dma_start3A_121 = arith.constant 0 : i32
      %dma_start3A_122 = arith.constant 0 : i32
      %dma_start3A_123 = arith.constant 0 : i32
      %dma_start3A_124 = tpu.memref_slice %arg9[%dma_start3A_121, %dma_start3A_122, %dma_start3A_123] : memref<2x128x128xf32, #tpu.memory_space<vmem>> -> memref<1x128x128xf32, #tpu.memory_space<vmem>>
      %dma_start3A_125 = tpu.memref_squeeze %dma_start3A_124 : memref<1x128x128xf32, #tpu.memory_space<vmem>> -> memref<128x128xf32, #tpu.memory_space<vmem>>
      %dma_start3A_126 = arith.constant 0 : i32
      %dma_start3A_127 = arith.constant 0 : i32
      %dma_start3A_128 = tpu.memref_slice %arg7[%select_n3A_65, %dma_start3A_126, %dma_start3A_127] : memref<2x10x128xi32, #tpu.memory_space<vmem>> -> memref<1x10x128xi32, #tpu.memory_space<vmem>>
      %dma_start3A_129 = tpu.memref_squeeze %dma_start3A_128 : memref<1x10x128xi32, #tpu.memory_space<vmem>> -> memref<10x128xi32, #tpu.memory_space<vmem>>
      %dma_start3A_130 = arith.constant 0 : i32
      %dma_start3A_131 = tpu.memref_slice %dma_start3A_129[%dma_start3A_120, %dma_start3A_130] : memref<10x128xi32, #tpu.memory_space<vmem>> -> memref<1x128xi32, #tpu.memory_space<vmem>>
      %dma_start3A_132 = tpu.memref_squeeze %dma_start3A_131 : memref<1x128xi32, #tpu.memory_space<vmem>> -> memref<128xi32, #tpu.memory_space<vmem>>
      %dma_start3A_133 = arith.constant 0 : i32
      %dma_start3A_134 = arith.constant 0 : i32
      %dma_start3A_135 = tpu.memref_slice %arg2[%dma_start3A_133, %dma_start3A_134] : memref<20000x128xf32, #tpu.memory_space<hbm>> -> memref<20000x128xf32, #tpu.memory_space<hbm>>
      tpu.enqueue_indirect_dma source(%dma_start3A_135 : memref<20000x128xf32, #tpu.memory_space<hbm>>) target(%dma_start3A_125 : memref<128x128xf32, #tpu.memory_space<vmem>>) offsets(%dma_start3A_132 : memref<128xi32, #tpu.memory_space<vmem>>) semaphore(%arg11 : memref<!tpu.dma_semaphore, #tpu.memory_space<semaphore_mem>>)
      %run_scoped3A_136 = arith.constant 1 : i32
      %run_scoped3A_137 = arith.constant 1 : i32
      "tpu.region"() ({
        %run_scoped3A_393 = tpu.sem_alloc : memref<!tpu.dma_semaphore, #tpu.memory_space<semaphore_mem>>
        %dma_start3A_394 = arith.constant 0 : i32
        %dma_start3A_395 = arith.constant 0 : i32
        %dma_start3A_396 = tpu.memref_slice %arg9[%run_scoped3A_136, %dma_start3A_394, %dma_start3A_395] : memref<2x128x128xf32, #tpu.memory_space<vmem>> -> memref<1x128x128xf32, #tpu.memory_space<vmem>>
        %dma_start3A_397 = tpu.memref_squeeze %dma_start3A_396 : memref<1x128x128xf32, #tpu.memory_space<vmem>> -> memref<128x128xf32, #tpu.memory_space<vmem>>
        %dma_start3A_398 = arith.constant 0 : i32
        %dma_start3A_399 = arith.constant 0 : i32
        %dma_start3A_400 = tpu.memref_slice %arg8[%select_n3A_65, %dma_start3A_398, %dma_start3A_399] : memref<2x10x128xi32, #tpu.memory_space<vmem>> -> memref<1x10x128xi32, #tpu.memory_space<vmem>>
        %dma_start3A_401 = tpu.memref_squeeze %dma_start3A_400 : memref<1x10x128xi32, #tpu.memory_space<vmem>> -> memref<10x128xi32, #tpu.memory_space<vmem>>
        %dma_start3A_402 = arith.constant 0 : i32
        %dma_start3A_403 = tpu.memref_slice %dma_start3A_401[%run_scoped3A_137, %dma_start3A_402] : memref<10x128xi32, #tpu.memory_space<vmem>> -> memref<1x128xi32, #tpu.memory_space<vmem>>
        %dma_start3A_404 = tpu.memref_squeeze %dma_start3A_403 : memref<1x128xi32, #tpu.memory_space<vmem>> -> memref<128xi32, #tpu.memory_space<vmem>>
        %dma_start3A_405 = arith.constant 0 : i32
        %dma_start3A_406 = arith.constant 0 : i32
        %dma_start3A_407 = tpu.memref_slice %arg10[%dma_start3A_405, %dma_start3A_406] : memref<10008x128xf32, #tpu.memory_space<vmem_shared>> -> memref<10008x128xf32, #tpu.memory_space<vmem_shared>>
        tpu.enqueue_indirect_dma source(%dma_start3A_397 : memref<128x128xf32, #tpu.memory_space<vmem>>) target(%dma_start3A_407 : memref<10008x128xf32, #tpu.memory_space<vmem_shared>>) offsets(%dma_start3A_404 : memref<128xi32, #tpu.memory_space<vmem>>) semaphore(%run_scoped3A_393 : memref<!tpu.dma_semaphore, #tpu.memory_space<semaphore_mem>>) {add = true}
        %dma_wait3A_408 = arith.constant 0 : i32
        %dma_wait3A_409 = arith.constant 0 : i32
        %dma_wait3A_410 = tpu.memref_slice %arg9[%run_scoped3A_136, %dma_wait3A_408, %dma_wait3A_409] : memref<2x128x128xf32, #tpu.memory_space<vmem>> -> memref<1x128x128xf32, #tpu.memory_space<vmem>>
        %dma_wait3A_411 = tpu.memref_squeeze %dma_wait3A_410 : memref<1x128x128xf32, #tpu.memory_space<vmem>> -> memref<128x128xf32, #tpu.memory_space<vmem>>
        %dma_wait3A_412 = arith.constant 0 : i32
        %dma_wait3A_413 = arith.constant 0 : i32
        %dma_wait3A_414 = tpu.memref_slice %arg8[%select_n3A_65, %dma_wait3A_412, %dma_wait3A_413] : memref<2x10x128xi32, #tpu.memory_space<vmem>> -> memref<1x10x128xi32, #tpu.memory_space<vmem>>
        %dma_wait3A_415 = tpu.memref_squeeze %dma_wait3A_414 : memref<1x10x128xi32, #tpu.memory_space<vmem>> -> memref<10x128xi32, #tpu.memory_space<vmem>>
        %dma_wait3A_416 = arith.constant 0 : i32
        %dma_wait3A_417 = tpu.memref_slice %dma_wait3A_415[%run_scoped3A_137, %dma_wait3A_416] : memref<10x128xi32, #tpu.memory_space<vmem>> -> memref<1x128xi32, #tpu.memory_space<vmem>>
        %dma_wait3A_418 = tpu.memref_squeeze %dma_wait3A_417 : memref<1x128xi32, #tpu.memory_space<vmem>> -> memref<128xi32, #tpu.memory_space<vmem>>
        %dma_wait3A_419 = arith.constant 0 : i32
        %dma_wait3A_420 = arith.constant 0 : i32
        %dma_wait3A_421 = tpu.memref_slice %arg10[%dma_wait3A_419, %dma_wait3A_420] : memref<10008x128xf32, #tpu.memory_space<vmem_shared>> -> memref<10008x128xf32, #tpu.memory_space<vmem_shared>>
        tpu.wait_indirect_dma semaphore(%run_scoped3A_393 : memref<!tpu.dma_semaphore, #tpu.memory_space<semaphore_mem>>) src(%dma_wait3A_411 : memref<128x128xf32, #tpu.memory_space<vmem>>) dst(%dma_wait3A_421 : memref<10008x128xf32, #tpu.memory_space<vmem_shared>>)
        tpu.yield
      }) : () -> ()
      %dma_wait3A_138 = arith.constant 0 : i32
      %dma_wait3A_139 = arith.constant 0 : i32
      %dma_wait3A_140 = arith.constant 0 : i32
      %dma_wait3A_141 = tpu.memref_slice %arg9[%dma_wait3A_138, %dma_wait3A_139, %dma_wait3A_140] : memref<2x128x128xf32, #tpu.memory_space<vmem>> -> memref<1x128x128xf32, #tpu.memory_space<vmem>>
      %dma_wait3A_142 = tpu.memref_squeeze %dma_wait3A_141 : memref<1x128x128xf32, #tpu.memory_space<vmem>> -> memref<128x128xf32, #tpu.memory_space<vmem>>
      %dma_wait3A_143 = arith.constant 0 : i32
      %dma_wait3A_144 = arith.constant 0 : i32
      %dma_wait3A_145 = tpu.memref_slice %arg2[%dma_wait3A_143, %dma_wait3A_144] : memref<20000x128xf32, #tpu.memory_space<hbm>> -> memref<128x128xf32, #tpu.memory_space<hbm>>
      %dma_wait3A_146 = arith.constant 0 : i32
      %dma_wait3A_147 = arith.constant 0 : i32
      %dma_wait3A_148 = tpu.memref_slice %arg9[%dma_wait3A_138, %dma_wait3A_146, %dma_wait3A_147] : memref<2x128x128xf32, #tpu.memory_space<vmem>> -> memref<1x128x128xf32, #tpu.memory_space<vmem>>
      %dma_wait3A_149 = tpu.memref_squeeze %dma_wait3A_148 : memref<1x128x128xf32, #tpu.memory_space<vmem>> -> memref<128x128xf32, #tpu.memory_space<vmem>>
      %dma_wait3A_150 = arith.constant 0 : i32
      %dma_wait3A_151 = arith.constant 0 : i32
      %dma_wait3A_152 = tpu.memref_slice %arg2[%dma_wait3A_150, %dma_wait3A_151] : memref<20000x128xf32, #tpu.memory_space<hbm>> -> memref<128x128xf32, #tpu.memory_space<hbm>>
      tpu.wait_dma2 semaphore(%arg11 : memref<!tpu.dma_semaphore, #tpu.memory_space<semaphore_mem>>) src(%dma_wait3A_152 : memref<128x128xf32, #tpu.memory_space<hbm>>) dst(%dma_wait3A_149 : memref<128x128xf32, #tpu.memory_space<vmem>>)
      %dma_start3A_153 = arith.constant 3 : i32
      %dma_start3A_154 = arith.constant 1 : i32
      %dma_start3A_155 = arith.constant 0 : i32
      %dma_start3A_156 = arith.constant 0 : i32
      %dma_start3A_157 = tpu.memref_slice %arg9[%dma_start3A_154, %dma_start3A_155, %dma_start3A_156] : memref<2x128x128xf32, #tpu.memory_space<vmem>> -> memref<1x128x128xf32, #tpu.memory_space<vmem>>
      %dma_start3A_158 = tpu.memref_squeeze %dma_start3A_157 : memref<1x128x128xf32, #tpu.memory_space<vmem>> -> memref<128x128xf32, #tpu.memory_space<vmem>>
      %dma_start3A_159 = arith.constant 0 : i32
      %dma_start3A_160 = arith.constant 0 : i32
      %dma_start3A_161 = tpu.memref_slice %arg7[%select_n3A_65, %dma_start3A_159, %dma_start3A_160] : memref<2x10x128xi32, #tpu.memory_space<vmem>> -> memref<1x10x128xi32, #tpu.memory_space<vmem>>
      %dma_start3A_162 = tpu.memref_squeeze %dma_start3A_161 : memref<1x10x128xi32, #tpu.memory_space<vmem>> -> memref<10x128xi32, #tpu.memory_space<vmem>>
      %dma_start3A_163 = arith.constant 0 : i32
      %dma_start3A_164 = tpu.memref_slice %dma_start3A_162[%dma_start3A_153, %dma_start3A_163] : memref<10x128xi32, #tpu.memory_space<vmem>> -> memref<1x128xi32, #tpu.memory_space<vmem>>
      %dma_start3A_165 = tpu.memref_squeeze %dma_start3A_164 : memref<1x128xi32, #tpu.memory_space<vmem>> -> memref<128xi32, #tpu.memory_space<vmem>>
      %dma_start3A_166 = arith.constant 0 : i32
      %dma_start3A_167 = arith.constant 0 : i32
      %dma_start3A_168 = tpu.memref_slice %arg2[%dma_start3A_166, %dma_start3A_167] : memref<20000x128xf32, #tpu.memory_space<hbm>> -> memref<20000x128xf32, #tpu.memory_space<hbm>>
      tpu.enqueue_indirect_dma source(%dma_start3A_168 : memref<20000x128xf32, #tpu.memory_space<hbm>>) target(%dma_start3A_158 : memref<128x128xf32, #tpu.memory_space<vmem>>) offsets(%dma_start3A_165 : memref<128xi32, #tpu.memory_space<vmem>>) semaphore(%arg11 : memref<!tpu.dma_semaphore, #tpu.memory_space<semaphore_mem>>)
      %run_scoped3A_169 = arith.constant 0 : i32
      %run_scoped3A_170 = arith.constant 2 : i32
      "tpu.region"() ({
        %run_scoped3A_393 = tpu.sem_alloc : memref<!tpu.dma_semaphore, #tpu.memory_space<semaphore_mem>>
        %dma_start3A_394 = arith.constant 0 : i32
        %dma_start3A_395 = arith.constant 0 : i32
        %dma_start3A_396 = tpu.memref_slice %arg9[%run_scoped3A_169, %dma_start3A_394, %dma_start3A_395] : memref<2x128x128xf32, #tpu.memory_space<vmem>> -> memref<1x128x128xf32, #tpu.memory_space<vmem>>
        %dma_start3A_397 = tpu.memref_squeeze %dma_start3A_396 : memref<1x128x128xf32, #tpu.memory_space<vmem>> -> memref<128x128xf32, #tpu.memory_space<vmem>>
        %dma_start3A_398 = arith.constant 0 : i32
        %dma_start3A_399 = arith.constant 0 : i32
        %dma_start3A_400 = tpu.memref_slice %arg8[%select_n3A_65, %dma_start3A_398, %dma_start3A_399] : memref<2x10x128xi32, #tpu.memory_space<vmem>> -> memref<1x10x128xi32, #tpu.memory_space<vmem>>
        %dma_start3A_401 = tpu.memref_squeeze %dma_start3A_400 : memref<1x10x128xi32, #tpu.memory_space<vmem>> -> memref<10x128xi32, #tpu.memory_space<vmem>>
        %dma_start3A_402 = arith.constant 0 : i32
        %dma_start3A_403 = tpu.memref_slice %dma_start3A_401[%run_scoped3A_170, %dma_start3A_402] : memref<10x128xi32, #tpu.memory_space<vmem>> -> memref<1x128xi32, #tpu.memory_space<vmem>>
        %dma_start3A_404 = tpu.memref_squeeze %dma_start3A_403 : memref<1x128xi32, #tpu.memory_space<vmem>> -> memref<128xi32, #tpu.memory_space<vmem>>
        %dma_start3A_405 = arith.constant 0 : i32
        %dma_start3A_406 = arith.constant 0 : i32
        %dma_start3A_407 = tpu.memref_slice %arg10[%dma_start3A_405, %dma_start3A_406] : memref<10008x128xf32, #tpu.memory_space<vmem_shared>> -> memref<10008x128xf32, #tpu.memory_space<vmem_shared>>
        tpu.enqueue_indirect_dma source(%dma_start3A_397 : memref<128x128xf32, #tpu.memory_space<vmem>>) target(%dma_start3A_407 : memref<10008x128xf32, #tpu.memory_space<vmem_shared>>) offsets(%dma_start3A_404 : memref<128xi32, #tpu.memory_space<vmem>>) semaphore(%run_scoped3A_393 : memref<!tpu.dma_semaphore, #tpu.memory_space<semaphore_mem>>) {add = true}
        %dma_wait3A_408 = arith.constant 0 : i32
        %dma_wait3A_409 = arith.constant 0 : i32
        %dma_wait3A_410 = tpu.memref_slice %arg9[%run_scoped3A_169, %dma_wait3A_408, %dma_wait3A_409] : memref<2x128x128xf32, #tpu.memory_space<vmem>> -> memref<1x128x128xf32, #tpu.memory_space<vmem>>
        %dma_wait3A_411 = tpu.memref_squeeze %dma_wait3A_410 : memref<1x128x128xf32, #tpu.memory_space<vmem>> -> memref<128x128xf32, #tpu.memory_space<vmem>>
        %dma_wait3A_412 = arith.constant 0 : i32
        %dma_wait3A_413 = arith.constant 0 : i32
        %dma_wait3A_414 = tpu.memref_slice %arg8[%select_n3A_65, %dma_wait3A_412, %dma_wait3A_413] : memref<2x10x128xi32, #tpu.memory_space<vmem>> -> memref<1x10x128xi32, #tpu.memory_space<vmem>>
        %dma_wait3A_415 = tpu.memref_squeeze %dma_wait3A_414 : memref<1x10x128xi32, #tpu.memory_space<vmem>> -> memref<10x128xi32, #tpu.memory_space<vmem>>
        %dma_wait3A_416 = arith.constant 0 : i32
        %dma_wait3A_417 = tpu.memref_slice %dma_wait3A_415[%run_scoped3A_170, %dma_wait3A_416] : memref<10x128xi32, #tpu.memory_space<vmem>> -> memref<1x128xi32, #tpu.memory_space<vmem>>
        %dma_wait3A_418 = tpu.memref_squeeze %dma_wait3A_417 : memref<1x128xi32, #tpu.memory_space<vmem>> -> memref<128xi32, #tpu.memory_space<vmem>>
        %dma_wait3A_419 = arith.constant 0 : i32
        %dma_wait3A_420 = arith.constant 0 : i32
        %dma_wait3A_421 = tpu.memref_slice %arg10[%dma_wait3A_419, %dma_wait3A_420] : memref<10008x128xf32, #tpu.memory_space<vmem_shared>> -> memref<10008x128xf32, #tpu.memory_space<vmem_shared>>
        tpu.wait_indirect_dma semaphore(%run_scoped3A_393 : memref<!tpu.dma_semaphore, #tpu.memory_space<semaphore_mem>>) src(%dma_wait3A_411 : memref<128x128xf32, #tpu.memory_space<vmem>>) dst(%dma_wait3A_421 : memref<10008x128xf32, #tpu.memory_space<vmem_shared>>)
        tpu.yield
      }) : () -> ()
      %dma_wait3A_171 = arith.constant 1 : i32
      %dma_wait3A_172 = arith.constant 0 : i32
      %dma_wait3A_173 = arith.constant 0 : i32
      %dma_wait3A_174 = tpu.memref_slice %arg9[%dma_wait3A_171, %dma_wait3A_172, %dma_wait3A_173] : memref<2x128x128xf32, #tpu.memory_space<vmem>> -> memref<1x128x128xf32, #tpu.memory_space<vmem>>
      %dma_wait3A_175 = tpu.memref_squeeze %dma_wait3A_174 : memref<1x128x128xf32, #tpu.memory_space<vmem>> -> memref<128x128xf32, #tpu.memory_space<vmem>>
      %dma_wait3A_176 = arith.constant 0 : i32
      %dma_wait3A_177 = arith.constant 0 : i32
      %dma_wait3A_178 = tpu.memref_slice %arg2[%dma_wait3A_176, %dma_wait3A_177] : memref<20000x128xf32, #tpu.memory_space<hbm>> -> memref<128x128xf32, #tpu.memory_space<hbm>>
      %dma_wait3A_179 = arith.constant 0 : i32
      %dma_wait3A_180 = arith.constant 0 : i32
      %dma_wait3A_181 = tpu.memref_slice %arg9[%dma_wait3A_171, %dma_wait3A_179, %dma_wait3A_180] : memref<2x128x128xf32, #tpu.memory_space<vmem>> -> memref<1x128x128xf32, #tpu.memory_space<vmem>>
      %dma_wait3A_182 = tpu.memref_squeeze %dma_wait3A_181 : memref<1x128x128xf32, #tpu.memory_space<vmem>> -> memref<128x128xf32, #tpu.memory_space<vmem>>
      %dma_wait3A_183 = arith.constant 0 : i32
      %dma_wait3A_184 = arith.constant 0 : i32
      %dma_wait3A_185 = tpu.memref_slice %arg2[%dma_wait3A_183, %dma_wait3A_184] : memref<20000x128xf32, #tpu.memory_space<hbm>> -> memref<128x128xf32, #tpu.memory_space<hbm>>
      tpu.wait_dma2 semaphore(%arg11 : memref<!tpu.dma_semaphore, #tpu.memory_space<semaphore_mem>>) src(%dma_wait3A_185 : memref<128x128xf32, #tpu.memory_space<hbm>>) dst(%dma_wait3A_182 : memref<128x128xf32, #tpu.memory_space<vmem>>)
      %dma_start3A_186 = arith.constant 4 : i32
      %dma_start3A_187 = arith.constant 0 : i32
      %dma_start3A_188 = arith.constant 0 : i32
      %dma_start3A_189 = arith.constant 0 : i32
      %dma_start3A_190 = tpu.memref_slice %arg9[%dma_start3A_187, %dma_start3A_188, %dma_start3A_189] : memref<2x128x128xf32, #tpu.memory_space<vmem>> -> memref<1x128x128xf32, #tpu.memory_space<vmem>>
      %dma_start3A_191 = tpu.memref_squeeze %dma_start3A_190 : memref<1x128x128xf32, #tpu.memory_space<vmem>> -> memref<128x128xf32, #tpu.memory_space<vmem>>
      %dma_start3A_192 = arith.constant 0 : i32
      %dma_start3A_193 = arith.constant 0 : i32
      %dma_start3A_194 = tpu.memref_slice %arg7[%select_n3A_65, %dma_start3A_192, %dma_start3A_193] : memref<2x10x128xi32, #tpu.memory_space<vmem>> -> memref<1x10x128xi32, #tpu.memory_space<vmem>>
      %dma_start3A_195 = tpu.memref_squeeze %dma_start3A_194 : memref<1x10x128xi32, #tpu.memory_space<vmem>> -> memref<10x128xi32, #tpu.memory_space<vmem>>
      %dma_start3A_196 = arith.constant 0 : i32
      %dma_start3A_197 = tpu.memref_slice %dma_start3A_195[%dma_start3A_186, %dma_start3A_196] : memref<10x128xi32, #tpu.memory_space<vmem>> -> memref<1x128xi32, #tpu.memory_space<vmem>>
      %dma_start3A_198 = tpu.memref_squeeze %dma_start3A_197 : memref<1x128xi32, #tpu.memory_space<vmem>> -> memref<128xi32, #tpu.memory_space<vmem>>
      %dma_start3A_199 = arith.constant 0 : i32
      %dma_start3A_200 = arith.constant 0 : i32
      %dma_start3A_201 = tpu.memref_slice %arg2[%dma_start3A_199, %dma_start3A_200] : memref<20000x128xf32, #tpu.memory_space<hbm>> -> memref<20000x128xf32, #tpu.memory_space<hbm>>
      tpu.enqueue_indirect_dma source(%dma_start3A_201 : memref<20000x128xf32, #tpu.memory_space<hbm>>) target(%dma_start3A_191 : memref<128x128xf32, #tpu.memory_space<vmem>>) offsets(%dma_start3A_198 : memref<128xi32, #tpu.memory_space<vmem>>) semaphore(%arg11 : memref<!tpu.dma_semaphore, #tpu.memory_space<semaphore_mem>>)
      %run_scoped3A_202 = arith.constant 1 : i32
      %run_scoped3A_203 = arith.constant 3 : i32
      "tpu.region"() ({
        %run_scoped3A_393 = tpu.sem_alloc : memref<!tpu.dma_semaphore, #tpu.memory_space<semaphore_mem>>
        %dma_start3A_394 = arith.constant 0 : i32
        %dma_start3A_395 = arith.constant 0 : i32
        %dma_start3A_396 = tpu.memref_slice %arg9[%run_scoped3A_202, %dma_start3A_394, %dma_start3A_395] : memref<2x128x128xf32, #tpu.memory_space<vmem>> -> memref<1x128x128xf32, #tpu.memory_space<vmem>>
        %dma_start3A_397 = tpu.memref_squeeze %dma_start3A_396 : memref<1x128x128xf32, #tpu.memory_space<vmem>> -> memref<128x128xf32, #tpu.memory_space<vmem>>
        %dma_start3A_398 = arith.constant 0 : i32
        %dma_start3A_399 = arith.constant 0 : i32
        %dma_start3A_400 = tpu.memref_slice %arg8[%select_n3A_65, %dma_start3A_398, %dma_start3A_399] : memref<2x10x128xi32, #tpu.memory_space<vmem>> -> memref<1x10x128xi32, #tpu.memory_space<vmem>>
        %dma_start3A_401 = tpu.memref_squeeze %dma_start3A_400 : memref<1x10x128xi32, #tpu.memory_space<vmem>> -> memref<10x128xi32, #tpu.memory_space<vmem>>
        %dma_start3A_402 = arith.constant 0 : i32
        %dma_start3A_403 = tpu.memref_slice %dma_start3A_401[%run_scoped3A_203, %dma_start3A_402] : memref<10x128xi32, #tpu.memory_space<vmem>> -> memref<1x128xi32, #tpu.memory_space<vmem>>
        %dma_start3A_404 = tpu.memref_squeeze %dma_start3A_403 : memref<1x128xi32, #tpu.memory_space<vmem>> -> memref<128xi32, #tpu.memory_space<vmem>>
        %dma_start3A_405 = arith.constant 0 : i32
        %dma_start3A_406 = arith.constant 0 : i32
        %dma_start3A_407 = tpu.memref_slice %arg10[%dma_start3A_405, %dma_start3A_406] : memref<10008x128xf32, #tpu.memory_space<vmem_shared>> -> memref<10008x128xf32, #tpu.memory_space<vmem_shared>>
        tpu.enqueue_indirect_dma source(%dma_start3A_397 : memref<128x128xf32, #tpu.memory_space<vmem>>) target(%dma_start3A_407 : memref<10008x128xf32, #tpu.memory_space<vmem_shared>>) offsets(%dma_start3A_404 : memref<128xi32, #tpu.memory_space<vmem>>) semaphore(%run_scoped3A_393 : memref<!tpu.dma_semaphore, #tpu.memory_space<semaphore_mem>>) {add = true}
        %dma_wait3A_408 = arith.constant 0 : i32
        %dma_wait3A_409 = arith.constant 0 : i32
        %dma_wait3A_410 = tpu.memref_slice %arg9[%run_scoped3A_202, %dma_wait3A_408, %dma_wait3A_409] : memref<2x128x128xf32, #tpu.memory_space<vmem>> -> memref<1x128x128xf32, #tpu.memory_space<vmem>>
        %dma_wait3A_411 = tpu.memref_squeeze %dma_wait3A_410 : memref<1x128x128xf32, #tpu.memory_space<vmem>> -> memref<128x128xf32, #tpu.memory_space<vmem>>
        %dma_wait3A_412 = arith.constant 0 : i32
        %dma_wait3A_413 = arith.constant 0 : i32
        %dma_wait3A_414 = tpu.memref_slice %arg8[%select_n3A_65, %dma_wait3A_412, %dma_wait3A_413] : memref<2x10x128xi32, #tpu.memory_space<vmem>> -> memref<1x10x128xi32, #tpu.memory_space<vmem>>
        %dma_wait3A_415 = tpu.memref_squeeze %dma_wait3A_414 : memref<1x10x128xi32, #tpu.memory_space<vmem>> -> memref<10x128xi32, #tpu.memory_space<vmem>>
        %dma_wait3A_416 = arith.constant 0 : i32
        %dma_wait3A_417 = tpu.memref_slice %dma_wait3A_415[%run_scoped3A_203, %dma_wait3A_416] : memref<10x128xi32, #tpu.memory_space<vmem>> -> memref<1x128xi32, #tpu.memory_space<vmem>>
        %dma_wait3A_418 = tpu.memref_squeeze %dma_wait3A_417 : memref<1x128xi32, #tpu.memory_space<vmem>> -> memref<128xi32, #tpu.memory_space<vmem>>
        %dma_wait3A_419 = arith.constant 0 : i32
        %dma_wait3A_420 = arith.constant 0 : i32
        %dma_wait3A_421 = tpu.memref_slice %arg10[%dma_wait3A_419, %dma_wait3A_420] : memref<10008x128xf32, #tpu.memory_space<vmem_shared>> -> memref<10008x128xf32, #tpu.memory_space<vmem_shared>>
        tpu.wait_indirect_dma semaphore(%run_scoped3A_393 : memref<!tpu.dma_semaphore, #tpu.memory_space<semaphore_mem>>) src(%dma_wait3A_411 : memref<128x128xf32, #tpu.memory_space<vmem>>) dst(%dma_wait3A_421 : memref<10008x128xf32, #tpu.memory_space<vmem_shared>>)
        tpu.yield
      }) : () -> ()
      %dma_wait3A_204 = arith.constant 0 : i32
      %dma_wait3A_205 = arith.constant 0 : i32
      %dma_wait3A_206 = arith.constant 0 : i32
      %dma_wait3A_207 = tpu.memref_slice %arg9[%dma_wait3A_204, %dma_wait3A_205, %dma_wait3A_206] : memref<2x128x128xf32, #tpu.memory_space<vmem>> -> memref<1x128x128xf32, #tpu.memory_space<vmem>>
      %dma_wait3A_208 = tpu.memref_squeeze %dma_wait3A_207 : memref<1x128x128xf32, #tpu.memory_space<vmem>> -> memref<128x128xf32, #tpu.memory_space<vmem>>
      %dma_wait3A_209 = arith.constant 0 : i32
      %dma_wait3A_210 = arith.constant 0 : i32
      %dma_wait3A_211 = tpu.memref_slice %arg2[%dma_wait3A_209, %dma_wait3A_210] : memref<20000x128xf32, #tpu.memory_space<hbm>> -> memref<128x128xf32, #tpu.memory_space<hbm>>
      %dma_wait3A_212 = arith.constant 0 : i32
      %dma_wait3A_213 = arith.constant 0 : i32
      %dma_wait3A_214 = tpu.memref_slice %arg9[%dma_wait3A_204, %dma_wait3A_212, %dma_wait3A_213] : memref<2x128x128xf32, #tpu.memory_space<vmem>> -> memref<1x128x128xf32, #tpu.memory_space<vmem>>
      %dma_wait3A_215 = tpu.memref_squeeze %dma_wait3A_214 : memref<1x128x128xf32, #tpu.memory_space<vmem>> -> memref<128x128xf32, #tpu.memory_space<vmem>>
      %dma_wait3A_216 = arith.constant 0 : i32
      %dma_wait3A_217 = arith.constant 0 : i32
      %dma_wait3A_218 = tpu.memref_slice %arg2[%dma_wait3A_216, %dma_wait3A_217] : memref<20000x128xf32, #tpu.memory_space<hbm>> -> memref<128x128xf32, #tpu.memory_space<hbm>>
      tpu.wait_dma2 semaphore(%arg11 : memref<!tpu.dma_semaphore, #tpu.memory_space<semaphore_mem>>) src(%dma_wait3A_218 : memref<128x128xf32, #tpu.memory_space<hbm>>) dst(%dma_wait3A_215 : memref<128x128xf32, #tpu.memory_space<vmem>>)
      %dma_start3A_219 = arith.constant 5 : i32
      %dma_start3A_220 = arith.constant 1 : i32
      %dma_start3A_221 = arith.constant 0 : i32
      %dma_start3A_222 = arith.constant 0 : i32
      %dma_start3A_223 = tpu.memref_slice %arg9[%dma_start3A_220, %dma_start3A_221, %dma_start3A_222] : memref<2x128x128xf32, #tpu.memory_space<vmem>> -> memref<1x128x128xf32, #tpu.memory_space<vmem>>
      %dma_start3A_224 = tpu.memref_squeeze %dma_start3A_223 : memref<1x128x128xf32, #tpu.memory_space<vmem>> -> memref<128x128xf32, #tpu.memory_space<vmem>>
      %dma_start3A_225 = arith.constant 0 : i32
      %dma_start3A_226 = arith.constant 0 : i32
      %dma_start3A_227 = tpu.memref_slice %arg7[%select_n3A_65, %dma_start3A_225, %dma_start3A_226] : memref<2x10x128xi32, #tpu.memory_space<vmem>> -> memref<1x10x128xi32, #tpu.memory_space<vmem>>
      %dma_start3A_228 = tpu.memref_squeeze %dma_start3A_227 : memref<1x10x128xi32, #tpu.memory_space<vmem>> -> memref<10x128xi32, #tpu.memory_space<vmem>>
      %dma_start3A_229 = arith.constant 0 : i32
      %dma_start3A_230 = tpu.memref_slice %dma_start3A_228[%dma_start3A_219, %dma_start3A_229] : memref<10x128xi32, #tpu.memory_space<vmem>> -> memref<1x128xi32, #tpu.memory_space<vmem>>
      %dma_start3A_231 = tpu.memref_squeeze %dma_start3A_230 : memref<1x128xi32, #tpu.memory_space<vmem>> -> memref<128xi32, #tpu.memory_space<vmem>>
      %dma_start3A_232 = arith.constant 0 : i32
      %dma_start3A_233 = arith.constant 0 : i32
      %dma_start3A_234 = tpu.memref_slice %arg2[%dma_start3A_232, %dma_start3A_233] : memref<20000x128xf32, #tpu.memory_space<hbm>> -> memref<20000x128xf32, #tpu.memory_space<hbm>>
      tpu.enqueue_indirect_dma source(%dma_start3A_234 : memref<20000x128xf32, #tpu.memory_space<hbm>>) target(%dma_start3A_224 : memref<128x128xf32, #tpu.memory_space<vmem>>) offsets(%dma_start3A_231 : memref<128xi32, #tpu.memory_space<vmem>>) semaphore(%arg11 : memref<!tpu.dma_semaphore, #tpu.memory_space<semaphore_mem>>)
      %run_scoped3A_235 = arith.constant 0 : i32
      %run_scoped3A_236 = arith.constant 4 : i32
      "tpu.region"() ({
        %run_scoped3A_393 = tpu.sem_alloc : memref<!tpu.dma_semaphore, #tpu.memory_space<semaphore_mem>>
        %dma_start3A_394 = arith.constant 0 : i32
        %dma_start3A_395 = arith.constant 0 : i32
        %dma_start3A_396 = tpu.memref_slice %arg9[%run_scoped3A_235, %dma_start3A_394, %dma_start3A_395] : memref<2x128x128xf32, #tpu.memory_space<vmem>> -> memref<1x128x128xf32, #tpu.memory_space<vmem>>
        %dma_start3A_397 = tpu.memref_squeeze %dma_start3A_396 : memref<1x128x128xf32, #tpu.memory_space<vmem>> -> memref<128x128xf32, #tpu.memory_space<vmem>>
        %dma_start3A_398 = arith.constant 0 : i32
        %dma_start3A_399 = arith.constant 0 : i32
        %dma_start3A_400 = tpu.memref_slice %arg8[%select_n3A_65, %dma_start3A_398, %dma_start3A_399] : memref<2x10x128xi32, #tpu.memory_space<vmem>> -> memref<1x10x128xi32, #tpu.memory_space<vmem>>
        %dma_start3A_401 = tpu.memref_squeeze %dma_start3A_400 : memref<1x10x128xi32, #tpu.memory_space<vmem>> -> memref<10x128xi32, #tpu.memory_space<vmem>>
        %dma_start3A_402 = arith.constant 0 : i32
        %dma_start3A_403 = tpu.memref_slice %dma_start3A_401[%run_scoped3A_236, %dma_start3A_402] : memref<10x128xi32, #tpu.memory_space<vmem>> -> memref<1x128xi32, #tpu.memory_space<vmem>>
        %dma_start3A_404 = tpu.memref_squeeze %dma_start3A_403 : memref<1x128xi32, #tpu.memory_space<vmem>> -> memref<128xi32, #tpu.memory_space<vmem>>
        %dma_start3A_405 = arith.constant 0 : i32
        %dma_start3A_406 = arith.constant 0 : i32
        %dma_start3A_407 = tpu.memref_slice %arg10[%dma_start3A_405, %dma_start3A_406] : memref<10008x128xf32, #tpu.memory_space<vmem_shared>> -> memref<10008x128xf32, #tpu.memory_space<vmem_shared>>
        tpu.enqueue_indirect_dma source(%dma_start3A_397 : memref<128x128xf32, #tpu.memory_space<vmem>>) target(%dma_start3A_407 : memref<10008x128xf32, #tpu.memory_space<vmem_shared>>) offsets(%dma_start3A_404 : memref<128xi32, #tpu.memory_space<vmem>>) semaphore(%run_scoped3A_393 : memref<!tpu.dma_semaphore, #tpu.memory_space<semaphore_mem>>) {add = true}
        %dma_wait3A_408 = arith.constant 0 : i32
        %dma_wait3A_409 = arith.constant 0 : i32
        %dma_wait3A_410 = tpu.memref_slice %arg9[%run_scoped3A_235, %dma_wait3A_408, %dma_wait3A_409] : memref<2x128x128xf32, #tpu.memory_space<vmem>> -> memref<1x128x128xf32, #tpu.memory_space<vmem>>
        %dma_wait3A_411 = tpu.memref_squeeze %dma_wait3A_410 : memref<1x128x128xf32, #tpu.memory_space<vmem>> -> memref<128x128xf32, #tpu.memory_space<vmem>>
        %dma_wait3A_412 = arith.constant 0 : i32
        %dma_wait3A_413 = arith.constant 0 : i32
        %dma_wait3A_414 = tpu.memref_slice %arg8[%select_n3A_65, %dma_wait3A_412, %dma_wait3A_413] : memref<2x10x128xi32, #tpu.memory_space<vmem>> -> memref<1x10x128xi32, #tpu.memory_space<vmem>>
        %dma_wait3A_415 = tpu.memref_squeeze %dma_wait3A_414 : memref<1x10x128xi32, #tpu.memory_space<vmem>> -> memref<10x128xi32, #tpu.memory_space<vmem>>
        %dma_wait3A_416 = arith.constant 0 : i32
        %dma_wait3A_417 = tpu.memref_slice %dma_wait3A_415[%run_scoped3A_236, %dma_wait3A_416] : memref<10x128xi32, #tpu.memory_space<vmem>> -> memref<1x128xi32, #tpu.memory_space<vmem>>
        %dma_wait3A_418 = tpu.memref_squeeze %dma_wait3A_417 : memref<1x128xi32, #tpu.memory_space<vmem>> -> memref<128xi32, #tpu.memory_space<vmem>>
        %dma_wait3A_419 = arith.constant 0 : i32
        %dma_wait3A_420 = arith.constant 0 : i32
        %dma_wait3A_421 = tpu.memref_slice %arg10[%dma_wait3A_419, %dma_wait3A_420] : memref<10008x128xf32, #tpu.memory_space<vmem_shared>> -> memref<10008x128xf32, #tpu.memory_space<vmem_shared>>
        tpu.wait_indirect_dma semaphore(%run_scoped3A_393 : memref<!tpu.dma_semaphore, #tpu.memory_space<semaphore_mem>>) src(%dma_wait3A_411 : memref<128x128xf32, #tpu.memory_space<vmem>>) dst(%dma_wait3A_421 : memref<10008x128xf32, #tpu.memory_space<vmem_shared>>)
        tpu.yield
      }) : () -> ()
      %dma_wait3A_237 = arith.constant 1 : i32
      %dma_wait3A_238 = arith.constant 0 : i32
      %dma_wait3A_239 = arith.constant 0 : i32
      %dma_wait3A_240 = tpu.memref_slice %arg9[%dma_wait3A_237, %dma_wait3A_238, %dma_wait3A_239] : memref<2x128x128xf32, #tpu.memory_space<vmem>> -> memref<1x128x128xf32, #tpu.memory_space<vmem>>
      %dma_wait3A_241 = tpu.memref_squeeze %dma_wait3A_240 : memref<1x128x128xf32, #tpu.memory_space<vmem>> -> memref<128x128xf32, #tpu.memory_space<vmem>>
      %dma_wait3A_242 = arith.constant 0 : i32
      %dma_wait3A_243 = arith.constant 0 : i32
      %dma_wait3A_244 = tpu.memref_slice %arg2[%dma_wait3A_242, %dma_wait3A_243] : memref<20000x128xf32, #tpu.memory_space<hbm>> -> memref<128x128xf32, #tpu.memory_space<hbm>>
      %dma_wait3A_245 = arith.constant 0 : i32
      %dma_wait3A_246 = arith.constant 0 : i32
      %dma_wait3A_247 = tpu.memref_slice %arg9[%dma_wait3A_237, %dma_wait3A_245, %dma_wait3A_246] : memref<2x128x128xf32, #tpu.memory_space<vmem>> -> memref<1x128x128xf32, #tpu.memory_space<vmem>>
      %dma_wait3A_248 = tpu.memref_squeeze %dma_wait3A_247 : memref<1x128x128xf32, #tpu.memory_space<vmem>> -> memref<128x128xf32, #tpu.memory_space<vmem>>
      %dma_wait3A_249 = arith.constant 0 : i32
      %dma_wait3A_250 = arith.constant 0 : i32
      %dma_wait3A_251 = tpu.memref_slice %arg2[%dma_wait3A_249, %dma_wait3A_250] : memref<20000x128xf32, #tpu.memory_space<hbm>> -> memref<128x128xf32, #tpu.memory_space<hbm>>
      tpu.wait_dma2 semaphore(%arg11 : memref<!tpu.dma_semaphore, #tpu.memory_space<semaphore_mem>>) src(%dma_wait3A_251 : memref<128x128xf32, #tpu.memory_space<hbm>>) dst(%dma_wait3A_248 : memref<128x128xf32, #tpu.memory_space<vmem>>)
      %dma_start3A_252 = arith.constant 6 : i32
      %dma_start3A_253 = arith.constant 0 : i32
      %dma_start3A_254 = arith.constant 0 : i32
      %dma_start3A_255 = arith.constant 0 : i32
      %dma_start3A_256 = tpu.memref_slice %arg9[%dma_start3A_253, %dma_start3A_254, %dma_start3A_255] : memref<2x128x128xf32, #tpu.memory_space<vmem>> -> memref<1x128x128xf32, #tpu.memory_space<vmem>>
      %dma_start3A_257 = tpu.memref_squeeze %dma_start3A_256 : memref<1x128x128xf32, #tpu.memory_space<vmem>> -> memref<128x128xf32, #tpu.memory_space<vmem>>
      %dma_start3A_258 = arith.constant 0 : i32
      %dma_start3A_259 = arith.constant 0 : i32
      %dma_start3A_260 = tpu.memref_slice %arg7[%select_n3A_65, %dma_start3A_258, %dma_start3A_259] : memref<2x10x128xi32, #tpu.memory_space<vmem>> -> memref<1x10x128xi32, #tpu.memory_space<vmem>>
      %dma_start3A_261 = tpu.memref_squeeze %dma_start3A_260 : memref<1x10x128xi32, #tpu.memory_space<vmem>> -> memref<10x128xi32, #tpu.memory_space<vmem>>
      %dma_start3A_262 = arith.constant 0 : i32
      %dma_start3A_263 = tpu.memref_slice %dma_start3A_261[%dma_start3A_252, %dma_start3A_262] : memref<10x128xi32, #tpu.memory_space<vmem>> -> memref<1x128xi32, #tpu.memory_space<vmem>>
      %dma_start3A_264 = tpu.memref_squeeze %dma_start3A_263 : memref<1x128xi32, #tpu.memory_space<vmem>> -> memref<128xi32, #tpu.memory_space<vmem>>
      %dma_start3A_265 = arith.constant 0 : i32
      %dma_start3A_266 = arith.constant 0 : i32
      %dma_start3A_267 = tpu.memref_slice %arg2[%dma_start3A_265, %dma_start3A_266] : memref<20000x128xf32, #tpu.memory_space<hbm>> -> memref<20000x128xf32, #tpu.memory_space<hbm>>
      tpu.enqueue_indirect_dma source(%dma_start3A_267 : memref<20000x128xf32, #tpu.memory_space<hbm>>) target(%dma_start3A_257 : memref<128x128xf32, #tpu.memory_space<vmem>>) offsets(%dma_start3A_264 : memref<128xi32, #tpu.memory_space<vmem>>) semaphore(%arg11 : memref<!tpu.dma_semaphore, #tpu.memory_space<semaphore_mem>>)
      %run_scoped3A_268 = arith.constant 1 : i32
      %run_scoped3A_269 = arith.constant 5 : i32
      "tpu.region"() ({
        %run_scoped3A_393 = tpu.sem_alloc : memref<!tpu.dma_semaphore, #tpu.memory_space<semaphore_mem>>
        %dma_start3A_394 = arith.constant 0 : i32
        %dma_start3A_395 = arith.constant 0 : i32
        %dma_start3A_396 = tpu.memref_slice %arg9[%run_scoped3A_268, %dma_start3A_394, %dma_start3A_395] : memref<2x128x128xf32, #tpu.memory_space<vmem>> -> memref<1x128x128xf32, #tpu.memory_space<vmem>>
        %dma_start3A_397 = tpu.memref_squeeze %dma_start3A_396 : memref<1x128x128xf32, #tpu.memory_space<vmem>> -> memref<128x128xf32, #tpu.memory_space<vmem>>
        %dma_start3A_398 = arith.constant 0 : i32
        %dma_start3A_399 = arith.constant 0 : i32
        %dma_start3A_400 = tpu.memref_slice %arg8[%select_n3A_65, %dma_start3A_398, %dma_start3A_399] : memref<2x10x128xi32, #tpu.memory_space<vmem>> -> memref<1x10x128xi32, #tpu.memory_space<vmem>>
        %dma_start3A_401 = tpu.memref_squeeze %dma_start3A_400 : memref<1x10x128xi32, #tpu.memory_space<vmem>> -> memref<10x128xi32, #tpu.memory_space<vmem>>
        %dma_start3A_402 = arith.constant 0 : i32
        %dma_start3A_403 = tpu.memref_slice %dma_start3A_401[%run_scoped3A_269, %dma_start3A_402] : memref<10x128xi32, #tpu.memory_space<vmem>> -> memref<1x128xi32, #tpu.memory_space<vmem>>
        %dma_start3A_404 = tpu.memref_squeeze %dma_start3A_403 : memref<1x128xi32, #tpu.memory_space<vmem>> -> memref<128xi32, #tpu.memory_space<vmem>>
        %dma_start3A_405 = arith.constant 0 : i32
        %dma_start3A_406 = arith.constant 0 : i32
        %dma_start3A_407 = tpu.memref_slice %arg10[%dma_start3A_405, %dma_start3A_406] : memref<10008x128xf32, #tpu.memory_space<vmem_shared>> -> memref<10008x128xf32, #tpu.memory_space<vmem_shared>>
        tpu.enqueue_indirect_dma source(%dma_start3A_397 : memref<128x128xf32, #tpu.memory_space<vmem>>) target(%dma_start3A_407 : memref<10008x128xf32, #tpu.memory_space<vmem_shared>>) offsets(%dma_start3A_404 : memref<128xi32, #tpu.memory_space<vmem>>) semaphore(%run_scoped3A_393 : memref<!tpu.dma_semaphore, #tpu.memory_space<semaphore_mem>>) {add = true}
        %dma_wait3A_408 = arith.constant 0 : i32
        %dma_wait3A_409 = arith.constant 0 : i32
        %dma_wait3A_410 = tpu.memref_slice %arg9[%run_scoped3A_268, %dma_wait3A_408, %dma_wait3A_409] : memref<2x128x128xf32, #tpu.memory_space<vmem>> -> memref<1x128x128xf32, #tpu.memory_space<vmem>>
        %dma_wait3A_411 = tpu.memref_squeeze %dma_wait3A_410 : memref<1x128x128xf32, #tpu.memory_space<vmem>> -> memref<128x128xf32, #tpu.memory_space<vmem>>
        %dma_wait3A_412 = arith.constant 0 : i32
        %dma_wait3A_413 = arith.constant 0 : i32
        %dma_wait3A_414 = tpu.memref_slice %arg8[%select_n3A_65, %dma_wait3A_412, %dma_wait3A_413] : memref<2x10x128xi32, #tpu.memory_space<vmem>> -> memref<1x10x128xi32, #tpu.memory_space<vmem>>
        %dma_wait3A_415 = tpu.memref_squeeze %dma_wait3A_414 : memref<1x10x128xi32, #tpu.memory_space<vmem>> -> memref<10x128xi32, #tpu.memory_space<vmem>>
        %dma_wait3A_416 = arith.constant 0 : i32
        %dma_wait3A_417 = tpu.memref_slice %dma_wait3A_415[%run_scoped3A_269, %dma_wait3A_416] : memref<10x128xi32, #tpu.memory_space<vmem>> -> memref<1x128xi32, #tpu.memory_space<vmem>>
        %dma_wait3A_418 = tpu.memref_squeeze %dma_wait3A_417 : memref<1x128xi32, #tpu.memory_space<vmem>> -> memref<128xi32, #tpu.memory_space<vmem>>
        %dma_wait3A_419 = arith.constant 0 : i32
        %dma_wait3A_420 = arith.constant 0 : i32
        %dma_wait3A_421 = tpu.memref_slice %arg10[%dma_wait3A_419, %dma_wait3A_420] : memref<10008x128xf32, #tpu.memory_space<vmem_shared>> -> memref<10008x128xf32, #tpu.memory_space<vmem_shared>>
        tpu.wait_indirect_dma semaphore(%run_scoped3A_393 : memref<!tpu.dma_semaphore, #tpu.memory_space<semaphore_mem>>) src(%dma_wait3A_411 : memref<128x128xf32, #tpu.memory_space<vmem>>) dst(%dma_wait3A_421 : memref<10008x128xf32, #tpu.memory_space<vmem_shared>>)
        tpu.yield
      }) : () -> ()
      %dma_wait3A_270 = arith.constant 0 : i32
      %dma_wait3A_271 = arith.constant 0 : i32
      %dma_wait3A_272 = arith.constant 0 : i32
      %dma_wait3A_273 = tpu.memref_slice %arg9[%dma_wait3A_270, %dma_wait3A_271, %dma_wait3A_272] : memref<2x128x128xf32, #tpu.memory_space<vmem>> -> memref<1x128x128xf32, #tpu.memory_space<vmem>>
      %dma_wait3A_274 = tpu.memref_squeeze %dma_wait3A_273 : memref<1x128x128xf32, #tpu.memory_space<vmem>> -> memref<128x128xf32, #tpu.memory_space<vmem>>
      %dma_wait3A_275 = arith.constant 0 : i32
      %dma_wait3A_276 = arith.constant 0 : i32
      %dma_wait3A_277 = tpu.memref_slice %arg2[%dma_wait3A_275, %dma_wait3A_276] : memref<20000x128xf32, #tpu.memory_space<hbm>> -> memref<128x128xf32, #tpu.memory_space<hbm>>
      %dma_wait3A_278 = arith.constant 0 : i32
      %dma_wait3A_279 = arith.constant 0 : i32
      %dma_wait3A_280 = tpu.memref_slice %arg9[%dma_wait3A_270, %dma_wait3A_278, %dma_wait3A_279] : memref<2x128x128xf32, #tpu.memory_space<vmem>> -> memref<1x128x128xf32, #tpu.memory_space<vmem>>
      %dma_wait3A_281 = tpu.memref_squeeze %dma_wait3A_280 : memref<1x128x128xf32, #tpu.memory_space<vmem>> -> memref<128x128xf32, #tpu.memory_space<vmem>>
      %dma_wait3A_282 = arith.constant 0 : i32
      %dma_wait3A_283 = arith.constant 0 : i32
      %dma_wait3A_284 = tpu.memref_slice %arg2[%dma_wait3A_282, %dma_wait3A_283] : memref<20000x128xf32, #tpu.memory_space<hbm>> -> memref<128x128xf32, #tpu.memory_space<hbm>>
      tpu.wait_dma2 semaphore(%arg11 : memref<!tpu.dma_semaphore, #tpu.memory_space<semaphore_mem>>) src(%dma_wait3A_284 : memref<128x128xf32, #tpu.memory_space<hbm>>) dst(%dma_wait3A_281 : memref<128x128xf32, #tpu.memory_space<vmem>>)
      %dma_start3A_285 = arith.constant 7 : i32
      %dma_start3A_286 = arith.constant 1 : i32
      %dma_start3A_287 = arith.constant 0 : i32
      %dma_start3A_288 = arith.constant 0 : i32
      %dma_start3A_289 = tpu.memref_slice %arg9[%dma_start3A_286, %dma_start3A_287, %dma_start3A_288] : memref<2x128x128xf32, #tpu.memory_space<vmem>> -> memref<1x128x128xf32, #tpu.memory_space<vmem>>
      %dma_start3A_290 = tpu.memref_squeeze %dma_start3A_289 : memref<1x128x128xf32, #tpu.memory_space<vmem>> -> memref<128x128xf32, #tpu.memory_space<vmem>>
      %dma_start3A_291 = arith.constant 0 : i32
      %dma_start3A_292 = arith.constant 0 : i32
      %dma_start3A_293 = tpu.memref_slice %arg7[%select_n3A_65, %dma_start3A_291, %dma_start3A_292] : memref<2x10x128xi32, #tpu.memory_space<vmem>> -> memref<1x10x128xi32, #tpu.memory_space<vmem>>
      %dma_start3A_294 = tpu.memref_squeeze %dma_start3A_293 : memref<1x10x128xi32, #tpu.memory_space<vmem>> -> memref<10x128xi32, #tpu.memory_space<vmem>>
      %dma_start3A_295 = arith.constant 0 : i32
      %dma_start3A_296 = tpu.memref_slice %dma_start3A_294[%dma_start3A_285, %dma_start3A_295] : memref<10x128xi32, #tpu.memory_space<vmem>> -> memref<1x128xi32, #tpu.memory_space<vmem>>
      %dma_start3A_297 = tpu.memref_squeeze %dma_start3A_296 : memref<1x128xi32, #tpu.memory_space<vmem>> -> memref<128xi32, #tpu.memory_space<vmem>>
      %dma_start3A_298 = arith.constant 0 : i32
      %dma_start3A_299 = arith.constant 0 : i32
      %dma_start3A_300 = tpu.memref_slice %arg2[%dma_start3A_298, %dma_start3A_299] : memref<20000x128xf32, #tpu.memory_space<hbm>> -> memref<20000x128xf32, #tpu.memory_space<hbm>>
      tpu.enqueue_indirect_dma source(%dma_start3A_300 : memref<20000x128xf32, #tpu.memory_space<hbm>>) target(%dma_start3A_290 : memref<128x128xf32, #tpu.memory_space<vmem>>) offsets(%dma_start3A_297 : memref<128xi32, #tpu.memory_space<vmem>>) semaphore(%arg11 : memref<!tpu.dma_semaphore, #tpu.memory_space<semaphore_mem>>)
      %run_scoped3A_301 = arith.constant 0 : i32
      %run_scoped3A_302 = arith.constant 6 : i32
      "tpu.region"() ({
        %run_scoped3A_393 = tpu.sem_alloc : memref<!tpu.dma_semaphore, #tpu.memory_space<semaphore_mem>>
        %dma_start3A_394 = arith.constant 0 : i32
        %dma_start3A_395 = arith.constant 0 : i32
        %dma_start3A_396 = tpu.memref_slice %arg9[%run_scoped3A_301, %dma_start3A_394, %dma_start3A_395] : memref<2x128x128xf32, #tpu.memory_space<vmem>> -> memref<1x128x128xf32, #tpu.memory_space<vmem>>
        %dma_start3A_397 = tpu.memref_squeeze %dma_start3A_396 : memref<1x128x128xf32, #tpu.memory_space<vmem>> -> memref<128x128xf32, #tpu.memory_space<vmem>>
        %dma_start3A_398 = arith.constant 0 : i32
        %dma_start3A_399 = arith.constant 0 : i32
        %dma_start3A_400 = tpu.memref_slice %arg8[%select_n3A_65, %dma_start3A_398, %dma_start3A_399] : memref<2x10x128xi32, #tpu.memory_space<vmem>> -> memref<1x10x128xi32, #tpu.memory_space<vmem>>
        %dma_start3A_401 = tpu.memref_squeeze %dma_start3A_400 : memref<1x10x128xi32, #tpu.memory_space<vmem>> -> memref<10x128xi32, #tpu.memory_space<vmem>>
        %dma_start3A_402 = arith.constant 0 : i32
        %dma_start3A_403 = tpu.memref_slice %dma_start3A_401[%run_scoped3A_302, %dma_start3A_402] : memref<10x128xi32, #tpu.memory_space<vmem>> -> memref<1x128xi32, #tpu.memory_space<vmem>>
        %dma_start3A_404 = tpu.memref_squeeze %dma_start3A_403 : memref<1x128xi32, #tpu.memory_space<vmem>> -> memref<128xi32, #tpu.memory_space<vmem>>
        %dma_start3A_405 = arith.constant 0 : i32
        %dma_start3A_406 = arith.constant 0 : i32
        %dma_start3A_407 = tpu.memref_slice %arg10[%dma_start3A_405, %dma_start3A_406] : memref<10008x128xf32, #tpu.memory_space<vmem_shared>> -> memref<10008x128xf32, #tpu.memory_space<vmem_shared>>
        tpu.enqueue_indirect_dma source(%dma_start3A_397 : memref<128x128xf32, #tpu.memory_space<vmem>>) target(%dma_start3A_407 : memref<10008x128xf32, #tpu.memory_space<vmem_shared>>) offsets(%dma_start3A_404 : memref<128xi32, #tpu.memory_space<vmem>>) semaphore(%run_scoped3A_393 : memref<!tpu.dma_semaphore, #tpu.memory_space<semaphore_mem>>) {add = true}
        %dma_wait3A_408 = arith.constant 0 : i32
        %dma_wait3A_409 = arith.constant 0 : i32
        %dma_wait3A_410 = tpu.memref_slice %arg9[%run_scoped3A_301, %dma_wait3A_408, %dma_wait3A_409] : memref<2x128x128xf32, #tpu.memory_space<vmem>> -> memref<1x128x128xf32, #tpu.memory_space<vmem>>
        %dma_wait3A_411 = tpu.memref_squeeze %dma_wait3A_410 : memref<1x128x128xf32, #tpu.memory_space<vmem>> -> memref<128x128xf32, #tpu.memory_space<vmem>>
        %dma_wait3A_412 = arith.constant 0 : i32
        %dma_wait3A_413 = arith.constant 0 : i32
        %dma_wait3A_414 = tpu.memref_slice %arg8[%select_n3A_65, %dma_wait3A_412, %dma_wait3A_413] : memref<2x10x128xi32, #tpu.memory_space<vmem>> -> memref<1x10x128xi32, #tpu.memory_space<vmem>>
        %dma_wait3A_415 = tpu.memref_squeeze %dma_wait3A_414 : memref<1x10x128xi32, #tpu.memory_space<vmem>> -> memref<10x128xi32, #tpu.memory_space<vmem>>
        %dma_wait3A_416 = arith.constant 0 : i32
        %dma_wait3A_417 = tpu.memref_slice %dma_wait3A_415[%run_scoped3A_302, %dma_wait3A_416] : memref<10x128xi32, #tpu.memory_space<vmem>> -> memref<1x128xi32, #tpu.memory_space<vmem>>
        %dma_wait3A_418 = tpu.memref_squeeze %dma_wait3A_417 : memref<1x128xi32, #tpu.memory_space<vmem>> -> memref<128xi32, #tpu.memory_space<vmem>>
        %dma_wait3A_419 = arith.constant 0 : i32
        %dma_wait3A_420 = arith.constant 0 : i32
        %dma_wait3A_421 = tpu.memref_slice %arg10[%dma_wait3A_419, %dma_wait3A_420] : memref<10008x128xf32, #tpu.memory_space<vmem_shared>> -> memref<10008x128xf32, #tpu.memory_space<vmem_shared>>
        tpu.wait_indirect_dma semaphore(%run_scoped3A_393 : memref<!tpu.dma_semaphore, #tpu.memory_space<semaphore_mem>>) src(%dma_wait3A_411 : memref<128x128xf32, #tpu.memory_space<vmem>>) dst(%dma_wait3A_421 : memref<10008x128xf32, #tpu.memory_space<vmem_shared>>)
        tpu.yield
      }) : () -> ()
      %dma_wait3A_303 = arith.constant 1 : i32
      %dma_wait3A_304 = arith.constant 0 : i32
      %dma_wait3A_305 = arith.constant 0 : i32
      %dma_wait3A_306 = tpu.memref_slice %arg9[%dma_wait3A_303, %dma_wait3A_304, %dma_wait3A_305] : memref<2x128x128xf32, #tpu.memory_space<vmem>> -> memref<1x128x128xf32, #tpu.memory_space<vmem>>
      %dma_wait3A_307 = tpu.memref_squeeze %dma_wait3A_306 : memref<1x128x128xf32, #tpu.memory_space<vmem>> -> memref<128x128xf32, #tpu.memory_space<vmem>>
      %dma_wait3A_308 = arith.constant 0 : i32
      %dma_wait3A_309 = arith.constant 0 : i32
      %dma_wait3A_310 = tpu.memref_slice %arg2[%dma_wait3A_308, %dma_wait3A_309] : memref<20000x128xf32, #tpu.memory_space<hbm>> -> memref<128x128xf32, #tpu.memory_space<hbm>>
      %dma_wait3A_311 = arith.constant 0 : i32
      %dma_wait3A_312 = arith.constant 0 : i32
      %dma_wait3A_313 = tpu.memref_slice %arg9[%dma_wait3A_303, %dma_wait3A_311, %dma_wait3A_312] : memref<2x128x128xf32, #tpu.memory_space<vmem>> -> memref<1x128x128xf32, #tpu.memory_space<vmem>>
      %dma_wait3A_314 = tpu.memref_squeeze %dma_wait3A_313 : memref<1x128x128xf32, #tpu.memory_space<vmem>> -> memref<128x128xf32, #tpu.memory_space<vmem>>
      %dma_wait3A_315 = arith.constant 0 : i32
      %dma_wait3A_316 = arith.constant 0 : i32
      %dma_wait3A_317 = tpu.memref_slice %arg2[%dma_wait3A_315, %dma_wait3A_316] : memref<20000x128xf32, #tpu.memory_space<hbm>> -> memref<128x128xf32, #tpu.memory_space<hbm>>
      tpu.wait_dma2 semaphore(%arg11 : memref<!tpu.dma_semaphore, #tpu.memory_space<semaphore_mem>>) src(%dma_wait3A_317 : memref<128x128xf32, #tpu.memory_space<hbm>>) dst(%dma_wait3A_314 : memref<128x128xf32, #tpu.memory_space<vmem>>)
      %dma_start3A_318 = arith.constant 8 : i32
      %dma_start3A_319 = arith.constant 0 : i32
      %dma_start3A_320 = arith.constant 0 : i32
      %dma_start3A_321 = arith.constant 0 : i32
      %dma_start3A_322 = tpu.memref_slice %arg9[%dma_start3A_319, %dma_start3A_320, %dma_start3A_321] : memref<2x128x128xf32, #tpu.memory_space<vmem>> -> memref<1x128x128xf32, #tpu.memory_space<vmem>>
      %dma_start3A_323 = tpu.memref_squeeze %dma_start3A_322 : memref<1x128x128xf32, #tpu.memory_space<vmem>> -> memref<128x128xf32, #tpu.memory_space<vmem>>
      %dma_start3A_324 = arith.constant 0 : i32
      %dma_start3A_325 = arith.constant 0 : i32
      %dma_start3A_326 = tpu.memref_slice %arg7[%select_n3A_65, %dma_start3A_324, %dma_start3A_325] : memref<2x10x128xi32, #tpu.memory_space<vmem>> -> memref<1x10x128xi32, #tpu.memory_space<vmem>>
      %dma_start3A_327 = tpu.memref_squeeze %dma_start3A_326 : memref<1x10x128xi32, #tpu.memory_space<vmem>> -> memref<10x128xi32, #tpu.memory_space<vmem>>
      %dma_start3A_328 = arith.constant 0 : i32
      %dma_start3A_329 = tpu.memref_slice %dma_start3A_327[%dma_start3A_318, %dma_start3A_328] : memref<10x128xi32, #tpu.memory_space<vmem>> -> memref<1x128xi32, #tpu.memory_space<vmem>>
      %dma_start3A_330 = tpu.memref_squeeze %dma_start3A_329 : memref<1x128xi32, #tpu.memory_space<vmem>> -> memref<128xi32, #tpu.memory_space<vmem>>
      %dma_start3A_331 = arith.constant 0 : i32
      %dma_start3A_332 = arith.constant 0 : i32
      %dma_start3A_333 = tpu.memref_slice %arg2[%dma_start3A_331, %dma_start3A_332] : memref<20000x128xf32, #tpu.memory_space<hbm>> -> memref<20000x128xf32, #tpu.memory_space<hbm>>
      tpu.enqueue_indirect_dma source(%dma_start3A_333 : memref<20000x128xf32, #tpu.memory_space<hbm>>) target(%dma_start3A_323 : memref<128x128xf32, #tpu.memory_space<vmem>>) offsets(%dma_start3A_330 : memref<128xi32, #tpu.memory_space<vmem>>) semaphore(%arg11 : memref<!tpu.dma_semaphore, #tpu.memory_space<semaphore_mem>>)
      %run_scoped3A_334 = arith.constant 1 : i32
      %run_scoped3A_335 = arith.constant 7 : i32
      "tpu.region"() ({
        %run_scoped3A_393 = tpu.sem_alloc : memref<!tpu.dma_semaphore, #tpu.memory_space<semaphore_mem>>
        %dma_start3A_394 = arith.constant 0 : i32
        %dma_start3A_395 = arith.constant 0 : i32
        %dma_start3A_396 = tpu.memref_slice %arg9[%run_scoped3A_334, %dma_start3A_394, %dma_start3A_395] : memref<2x128x128xf32, #tpu.memory_space<vmem>> -> memref<1x128x128xf32, #tpu.memory_space<vmem>>
        %dma_start3A_397 = tpu.memref_squeeze %dma_start3A_396 : memref<1x128x128xf32, #tpu.memory_space<vmem>> -> memref<128x128xf32, #tpu.memory_space<vmem>>
        %dma_start3A_398 = arith.constant 0 : i32
        %dma_start3A_399 = arith.constant 0 : i32
        %dma_start3A_400 = tpu.memref_slice %arg8[%select_n3A_65, %dma_start3A_398, %dma_start3A_399] : memref<2x10x128xi32, #tpu.memory_space<vmem>> -> memref<1x10x128xi32, #tpu.memory_space<vmem>>
        %dma_start3A_401 = tpu.memref_squeeze %dma_start3A_400 : memref<1x10x128xi32, #tpu.memory_space<vmem>> -> memref<10x128xi32, #tpu.memory_space<vmem>>
        %dma_start3A_402 = arith.constant 0 : i32
        %dma_start3A_403 = tpu.memref_slice %dma_start3A_401[%run_scoped3A_335, %dma_start3A_402] : memref<10x128xi32, #tpu.memory_space<vmem>> -> memref<1x128xi32, #tpu.memory_space<vmem>>
        %dma_start3A_404 = tpu.memref_squeeze %dma_start3A_403 : memref<1x128xi32, #tpu.memory_space<vmem>> -> memref<128xi32, #tpu.memory_space<vmem>>
        %dma_start3A_405 = arith.constant 0 : i32
        %dma_start3A_406 = arith.constant 0 : i32
        %dma_start3A_407 = tpu.memref_slice %arg10[%dma_start3A_405, %dma_start3A_406] : memref<10008x128xf32, #tpu.memory_space<vmem_shared>> -> memref<10008x128xf32, #tpu.memory_space<vmem_shared>>
        tpu.enqueue_indirect_dma source(%dma_start3A_397 : memref<128x128xf32, #tpu.memory_space<vmem>>) target(%dma_start3A_407 : memref<10008x128xf32, #tpu.memory_space<vmem_shared>>) offsets(%dma_start3A_404 : memref<128xi32, #tpu.memory_space<vmem>>) semaphore(%run_scoped3A_393 : memref<!tpu.dma_semaphore, #tpu.memory_space<semaphore_mem>>) {add = true}
        %dma_wait3A_408 = arith.constant 0 : i32
        %dma_wait3A_409 = arith.constant 0 : i32
        %dma_wait3A_410 = tpu.memref_slice %arg9[%run_scoped3A_334, %dma_wait3A_408, %dma_wait3A_409] : memref<2x128x128xf32, #tpu.memory_space<vmem>> -> memref<1x128x128xf32, #tpu.memory_space<vmem>>
        %dma_wait3A_411 = tpu.memref_squeeze %dma_wait3A_410 : memref<1x128x128xf32, #tpu.memory_space<vmem>> -> memref<128x128xf32, #tpu.memory_space<vmem>>
        %dma_wait3A_412 = arith.constant 0 : i32
        %dma_wait3A_413 = arith.constant 0 : i32
        %dma_wait3A_414 = tpu.memref_slice %arg8[%select_n3A_65, %dma_wait3A_412, %dma_wait3A_413] : memref<2x10x128xi32, #tpu.memory_space<vmem>> -> memref<1x10x128xi32, #tpu.memory_space<vmem>>
        %dma_wait3A_415 = tpu.memref_squeeze %dma_wait3A_414 : memref<1x10x128xi32, #tpu.memory_space<vmem>> -> memref<10x128xi32, #tpu.memory_space<vmem>>
        %dma_wait3A_416 = arith.constant 0 : i32
        %dma_wait3A_417 = tpu.memref_slice %dma_wait3A_415[%run_scoped3A_335, %dma_wait3A_416] : memref<10x128xi32, #tpu.memory_space<vmem>> -> memref<1x128xi32, #tpu.memory_space<vmem>>
        %dma_wait3A_418 = tpu.memref_squeeze %dma_wait3A_417 : memref<1x128xi32, #tpu.memory_space<vmem>> -> memref<128xi32, #tpu.memory_space<vmem>>
        %dma_wait3A_419 = arith.constant 0 : i32
        %dma_wait3A_420 = arith.constant 0 : i32
        %dma_wait3A_421 = tpu.memref_slice %arg10[%dma_wait3A_419, %dma_wait3A_420] : memref<10008x128xf32, #tpu.memory_space<vmem_shared>> -> memref<10008x128xf32, #tpu.memory_space<vmem_shared>>
        tpu.wait_indirect_dma semaphore(%run_scoped3A_393 : memref<!tpu.dma_semaphore, #tpu.memory_space<semaphore_mem>>) src(%dma_wait3A_411 : memref<128x128xf32, #tpu.memory_space<vmem>>) dst(%dma_wait3A_421 : memref<10008x128xf32, #tpu.memory_space<vmem_shared>>)
        tpu.yield
      }) : () -> ()
      %dma_wait3A_336 = arith.constant 0 : i32
      %dma_wait3A_337 = arith.constant 0 : i32
      %dma_wait3A_338 = arith.constant 0 : i32
      %dma_wait3A_339 = tpu.memref_slice %arg9[%dma_wait3A_336, %dma_wait3A_337, %dma_wait3A_338] : memref<2x128x128xf32, #tpu.memory_space<vmem>> -> memref<1x128x128xf32, #tpu.memory_space<vmem>>
      %dma_wait3A_340 = tpu.memref_squeeze %dma_wait3A_339 : memref<1x128x128xf32, #tpu.memory_space<vmem>> -> memref<128x128xf32, #tpu.memory_space<vmem>>
      %dma_wait3A_341 = arith.constant 0 : i32
      %dma_wait3A_342 = arith.constant 0 : i32
      %dma_wait3A_343 = tpu.memref_slice %arg2[%dma_wait3A_341, %dma_wait3A_342] : memref<20000x128xf32, #tpu.memory_space<hbm>> -> memref<128x128xf32, #tpu.memory_space<hbm>>
      %dma_wait3A_344 = arith.constant 0 : i32
      %dma_wait3A_345 = arith.constant 0 : i32
      %dma_wait3A_346 = tpu.memref_slice %arg9[%dma_wait3A_336, %dma_wait3A_344, %dma_wait3A_345] : memref<2x128x128xf32, #tpu.memory_space<vmem>> -> memref<1x128x128xf32, #tpu.memory_space<vmem>>
      %dma_wait3A_347 = tpu.memref_squeeze %dma_wait3A_346 : memref<1x128x128xf32, #tpu.memory_space<vmem>> -> memref<128x128xf32, #tpu.memory_space<vmem>>
      %dma_wait3A_348 = arith.constant 0 : i32
      %dma_wait3A_349 = arith.constant 0 : i32
      %dma_wait3A_350 = tpu.memref_slice %arg2[%dma_wait3A_348, %dma_wait3A_349] : memref<20000x128xf32, #tpu.memory_space<hbm>> -> memref<128x128xf32, #tpu.memory_space<hbm>>
      tpu.wait_dma2 semaphore(%arg11 : memref<!tpu.dma_semaphore, #tpu.memory_space<semaphore_mem>>) src(%dma_wait3A_350 : memref<128x128xf32, #tpu.memory_space<hbm>>) dst(%dma_wait3A_347 : memref<128x128xf32, #tpu.memory_space<vmem>>)
      %dma_start3A_351 = arith.constant 9 : i32
      %dma_start3A_352 = arith.constant 1 : i32
      %dma_start3A_353 = arith.constant 0 : i32
      %dma_start3A_354 = arith.constant 0 : i32
      %dma_start3A_355 = tpu.memref_slice %arg9[%dma_start3A_352, %dma_start3A_353, %dma_start3A_354] : memref<2x128x128xf32, #tpu.memory_space<vmem>> -> memref<1x128x128xf32, #tpu.memory_space<vmem>>
      %dma_start3A_356 = tpu.memref_squeeze %dma_start3A_355 : memref<1x128x128xf32, #tpu.memory_space<vmem>> -> memref<128x128xf32, #tpu.memory_space<vmem>>
      %dma_start3A_357 = arith.constant 0 : i32
      %dma_start3A_358 = arith.constant 0 : i32
      %dma_start3A_359 = tpu.memref_slice %arg7[%select_n3A_65, %dma_start3A_357, %dma_start3A_358] : memref<2x10x128xi32, #tpu.memory_space<vmem>> -> memref<1x10x128xi32, #tpu.memory_space<vmem>>
      %dma_start3A_360 = tpu.memref_squeeze %dma_start3A_359 : memref<1x10x128xi32, #tpu.memory_space<vmem>> -> memref<10x128xi32, #tpu.memory_space<vmem>>
      %dma_start3A_361 = arith.constant 0 : i32
      %dma_start3A_362 = tpu.memref_slice %dma_start3A_360[%dma_start3A_351, %dma_start3A_361] : memref<10x128xi32, #tpu.memory_space<vmem>> -> memref<1x128xi32, #tpu.memory_space<vmem>>
      %dma_start3A_363 = tpu.memref_squeeze %dma_start3A_362 : memref<1x128xi32, #tpu.memory_space<vmem>> -> memref<128xi32, #tpu.memory_space<vmem>>
      %dma_start3A_364 = arith.constant 0 : i32
      %dma_start3A_365 = arith.constant 0 : i32
      %dma_start3A_366 = tpu.memref_slice %arg2[%dma_start3A_364, %dma_start3A_365] : memref<20000x128xf32, #tpu.memory_space<hbm>> -> memref<20000x128xf32, #tpu.memory_space<hbm>>
      tpu.enqueue_indirect_dma source(%dma_start3A_366 : memref<20000x128xf32, #tpu.memory_space<hbm>>) target(%dma_start3A_356 : memref<128x128xf32, #tpu.memory_space<vmem>>) offsets(%dma_start3A_363 : memref<128xi32, #tpu.memory_space<vmem>>) semaphore(%arg11 : memref<!tpu.dma_semaphore, #tpu.memory_space<semaphore_mem>>)
      %run_scoped3A_367 = arith.constant 0 : i32
      %run_scoped3A_368 = arith.constant 8 : i32
      "tpu.region"() ({
        %run_scoped3A_393 = tpu.sem_alloc : memref<!tpu.dma_semaphore, #tpu.memory_space<semaphore_mem>>
        %dma_start3A_394 = arith.constant 0 : i32
        %dma_start3A_395 = arith.constant 0 : i32
        %dma_start3A_396 = tpu.memref_slice %arg9[%run_scoped3A_367, %dma_start3A_394, %dma_start3A_395] : memref<2x128x128xf32, #tpu.memory_space<vmem>> -> memref<1x128x128xf32, #tpu.memory_space<vmem>>
        %dma_start3A_397 = tpu.memref_squeeze %dma_start3A_396 : memref<1x128x128xf32, #tpu.memory_space<vmem>> -> memref<128x128xf32, #tpu.memory_space<vmem>>
        %dma_start3A_398 = arith.constant 0 : i32
        %dma_start3A_399 = arith.constant 0 : i32
        %dma_start3A_400 = tpu.memref_slice %arg8[%select_n3A_65, %dma_start3A_398, %dma_start3A_399] : memref<2x10x128xi32, #tpu.memory_space<vmem>> -> memref<1x10x128xi32, #tpu.memory_space<vmem>>
        %dma_start3A_401 = tpu.memref_squeeze %dma_start3A_400 : memref<1x10x128xi32, #tpu.memory_space<vmem>> -> memref<10x128xi32, #tpu.memory_space<vmem>>
        %dma_start3A_402 = arith.constant 0 : i32
        %dma_start3A_403 = tpu.memref_slice %dma_start3A_401[%run_scoped3A_368, %dma_start3A_402] : memref<10x128xi32, #tpu.memory_space<vmem>> -> memref<1x128xi32, #tpu.memory_space<vmem>>
        %dma_start3A_404 = tpu.memref_squeeze %dma_start3A_403 : memref<1x128xi32, #tpu.memory_space<vmem>> -> memref<128xi32, #tpu.memory_space<vmem>>
        %dma_start3A_405 = arith.constant 0 : i32
        %dma_start3A_406 = arith.constant 0 : i32
        %dma_start3A_407 = tpu.memref_slice %arg10[%dma_start3A_405, %dma_start3A_406] : memref<10008x128xf32, #tpu.memory_space<vmem_shared>> -> memref<10008x128xf32, #tpu.memory_space<vmem_shared>>
        tpu.enqueue_indirect_dma source(%dma_start3A_397 : memref<128x128xf32, #tpu.memory_space<vmem>>) target(%dma_start3A_407 : memref<10008x128xf32, #tpu.memory_space<vmem_shared>>) offsets(%dma_start3A_404 : memref<128xi32, #tpu.memory_space<vmem>>) semaphore(%run_scoped3A_393 : memref<!tpu.dma_semaphore, #tpu.memory_space<semaphore_mem>>) {add = true}
        %dma_wait3A_408 = arith.constant 0 : i32
        %dma_wait3A_409 = arith.constant 0 : i32
        %dma_wait3A_410 = tpu.memref_slice %arg9[%run_scoped3A_367, %dma_wait3A_408, %dma_wait3A_409] : memref<2x128x128xf32, #tpu.memory_space<vmem>> -> memref<1x128x128xf32, #tpu.memory_space<vmem>>
        %dma_wait3A_411 = tpu.memref_squeeze %dma_wait3A_410 : memref<1x128x128xf32, #tpu.memory_space<vmem>> -> memref<128x128xf32, #tpu.memory_space<vmem>>
        %dma_wait3A_412 = arith.constant 0 : i32
        %dma_wait3A_413 = arith.constant 0 : i32
        %dma_wait3A_414 = tpu.memref_slice %arg8[%select_n3A_65, %dma_wait3A_412, %dma_wait3A_413] : memref<2x10x128xi32, #tpu.memory_space<vmem>> -> memref<1x10x128xi32, #tpu.memory_space<vmem>>
        %dma_wait3A_415 = tpu.memref_squeeze %dma_wait3A_414 : memref<1x10x128xi32, #tpu.memory_space<vmem>> -> memref<10x128xi32, #tpu.memory_space<vmem>>
        %dma_wait3A_416 = arith.constant 0 : i32
        %dma_wait3A_417 = tpu.memref_slice %dma_wait3A_415[%run_scoped3A_368, %dma_wait3A_416] : memref<10x128xi32, #tpu.memory_space<vmem>> -> memref<1x128xi32, #tpu.memory_space<vmem>>
        %dma_wait3A_418 = tpu.memref_squeeze %dma_wait3A_417 : memref<1x128xi32, #tpu.memory_space<vmem>> -> memref<128xi32, #tpu.memory_space<vmem>>
        %dma_wait3A_419 = arith.constant 0 : i32
        %dma_wait3A_420 = arith.constant 0 : i32
        %dma_wait3A_421 = tpu.memref_slice %arg10[%dma_wait3A_419, %dma_wait3A_420] : memref<10008x128xf32, #tpu.memory_space<vmem_shared>> -> memref<10008x128xf32, #tpu.memory_space<vmem_shared>>
        tpu.wait_indirect_dma semaphore(%run_scoped3A_393 : memref<!tpu.dma_semaphore, #tpu.memory_space<semaphore_mem>>) src(%dma_wait3A_411 : memref<128x128xf32, #tpu.memory_space<vmem>>) dst(%dma_wait3A_421 : memref<10008x128xf32, #tpu.memory_space<vmem_shared>>)
        tpu.yield
      }) : () -> ()
      %dma_wait3A_369 = arith.constant 1 : i32
      %dma_wait3A_370 = arith.constant 0 : i32
      %dma_wait3A_371 = arith.constant 0 : i32
      %dma_wait3A_372 = tpu.memref_slice %arg9[%dma_wait3A_369, %dma_wait3A_370, %dma_wait3A_371] : memref<2x128x128xf32, #tpu.memory_space<vmem>> -> memref<1x128x128xf32, #tpu.memory_space<vmem>>
      %dma_wait3A_373 = tpu.memref_squeeze %dma_wait3A_372 : memref<1x128x128xf32, #tpu.memory_space<vmem>> -> memref<128x128xf32, #tpu.memory_space<vmem>>
      %dma_wait3A_374 = arith.constant 0 : i32
      %dma_wait3A_375 = arith.constant 0 : i32
      %dma_wait3A_376 = tpu.memref_slice %arg2[%dma_wait3A_374, %dma_wait3A_375] : memref<20000x128xf32, #tpu.memory_space<hbm>> -> memref<128x128xf32, #tpu.memory_space<hbm>>
      %dma_wait3A_377 = arith.constant 0 : i32
      %dma_wait3A_378 = arith.constant 0 : i32
      %dma_wait3A_379 = tpu.memref_slice %arg9[%dma_wait3A_369, %dma_wait3A_377, %dma_wait3A_378] : memref<2x128x128xf32, #tpu.memory_space<vmem>> -> memref<1x128x128xf32, #tpu.memory_space<vmem>>
      %dma_wait3A_380 = tpu.memref_squeeze %dma_wait3A_379 : memref<1x128x128xf32, #tpu.memory_space<vmem>> -> memref<128x128xf32, #tpu.memory_space<vmem>>
      %dma_wait3A_381 = arith.constant 0 : i32
      %dma_wait3A_382 = arith.constant 0 : i32
      %dma_wait3A_383 = tpu.memref_slice %arg2[%dma_wait3A_381, %dma_wait3A_382] : memref<20000x128xf32, #tpu.memory_space<hbm>> -> memref<128x128xf32, #tpu.memory_space<hbm>>
      tpu.wait_dma2 semaphore(%arg11 : memref<!tpu.dma_semaphore, #tpu.memory_space<semaphore_mem>>) src(%dma_wait3A_383 : memref<128x128xf32, #tpu.memory_space<hbm>>) dst(%dma_wait3A_380 : memref<128x128xf32, #tpu.memory_space<vmem>>)
      %add3A_384 = arith.constant 1 : i32
      %add3A_385 = arith.addi %scan3A_55, %add3A_384 : i32
      %lt3A_386 = arith.constant 16 : i32
      %lt3A_387 = arith.cmpi slt, %add3A_385, %lt3A_386 : i32
      %convert_element_type3A_388 = arith.extui %lt3A_387 : i1 to i32
      %cond3A_389 = arith.constant 0 : i32
      %cond3A_390 = arith.cmpi ne, %convert_element_type3A_388, %cond3A_389 : i32
      scf.if %cond3A_390 {
        %dma_wait3A_393 = arith.constant 0 : i32
        %dma_wait3A_394 = arith.constant 0 : i32
        %dma_wait3A_395 = arith.constant 0 : i32
        %dma_wait3A_396 = arith.constant 0 : i32
        %dma_wait3A_397 = tpu.memref_slice %arg7[%dma_wait3A_394, %dma_wait3A_395, %dma_wait3A_396] : memref<2x10x128xi32, #tpu.memory_space<vmem>> -> memref<1x10x128xi32, #tpu.memory_space<vmem>>
        %dma_wait3A_398 = tpu.memref_squeeze %dma_wait3A_397 : memref<1x10x128xi32, #tpu.memory_space<vmem>> -> memref<10x128xi32, #tpu.memory_space<vmem>>
        %dma_wait3A_399 = arith.constant 0 : i32
        %dma_wait3A_400 = arith.constant 0 : i32
        %dma_wait3A_401 = tpu.memref_slice %arg3[%dma_wait3A_393, %dma_wait3A_399, %dma_wait3A_400] : memref<512x10x128xi32, #tpu.memory_space<hbm>> -> memref<1x10x128xi32, #tpu.memory_space<hbm>>
        %dma_wait3A_402 = tpu.memref_squeeze %dma_wait3A_401 : memref<1x10x128xi32, #tpu.memory_space<hbm>> -> memref<10x128xi32, #tpu.memory_space<hbm>>
        %dma_wait3A_403 = arith.constant 0 : i32
        %dma_wait3A_404 = arith.constant 0 : i32
        %dma_wait3A_405 = tpu.memref_slice %arg7[%dma_wait3A_394, %dma_wait3A_403, %dma_wait3A_404] : memref<2x10x128xi32, #tpu.memory_space<vmem>> -> memref<1x10x128xi32, #tpu.memory_space<vmem>>
        %dma_wait3A_406 = tpu.memref_squeeze %dma_wait3A_405 : memref<1x10x128xi32, #tpu.memory_space<vmem>> -> memref<10x128xi32, #tpu.memory_space<vmem>>
        %dma_wait3A_407 = arith.constant 0 : i32
        %dma_wait3A_408 = arith.constant 0 : i32
        %dma_wait3A_409 = tpu.memref_slice %arg3[%dma_wait3A_393, %dma_wait3A_407, %dma_wait3A_408] : memref<512x10x128xi32, #tpu.memory_space<hbm>> -> memref<1x10x128xi32, #tpu.memory_space<hbm>>
        %dma_wait3A_410 = tpu.memref_squeeze %dma_wait3A_409 : memref<1x10x128xi32, #tpu.memory_space<hbm>> -> memref<10x128xi32, #tpu.memory_space<hbm>>
        tpu.wait_dma2 semaphore(%arg12 : memref<!tpu.dma_semaphore, #tpu.memory_space<semaphore_mem>>) src(%dma_wait3A_410 : memref<10x128xi32, #tpu.memory_space<hbm>>) dst(%dma_wait3A_406 : memref<10x128xi32, #tpu.memory_space<vmem>>)
        %dma_wait3A_411 = arith.constant 0 : i32
        %dma_wait3A_412 = arith.constant 0 : i32
        %dma_wait3A_413 = arith.constant 0 : i32
        %dma_wait3A_414 = arith.constant 0 : i32
        %dma_wait3A_415 = tpu.memref_slice %arg8[%dma_wait3A_412, %dma_wait3A_413, %dma_wait3A_414] : memref<2x10x128xi32, #tpu.memory_space<vmem>> -> memref<1x10x128xi32, #tpu.memory_space<vmem>>
        %dma_wait3A_416 = tpu.memref_squeeze %dma_wait3A_415 : memref<1x10x128xi32, #tpu.memory_space<vmem>> -> memref<10x128xi32, #tpu.memory_space<vmem>>
        %dma_wait3A_417 = arith.constant 0 : i32
        %dma_wait3A_418 = arith.constant 0 : i32
        %dma_wait3A_419 = tpu.memref_slice %arg4[%dma_wait3A_411, %dma_wait3A_417, %dma_wait3A_418] : memref<256x10x128xi32, #tpu.memory_space<hbm>> -> memref<1x10x128xi32, #tpu.memory_space<hbm>>
        %dma_wait3A_420 = tpu.memref_squeeze %dma_wait3A_419 : memref<1x10x128xi32, #tpu.memory_space<hbm>> -> memref<10x128xi32, #tpu.memory_space<hbm>>
        %dma_wait3A_421 = arith.constant 0 : i32
        %dma_wait3A_422 = arith.constant 0 : i32
        %dma_wait3A_423 = tpu.memref_slice %arg8[%dma_wait3A_412, %dma_wait3A_421, %dma_wait3A_422] : memref<2x10x128xi32, #tpu.memory_space<vmem>> -> memref<1x10x128xi32, #tpu.memory_space<vmem>>
        %dma_wait3A_424 = tpu.memref_squeeze %dma_wait3A_423 : memref<1x10x128xi32, #tpu.memory_space<vmem>> -> memref<10x128xi32, #tpu.memory_space<vmem>>
        %dma_wait3A_425 = arith.constant 0 : i32
        %dma_wait3A_426 = arith.constant 0 : i32
        %dma_wait3A_427 = tpu.memref_slice %arg4[%dma_wait3A_411, %dma_wait3A_425, %dma_wait3A_426] : memref<256x10x128xi32, #tpu.memory_space<hbm>> -> memref<1x10x128xi32, #tpu.memory_space<hbm>>
        %dma_wait3A_428 = tpu.memref_squeeze %dma_wait3A_427 : memref<1x10x128xi32, #tpu.memory_space<hbm>> -> memref<10x128xi32, #tpu.memory_space<hbm>>
        tpu.wait_dma2 semaphore(%arg12 : memref<!tpu.dma_semaphore, #tpu.memory_space<semaphore_mem>>) src(%dma_wait3A_428 : memref<10x128xi32, #tpu.memory_space<hbm>>) dst(%dma_wait3A_424 : memref<10x128xi32, #tpu.memory_space<vmem>>)
        %add3A_429 = arith.constant 1 : i32
        %add3A_430 = arith.addi %scan3A_55, %add3A_429 : i32
        %jit3A_431 = arith.constant 2 : i32
        %eq3A_432 = arith.constant 0 : i32
        %eq3A_433 = arith.cmpi eq, %jit3A_431, %eq3A_432 : i32
        %jit3A_434 = arith.constant 1 : i32
        %select_n3A_435 = arith.select %eq3A_433, %jit3A_434, %jit3A_431 : i32
        %rem3A_436 = arith.remsi %add3A_430, %select_n3A_435 : i32
        %ne3A_437 = arith.constant 0 : i32
        %ne3A_438 = arith.cmpi ne, %rem3A_436, %ne3A_437 : i32
        %lt3A_439 = arith.constant 0 : i32
        %lt3A_440 = arith.cmpi slt, %rem3A_436, %lt3A_439 : i32
        %lt3A_441 = arith.constant 0 : i32
        %lt3A_442 = arith.cmpi slt, %select_n3A_435, %lt3A_441 : i32
        %ne3A_443 = arith.xori %lt3A_440, %lt3A_442 : i1
        %and3A_444 = arith.andi %ne3A_443, %ne3A_438 : i1
        %add3A_445 = arith.addi %rem3A_436, %select_n3A_435 : i32
        %select_n3A_446 = arith.select %and3A_444, %add3A_445, %rem3A_436 : i32
        %dma_start3A_447 = arith.constant 0 : i32
        %dma_start3A_448 = arith.constant 0 : i32
        %dma_start3A_449 = arith.constant 0 : i32
        %dma_start3A_450 = arith.constant 0 : i32
        %dma_start3A_451 = tpu.memref_slice %arg9[%dma_start3A_448, %dma_start3A_449, %dma_start3A_450] : memref<2x128x128xf32, #tpu.memory_space<vmem>> -> memref<1x128x128xf32, #tpu.memory_space<vmem>>
        %dma_start3A_452 = tpu.memref_squeeze %dma_start3A_451 : memref<1x128x128xf32, #tpu.memory_space<vmem>> -> memref<128x128xf32, #tpu.memory_space<vmem>>
        %dma_start3A_453 = arith.constant 0 : i32
        %dma_start3A_454 = arith.constant 0 : i32
        %dma_start3A_455 = tpu.memref_slice %arg7[%select_n3A_446, %dma_start3A_453, %dma_start3A_454] : memref<2x10x128xi32, #tpu.memory_space<vmem>> -> memref<1x10x128xi32, #tpu.memory_space<vmem>>
        %dma_start3A_456 = tpu.memref_squeeze %dma_start3A_455 : memref<1x10x128xi32, #tpu.memory_space<vmem>> -> memref<10x128xi32, #tpu.memory_space<vmem>>
        %dma_start3A_457 = arith.constant 0 : i32
        %dma_start3A_458 = tpu.memref_slice %dma_start3A_456[%dma_start3A_447, %dma_start3A_457] : memref<10x128xi32, #tpu.memory_space<vmem>> -> memref<1x128xi32, #tpu.memory_space<vmem>>
        %dma_start3A_459 = tpu.memref_squeeze %dma_start3A_458 : memref<1x128xi32, #tpu.memory_space<vmem>> -> memref<128xi32, #tpu.memory_space<vmem>>
        %dma_start3A_460 = arith.constant 0 : i32
        %dma_start3A_461 = arith.constant 0 : i32
        %dma_start3A_462 = tpu.memref_slice %arg2[%dma_start3A_460, %dma_start3A_461] : memref<20000x128xf32, #tpu.memory_space<hbm>> -> memref<20000x128xf32, #tpu.memory_space<hbm>>
        tpu.enqueue_indirect_dma source(%dma_start3A_462 : memref<20000x128xf32, #tpu.memory_space<hbm>>) target(%dma_start3A_452 : memref<128x128xf32, #tpu.memory_space<vmem>>) offsets(%dma_start3A_459 : memref<128xi32, #tpu.memory_space<vmem>>) semaphore(%arg11 : memref<!tpu.dma_semaphore, #tpu.memory_space<semaphore_mem>>)
      } else {
      }
      %run_scoped3A_391 = arith.constant 1 : i32
      %run_scoped3A_392 = arith.constant 9 : i32
      "tpu.region"() ({
        %run_scoped3A_393 = tpu.sem_alloc : memref<!tpu.dma_semaphore, #tpu.memory_space<semaphore_mem>>
        %dma_start3A_394 = arith.constant 0 : i32
        %dma_start3A_395 = arith.constant 0 : i32
        %dma_start3A_396 = tpu.memref_slice %arg9[%run_scoped3A_391, %dma_start3A_394, %dma_start3A_395] : memref<2x128x128xf32, #tpu.memory_space<vmem>> -> memref<1x128x128xf32, #tpu.memory_space<vmem>>
        %dma_start3A_397 = tpu.memref_squeeze %dma_start3A_396 : memref<1x128x128xf32, #tpu.memory_space<vmem>> -> memref<128x128xf32, #tpu.memory_space<vmem>>
        %dma_start3A_398 = arith.constant 0 : i32
        %dma_start3A_399 = arith.constant 0 : i32
        %dma_start3A_400 = tpu.memref_slice %arg8[%select_n3A_65, %dma_start3A_398, %dma_start3A_399] : memref<2x10x128xi32, #tpu.memory_space<vmem>> -> memref<1x10x128xi32, #tpu.memory_space<vmem>>
        %dma_start3A_401 = tpu.memref_squeeze %dma_start3A_400 : memref<1x10x128xi32, #tpu.memory_space<vmem>> -> memref<10x128xi32, #tpu.memory_space<vmem>>
        %dma_start3A_402 = arith.constant 0 : i32
        %dma_start3A_403 = tpu.memref_slice %dma_start3A_401[%run_scoped3A_392, %dma_start3A_402] : memref<10x128xi32, #tpu.memory_space<vmem>> -> memref<1x128xi32, #tpu.memory_space<vmem>>
        %dma_start3A_404 = tpu.memref_squeeze %dma_start3A_403 : memref<1x128xi32, #tpu.memory_space<vmem>> -> memref<128xi32, #tpu.memory_space<vmem>>
        %dma_start3A_405 = arith.constant 0 : i32
        %dma_start3A_406 = arith.constant 0 : i32
        %dma_start3A_407 = tpu.memref_slice %arg10[%dma_start3A_405, %dma_start3A_406] : memref<10008x128xf32, #tpu.memory_space<vmem_shared>> -> memref<10008x128xf32, #tpu.memory_space<vmem_shared>>
        tpu.enqueue_indirect_dma source(%dma_start3A_397 : memref<128x128xf32, #tpu.memory_space<vmem>>) target(%dma_start3A_407 : memref<10008x128xf32, #tpu.memory_space<vmem_shared>>) offsets(%dma_start3A_404 : memref<128xi32, #tpu.memory_space<vmem>>) semaphore(%run_scoped3A_393 : memref<!tpu.dma_semaphore, #tpu.memory_space<semaphore_mem>>) {add = true}
        %dma_wait3A_408 = arith.constant 0 : i32
        %dma_wait3A_409 = arith.constant 0 : i32
        %dma_wait3A_410 = tpu.memref_slice %arg9[%run_scoped3A_391, %dma_wait3A_408, %dma_wait3A_409] : memref<2x128x128xf32, #tpu.memory_space<vmem>> -> memref<1x128x128xf32, #tpu.memory_space<vmem>>
        %dma_wait3A_411 = tpu.memref_squeeze %dma_wait3A_410 : memref<1x128x128xf32, #tpu.memory_space<vmem>> -> memref<128x128xf32, #tpu.memory_space<vmem>>
        %dma_wait3A_412 = arith.constant 0 : i32
        %dma_wait3A_413 = arith.constant 0 : i32
        %dma_wait3A_414 = tpu.memref_slice %arg8[%select_n3A_65, %dma_wait3A_412, %dma_wait3A_413] : memref<2x10x128xi32, #tpu.memory_space<vmem>> -> memref<1x10x128xi32, #tpu.memory_space<vmem>>
        %dma_wait3A_415 = tpu.memref_squeeze %dma_wait3A_414 : memref<1x10x128xi32, #tpu.memory_space<vmem>> -> memref<10x128xi32, #tpu.memory_space<vmem>>
        %dma_wait3A_416 = arith.constant 0 : i32
        %dma_wait3A_417 = tpu.memref_slice %dma_wait3A_415[%run_scoped3A_392, %dma_wait3A_416] : memref<10x128xi32, #tpu.memory_space<vmem>> -> memref<1x128xi32, #tpu.memory_space<vmem>>
        %dma_wait3A_418 = tpu.memref_squeeze %dma_wait3A_417 : memref<1x128xi32, #tpu.memory_space<vmem>> -> memref<128xi32, #tpu.memory_space<vmem>>
        %dma_wait3A_419 = arith.constant 0 : i32
        %dma_wait3A_420 = arith.constant 0 : i32
        %dma_wait3A_421 = tpu.memref_slice %arg10[%dma_wait3A_419, %dma_wait3A_420] : memref<10008x128xf32, #tpu.memory_space<vmem_shared>> -> memref<10008x128xf32, #tpu.memory_space<vmem_shared>>
        tpu.wait_indirect_dma semaphore(%run_scoped3A_393 : memref<!tpu.dma_semaphore, #tpu.memory_space<semaphore_mem>>) src(%dma_wait3A_411 : memref<128x128xf32, #tpu.memory_space<vmem>>) dst(%dma_wait3A_421 : memref<10008x128xf32, #tpu.memory_space<vmem_shared>>)
        tpu.yield
      }) : () -> ()
    }
    %scan3A_37 = arith.constant 16 : i32
    %barrier3A_38 = arith.constant 0 : index
    tpu.barrier barrier_id(%barrier3A_38)
    %mul3A_39 = arith.constant 10000 : i32
    %mul3A_40 = arith.muli %arg0, %mul3A_39 : i32
    %mul3A_41 = arith.constant 624 : i32
    %mul3A_42 = arith.muli %arg1, %mul3A_41 : i32
    %add3A_43 = arith.constant 0 : i32
    %add3A_44 = arith.addi %add3A_43, %mul3A_42 : i32
    %multiple_of3A_45 = tpu.assume_multiple %add3A_44, 8 : i32
    %mul3A_46 = arith.constant 624 : i32
    %mul3A_47 = arith.muli %arg1, %mul3A_46 : i32
    %add3A_48 = arith.addi %mul3A_40, %mul3A_47 : i32
    %multiple_of3A_49 = tpu.assume_multiple %add3A_48, 8 : i32
    "tpu.region"() ({
      %run_scoped3A_55 = tpu.sem_alloc : memref<!tpu.dma_semaphore, #tpu.memory_space<semaphore_mem>>
      %dma_start3A_56 = arith.constant 0 : i32
      %dma_start3A_57 = tpu.memref_slice %arg6[%multiple_of3A_49, %dma_start3A_56] : memref<20000x128xf32, #tpu.memory_space<hbm>> -> memref<624x128xf32, #tpu.memory_space<hbm>>
      %dma_start3A_58 = arith.constant 0 : i32
      %dma_start3A_59 = tpu.memref_slice %arg10[%multiple_of3A_45, %dma_start3A_58] : memref<10008x128xf32, #tpu.memory_space<vmem_shared>> -> memref<624x128xf32, #tpu.memory_space<vmem_shared>>
      tpu.enqueue_dma source(%dma_start3A_59 : memref<624x128xf32, #tpu.memory_space<vmem_shared>>) target(%dma_start3A_57 : memref<624x128xf32, #tpu.memory_space<hbm>>) target_semaphore(%run_scoped3A_55 : memref<!tpu.dma_semaphore, #tpu.memory_space<semaphore_mem>>)
      %dma_wait3A = arith.constant 0 : i32
      %dma_wait3A_60 = tpu.memref_slice %arg6[%multiple_of3A_49, %dma_wait3A] : memref<20000x128xf32, #tpu.memory_space<hbm>> -> memref<624x128xf32, #tpu.memory_space<hbm>>
      %dma_wait3A_61 = arith.constant 0 : i32
      %dma_wait3A_62 = tpu.memref_slice %arg10[%multiple_of3A_45, %dma_wait3A_61] : memref<10008x128xf32, #tpu.memory_space<vmem_shared>> -> memref<624x128xf32, #tpu.memory_space<vmem_shared>>
      tpu.wait_dma2 semaphore(%run_scoped3A_55 : memref<!tpu.dma_semaphore, #tpu.memory_space<semaphore_mem>>) src(%dma_wait3A_62 : memref<624x128xf32, #tpu.memory_space<vmem_shared>>) dst(%dma_wait3A_60 : memref<624x128xf32, #tpu.memory_space<hbm>>)
      tpu.yield
    }) : () -> ()
    %eq3A_50 = arith.constant 15 : i32
    %eq3A_51 = arith.cmpi eq, %arg1, %eq3A_50 : i32
    %convert_element_type3A_52 = arith.extui %eq3A_51 : i1 to i32
    %cond3A_53 = arith.constant 0 : i32
    %cond3A_54 = arith.cmpi ne, %convert_element_type3A_52, %cond3A_53 : i32
    scf.if %cond3A_54 {
      %multiple_of3A_55 = arith.constant 9984 : i32
      %multiple_of3A_56 = tpu.assume_multiple %multiple_of3A_55, 8 : i32
      %add3A_57 = arith.constant 9984 : i32
      %add3A_58 = arith.addi %mul3A_40, %add3A_57 : i32
      %multiple_of3A_59 = tpu.assume_multiple %add3A_58, 8 : i32
      "tpu.region"() ({
        %run_scoped3A_60 = tpu.sem_alloc : memref<!tpu.dma_semaphore, #tpu.memory_space<semaphore_mem>>
        %dma_start3A_61 = arith.constant 0 : i32
        %dma_start3A_62 = tpu.memref_slice %arg6[%multiple_of3A_59, %dma_start3A_61] : memref<20000x128xf32, #tpu.memory_space<hbm>> -> memref<16x128xf32, #tpu.memory_space<hbm>>
        %dma_start3A_63 = arith.constant 0 : i32
        %dma_start3A_64 = tpu.memref_slice %arg10[%multiple_of3A_56, %dma_start3A_63] : memref<10008x128xf32, #tpu.memory_space<vmem_shared>> -> memref<16x128xf32, #tpu.memory_space<vmem_shared>>
        tpu.enqueue_dma source(%dma_start3A_64 : memref<16x128xf32, #tpu.memory_space<vmem_shared>>) target(%dma_start3A_62 : memref<16x128xf32, #tpu.memory_space<hbm>>) target_semaphore(%run_scoped3A_60 : memref<!tpu.dma_semaphore, #tpu.memory_space<semaphore_mem>>)
        %dma_wait3A = arith.constant 0 : i32
        %dma_wait3A_65 = tpu.memref_slice %arg6[%multiple_of3A_59, %dma_wait3A] : memref<20000x128xf32, #tpu.memory_space<hbm>> -> memref<16x128xf32, #tpu.memory_space<hbm>>
        %dma_wait3A_66 = arith.constant 0 : i32
        %dma_wait3A_67 = tpu.memref_slice %arg10[%multiple_of3A_56, %dma_wait3A_66] : memref<10008x128xf32, #tpu.memory_space<vmem_shared>> -> memref<16x128xf32, #tpu.memory_space<vmem_shared>>
        tpu.wait_dma2 semaphore(%run_scoped3A_60 : memref<!tpu.dma_semaphore, #tpu.memory_space<semaphore_mem>>) src(%dma_wait3A_67 : memref<16x128xf32, #tpu.memory_space<vmem_shared>>) dst(%dma_wait3A_65 : memref<16x128xf32, #tpu.memory_space<hbm>>)
        tpu.yield
      }) : () -> ()
    } else {
    }
    return
  }
}

#map = affine_map<(d0, d1) -> (0, 0)>
#map1 = affine_map<(d0, d1) -> (0, 0, 0)>
module attributes {stable_mosaic.version = 14 : i64} {
  func.func @k(%arg0: i32, %arg1: i32, %arg2: memref<20000x128xf32, #tpu.memory_space<hbm>>, %arg3: memref<512x10x128xi32, #tpu.memory_space<hbm>>, %arg4: memref<256x10x128xi32, #tpu.memory_space<hbm>>, %arg5: memref<10000x128xf32, #tpu.memory_space<hbm>>, %arg6: memref<20000x128xf32, #tpu.memory_space<hbm>>, %arg7: memref<2x10x128xi32, #tpu.memory_space<vmem>>, %arg8: memref<2x10x128xi32, #tpu.memory_space<vmem>>, %arg9: memref<2x128x128xf32, #tpu.memory_space<vmem>>, %arg10: memref<10008x128xf32, #tpu.memory_space<vmem_shared>>, %arg11: memref<!tpu.dma_semaphore, #tpu.memory_space<semaphore_mem>>, %arg12: memref<!tpu.dma_semaphore, #tpu.memory_space<semaphore_mem>>) attributes {dimension_semantics = [#tpu.dimension_semantics<core_parallel>, #tpu.dimension_semantics<subcore_parallel>], iteration_bounds = array<i64: 2, 16>, scalar_prefetch = 0 : i64, scratch_operands = 6 : i64, tpu.core_type = #tpu.core_type<sc_vector_subcore>, window_params = [{transform_indices = #map}, {transform_indices = #map1}, {transform_indices = #map1}, {transform_indices = #map}, {transform_indices = #map}]} {
    %mul3A = arith.constant 16 : i32
    %mul3A_0 = arith.muli %arg0, %mul3A : i32
    %add3A = arith.addi %mul3A_0, %arg1 : i32
    %mul3A_1 = arith.constant 16 : i32
    %mul3A_2 = arith.muli %add3A, %mul3A_1 : i32
    %run_scoped3A = arith.constant 0 : i32
    "tpu.region"() ({
      %run_scoped3A_55 = tpu.sem_alloc : memref<!tpu.dma_semaphore, #tpu.memory_space<semaphore_mem>>
      %dma_start3A_56 = arith.constant 0 : i32
      %dma_start3A_57 = arith.constant 0 : i32
      %dma_start3A_58 = tpu.memref_slice %arg7[%run_scoped3A, %dma_start3A_56, %dma_start3A_57] : memref<2x10x128xi32, #tpu.memory_space<vmem>> -> memref<1x10x128xi32, #tpu.memory_space<vmem>>
      %dma_start3A_59 = tpu.memref_squeeze %dma_start3A_58 : memref<1x10x128xi32, #tpu.memory_space<vmem>> -> memref<10x128xi32, #tpu.memory_space<vmem>>
      %dma_start3A_60 = arith.constant 0 : i32
      %dma_start3A_61 = arith.constant 0 : i32
      %dma_start3A_62 = tpu.memref_slice %arg3[%mul3A_2, %dma_start3A_60, %dma_start3A_61] : memref<512x10x128xi32, #tpu.memory_space<hbm>> -> memref<1x10x128xi32, #tpu.memory_space<hbm>>
      %dma_start3A_63 = tpu.memref_squeeze %dma_start3A_62 : memref<1x10x128xi32, #tpu.memory_space<hbm>> -> memref<10x128xi32, #tpu.memory_space<hbm>>
      %dma_start3A_64 = arith.constant 0 : i32
      %dma_start3A_65 = arith.constant 0 : i32
      %dma_start3A_66 = tpu.memref_slice %arg7[%run_scoped3A, %dma_start3A_64, %dma_start3A_65] : memref<2x10x128xi32, #tpu.memory_space<vmem>> -> memref<1x10x128xi32, #tpu.memory_space<vmem>>
      %dma_start3A_67 = tpu.memref_squeeze %dma_start3A_66 : memref<1x10x128xi32, #tpu.memory_space<vmem>> -> memref<10x128xi32, #tpu.memory_space<vmem>>
      %dma_start3A_68 = arith.constant 0 : i32
      %dma_start3A_69 = arith.constant 0 : i32
      %dma_start3A_70 = tpu.memref_slice %arg3[%mul3A_2, %dma_start3A_68, %dma_start3A_69] : memref<512x10x128xi32, #tpu.memory_space<hbm>> -> memref<1x10x128xi32, #tpu.memory_space<hbm>>
      %dma_start3A_71 = tpu.memref_squeeze %dma_start3A_70 : memref<1x10x128xi32, #tpu.memory_space<hbm>> -> memref<10x128xi32, #tpu.memory_space<hbm>>
      tpu.enqueue_dma source(%dma_start3A_71 : memref<10x128xi32, #tpu.memory_space<hbm>>) target(%dma_start3A_67 : memref<10x128xi32, #tpu.memory_space<vmem>>) target_semaphore(%run_scoped3A_55 : memref<!tpu.dma_semaphore, #tpu.memory_space<semaphore_mem>>)
      %dma_wait3A = arith.constant 0 : i32
      %dma_wait3A_72 = arith.constant 0 : i32
      %dma_wait3A_73 = tpu.memref_slice %arg7[%run_scoped3A, %dma_wait3A, %dma_wait3A_72] : memref<2x10x128xi32, #tpu.memory_space<vmem>> -> memref<1x10x128xi32, #tpu.memory_space<vmem>>
      %dma_wait3A_74 = tpu.memref_squeeze %dma_wait3A_73 : memref<1x10x128xi32, #tpu.memory_space<vmem>> -> memref<10x128xi32, #tpu.memory_space<vmem>>
      %dma_wait3A_75 = arith.constant 0 : i32
      %dma_wait3A_76 = arith.constant 0 : i32
      %dma_wait3A_77 = tpu.memref_slice %arg3[%mul3A_2, %dma_wait3A_75, %dma_wait3A_76] : memref<512x10x128xi32, #tpu.memory_space<hbm>> -> memref<1x10x128xi32, #tpu.memory_space<hbm>>
      %dma_wait3A_78 = tpu.memref_squeeze %dma_wait3A_77 : memref<1x10x128xi32, #tpu.memory_space<hbm>> -> memref<10x128xi32, #tpu.memory_space<hbm>>
      %dma_wait3A_79 = arith.constant 0 : i32
      %dma_wait3A_80 = arith.constant 0 : i32
      %dma_wait3A_81 = tpu.memref_slice %arg7[%run_scoped3A, %dma_wait3A_79, %dma_wait3A_80] : memref<2x10x128xi32, #tpu.memory_space<vmem>> -> memref<1x10x128xi32, #tpu.memory_space<vmem>>
      %dma_wait3A_82 = tpu.memref_squeeze %dma_wait3A_81 : memref<1x10x128xi32, #tpu.memory_space<vmem>> -> memref<10x128xi32, #tpu.memory_space<vmem>>
      %dma_wait3A_83 = arith.constant 0 : i32
      %dma_wait3A_84 = arith.constant 0 : i32
      %dma_wait3A_85 = tpu.memref_slice %arg3[%mul3A_2, %dma_wait3A_83, %dma_wait3A_84] : memref<512x10x128xi32, #tpu.memory_space<hbm>> -> memref<1x10x128xi32, #tpu.memory_space<hbm>>
      %dma_wait3A_86 = tpu.memref_squeeze %dma_wait3A_85 : memref<1x10x128xi32, #tpu.memory_space<hbm>> -> memref<10x128xi32, #tpu.memory_space<hbm>>
      tpu.wait_dma2 semaphore(%run_scoped3A_55 : memref<!tpu.dma_semaphore, #tpu.memory_space<semaphore_mem>>) src(%dma_wait3A_86 : memref<10x128xi32, #tpu.memory_space<hbm>>) dst(%dma_wait3A_82 : memref<10x128xi32, #tpu.memory_space<vmem>>)
      tpu.yield
    }) : () -> ()
    %mul3A_3 = arith.constant 16 : i32
    %mul3A_4 = arith.muli %arg1, %mul3A_3 : i32
    %run_scoped3A_5 = arith.constant 0 : i32
    "tpu.region"() ({
      %run_scoped3A_55 = tpu.sem_alloc : memref<!tpu.dma_semaphore, #tpu.memory_space<semaphore_mem>>
      %dma_start3A_56 = arith.constant 0 : i32
      %dma_start3A_57 = arith.constant 0 : i32
      %dma_start3A_58 = tpu.memref_slice %arg8[%run_scoped3A_5, %dma_start3A_56, %dma_start3A_57] : memref<2x10x128xi32, #tpu.memory_space<vmem>> -> memref<1x10x128xi32, #tpu.memory_space<vmem>>
      %dma_start3A_59 = tpu.memref_squeeze %dma_start3A_58 : memref<1x10x128xi32, #tpu.memory_space<vmem>> -> memref<10x128xi32, #tpu.memory_space<vmem>>
      %dma_start3A_60 = arith.constant 0 : i32
      %dma_start3A_61 = arith.constant 0 : i32
      %dma_start3A_62 = tpu.memref_slice %arg4[%mul3A_4, %dma_start3A_60, %dma_start3A_61] : memref<256x10x128xi32, #tpu.memory_space<hbm>> -> memref<1x10x128xi32, #tpu.memory_space<hbm>>
      %dma_start3A_63 = tpu.memref_squeeze %dma_start3A_62 : memref<1x10x128xi32, #tpu.memory_space<hbm>> -> memref<10x128xi32, #tpu.memory_space<hbm>>
      %dma_start3A_64 = arith.constant 0 : i32
      %dma_start3A_65 = arith.constant 0 : i32
      %dma_start3A_66 = tpu.memref_slice %arg8[%run_scoped3A_5, %dma_start3A_64, %dma_start3A_65] : memref<2x10x128xi32, #tpu.memory_space<vmem>> -> memref<1x10x128xi32, #tpu.memory_space<vmem>>
      %dma_start3A_67 = tpu.memref_squeeze %dma_start3A_66 : memref<1x10x128xi32, #tpu.memory_space<vmem>> -> memref<10x128xi32, #tpu.memory_space<vmem>>
      %dma_start3A_68 = arith.constant 0 : i32
      %dma_start3A_69 = arith.constant 0 : i32
      %dma_start3A_70 = tpu.memref_slice %arg4[%mul3A_4, %dma_start3A_68, %dma_start3A_69] : memref<256x10x128xi32, #tpu.memory_space<hbm>> -> memref<1x10x128xi32, #tpu.memory_space<hbm>>
      %dma_start3A_71 = tpu.memref_squeeze %dma_start3A_70 : memref<1x10x128xi32, #tpu.memory_space<hbm>> -> memref<10x128xi32, #tpu.memory_space<hbm>>
      tpu.enqueue_dma source(%dma_start3A_71 : memref<10x128xi32, #tpu.memory_space<hbm>>) target(%dma_start3A_67 : memref<10x128xi32, #tpu.memory_space<vmem>>) target_semaphore(%run_scoped3A_55 : memref<!tpu.dma_semaphore, #tpu.memory_space<semaphore_mem>>)
      %dma_wait3A = arith.constant 0 : i32
      %dma_wait3A_72 = arith.constant 0 : i32
      %dma_wait3A_73 = tpu.memref_slice %arg8[%run_scoped3A_5, %dma_wait3A, %dma_wait3A_72] : memref<2x10x128xi32, #tpu.memory_space<vmem>> -> memref<1x10x128xi32, #tpu.memory_space<vmem>>
      %dma_wait3A_74 = tpu.memref_squeeze %dma_wait3A_73 : memref<1x10x128xi32, #tpu.memory_space<vmem>> -> memref<10x128xi32, #tpu.memory_space<vmem>>
      %dma_wait3A_75 = arith.constant 0 : i32
      %dma_wait3A_76 = arith.constant 0 : i32
      %dma_wait3A_77 = tpu.memref_slice %arg4[%mul3A_4, %dma_wait3A_75, %dma_wait3A_76] : memref<256x10x128xi32, #tpu.memory_space<hbm>> -> memref<1x10x128xi32, #tpu.memory_space<hbm>>
      %dma_wait3A_78 = tpu.memref_squeeze %dma_wait3A_77 : memref<1x10x128xi32, #tpu.memory_space<hbm>> -> memref<10x128xi32, #tpu.memory_space<hbm>>
      %dma_wait3A_79 = arith.constant 0 : i32
      %dma_wait3A_80 = arith.constant 0 : i32
      %dma_wait3A_81 = tpu.memref_slice %arg8[%run_scoped3A_5, %dma_wait3A_79, %dma_wait3A_80] : memref<2x10x128xi32, #tpu.memory_space<vmem>> -> memref<1x10x128xi32, #tpu.memory_space<vmem>>
      %dma_wait3A_82 = tpu.memref_squeeze %dma_wait3A_81 : memref<1x10x128xi32, #tpu.memory_space<vmem>> -> memref<10x128xi32, #tpu.memory_space<vmem>>
      %dma_wait3A_83 = arith.constant 0 : i32
      %dma_wait3A_84 = arith.constant 0 : i32
      %dma_wait3A_85 = tpu.memref_slice %arg4[%mul3A_4, %dma_wait3A_83, %dma_wait3A_84] : memref<256x10x128xi32, #tpu.memory_space<hbm>> -> memref<1x10x128xi32, #tpu.memory_space<hbm>>
      %dma_wait3A_86 = tpu.memref_squeeze %dma_wait3A_85 : memref<1x10x128xi32, #tpu.memory_space<hbm>> -> memref<10x128xi32, #tpu.memory_space<hbm>>
      tpu.wait_dma2 semaphore(%run_scoped3A_55 : memref<!tpu.dma_semaphore, #tpu.memory_space<semaphore_mem>>) src(%dma_wait3A_86 : memref<10x128xi32, #tpu.memory_space<hbm>>) dst(%dma_wait3A_82 : memref<10x128xi32, #tpu.memory_space<vmem>>)
      tpu.yield
    }) : () -> ()
    %mul3A_6 = arith.constant 624 : i32
    %mul3A_7 = arith.muli %arg1, %mul3A_6 : i32
    %add3A_8 = arith.constant 0 : i32
    %add3A_9 = arith.addi %add3A_8, %mul3A_7 : i32
    %multiple_of3A = tpu.assume_multiple %add3A_9, 8 : i32
    %mul3A_10 = arith.constant 624 : i32
    %mul3A_11 = arith.muli %arg1, %mul3A_10 : i32
    %add3A_12 = arith.constant 0 : i32
    %add3A_13 = arith.addi %add3A_12, %mul3A_11 : i32
    %multiple_of3A_14 = tpu.assume_multiple %add3A_13, 8 : i32
    "tpu.region"() ({
      %run_scoped3A_55 = tpu.sem_alloc : memref<!tpu.dma_semaphore, #tpu.memory_space<semaphore_mem>>
      %dma_start3A_56 = arith.constant 0 : i32
      %dma_start3A_57 = tpu.memref_slice %arg10[%multiple_of3A_14, %dma_start3A_56] : memref<10008x128xf32, #tpu.memory_space<vmem_shared>> -> memref<624x128xf32, #tpu.memory_space<vmem_shared>>
      %dma_start3A_58 = arith.constant 0 : i32
      %dma_start3A_59 = tpu.memref_slice %arg5[%multiple_of3A, %dma_start3A_58] : memref<10000x128xf32, #tpu.memory_space<hbm>> -> memref<624x128xf32, #tpu.memory_space<hbm>>
      tpu.enqueue_dma source(%dma_start3A_59 : memref<624x128xf32, #tpu.memory_space<hbm>>) target(%dma_start3A_57 : memref<624x128xf32, #tpu.memory_space<vmem_shared>>) target_semaphore(%run_scoped3A_55 : memref<!tpu.dma_semaphore, #tpu.memory_space<semaphore_mem>>)
      %dma_wait3A = arith.constant 0 : i32
      %dma_wait3A_60 = tpu.memref_slice %arg10[%multiple_of3A_14, %dma_wait3A] : memref<10008x128xf32, #tpu.memory_space<vmem_shared>> -> memref<624x128xf32, #tpu.memory_space<vmem_shared>>
      %dma_wait3A_61 = arith.constant 0 : i32
      %dma_wait3A_62 = tpu.memref_slice %arg5[%multiple_of3A, %dma_wait3A_61] : memref<10000x128xf32, #tpu.memory_space<hbm>> -> memref<624x128xf32, #tpu.memory_space<hbm>>
      tpu.wait_dma2 semaphore(%run_scoped3A_55 : memref<!tpu.dma_semaphore, #tpu.memory_space<semaphore_mem>>) src(%dma_wait3A_62 : memref<624x128xf32, #tpu.memory_space<hbm>>) dst(%dma_wait3A_60 : memref<624x128xf32, #tpu.memory_space<vmem_shared>>)
      tpu.yield
    }) : () -> ()
    %eq3A = arith.constant 15 : i32
    %eq3A_15 = arith.cmpi eq, %arg1, %eq3A : i32
    %convert_element_type3A = arith.extui %eq3A_15 : i1 to i32
    %cond3A = arith.constant 0 : i32
    %cond3A_16 = arith.cmpi ne, %convert_element_type3A, %cond3A : i32
    scf.if %cond3A_16 {
      %multiple_of3A_55 = arith.constant 9984 : i32
      %multiple_of3A_56 = tpu.assume_multiple %multiple_of3A_55, 8 : i32
      %multiple_of3A_57 = arith.constant 9984 : i32
      %multiple_of3A_58 = tpu.assume_multiple %multiple_of3A_57, 8 : i32
      "tpu.region"() ({
        %run_scoped3A_59 = tpu.sem_alloc : memref<!tpu.dma_semaphore, #tpu.memory_space<semaphore_mem>>
        %dma_start3A_60 = arith.constant 0 : i32
        %dma_start3A_61 = tpu.memref_slice %arg10[%multiple_of3A_58, %dma_start3A_60] : memref<10008x128xf32, #tpu.memory_space<vmem_shared>> -> memref<16x128xf32, #tpu.memory_space<vmem_shared>>
        %dma_start3A_62 = arith.constant 0 : i32
        %dma_start3A_63 = tpu.memref_slice %arg5[%multiple_of3A_56, %dma_start3A_62] : memref<10000x128xf32, #tpu.memory_space<hbm>> -> memref<16x128xf32, #tpu.memory_space<hbm>>
        tpu.enqueue_dma source(%dma_start3A_63 : memref<16x128xf32, #tpu.memory_space<hbm>>) target(%dma_start3A_61 : memref<16x128xf32, #tpu.memory_space<vmem_shared>>) target_semaphore(%run_scoped3A_59 : memref<!tpu.dma_semaphore, #tpu.memory_space<semaphore_mem>>)
        %dma_wait3A = arith.constant 0 : i32
        %dma_wait3A_64 = tpu.memref_slice %arg10[%multiple_of3A_58, %dma_wait3A] : memref<10008x128xf32, #tpu.memory_space<vmem_shared>> -> memref<16x128xf32, #tpu.memory_space<vmem_shared>>
        %dma_wait3A_65 = arith.constant 0 : i32
        %dma_wait3A_66 = tpu.memref_slice %arg5[%multiple_of3A_56, %dma_wait3A_65] : memref<10000x128xf32, #tpu.memory_space<hbm>> -> memref<16x128xf32, #tpu.memory_space<hbm>>
        tpu.wait_dma2 semaphore(%run_scoped3A_59 : memref<!tpu.dma_semaphore, #tpu.memory_space<semaphore_mem>>) src(%dma_wait3A_66 : memref<16x128xf32, #tpu.memory_space<hbm>>) dst(%dma_wait3A_64 : memref<16x128xf32, #tpu.memory_space<vmem_shared>>)
        tpu.yield
      }) : () -> ()
    } else {
    }
    %barrier3A = arith.constant 0 : index
    tpu.barrier barrier_id(%barrier3A)
    %dma_start3A = arith.constant 0 : i32
    %dma_start3A_17 = arith.constant 0 : i32
    %dma_start3A_18 = arith.constant 0 : i32
    %dma_start3A_19 = arith.constant 0 : i32
    %dma_start3A_20 = arith.constant 0 : i32
    %dma_start3A_21 = tpu.memref_slice %arg9[%dma_start3A_18, %dma_start3A_19, %dma_start3A_20] : memref<2x128x128xf32, #tpu.memory_space<vmem>> -> memref<1x128x128xf32, #tpu.memory_space<vmem>>
    %dma_start3A_22 = tpu.memref_squeeze %dma_start3A_21 : memref<1x128x128xf32, #tpu.memory_space<vmem>> -> memref<128x128xf32, #tpu.memory_space<vmem>>
    %dma_start3A_23 = arith.constant 0 : i32
    %dma_start3A_24 = arith.constant 0 : i32
    %dma_start3A_25 = tpu.memref_slice %arg7[%dma_start3A, %dma_start3A_23, %dma_start3A_24] : memref<2x10x128xi32, #tpu.memory_space<vmem>> -> memref<1x10x128xi32, #tpu.memory_space<vmem>>
    %dma_start3A_26 = tpu.memref_squeeze %dma_start3A_25 : memref<1x10x128xi32, #tpu.memory_space<vmem>> -> memref<10x128xi32, #tpu.memory_space<vmem>>
    %dma_start3A_27 = arith.constant 0 : i32
    %dma_start3A_28 = tpu.memref_slice %dma_start3A_26[%dma_start3A_17, %dma_start3A_27] : memref<10x128xi32, #tpu.memory_space<vmem>> -> memref<1x128xi32, #tpu.memory_space<vmem>>
    %dma_start3A_29 = tpu.memref_squeeze %dma_start3A_28 : memref<1x128xi32, #tpu.memory_space<vmem>> -> memref<128xi32, #tpu.memory_space<vmem>>
    %dma_start3A_30 = arith.constant 0 : i32
    %dma_start3A_31 = arith.constant 0 : i32
    %dma_start3A_32 = tpu.memref_slice %arg2[%dma_start3A_30, %dma_start3A_31] : memref<20000x128xf32, #tpu.memory_space<hbm>> -> memref<20000x128xf32, #tpu.memory_space<hbm>>
    tpu.enqueue_indirect_dma source(%dma_start3A_32 : memref<20000x128xf32, #tpu.memory_space<hbm>>) target(%dma_start3A_22 : memref<128x128xf32, #tpu.memory_space<vmem>>) offsets(%dma_start3A_29 : memref<128xi32, #tpu.memory_space<vmem>>) semaphore(%arg11 : memref<!tpu.dma_semaphore, #tpu.memory_space<semaphore_mem>>)
    %scan3A = arith.constant 0 : i32
    %scan3A_33 = arith.constant 0 : i32
    %scan3A_34 = arith.constant 16 : i32
    %scan3A_35 = arith.addi %scan3A_33, %scan3A_34 : i32
    %scan3A_36 = arith.constant 1 : i32
    scf.for %scan3A_55 = %scan3A_33 to %scan3A_35 step %scan3A_36  : i32 {
      %jit3A = arith.constant 2 : i32
      %eq3A_56 = arith.constant 0 : i32
      %eq3A_57 = arith.cmpi eq, %jit3A, %eq3A_56 : i32
      %jit3A_58 = arith.constant 1 : i32
      %select_n3A = arith.select %eq3A_57, %jit3A_58, %jit3A : i32
      %rem3A = arith.remsi %scan3A_55, %select_n3A : i32
      %ne3A = arith.constant 0 : i32
      %ne3A_59 = arith.cmpi ne, %rem3A, %ne3A : i32
      %lt3A = arith.constant 0 : i32
      %lt3A_60 = arith.cmpi slt, %rem3A, %lt3A : i32
      %lt3A_61 = arith.constant 0 : i32
      %lt3A_62 = arith.cmpi slt, %select_n3A, %lt3A_61 : i32
      %ne3A_63 = arith.xori %lt3A_60, %lt3A_62 : i1
      %and3A = arith.andi %ne3A_63, %ne3A_59 : i1
      %add3A_64 = arith.addi %rem3A, %select_n3A : i32
      %select_n3A_65 = arith.select %and3A, %add3A_64, %rem3A : i32
      %add3A_66 = arith.constant 1 : i32
      %add3A_67 = arith.addi %scan3A_55, %add3A_66 : i32
      %lt3A_68 = arith.constant 16 : i32
      %lt3A_69 = arith.cmpi slt, %add3A_67, %lt3A_68 : i32
      %convert_element_type3A_70 = arith.extui %lt3A_69 : i1 to i32
      %cond3A_71 = arith.constant 0 : i32
      %cond3A_72 = arith.cmpi ne, %convert_element_type3A_70, %cond3A_71 : i32
      scf.if %cond3A_72 {
        %mul3A_393 = arith.constant 16 : i32
        %mul3A_394 = arith.muli %add3A, %mul3A_393 : i32
        %add3A_395 = arith.addi %mul3A_394, %scan3A_55 : i32
        %add3A_396 = arith.constant 1 : i32
        %add3A_397 = arith.addi %add3A_395, %add3A_396 : i32
        %add3A_398 = arith.constant 1 : i32
        %add3A_399 = arith.addi %scan3A_55, %add3A_398 : i32
        %jit3A_400 = arith.constant 2 : i32
        %eq3A_401 = arith.constant 0 : i32
        %eq3A_402 = arith.cmpi eq, %jit3A_400, %eq3A_401 : i32
        %jit3A_403 = arith.constant 1 : i32
        %select_n3A_404 = arith.select %eq3A_402, %jit3A_403, %jit3A_400 : i32
        %rem3A_405 = arith.remsi %add3A_399, %select_n3A_404 : i32
        %ne3A_406 = arith.constant 0 : i32
        %ne3A_407 = arith.cmpi ne, %rem3A_405, %ne3A_406 : i32
        %lt3A_408 = arith.constant 0 : i32
        %lt3A_409 = arith.cmpi slt, %rem3A_405, %lt3A_408 : i32
        %lt3A_410 = arith.constant 0 : i32
        %lt3A_411 = arith.cmpi slt, %select_n3A_404, %lt3A_410 : i32
        %ne3A_412 = arith.xori %lt3A_409, %lt3A_411 : i1
        %and3A_413 = arith.andi %ne3A_412, %ne3A_407 : i1
        %add3A_414 = arith.addi %rem3A_405, %select_n3A_404 : i32
        %select_n3A_415 = arith.select %and3A_413, %add3A_414, %rem3A_405 : i32
        %dma_start3A_416 = arith.constant 0 : i32
        %dma_start3A_417 = arith.constant 0 : i32
        %dma_start3A_418 = tpu.memref_slice %arg7[%select_n3A_415, %dma_start3A_416, %dma_start3A_417] : memref<2x10x128xi32, #tpu.memory_space<vmem>> -> memref<1x10x128xi32, #tpu.memory_space<vmem>>
        %dma_start3A_419 = tpu.memref_squeeze %dma_start3A_418 : memref<1x10x128xi32, #tpu.memory_space<vmem>> -> memref<10x128xi32, #tpu.memory_space<vmem>>
        %dma_start3A_420 = arith.constant 0 : i32
        %dma_start3A_421 = arith.constant 0 : i32
        %dma_start3A_422 = tpu.memref_slice %arg3[%add3A_397, %dma_start3A_420, %dma_start3A_421] : memref<512x10x128xi32, #tpu.memory_space<hbm>> -> memref<1x10x128xi32, #tpu.memory_space<hbm>>
        %dma_start3A_423 = tpu.memref_squeeze %dma_start3A_422 : memref<1x10x128xi32, #tpu.memory_space<hbm>> -> memref<10x128xi32, #tpu.memory_space<hbm>>
        %dma_start3A_424 = arith.constant 0 : i32
        %dma_start3A_425 = arith.constant 0 : i32
        %dma_start3A_426 = tpu.memref_slice %arg7[%select_n3A_415, %dma_start3A_424, %dma_start3A_425] : memref<2x10x128xi32, #tpu.memory_space<vmem>> -> memref<1x10x128xi32, #tpu.memory_space<vmem>>
        %dma_start3A_427 = tpu.memref_squeeze %dma_start3A_426 : memref<1x10x128xi32, #tpu.memory_space<vmem>> -> memref<10x128xi32, #tpu.memory_space<vmem>>
        %dma_start3A_428 = arith.constant 0 : i32
        %dma_start3A_429 = arith.constant 0 : i32
        %dma_start3A_430 = tpu.memref_slice %arg3[%add3A_397, %dma_start3A_428, %dma_start3A_429] : memref<512x10x128xi32, #tpu.memory_space<hbm>> -> memref<1x10x128xi32, #tpu.memory_space<hbm>>
        %dma_start3A_431 = tpu.memref_squeeze %dma_start3A_430 : memref<1x10x128xi32, #tpu.memory_space<hbm>> -> memref<10x128xi32, #tpu.memory_space<hbm>>
        tpu.enqueue_dma source(%dma_start3A_431 : memref<10x128xi32, #tpu.memory_space<hbm>>) target(%dma_start3A_427 : memref<10x128xi32, #tpu.memory_space<vmem>>) target_semaphore(%arg12 : memref<!tpu.dma_semaphore, #tpu.memory_space<semaphore_mem>>)
        %mul3A_432 = arith.constant 16 : i32
        %mul3A_433 = arith.muli %arg1, %mul3A_432 : i32
        %add3A_434 = arith.addi %mul3A_433, %scan3A_55 : i32
        %add3A_435 = arith.constant 1 : i32
        %add3A_436 = arith.addi %add3A_434, %add3A_435 : i32
        %add3A_437 = arith.constant 1 : i32
        %add3A_438 = arith.addi %scan3A_55, %add3A_437 : i32
        %jit3A_439 = arith.constant 2 : i32
        %eq3A_440 = arith.constant 0 : i32
        %eq3A_441 = arith.cmpi eq, %jit3A_439, %eq3A_440 : i32
        %jit3A_442 = arith.constant 1 : i32
        %select_n3A_443 = arith.select %eq3A_441, %jit3A_442, %jit3A_439 : i32
        %rem3A_444 = arith.remsi %add3A_438, %select_n3A_443 : i32
        %ne3A_445 = arith.constant 0 : i32
        %ne3A_446 = arith.cmpi ne, %rem3A_444, %ne3A_445 : i32
        %lt3A_447 = arith.constant 0 : i32
        %lt3A_448 = arith.cmpi slt, %rem3A_444, %lt3A_447 : i32
        %lt3A_449 = arith.constant 0 : i32
        %lt3A_450 = arith.cmpi slt, %select_n3A_443, %lt3A_449 : i32
        %ne3A_451 = arith.xori %lt3A_448, %lt3A_450 : i1
        %and3A_452 = arith.andi %ne3A_451, %ne3A_446 : i1
        %add3A_453 = arith.addi %rem3A_444, %select_n3A_443 : i32
        %select_n3A_454 = arith.select %and3A_452, %add3A_453, %rem3A_444 : i32
        %dma_start3A_455 = arith.constant 0 : i32
        %dma_start3A_456 = arith.constant 0 : i32
        %dma_start3A_457 = tpu.memref_slice %arg8[%select_n3A_454, %dma_start3A_455, %dma_start3A_456] : memref<2x10x128xi32, #tpu.memory_space<vmem>> -> memref<1x10x128xi32, #tpu.memory_space<vmem>>
        %dma_start3A_458 = tpu.memref_squeeze %dma_start3A_457 : memref<1x10x128xi32, #tpu.memory_space<vmem>> -> memref<10x128xi32, #tpu.memory_space<vmem>>
        %dma_start3A_459 = arith.constant 0 : i32
        %dma_start3A_460 = arith.constant 0 : i32
        %dma_start3A_461 = tpu.memref_slice %arg4[%add3A_436, %dma_start3A_459, %dma_start3A_460] : memref<256x10x128xi32, #tpu.memory_space<hbm>> -> memref<1x10x128xi32, #tpu.memory_space<hbm>>
        %dma_start3A_462 = tpu.memref_squeeze %dma_start3A_461 : memref<1x10x128xi32, #tpu.memory_space<hbm>> -> memref<10x128xi32, #tpu.memory_space<hbm>>
        %dma_start3A_463 = arith.constant 0 : i32
        %dma_start3A_464 = arith.constant 0 : i32
        %dma_start3A_465 = tpu.memref_slice %arg8[%select_n3A_454, %dma_start3A_463, %dma_start3A_464] : memref<2x10x128xi32, #tpu.memory_space<vmem>> -> memref<1x10x128xi32, #tpu.memory_space<vmem>>
        %dma_start3A_466 = tpu.memref_squeeze %dma_start3A_465 : memref<1x10x128xi32, #tpu.memory_space<vmem>> -> memref<10x128xi32, #tpu.memory_space<vmem>>
        %dma_start3A_467 = arith.constant 0 : i32
        %dma_start3A_468 = arith.constant 0 : i32
        %dma_start3A_469 = tpu.memref_slice %arg4[%add3A_436, %dma_start3A_467, %dma_start3A_468] : memref<256x10x128xi32, #tpu.memory_space<hbm>> -> memref<1x10x128xi32, #tpu.memory_space<hbm>>
        %dma_start3A_470 = tpu.memref_squeeze %dma_start3A_469 : memref<1x10x128xi32, #tpu.memory_space<hbm>> -> memref<10x128xi32, #tpu.memory_space<hbm>>
        tpu.enqueue_dma source(%dma_start3A_470 : memref<10x128xi32, #tpu.memory_space<hbm>>) target(%dma_start3A_466 : memref<10x128xi32, #tpu.memory_space<vmem>>) target_semaphore(%arg12 : memref<!tpu.dma_semaphore, #tpu.memory_space<semaphore_mem>>)
      } else {
      }
      %dma_wait3A = arith.constant 0 : i32
      %dma_wait3A_73 = arith.constant 0 : i32
      %dma_wait3A_74 = arith.constant 0 : i32
      %dma_wait3A_75 = tpu.memref_slice %arg9[%dma_wait3A, %dma_wait3A_73, %dma_wait3A_74] : memref<2x128x128xf32, #tpu.memory_space<vmem>> -> memref<1x128x128xf32, #tpu.memory_space<vmem>>
      %dma_wait3A_76 = tpu.memref_squeeze %dma_wait3A_75 : memref<1x128x128xf32, #tpu.memory_space<vmem>> -> memref<128x128xf32, #tpu.memory_space<vmem>>
      %dma_wait3A_77 = arith.constant 0 : i32
      %dma_wait3A_78 = arith.constant 0 : i32
      %dma_wait3A_79 = tpu.memref_slice %arg2[%dma_wait3A_77, %dma_wait3A_78] : memref<20000x128xf32, #tpu.memory_space<hbm>> -> memref<128x128xf32, #tpu.memory_space<hbm>>
      %dma_wait3A_80 = arith.constant 0 : i32
      %dma_wait3A_81 = arith.constant 0 : i32
      %dma_wait3A_82 = tpu.memref_slice %arg9[%dma_wait3A, %dma_wait3A_80, %dma_wait3A_81] : memref<2x128x128xf32, #tpu.memory_space<vmem>> -> memref<1x128x128xf32, #tpu.memory_space<vmem>>
      %dma_wait3A_83 = tpu.memref_squeeze %dma_wait3A_82 : memref<1x128x128xf32, #tpu.memory_space<vmem>> -> memref<128x128xf32, #tpu.memory_space<vmem>>
      %dma_wait3A_84 = arith.constant 0 : i32
      %dma_wait3A_85 = arith.constant 0 : i32
      %dma_wait3A_86 = tpu.memref_slice %arg2[%dma_wait3A_84, %dma_wait3A_85] : memref<20000x128xf32, #tpu.memory_space<hbm>> -> memref<128x128xf32, #tpu.memory_space<hbm>>
      tpu.wait_dma2 semaphore(%arg11 : memref<!tpu.dma_semaphore, #tpu.memory_space<semaphore_mem>>) src(%dma_wait3A_86 : memref<128x128xf32, #tpu.memory_space<hbm>>) dst(%dma_wait3A_83 : memref<128x128xf32, #tpu.memory_space<vmem>>)
      %dma_start3A_87 = arith.constant 1 : i32
      %dma_start3A_88 = arith.constant 1 : i32
      %dma_start3A_89 = arith.constant 0 : i32
      %dma_start3A_90 = arith.constant 0 : i32
      %dma_start3A_91 = tpu.memref_slice %arg9[%dma_start3A_88, %dma_start3A_89, %dma_start3A_90] : memref<2x128x128xf32, #tpu.memory_space<vmem>> -> memref<1x128x128xf32, #tpu.memory_space<vmem>>
      %dma_start3A_92 = tpu.memref_squeeze %dma_start3A_91 : memref<1x128x128xf32, #tpu.memory_space<vmem>> -> memref<128x128xf32, #tpu.memory_space<vmem>>
      %dma_start3A_93 = arith.constant 0 : i32
      %dma_start3A_94 = arith.constant 0 : i32
      %dma_start3A_95 = tpu.memref_slice %arg7[%select_n3A_65, %dma_start3A_93, %dma_start3A_94] : memref<2x10x128xi32, #tpu.memory_space<vmem>> -> memref<1x10x128xi32, #tpu.memory_space<vmem>>
      %dma_start3A_96 = tpu.memref_squeeze %dma_start3A_95 : memref<1x10x128xi32, #tpu.memory_space<vmem>> -> memref<10x128xi32, #tpu.memory_space<vmem>>
      %dma_start3A_97 = arith.constant 0 : i32
      %dma_start3A_98 = tpu.memref_slice %dma_start3A_96[%dma_start3A_87, %dma_start3A_97] : memref<10x128xi32, #tpu.memory_space<vmem>> -> memref<1x128xi32, #tpu.memory_space<vmem>>
      %dma_start3A_99 = tpu.memref_squeeze %dma_start3A_98 : memref<1x128xi32, #tpu.memory_space<vmem>> -> memref<128xi32, #tpu.memory_space<vmem>>
      %dma_start3A_100 = arith.constant 0 : i32
      %dma_start3A_101 = arith.constant 0 : i32
      %dma_start3A_102 = tpu.memref_slice %arg2[%dma_start3A_100, %dma_start3A_101] : memref<20000x128xf32, #tpu.memory_space<hbm>> -> memref<20000x128xf32, #tpu.memory_space<hbm>>
      tpu.enqueue_indirect_dma source(%dma_start3A_102 : memref<20000x128xf32, #tpu.memory_space<hbm>>) target(%dma_start3A_92 : memref<128x128xf32, #tpu.memory_space<vmem>>) offsets(%dma_start3A_99 : memref<128xi32, #tpu.memory_space<vmem>>) semaphore(%arg11 : memref<!tpu.dma_semaphore, #tpu.memory_space<semaphore_mem>>)
      %run_scoped3A_103 = arith.constant 0 : i32
      %run_scoped3A_104 = arith.constant 0 : i32
      "tpu.region"() ({
        %run_scoped3A_393 = tpu.sem_alloc : memref<!tpu.dma_semaphore, #tpu.memory_space<semaphore_mem>>
        %dma_start3A_394 = arith.constant 0 : i32
        %dma_start3A_395 = arith.constant 0 : i32
        %dma_start3A_396 = tpu.memref_slice %arg9[%run_scoped3A_103, %dma_start3A_394, %dma_start3A_395] : memref<2x128x128xf32, #tpu.memory_space<vmem>> -> memref<1x128x128xf32, #tpu.memory_space<vmem>>
        %dma_start3A_397 = tpu.memref_squeeze %dma_start3A_396 : memref<1x128x128xf32, #tpu.memory_space<vmem>> -> memref<128x128xf32, #tpu.memory_space<vmem>>
        %dma_start3A_398 = arith.constant 0 : i32
        %dma_start3A_399 = arith.constant 0 : i32
        %dma_start3A_400 = tpu.memref_slice %arg8[%select_n3A_65, %dma_start3A_398, %dma_start3A_399] : memref<2x10x128xi32, #tpu.memory_space<vmem>> -> memref<1x10x128xi32, #tpu.memory_space<vmem>>
        %dma_start3A_401 = tpu.memref_squeeze %dma_start3A_400 : memref<1x10x128xi32, #tpu.memory_space<vmem>> -> memref<10x128xi32, #tpu.memory_space<vmem>>
        %dma_start3A_402 = arith.constant 0 : i32
        %dma_start3A_403 = tpu.memref_slice %dma_start3A_401[%run_scoped3A_104, %dma_start3A_402] : memref<10x128xi32, #tpu.memory_space<vmem>> -> memref<1x128xi32, #tpu.memory_space<vmem>>
        %dma_start3A_404 = tpu.memref_squeeze %dma_start3A_403 : memref<1x128xi32, #tpu.memory_space<vmem>> -> memref<128xi32, #tpu.memory_space<vmem>>
        %dma_start3A_405 = arith.constant 0 : i32
        %dma_start3A_406 = arith.constant 0 : i32
        %dma_start3A_407 = tpu.memref_slice %arg10[%dma_start3A_405, %dma_start3A_406] : memref<10008x128xf32, #tpu.memory_space<vmem_shared>> -> memref<10008x128xf32, #tpu.memory_space<vmem_shared>>
        tpu.enqueue_indirect_dma source(%dma_start3A_397 : memref<128x128xf32, #tpu.memory_space<vmem>>) target(%dma_start3A_407 : memref<10008x128xf32, #tpu.memory_space<vmem_shared>>) offsets(%dma_start3A_404 : memref<128xi32, #tpu.memory_space<vmem>>) semaphore(%run_scoped3A_393 : memref<!tpu.dma_semaphore, #tpu.memory_space<semaphore_mem>>) {add = true}
        %dma_wait3A_408 = arith.constant 0 : i32
        %dma_wait3A_409 = arith.constant 0 : i32
        %dma_wait3A_410 = tpu.memref_slice %arg9[%run_scoped3A_103, %dma_wait3A_408, %dma_wait3A_409] : memref<2x128x128xf32, #tpu.memory_space<vmem>> -> memref<1x128x128xf32, #tpu.memory_space<vmem>>
        %dma_wait3A_411 = tpu.memref_squeeze %dma_wait3A_410 : memref<1x128x128xf32, #tpu.memory_space<vmem>> -> memref<128x128xf32, #tpu.memory_space<vmem>>
        %dma_wait3A_412 = arith.constant 0 : i32
        %dma_wait3A_413 = arith.constant 0 : i32
        %dma_wait3A_414 = tpu.memref_slice %arg8[%select_n3A_65, %dma_wait3A_412, %dma_wait3A_413] : memref<2x10x128xi32, #tpu.memory_space<vmem>> -> memref<1x10x128xi32, #tpu.memory_space<vmem>>
        %dma_wait3A_415 = tpu.memref_squeeze %dma_wait3A_414 : memref<1x10x128xi32, #tpu.memory_space<vmem>> -> memref<10x128xi32, #tpu.memory_space<vmem>>
        %dma_wait3A_416 = arith.constant 0 : i32
        %dma_wait3A_417 = tpu.memref_slice %dma_wait3A_415[%run_scoped3A_104, %dma_wait3A_416] : memref<10x128xi32, #tpu.memory_space<vmem>> -> memref<1x128xi32, #tpu.memory_space<vmem>>
        %dma_wait3A_418 = tpu.memref_squeeze %dma_wait3A_417 : memref<1x128xi32, #tpu.memory_space<vmem>> -> memref<128xi32, #tpu.memory_space<vmem>>
        %dma_wait3A_419 = arith.constant 0 : i32
        %dma_wait3A_420 = arith.constant 0 : i32
        %dma_wait3A_421 = tpu.memref_slice %arg10[%dma_wait3A_419, %dma_wait3A_420] : memref<10008x128xf32, #tpu.memory_space<vmem_shared>> -> memref<10008x128xf32, #tpu.memory_space<vmem_shared>>
        tpu.wait_indirect_dma semaphore(%run_scoped3A_393 : memref<!tpu.dma_semaphore, #tpu.memory_space<semaphore_mem>>) src(%dma_wait3A_411 : memref<128x128xf32, #tpu.memory_space<vmem>>) dst(%dma_wait3A_421 : memref<10008x128xf32, #tpu.memory_space<vmem_shared>>)
        tpu.yield
      }) : () -> ()
      %dma_wait3A_105 = arith.constant 1 : i32
      %dma_wait3A_106 = arith.constant 0 : i32
      %dma_wait3A_107 = arith.constant 0 : i32
      %dma_wait3A_108 = tpu.memref_slice %arg9[%dma_wait3A_105, %dma_wait3A_106, %dma_wait3A_107] : memref<2x128x128xf32, #tpu.memory_space<vmem>> -> memref<1x128x128xf32, #tpu.memory_space<vmem>>
      %dma_wait3A_109 = tpu.memref_squeeze %dma_wait3A_108 : memref<1x128x128xf32, #tpu.memory_space<vmem>> -> memref<128x128xf32, #tpu.memory_space<vmem>>
      %dma_wait3A_110 = arith.constant 0 : i32
      %dma_wait3A_111 = arith.constant 0 : i32
      %dma_wait3A_112 = tpu.memref_slice %arg2[%dma_wait3A_110, %dma_wait3A_111] : memref<20000x128xf32, #tpu.memory_space<hbm>> -> memref<128x128xf32, #tpu.memory_space<hbm>>
      %dma_wait3A_113 = arith.constant 0 : i32
      %dma_wait3A_114 = arith.constant 0 : i32
      %dma_wait3A_115 = tpu.memref_slice %arg9[%dma_wait3A_105, %dma_wait3A_113, %dma_wait3A_114] : memref<2x128x128xf32, #tpu.memory_space<vmem>> -> memref<1x128x128xf32, #tpu.memory_space<vmem>>
      %dma_wait3A_116 = tpu.memref_squeeze %dma_wait3A_115 : memref<1x128x128xf32, #tpu.memory_space<vmem>> -> memref<128x128xf32, #tpu.memory_space<vmem>>
      %dma_wait3A_117 = arith.constant 0 : i32
      %dma_wait3A_118 = arith.constant 0 : i32
      %dma_wait3A_119 = tpu.memref_slice %arg2[%dma_wait3A_117, %dma_wait3A_118] : memref<20000x128xf32, #tpu.memory_space<hbm>> -> memref<128x128xf32, #tpu.memory_space<hbm>>
      tpu.wait_dma2 semaphore(%arg11 : memref<!tpu.dma_semaphore, #tpu.memory_space<semaphore_mem>>) src(%dma_wait3A_119 : memref<128x128xf32, #tpu.memory_space<hbm>>) dst(%dma_wait3A_116 : memref<128x128xf32, #tpu.memory_space<vmem>>)
      %dma_start3A_120 = arith.constant 2 : i32
      %dma_start3A_121 = arith.constant 0 : i32
      %dma_start3A_122 = arith.constant 0 : i32
      %dma_start3A_123 = arith.constant 0 : i32
      %dma_start3A_124 = tpu.memref_slice %arg9[%dma_start3A_121, %dma_start3A_122, %dma_start3A_123] : memref<2x128x128xf32, #tpu.memory_space<vmem>> -> memref<1x128x128xf32, #tpu.memory_space<vmem>>
      %dma_start3A_125 = tpu.memref_squeeze %dma_start3A_124 : memref<1x128x128xf32, #tpu.memory_space<vmem>> -> memref<128x128xf32, #tpu.memory_space<vmem>>
      %dma_start3A_126 = arith.constant 0 : i32
      %dma_start3A_127 = arith.constant 0 : i32
      %dma_start3A_128 = tpu.memref_slice %arg7[%select_n3A_65, %dma_start3A_126, %dma_start3A_127] : memref<2x10x128xi32, #tpu.memory_space<vmem>> -> memref<1x10x128xi32, #tpu.memory_space<vmem>>
      %dma_start3A_129 = tpu.memref_squeeze %dma_start3A_128 : memref<1x10x128xi32, #tpu.memory_space<vmem>> -> memref<10x128xi32, #tpu.memory_space<vmem>>
      %dma_start3A_130 = arith.constant 0 : i32
      %dma_start3A_131 = tpu.memref_slice %dma_start3A_129[%dma_start3A_120, %dma_start3A_130] : memref<10x128xi32, #tpu.memory_space<vmem>> -> memref<1x128xi32, #tpu.memory_space<vmem>>
      %dma_start3A_132 = tpu.memref_squeeze %dma_start3A_131 : memref<1x128xi32, #tpu.memory_space<vmem>> -> memref<128xi32, #tpu.memory_space<vmem>>
      %dma_start3A_133 = arith.constant 0 : i32
      %dma_start3A_134 = arith.constant 0 : i32
      %dma_start3A_135 = tpu.memref_slice %arg2[%dma_start3A_133, %dma_start3A_134] : memref<20000x128xf32, #tpu.memory_space<hbm>> -> memref<20000x128xf32, #tpu.memory_space<hbm>>
      tpu.enqueue_indirect_dma source(%dma_start3A_135 : memref<20000x128xf32, #tpu.memory_space<hbm>>) target(%dma_start3A_125 : memref<128x128xf32, #tpu.memory_space<vmem>>) offsets(%dma_start3A_132 : memref<128xi32, #tpu.memory_space<vmem>>) semaphore(%arg11 : memref<!tpu.dma_semaphore, #tpu.memory_space<semaphore_mem>>)
      %run_scoped3A_136 = arith.constant 1 : i32
      %run_scoped3A_137 = arith.constant 1 : i32
      "tpu.region"() ({
        %run_scoped3A_393 = tpu.sem_alloc : memref<!tpu.dma_semaphore, #tpu.memory_space<semaphore_mem>>
        %dma_start3A_394 = arith.constant 0 : i32
        %dma_start3A_395 = arith.constant 0 : i32
        %dma_start3A_396 = tpu.memref_slice %arg9[%run_scoped3A_136, %dma_start3A_394, %dma_start3A_395] : memref<2x128x128xf32, #tpu.memory_space<vmem>> -> memref<1x128x128xf32, #tpu.memory_space<vmem>>
        %dma_start3A_397 = tpu.memref_squeeze %dma_start3A_396 : memref<1x128x128xf32, #tpu.memory_space<vmem>> -> memref<128x128xf32, #tpu.memory_space<vmem>>
        %dma_start3A_398 = arith.constant 0 : i32
        %dma_start3A_399 = arith.constant 0 : i32
        %dma_start3A_400 = tpu.memref_slice %arg8[%select_n3A_65, %dma_start3A_398, %dma_start3A_399] : memref<2x10x128xi32, #tpu.memory_space<vmem>> -> memref<1x10x128xi32, #tpu.memory_space<vmem>>
        %dma_start3A_401 = tpu.memref_squeeze %dma_start3A_400 : memref<1x10x128xi32, #tpu.memory_space<vmem>> -> memref<10x128xi32, #tpu.memory_space<vmem>>
        %dma_start3A_402 = arith.constant 0 : i32
        %dma_start3A_403 = tpu.memref_slice %dma_start3A_401[%run_scoped3A_137, %dma_start3A_402] : memref<10x128xi32, #tpu.memory_space<vmem>> -> memref<1x128xi32, #tpu.memory_space<vmem>>
        %dma_start3A_404 = tpu.memref_squeeze %dma_start3A_403 : memref<1x128xi32, #tpu.memory_space<vmem>> -> memref<128xi32, #tpu.memory_space<vmem>>
        %dma_start3A_405 = arith.constant 0 : i32
        %dma_start3A_406 = arith.constant 0 : i32
        %dma_start3A_407 = tpu.memref_slice %arg10[%dma_start3A_405, %dma_start3A_406] : memref<10008x128xf32, #tpu.memory_space<vmem_shared>> -> memref<10008x128xf32, #tpu.memory_space<vmem_shared>>
        tpu.enqueue_indirect_dma source(%dma_start3A_397 : memref<128x128xf32, #tpu.memory_space<vmem>>) target(%dma_start3A_407 : memref<10008x128xf32, #tpu.memory_space<vmem_shared>>) offsets(%dma_start3A_404 : memref<128xi32, #tpu.memory_space<vmem>>) semaphore(%run_scoped3A_393 : memref<!tpu.dma_semaphore, #tpu.memory_space<semaphore_mem>>) {add = true}
        %dma_wait3A_408 = arith.constant 0 : i32
        %dma_wait3A_409 = arith.constant 0 : i32
        %dma_wait3A_410 = tpu.memref_slice %arg9[%run_scoped3A_136, %dma_wait3A_408, %dma_wait3A_409] : memref<2x128x128xf32, #tpu.memory_space<vmem>> -> memref<1x128x128xf32, #tpu.memory_space<vmem>>
        %dma_wait3A_411 = tpu.memref_squeeze %dma_wait3A_410 : memref<1x128x128xf32, #tpu.memory_space<vmem>> -> memref<128x128xf32, #tpu.memory_space<vmem>>
        %dma_wait3A_412 = arith.constant 0 : i32
        %dma_wait3A_413 = arith.constant 0 : i32
        %dma_wait3A_414 = tpu.memref_slice %arg8[%select_n3A_65, %dma_wait3A_412, %dma_wait3A_413] : memref<2x10x128xi32, #tpu.memory_space<vmem>> -> memref<1x10x128xi32, #tpu.memory_space<vmem>>
        %dma_wait3A_415 = tpu.memref_squeeze %dma_wait3A_414 : memref<1x10x128xi32, #tpu.memory_space<vmem>> -> memref<10x128xi32, #tpu.memory_space<vmem>>
        %dma_wait3A_416 = arith.constant 0 : i32
        %dma_wait3A_417 = tpu.memref_slice %dma_wait3A_415[%run_scoped3A_137, %dma_wait3A_416] : memref<10x128xi32, #tpu.memory_space<vmem>> -> memref<1x128xi32, #tpu.memory_space<vmem>>
        %dma_wait3A_418 = tpu.memref_squeeze %dma_wait3A_417 : memref<1x128xi32, #tpu.memory_space<vmem>> -> memref<128xi32, #tpu.memory_space<vmem>>
        %dma_wait3A_419 = arith.constant 0 : i32
        %dma_wait3A_420 = arith.constant 0 : i32
        %dma_wait3A_421 = tpu.memref_slice %arg10[%dma_wait3A_419, %dma_wait3A_420] : memref<10008x128xf32, #tpu.memory_space<vmem_shared>> -> memref<10008x128xf32, #tpu.memory_space<vmem_shared>>
        tpu.wait_indirect_dma semaphore(%run_scoped3A_393 : memref<!tpu.dma_semaphore, #tpu.memory_space<semaphore_mem>>) src(%dma_wait3A_411 : memref<128x128xf32, #tpu.memory_space<vmem>>) dst(%dma_wait3A_421 : memref<10008x128xf32, #tpu.memory_space<vmem_shared>>)
        tpu.yield
      }) : () -> ()
      %dma_wait3A_138 = arith.constant 0 : i32
      %dma_wait3A_139 = arith.constant 0 : i32
      %dma_wait3A_140 = arith.constant 0 : i32
      %dma_wait3A_141 = tpu.memref_slice %arg9[%dma_wait3A_138, %dma_wait3A_139, %dma_wait3A_140] : memref<2x128x128xf32, #tpu.memory_space<vmem>> -> memref<1x128x128xf32, #tpu.memory_space<vmem>>
      %dma_wait3A_142 = tpu.memref_squeeze %dma_wait3A_141 : memref<1x128x128xf32, #tpu.memory_space<vmem>> -> memref<128x128xf32, #tpu.memory_space<vmem>>
      %dma_wait3A_143 = arith.constant 0 : i32
      %dma_wait3A_144 = arith.constant 0 : i32
      %dma_wait3A_145 = tpu.memref_slice %arg2[%dma_wait3A_143, %dma_wait3A_144] : memref<20000x128xf32, #tpu.memory_space<hbm>> -> memref<128x128xf32, #tpu.memory_space<hbm>>
      %dma_wait3A_146 = arith.constant 0 : i32
      %dma_wait3A_147 = arith.constant 0 : i32
      %dma_wait3A_148 = tpu.memref_slice %arg9[%dma_wait3A_138, %dma_wait3A_146, %dma_wait3A_147] : memref<2x128x128xf32, #tpu.memory_space<vmem>> -> memref<1x128x128xf32, #tpu.memory_space<vmem>>
      %dma_wait3A_149 = tpu.memref_squeeze %dma_wait3A_148 : memref<1x128x128xf32, #tpu.memory_space<vmem>> -> memref<128x128xf32, #tpu.memory_space<vmem>>
      %dma_wait3A_150 = arith.constant 0 : i32
      %dma_wait3A_151 = arith.constant 0 : i32
      %dma_wait3A_152 = tpu.memref_slice %arg2[%dma_wait3A_150, %dma_wait3A_151] : memref<20000x128xf32, #tpu.memory_space<hbm>> -> memref<128x128xf32, #tpu.memory_space<hbm>>
      tpu.wait_dma2 semaphore(%arg11 : memref<!tpu.dma_semaphore, #tpu.memory_space<semaphore_mem>>) src(%dma_wait3A_152 : memref<128x128xf32, #tpu.memory_space<hbm>>) dst(%dma_wait3A_149 : memref<128x128xf32, #tpu.memory_space<vmem>>)
      %dma_start3A_153 = arith.constant 3 : i32
      %dma_start3A_154 = arith.constant 1 : i32
      %dma_start3A_155 = arith.constant 0 : i32
      %dma_start3A_156 = arith.constant 0 : i32
      %dma_start3A_157 = tpu.memref_slice %arg9[%dma_start3A_154, %dma_start3A_155, %dma_start3A_156] : memref<2x128x128xf32, #tpu.memory_space<vmem>> -> memref<1x128x128xf32, #tpu.memory_space<vmem>>
      %dma_start3A_158 = tpu.memref_squeeze %dma_start3A_157 : memref<1x128x128xf32, #tpu.memory_space<vmem>> -> memref<128x128xf32, #tpu.memory_space<vmem>>
      %dma_start3A_159 = arith.constant 0 : i32
      %dma_start3A_160 = arith.constant 0 : i32
      %dma_start3A_161 = tpu.memref_slice %arg7[%select_n3A_65, %dma_start3A_159, %dma_start3A_160] : memref<2x10x128xi32, #tpu.memory_space<vmem>> -> memref<1x10x128xi32, #tpu.memory_space<vmem>>
      %dma_start3A_162 = tpu.memref_squeeze %dma_start3A_161 : memref<1x10x128xi32, #tpu.memory_space<vmem>> -> memref<10x128xi32, #tpu.memory_space<vmem>>
      %dma_start3A_163 = arith.constant 0 : i32
      %dma_start3A_164 = tpu.memref_slice %dma_start3A_162[%dma_start3A_153, %dma_start3A_163] : memref<10x128xi32, #tpu.memory_space<vmem>> -> memref<1x128xi32, #tpu.memory_space<vmem>>
      %dma_start3A_165 = tpu.memref_squeeze %dma_start3A_164 : memref<1x128xi32, #tpu.memory_space<vmem>> -> memref<128xi32, #tpu.memory_space<vmem>>
      %dma_start3A_166 = arith.constant 0 : i32
      %dma_start3A_167 = arith.constant 0 : i32
      %dma_start3A_168 = tpu.memref_slice %arg2[%dma_start3A_166, %dma_start3A_167] : memref<20000x128xf32, #tpu.memory_space<hbm>> -> memref<20000x128xf32, #tpu.memory_space<hbm>>
      tpu.enqueue_indirect_dma source(%dma_start3A_168 : memref<20000x128xf32, #tpu.memory_space<hbm>>) target(%dma_start3A_158 : memref<128x128xf32, #tpu.memory_space<vmem>>) offsets(%dma_start3A_165 : memref<128xi32, #tpu.memory_space<vmem>>) semaphore(%arg11 : memref<!tpu.dma_semaphore, #tpu.memory_space<semaphore_mem>>)
      %run_scoped3A_169 = arith.constant 0 : i32
      %run_scoped3A_170 = arith.constant 2 : i32
      "tpu.region"() ({
        %run_scoped3A_393 = tpu.sem_alloc : memref<!tpu.dma_semaphore, #tpu.memory_space<semaphore_mem>>
        %dma_start3A_394 = arith.constant 0 : i32
        %dma_start3A_395 = arith.constant 0 : i32
        %dma_start3A_396 = tpu.memref_slice %arg9[%run_scoped3A_169, %dma_start3A_394, %dma_start3A_395] : memref<2x128x128xf32, #tpu.memory_space<vmem>> -> memref<1x128x128xf32, #tpu.memory_space<vmem>>
        %dma_start3A_397 = tpu.memref_squeeze %dma_start3A_396 : memref<1x128x128xf32, #tpu.memory_space<vmem>> -> memref<128x128xf32, #tpu.memory_space<vmem>>
        %dma_start3A_398 = arith.constant 0 : i32
        %dma_start3A_399 = arith.constant 0 : i32
        %dma_start3A_400 = tpu.memref_slice %arg8[%select_n3A_65, %dma_start3A_398, %dma_start3A_399] : memref<2x10x128xi32, #tpu.memory_space<vmem>> -> memref<1x10x128xi32, #tpu.memory_space<vmem>>
        %dma_start3A_401 = tpu.memref_squeeze %dma_start3A_400 : memref<1x10x128xi32, #tpu.memory_space<vmem>> -> memref<10x128xi32, #tpu.memory_space<vmem>>
        %dma_start3A_402 = arith.constant 0 : i32
        %dma_start3A_403 = tpu.memref_slice %dma_start3A_401[%run_scoped3A_170, %dma_start3A_402] : memref<10x128xi32, #tpu.memory_space<vmem>> -> memref<1x128xi32, #tpu.memory_space<vmem>>
        %dma_start3A_404 = tpu.memref_squeeze %dma_start3A_403 : memref<1x128xi32, #tpu.memory_space<vmem>> -> memref<128xi32, #tpu.memory_space<vmem>>
        %dma_start3A_405 = arith.constant 0 : i32
        %dma_start3A_406 = arith.constant 0 : i32
        %dma_start3A_407 = tpu.memref_slice %arg10[%dma_start3A_405, %dma_start3A_406] : memref<10008x128xf32, #tpu.memory_space<vmem_shared>> -> memref<10008x128xf32, #tpu.memory_space<vmem_shared>>
        tpu.enqueue_indirect_dma source(%dma_start3A_397 : memref<128x128xf32, #tpu.memory_space<vmem>>) target(%dma_start3A_407 : memref<10008x128xf32, #tpu.memory_space<vmem_shared>>) offsets(%dma_start3A_404 : memref<128xi32, #tpu.memory_space<vmem>>) semaphore(%run_scoped3A_393 : memref<!tpu.dma_semaphore, #tpu.memory_space<semaphore_mem>>) {add = true}
        %dma_wait3A_408 = arith.constant 0 : i32
        %dma_wait3A_409 = arith.constant 0 : i32
        %dma_wait3A_410 = tpu.memref_slice %arg9[%run_scoped3A_169, %dma_wait3A_408, %dma_wait3A_409] : memref<2x128x128xf32, #tpu.memory_space<vmem>> -> memref<1x128x128xf32, #tpu.memory_space<vmem>>
        %dma_wait3A_411 = tpu.memref_squeeze %dma_wait3A_410 : memref<1x128x128xf32, #tpu.memory_space<vmem>> -> memref<128x128xf32, #tpu.memory_space<vmem>>
        %dma_wait3A_412 = arith.constant 0 : i32
        %dma_wait3A_413 = arith.constant 0 : i32
        %dma_wait3A_414 = tpu.memref_slice %arg8[%select_n3A_65, %dma_wait3A_412, %dma_wait3A_413] : memref<2x10x128xi32, #tpu.memory_space<vmem>> -> memref<1x10x128xi32, #tpu.memory_space<vmem>>
        %dma_wait3A_415 = tpu.memref_squeeze %dma_wait3A_414 : memref<1x10x128xi32, #tpu.memory_space<vmem>> -> memref<10x128xi32, #tpu.memory_space<vmem>>
        %dma_wait3A_416 = arith.constant 0 : i32
        %dma_wait3A_417 = tpu.memref_slice %dma_wait3A_415[%run_scoped3A_170, %dma_wait3A_416] : memref<10x128xi32, #tpu.memory_space<vmem>> -> memref<1x128xi32, #tpu.memory_space<vmem>>
        %dma_wait3A_418 = tpu.memref_squeeze %dma_wait3A_417 : memref<1x128xi32, #tpu.memory_space<vmem>> -> memref<128xi32, #tpu.memory_space<vmem>>
        %dma_wait3A_419 = arith.constant 0 : i32
        %dma_wait3A_420 = arith.constant 0 : i32
        %dma_wait3A_421 = tpu.memref_slice %arg10[%dma_wait3A_419, %dma_wait3A_420] : memref<10008x128xf32, #tpu.memory_space<vmem_shared>> -> memref<10008x128xf32, #tpu.memory_space<vmem_shared>>
        tpu.wait_indirect_dma semaphore(%run_scoped3A_393 : memref<!tpu.dma_semaphore, #tpu.memory_space<semaphore_mem>>) src(%dma_wait3A_411 : memref<128x128xf32, #tpu.memory_space<vmem>>) dst(%dma_wait3A_421 : memref<10008x128xf32, #tpu.memory_space<vmem_shared>>)
        tpu.yield
      }) : () -> ()
      %dma_wait3A_171 = arith.constant 1 : i32
      %dma_wait3A_172 = arith.constant 0 : i32
      %dma_wait3A_173 = arith.constant 0 : i32
      %dma_wait3A_174 = tpu.memref_slice %arg9[%dma_wait3A_171, %dma_wait3A_172, %dma_wait3A_173] : memref<2x128x128xf32, #tpu.memory_space<vmem>> -> memref<1x128x128xf32, #tpu.memory_space<vmem>>
      %dma_wait3A_175 = tpu.memref_squeeze %dma_wait3A_174 : memref<1x128x128xf32, #tpu.memory_space<vmem>> -> memref<128x128xf32, #tpu.memory_space<vmem>>
      %dma_wait3A_176 = arith.constant 0 : i32
      %dma_wait3A_177 = arith.constant 0 : i32
      %dma_wait3A_178 = tpu.memref_slice %arg2[%dma_wait3A_176, %dma_wait3A_177] : memref<20000x128xf32, #tpu.memory_space<hbm>> -> memref<128x128xf32, #tpu.memory_space<hbm>>
      %dma_wait3A_179 = arith.constant 0 : i32
      %dma_wait3A_180 = arith.constant 0 : i32
      %dma_wait3A_181 = tpu.memref_slice %arg9[%dma_wait3A_171, %dma_wait3A_179, %dma_wait3A_180] : memref<2x128x128xf32, #tpu.memory_space<vmem>> -> memref<1x128x128xf32, #tpu.memory_space<vmem>>
      %dma_wait3A_182 = tpu.memref_squeeze %dma_wait3A_181 : memref<1x128x128xf32, #tpu.memory_space<vmem>> -> memref<128x128xf32, #tpu.memory_space<vmem>>
      %dma_wait3A_183 = arith.constant 0 : i32
      %dma_wait3A_184 = arith.constant 0 : i32
      %dma_wait3A_185 = tpu.memref_slice %arg2[%dma_wait3A_183, %dma_wait3A_184] : memref<20000x128xf32, #tpu.memory_space<hbm>> -> memref<128x128xf32, #tpu.memory_space<hbm>>
      tpu.wait_dma2 semaphore(%arg11 : memref<!tpu.dma_semaphore, #tpu.memory_space<semaphore_mem>>) src(%dma_wait3A_185 : memref<128x128xf32, #tpu.memory_space<hbm>>) dst(%dma_wait3A_182 : memref<128x128xf32, #tpu.memory_space<vmem>>)
      %dma_start3A_186 = arith.constant 4 : i32
      %dma_start3A_187 = arith.constant 0 : i32
      %dma_start3A_188 = arith.constant 0 : i32
      %dma_start3A_189 = arith.constant 0 : i32
      %dma_start3A_190 = tpu.memref_slice %arg9[%dma_start3A_187, %dma_start3A_188, %dma_start3A_189] : memref<2x128x128xf32, #tpu.memory_space<vmem>> -> memref<1x128x128xf32, #tpu.memory_space<vmem>>
      %dma_start3A_191 = tpu.memref_squeeze %dma_start3A_190 : memref<1x128x128xf32, #tpu.memory_space<vmem>> -> memref<128x128xf32, #tpu.memory_space<vmem>>
      %dma_start3A_192 = arith.constant 0 : i32
      %dma_start3A_193 = arith.constant 0 : i32
      %dma_start3A_194 = tpu.memref_slice %arg7[%select_n3A_65, %dma_start3A_192, %dma_start3A_193] : memref<2x10x128xi32, #tpu.memory_space<vmem>> -> memref<1x10x128xi32, #tpu.memory_space<vmem>>
      %dma_start3A_195 = tpu.memref_squeeze %dma_start3A_194 : memref<1x10x128xi32, #tpu.memory_space<vmem>> -> memref<10x128xi32, #tpu.memory_space<vmem>>
      %dma_start3A_196 = arith.constant 0 : i32
      %dma_start3A_197 = tpu.memref_slice %dma_start3A_195[%dma_start3A_186, %dma_start3A_196] : memref<10x128xi32, #tpu.memory_space<vmem>> -> memref<1x128xi32, #tpu.memory_space<vmem>>
      %dma_start3A_198 = tpu.memref_squeeze %dma_start3A_197 : memref<1x128xi32, #tpu.memory_space<vmem>> -> memref<128xi32, #tpu.memory_space<vmem>>
      %dma_start3A_199 = arith.constant 0 : i32
      %dma_start3A_200 = arith.constant 0 : i32
      %dma_start3A_201 = tpu.memref_slice %arg2[%dma_start3A_199, %dma_start3A_200] : memref<20000x128xf32, #tpu.memory_space<hbm>> -> memref<20000x128xf32, #tpu.memory_space<hbm>>
      tpu.enqueue_indirect_dma source(%dma_start3A_201 : memref<20000x128xf32, #tpu.memory_space<hbm>>) target(%dma_start3A_191 : memref<128x128xf32, #tpu.memory_space<vmem>>) offsets(%dma_start3A_198 : memref<128xi32, #tpu.memory_space<vmem>>) semaphore(%arg11 : memref<!tpu.dma_semaphore, #tpu.memory_space<semaphore_mem>>)
      %run_scoped3A_202 = arith.constant 1 : i32
      %run_scoped3A_203 = arith.constant 3 : i32
      "tpu.region"() ({
        %run_scoped3A_393 = tpu.sem_alloc : memref<!tpu.dma_semaphore, #tpu.memory_space<semaphore_mem>>
        %dma_start3A_394 = arith.constant 0 : i32
        %dma_start3A_395 = arith.constant 0 : i32
        %dma_start3A_396 = tpu.memref_slice %arg9[%run_scoped3A_202, %dma_start3A_394, %dma_start3A_395] : memref<2x128x128xf32, #tpu.memory_space<vmem>> -> memref<1x128x128xf32, #tpu.memory_space<vmem>>
        %dma_start3A_397 = tpu.memref_squeeze %dma_start3A_396 : memref<1x128x128xf32, #tpu.memory_space<vmem>> -> memref<128x128xf32, #tpu.memory_space<vmem>>
        %dma_start3A_398 = arith.constant 0 : i32
        %dma_start3A_399 = arith.constant 0 : i32
        %dma_start3A_400 = tpu.memref_slice %arg8[%select_n3A_65, %dma_start3A_398, %dma_start3A_399] : memref<2x10x128xi32, #tpu.memory_space<vmem>> -> memref<1x10x128xi32, #tpu.memory_space<vmem>>
        %dma_start3A_401 = tpu.memref_squeeze %dma_start3A_400 : memref<1x10x128xi32, #tpu.memory_space<vmem>> -> memref<10x128xi32, #tpu.memory_space<vmem>>
        %dma_start3A_402 = arith.constant 0 : i32
        %dma_start3A_403 = tpu.memref_slice %dma_start3A_401[%run_scoped3A_203, %dma_start3A_402] : memref<10x128xi32, #tpu.memory_space<vmem>> -> memref<1x128xi32, #tpu.memory_space<vmem>>
        %dma_start3A_404 = tpu.memref_squeeze %dma_start3A_403 : memref<1x128xi32, #tpu.memory_space<vmem>> -> memref<128xi32, #tpu.memory_space<vmem>>
        %dma_start3A_405 = arith.constant 0 : i32
        %dma_start3A_406 = arith.constant 0 : i32
        %dma_start3A_407 = tpu.memref_slice %arg10[%dma_start3A_405, %dma_start3A_406] : memref<10008x128xf32, #tpu.memory_space<vmem_shared>> -> memref<10008x128xf32, #tpu.memory_space<vmem_shared>>
        tpu.enqueue_indirect_dma source(%dma_start3A_397 : memref<128x128xf32, #tpu.memory_space<vmem>>) target(%dma_start3A_407 : memref<10008x128xf32, #tpu.memory_space<vmem_shared>>) offsets(%dma_start3A_404 : memref<128xi32, #tpu.memory_space<vmem>>) semaphore(%run_scoped3A_393 : memref<!tpu.dma_semaphore, #tpu.memory_space<semaphore_mem>>) {add = true}
        %dma_wait3A_408 = arith.constant 0 : i32
        %dma_wait3A_409 = arith.constant 0 : i32
        %dma_wait3A_410 = tpu.memref_slice %arg9[%run_scoped3A_202, %dma_wait3A_408, %dma_wait3A_409] : memref<2x128x128xf32, #tpu.memory_space<vmem>> -> memref<1x128x128xf32, #tpu.memory_space<vmem>>
        %dma_wait3A_411 = tpu.memref_squeeze %dma_wait3A_410 : memref<1x128x128xf32, #tpu.memory_space<vmem>> -> memref<128x128xf32, #tpu.memory_space<vmem>>
        %dma_wait3A_412 = arith.constant 0 : i32
        %dma_wait3A_413 = arith.constant 0 : i32
        %dma_wait3A_414 = tpu.memref_slice %arg8[%select_n3A_65, %dma_wait3A_412, %dma_wait3A_413] : memref<2x10x128xi32, #tpu.memory_space<vmem>> -> memref<1x10x128xi32, #tpu.memory_space<vmem>>
        %dma_wait3A_415 = tpu.memref_squeeze %dma_wait3A_414 : memref<1x10x128xi32, #tpu.memory_space<vmem>> -> memref<10x128xi32, #tpu.memory_space<vmem>>
        %dma_wait3A_416 = arith.constant 0 : i32
        %dma_wait3A_417 = tpu.memref_slice %dma_wait3A_415[%run_scoped3A_203, %dma_wait3A_416] : memref<10x128xi32, #tpu.memory_space<vmem>> -> memref<1x128xi32, #tpu.memory_space<vmem>>
        %dma_wait3A_418 = tpu.memref_squeeze %dma_wait3A_417 : memref<1x128xi32, #tpu.memory_space<vmem>> -> memref<128xi32, #tpu.memory_space<vmem>>
        %dma_wait3A_419 = arith.constant 0 : i32
        %dma_wait3A_420 = arith.constant 0 : i32
        %dma_wait3A_421 = tpu.memref_slice %arg10[%dma_wait3A_419, %dma_wait3A_420] : memref<10008x128xf32, #tpu.memory_space<vmem_shared>> -> memref<10008x128xf32, #tpu.memory_space<vmem_shared>>
        tpu.wait_indirect_dma semaphore(%run_scoped3A_393 : memref<!tpu.dma_semaphore, #tpu.memory_space<semaphore_mem>>) src(%dma_wait3A_411 : memref<128x128xf32, #tpu.memory_space<vmem>>) dst(%dma_wait3A_421 : memref<10008x128xf32, #tpu.memory_space<vmem_shared>>)
        tpu.yield
      }) : () -> ()
      %dma_wait3A_204 = arith.constant 0 : i32
      %dma_wait3A_205 = arith.constant 0 : i32
      %dma_wait3A_206 = arith.constant 0 : i32
      %dma_wait3A_207 = tpu.memref_slice %arg9[%dma_wait3A_204, %dma_wait3A_205, %dma_wait3A_206] : memref<2x128x128xf32, #tpu.memory_space<vmem>> -> memref<1x128x128xf32, #tpu.memory_space<vmem>>
      %dma_wait3A_208 = tpu.memref_squeeze %dma_wait3A_207 : memref<1x128x128xf32, #tpu.memory_space<vmem>> -> memref<128x128xf32, #tpu.memory_space<vmem>>
      %dma_wait3A_209 = arith.constant 0 : i32
      %dma_wait3A_210 = arith.constant 0 : i32
      %dma_wait3A_211 = tpu.memref_slice %arg2[%dma_wait3A_209, %dma_wait3A_210] : memref<20000x128xf32, #tpu.memory_space<hbm>> -> memref<128x128xf32, #tpu.memory_space<hbm>>
      %dma_wait3A_212 = arith.constant 0 : i32
      %dma_wait3A_213 = arith.constant 0 : i32
      %dma_wait3A_214 = tpu.memref_slice %arg9[%dma_wait3A_204, %dma_wait3A_212, %dma_wait3A_213] : memref<2x128x128xf32, #tpu.memory_space<vmem>> -> memref<1x128x128xf32, #tpu.memory_space<vmem>>
      %dma_wait3A_215 = tpu.memref_squeeze %dma_wait3A_214 : memref<1x128x128xf32, #tpu.memory_space<vmem>> -> memref<128x128xf32, #tpu.memory_space<vmem>>
      %dma_wait3A_216 = arith.constant 0 : i32
      %dma_wait3A_217 = arith.constant 0 : i32
      %dma_wait3A_218 = tpu.memref_slice %arg2[%dma_wait3A_216, %dma_wait3A_217] : memref<20000x128xf32, #tpu.memory_space<hbm>> -> memref<128x128xf32, #tpu.memory_space<hbm>>
      tpu.wait_dma2 semaphore(%arg11 : memref<!tpu.dma_semaphore, #tpu.memory_space<semaphore_mem>>) src(%dma_wait3A_218 : memref<128x128xf32, #tpu.memory_space<hbm>>) dst(%dma_wait3A_215 : memref<128x128xf32, #tpu.memory_space<vmem>>)
      %dma_start3A_219 = arith.constant 5 : i32
      %dma_start3A_220 = arith.constant 1 : i32
      %dma_start3A_221 = arith.constant 0 : i32
      %dma_start3A_222 = arith.constant 0 : i32
      %dma_start3A_223 = tpu.memref_slice %arg9[%dma_start3A_220, %dma_start3A_221, %dma_start3A_222] : memref<2x128x128xf32, #tpu.memory_space<vmem>> -> memref<1x128x128xf32, #tpu.memory_space<vmem>>
      %dma_start3A_224 = tpu.memref_squeeze %dma_start3A_223 : memref<1x128x128xf32, #tpu.memory_space<vmem>> -> memref<128x128xf32, #tpu.memory_space<vmem>>
      %dma_start3A_225 = arith.constant 0 : i32
      %dma_start3A_226 = arith.constant 0 : i32
      %dma_start3A_227 = tpu.memref_slice %arg7[%select_n3A_65, %dma_start3A_225, %dma_start3A_226] : memref<2x10x128xi32, #tpu.memory_space<vmem>> -> memref<1x10x128xi32, #tpu.memory_space<vmem>>
      %dma_start3A_228 = tpu.memref_squeeze %dma_start3A_227 : memref<1x10x128xi32, #tpu.memory_space<vmem>> -> memref<10x128xi32, #tpu.memory_space<vmem>>
      %dma_start3A_229 = arith.constant 0 : i32
      %dma_start3A_230 = tpu.memref_slice %dma_start3A_228[%dma_start3A_219, %dma_start3A_229] : memref<10x128xi32, #tpu.memory_space<vmem>> -> memref<1x128xi32, #tpu.memory_space<vmem>>
      %dma_start3A_231 = tpu.memref_squeeze %dma_start3A_230 : memref<1x128xi32, #tpu.memory_space<vmem>> -> memref<128xi32, #tpu.memory_space<vmem>>
      %dma_start3A_232 = arith.constant 0 : i32
      %dma_start3A_233 = arith.constant 0 : i32
      %dma_start3A_234 = tpu.memref_slice %arg2[%dma_start3A_232, %dma_start3A_233] : memref<20000x128xf32, #tpu.memory_space<hbm>> -> memref<20000x128xf32, #tpu.memory_space<hbm>>
      tpu.enqueue_indirect_dma source(%dma_start3A_234 : memref<20000x128xf32, #tpu.memory_space<hbm>>) target(%dma_start3A_224 : memref<128x128xf32, #tpu.memory_space<vmem>>) offsets(%dma_start3A_231 : memref<128xi32, #tpu.memory_space<vmem>>) semaphore(%arg11 : memref<!tpu.dma_semaphore, #tpu.memory_space<semaphore_mem>>)
      %run_scoped3A_235 = arith.constant 0 : i32
      %run_scoped3A_236 = arith.constant 4 : i32
      "tpu.region"() ({
        %run_scoped3A_393 = tpu.sem_alloc : memref<!tpu.dma_semaphore, #tpu.memory_space<semaphore_mem>>
        %dma_start3A_394 = arith.constant 0 : i32
        %dma_start3A_395 = arith.constant 0 : i32
        %dma_start3A_396 = tpu.memref_slice %arg9[%run_scoped3A_235, %dma_start3A_394, %dma_start3A_395] : memref<2x128x128xf32, #tpu.memory_space<vmem>> -> memref<1x128x128xf32, #tpu.memory_space<vmem>>
        %dma_start3A_397 = tpu.memref_squeeze %dma_start3A_396 : memref<1x128x128xf32, #tpu.memory_space<vmem>> -> memref<128x128xf32, #tpu.memory_space<vmem>>
        %dma_start3A_398 = arith.constant 0 : i32
        %dma_start3A_399 = arith.constant 0 : i32
        %dma_start3A_400 = tpu.memref_slice %arg8[%select_n3A_65, %dma_start3A_398, %dma_start3A_399] : memref<2x10x128xi32, #tpu.memory_space<vmem>> -> memref<1x10x128xi32, #tpu.memory_space<vmem>>
        %dma_start3A_401 = tpu.memref_squeeze %dma_start3A_400 : memref<1x10x128xi32, #tpu.memory_space<vmem>> -> memref<10x128xi32, #tpu.memory_space<vmem>>
        %dma_start3A_402 = arith.constant 0 : i32
        %dma_start3A_403 = tpu.memref_slice %dma_start3A_401[%run_scoped3A_236, %dma_start3A_402] : memref<10x128xi32, #tpu.memory_space<vmem>> -> memref<1x128xi32, #tpu.memory_space<vmem>>
        %dma_start3A_404 = tpu.memref_squeeze %dma_start3A_403 : memref<1x128xi32, #tpu.memory_space<vmem>> -> memref<128xi32, #tpu.memory_space<vmem>>
        %dma_start3A_405 = arith.constant 0 : i32
        %dma_start3A_406 = arith.constant 0 : i32
        %dma_start3A_407 = tpu.memref_slice %arg10[%dma_start3A_405, %dma_start3A_406] : memref<10008x128xf32, #tpu.memory_space<vmem_shared>> -> memref<10008x128xf32, #tpu.memory_space<vmem_shared>>
        tpu.enqueue_indirect_dma source(%dma_start3A_397 : memref<128x128xf32, #tpu.memory_space<vmem>>) target(%dma_start3A_407 : memref<10008x128xf32, #tpu.memory_space<vmem_shared>>) offsets(%dma_start3A_404 : memref<128xi32, #tpu.memory_space<vmem>>) semaphore(%run_scoped3A_393 : memref<!tpu.dma_semaphore, #tpu.memory_space<semaphore_mem>>) {add = true}
        %dma_wait3A_408 = arith.constant 0 : i32
        %dma_wait3A_409 = arith.constant 0 : i32
        %dma_wait3A_410 = tpu.memref_slice %arg9[%run_scoped3A_235, %dma_wait3A_408, %dma_wait3A_409] : memref<2x128x128xf32, #tpu.memory_space<vmem>> -> memref<1x128x128xf32, #tpu.memory_space<vmem>>
        %dma_wait3A_411 = tpu.memref_squeeze %dma_wait3A_410 : memref<1x128x128xf32, #tpu.memory_space<vmem>> -> memref<128x128xf32, #tpu.memory_space<vmem>>
        %dma_wait3A_412 = arith.constant 0 : i32
        %dma_wait3A_413 = arith.constant 0 : i32
        %dma_wait3A_414 = tpu.memref_slice %arg8[%select_n3A_65, %dma_wait3A_412, %dma_wait3A_413] : memref<2x10x128xi32, #tpu.memory_space<vmem>> -> memref<1x10x128xi32, #tpu.memory_space<vmem>>
        %dma_wait3A_415 = tpu.memref_squeeze %dma_wait3A_414 : memref<1x10x128xi32, #tpu.memory_space<vmem>> -> memref<10x128xi32, #tpu.memory_space<vmem>>
        %dma_wait3A_416 = arith.constant 0 : i32
        %dma_wait3A_417 = tpu.memref_slice %dma_wait3A_415[%run_scoped3A_236, %dma_wait3A_416] : memref<10x128xi32, #tpu.memory_space<vmem>> -> memref<1x128xi32, #tpu.memory_space<vmem>>
        %dma_wait3A_418 = tpu.memref_squeeze %dma_wait3A_417 : memref<1x128xi32, #tpu.memory_space<vmem>> -> memref<128xi32, #tpu.memory_space<vmem>>
        %dma_wait3A_419 = arith.constant 0 : i32
        %dma_wait3A_420 = arith.constant 0 : i32
        %dma_wait3A_421 = tpu.memref_slice %arg10[%dma_wait3A_419, %dma_wait3A_420] : memref<10008x128xf32, #tpu.memory_space<vmem_shared>> -> memref<10008x128xf32, #tpu.memory_space<vmem_shared>>
        tpu.wait_indirect_dma semaphore(%run_scoped3A_393 : memref<!tpu.dma_semaphore, #tpu.memory_space<semaphore_mem>>) src(%dma_wait3A_411 : memref<128x128xf32, #tpu.memory_space<vmem>>) dst(%dma_wait3A_421 : memref<10008x128xf32, #tpu.memory_space<vmem_shared>>)
        tpu.yield
      }) : () -> ()
      %dma_wait3A_237 = arith.constant 1 : i32
      %dma_wait3A_238 = arith.constant 0 : i32
      %dma_wait3A_239 = arith.constant 0 : i32
      %dma_wait3A_240 = tpu.memref_slice %arg9[%dma_wait3A_237, %dma_wait3A_238, %dma_wait3A_239] : memref<2x128x128xf32, #tpu.memory_space<vmem>> -> memref<1x128x128xf32, #tpu.memory_space<vmem>>
      %dma_wait3A_241 = tpu.memref_squeeze %dma_wait3A_240 : memref<1x128x128xf32, #tpu.memory_space<vmem>> -> memref<128x128xf32, #tpu.memory_space<vmem>>
      %dma_wait3A_242 = arith.constant 0 : i32
      %dma_wait3A_243 = arith.constant 0 : i32
      %dma_wait3A_244 = tpu.memref_slice %arg2[%dma_wait3A_242, %dma_wait3A_243] : memref<20000x128xf32, #tpu.memory_space<hbm>> -> memref<128x128xf32, #tpu.memory_space<hbm>>
      %dma_wait3A_245 = arith.constant 0 : i32
      %dma_wait3A_246 = arith.constant 0 : i32
      %dma_wait3A_247 = tpu.memref_slice %arg9[%dma_wait3A_237, %dma_wait3A_245, %dma_wait3A_246] : memref<2x128x128xf32, #tpu.memory_space<vmem>> -> memref<1x128x128xf32, #tpu.memory_space<vmem>>
      %dma_wait3A_248 = tpu.memref_squeeze %dma_wait3A_247 : memref<1x128x128xf32, #tpu.memory_space<vmem>> -> memref<128x128xf32, #tpu.memory_space<vmem>>
      %dma_wait3A_249 = arith.constant 0 : i32
      %dma_wait3A_250 = arith.constant 0 : i32
      %dma_wait3A_251 = tpu.memref_slice %arg2[%dma_wait3A_249, %dma_wait3A_250] : memref<20000x128xf32, #tpu.memory_space<hbm>> -> memref<128x128xf32, #tpu.memory_space<hbm>>
      tpu.wait_dma2 semaphore(%arg11 : memref<!tpu.dma_semaphore, #tpu.memory_space<semaphore_mem>>) src(%dma_wait3A_251 : memref<128x128xf32, #tpu.memory_space<hbm>>) dst(%dma_wait3A_248 : memref<128x128xf32, #tpu.memory_space<vmem>>)
      %dma_start3A_252 = arith.constant 6 : i32
      %dma_start3A_253 = arith.constant 0 : i32
      %dma_start3A_254 = arith.constant 0 : i32
      %dma_start3A_255 = arith.constant 0 : i32
      %dma_start3A_256 = tpu.memref_slice %arg9[%dma_start3A_253, %dma_start3A_254, %dma_start3A_255] : memref<2x128x128xf32, #tpu.memory_space<vmem>> -> memref<1x128x128xf32, #tpu.memory_space<vmem>>
      %dma_start3A_257 = tpu.memref_squeeze %dma_start3A_256 : memref<1x128x128xf32, #tpu.memory_space<vmem>> -> memref<128x128xf32, #tpu.memory_space<vmem>>
      %dma_start3A_258 = arith.constant 0 : i32
      %dma_start3A_259 = arith.constant 0 : i32
      %dma_start3A_260 = tpu.memref_slice %arg7[%select_n3A_65, %dma_start3A_258, %dma_start3A_259] : memref<2x10x128xi32, #tpu.memory_space<vmem>> -> memref<1x10x128xi32, #tpu.memory_space<vmem>>
      %dma_start3A_261 = tpu.memref_squeeze %dma_start3A_260 : memref<1x10x128xi32, #tpu.memory_space<vmem>> -> memref<10x128xi32, #tpu.memory_space<vmem>>
      %dma_start3A_262 = arith.constant 0 : i32
      %dma_start3A_263 = tpu.memref_slice %dma_start3A_261[%dma_start3A_252, %dma_start3A_262] : memref<10x128xi32, #tpu.memory_space<vmem>> -> memref<1x128xi32, #tpu.memory_space<vmem>>
      %dma_start3A_264 = tpu.memref_squeeze %dma_start3A_263 : memref<1x128xi32, #tpu.memory_space<vmem>> -> memref<128xi32, #tpu.memory_space<vmem>>
      %dma_start3A_265 = arith.constant 0 : i32
      %dma_start3A_266 = arith.constant 0 : i32
      %dma_start3A_267 = tpu.memref_slice %arg2[%dma_start3A_265, %dma_start3A_266] : memref<20000x128xf32, #tpu.memory_space<hbm>> -> memref<20000x128xf32, #tpu.memory_space<hbm>>
      tpu.enqueue_indirect_dma source(%dma_start3A_267 : memref<20000x128xf32, #tpu.memory_space<hbm>>) target(%dma_start3A_257 : memref<128x128xf32, #tpu.memory_space<vmem>>) offsets(%dma_start3A_264 : memref<128xi32, #tpu.memory_space<vmem>>) semaphore(%arg11 : memref<!tpu.dma_semaphore, #tpu.memory_space<semaphore_mem>>)
      %run_scoped3A_268 = arith.constant 1 : i32
      %run_scoped3A_269 = arith.constant 5 : i32
      "tpu.region"() ({
        %run_scoped3A_393 = tpu.sem_alloc : memref<!tpu.dma_semaphore, #tpu.memory_space<semaphore_mem>>
        %dma_start3A_394 = arith.constant 0 : i32
        %dma_start3A_395 = arith.constant 0 : i32
        %dma_start3A_396 = tpu.memref_slice %arg9[%run_scoped3A_268, %dma_start3A_394, %dma_start3A_395] : memref<2x128x128xf32, #tpu.memory_space<vmem>> -> memref<1x128x128xf32, #tpu.memory_space<vmem>>
        %dma_start3A_397 = tpu.memref_squeeze %dma_start3A_396 : memref<1x128x128xf32, #tpu.memory_space<vmem>> -> memref<128x128xf32, #tpu.memory_space<vmem>>
        %dma_start3A_398 = arith.constant 0 : i32
        %dma_start3A_399 = arith.constant 0 : i32
        %dma_start3A_400 = tpu.memref_slice %arg8[%select_n3A_65, %dma_start3A_398, %dma_start3A_399] : memref<2x10x128xi32, #tpu.memory_space<vmem>> -> memref<1x10x128xi32, #tpu.memory_space<vmem>>
        %dma_start3A_401 = tpu.memref_squeeze %dma_start3A_400 : memref<1x10x128xi32, #tpu.memory_space<vmem>> -> memref<10x128xi32, #tpu.memory_space<vmem>>
        %dma_start3A_402 = arith.constant 0 : i32
        %dma_start3A_403 = tpu.memref_slice %dma_start3A_401[%run_scoped3A_269, %dma_start3A_402] : memref<10x128xi32, #tpu.memory_space<vmem>> -> memref<1x128xi32, #tpu.memory_space<vmem>>
        %dma_start3A_404 = tpu.memref_squeeze %dma_start3A_403 : memref<1x128xi32, #tpu.memory_space<vmem>> -> memref<128xi32, #tpu.memory_space<vmem>>
        %dma_start3A_405 = arith.constant 0 : i32
        %dma_start3A_406 = arith.constant 0 : i32
        %dma_start3A_407 = tpu.memref_slice %arg10[%dma_start3A_405, %dma_start3A_406] : memref<10008x128xf32, #tpu.memory_space<vmem_shared>> -> memref<10008x128xf32, #tpu.memory_space<vmem_shared>>
        tpu.enqueue_indirect_dma source(%dma_start3A_397 : memref<128x128xf32, #tpu.memory_space<vmem>>) target(%dma_start3A_407 : memref<10008x128xf32, #tpu.memory_space<vmem_shared>>) offsets(%dma_start3A_404 : memref<128xi32, #tpu.memory_space<vmem>>) semaphore(%run_scoped3A_393 : memref<!tpu.dma_semaphore, #tpu.memory_space<semaphore_mem>>) {add = true}
        %dma_wait3A_408 = arith.constant 0 : i32
        %dma_wait3A_409 = arith.constant 0 : i32
        %dma_wait3A_410 = tpu.memref_slice %arg9[%run_scoped3A_268, %dma_wait3A_408, %dma_wait3A_409] : memref<2x128x128xf32, #tpu.memory_space<vmem>> -> memref<1x128x128xf32, #tpu.memory_space<vmem>>
        %dma_wait3A_411 = tpu.memref_squeeze %dma_wait3A_410 : memref<1x128x128xf32, #tpu.memory_space<vmem>> -> memref<128x128xf32, #tpu.memory_space<vmem>>
        %dma_wait3A_412 = arith.constant 0 : i32
        %dma_wait3A_413 = arith.constant 0 : i32
        %dma_wait3A_414 = tpu.memref_slice %arg8[%select_n3A_65, %dma_wait3A_412, %dma_wait3A_413] : memref<2x10x128xi32, #tpu.memory_space<vmem>> -> memref<1x10x128xi32, #tpu.memory_space<vmem>>
        %dma_wait3A_415 = tpu.memref_squeeze %dma_wait3A_414 : memref<1x10x128xi32, #tpu.memory_space<vmem>> -> memref<10x128xi32, #tpu.memory_space<vmem>>
        %dma_wait3A_416 = arith.constant 0 : i32
        %dma_wait3A_417 = tpu.memref_slice %dma_wait3A_415[%run_scoped3A_269, %dma_wait3A_416] : memref<10x128xi32, #tpu.memory_space<vmem>> -> memref<1x128xi32, #tpu.memory_space<vmem>>
        %dma_wait3A_418 = tpu.memref_squeeze %dma_wait3A_417 : memref<1x128xi32, #tpu.memory_space<vmem>> -> memref<128xi32, #tpu.memory_space<vmem>>
        %dma_wait3A_419 = arith.constant 0 : i32
        %dma_wait3A_420 = arith.constant 0 : i32
        %dma_wait3A_421 = tpu.memref_slice %arg10[%dma_wait3A_419, %dma_wait3A_420] : memref<10008x128xf32, #tpu.memory_space<vmem_shared>> -> memref<10008x128xf32, #tpu.memory_space<vmem_shared>>
        tpu.wait_indirect_dma semaphore(%run_scoped3A_393 : memref<!tpu.dma_semaphore, #tpu.memory_space<semaphore_mem>>) src(%dma_wait3A_411 : memref<128x128xf32, #tpu.memory_space<vmem>>) dst(%dma_wait3A_421 : memref<10008x128xf32, #tpu.memory_space<vmem_shared>>)
        tpu.yield
      }) : () -> ()
      %dma_wait3A_270 = arith.constant 0 : i32
      %dma_wait3A_271 = arith.constant 0 : i32
      %dma_wait3A_272 = arith.constant 0 : i32
      %dma_wait3A_273 = tpu.memref_slice %arg9[%dma_wait3A_270, %dma_wait3A_271, %dma_wait3A_272] : memref<2x128x128xf32, #tpu.memory_space<vmem>> -> memref<1x128x128xf32, #tpu.memory_space<vmem>>
      %dma_wait3A_274 = tpu.memref_squeeze %dma_wait3A_273 : memref<1x128x128xf32, #tpu.memory_space<vmem>> -> memref<128x128xf32, #tpu.memory_space<vmem>>
      %dma_wait3A_275 = arith.constant 0 : i32
      %dma_wait3A_276 = arith.constant 0 : i32
      %dma_wait3A_277 = tpu.memref_slice %arg2[%dma_wait3A_275, %dma_wait3A_276] : memref<20000x128xf32, #tpu.memory_space<hbm>> -> memref<128x128xf32, #tpu.memory_space<hbm>>
      %dma_wait3A_278 = arith.constant 0 : i32
      %dma_wait3A_279 = arith.constant 0 : i32
      %dma_wait3A_280 = tpu.memref_slice %arg9[%dma_wait3A_270, %dma_wait3A_278, %dma_wait3A_279] : memref<2x128x128xf32, #tpu.memory_space<vmem>> -> memref<1x128x128xf32, #tpu.memory_space<vmem>>
      %dma_wait3A_281 = tpu.memref_squeeze %dma_wait3A_280 : memref<1x128x128xf32, #tpu.memory_space<vmem>> -> memref<128x128xf32, #tpu.memory_space<vmem>>
      %dma_wait3A_282 = arith.constant 0 : i32
      %dma_wait3A_283 = arith.constant 0 : i32
      %dma_wait3A_284 = tpu.memref_slice %arg2[%dma_wait3A_282, %dma_wait3A_283] : memref<20000x128xf32, #tpu.memory_space<hbm>> -> memref<128x128xf32, #tpu.memory_space<hbm>>
      tpu.wait_dma2 semaphore(%arg11 : memref<!tpu.dma_semaphore, #tpu.memory_space<semaphore_mem>>) src(%dma_wait3A_284 : memref<128x128xf32, #tpu.memory_space<hbm>>) dst(%dma_wait3A_281 : memref<128x128xf32, #tpu.memory_space<vmem>>)
      %dma_start3A_285 = arith.constant 7 : i32
      %dma_start3A_286 = arith.constant 1 : i32
      %dma_start3A_287 = arith.constant 0 : i32
      %dma_start3A_288 = arith.constant 0 : i32
      %dma_start3A_289 = tpu.memref_slice %arg9[%dma_start3A_286, %dma_start3A_287, %dma_start3A_288] : memref<2x128x128xf32, #tpu.memory_space<vmem>> -> memref<1x128x128xf32, #tpu.memory_space<vmem>>
      %dma_start3A_290 = tpu.memref_squeeze %dma_start3A_289 : memref<1x128x128xf32, #tpu.memory_space<vmem>> -> memref<128x128xf32, #tpu.memory_space<vmem>>
      %dma_start3A_291 = arith.constant 0 : i32
      %dma_start3A_292 = arith.constant 0 : i32
      %dma_start3A_293 = tpu.memref_slice %arg7[%select_n3A_65, %dma_start3A_291, %dma_start3A_292] : memref<2x10x128xi32, #tpu.memory_space<vmem>> -> memref<1x10x128xi32, #tpu.memory_space<vmem>>
      %dma_start3A_294 = tpu.memref_squeeze %dma_start3A_293 : memref<1x10x128xi32, #tpu.memory_space<vmem>> -> memref<10x128xi32, #tpu.memory_space<vmem>>
      %dma_start3A_295 = arith.constant 0 : i32
      %dma_start3A_296 = tpu.memref_slice %dma_start3A_294[%dma_start3A_285, %dma_start3A_295] : memref<10x128xi32, #tpu.memory_space<vmem>> -> memref<1x128xi32, #tpu.memory_space<vmem>>
      %dma_start3A_297 = tpu.memref_squeeze %dma_start3A_296 : memref<1x128xi32, #tpu.memory_space<vmem>> -> memref<128xi32, #tpu.memory_space<vmem>>
      %dma_start3A_298 = arith.constant 0 : i32
      %dma_start3A_299 = arith.constant 0 : i32
      %dma_start3A_300 = tpu.memref_slice %arg2[%dma_start3A_298, %dma_start3A_299] : memref<20000x128xf32, #tpu.memory_space<hbm>> -> memref<20000x128xf32, #tpu.memory_space<hbm>>
      tpu.enqueue_indirect_dma source(%dma_start3A_300 : memref<20000x128xf32, #tpu.memory_space<hbm>>) target(%dma_start3A_290 : memref<128x128xf32, #tpu.memory_space<vmem>>) offsets(%dma_start3A_297 : memref<128xi32, #tpu.memory_space<vmem>>) semaphore(%arg11 : memref<!tpu.dma_semaphore, #tpu.memory_space<semaphore_mem>>)
      %run_scoped3A_301 = arith.constant 0 : i32
      %run_scoped3A_302 = arith.constant 6 : i32
      "tpu.region"() ({
        %run_scoped3A_393 = tpu.sem_alloc : memref<!tpu.dma_semaphore, #tpu.memory_space<semaphore_mem>>
        %dma_start3A_394 = arith.constant 0 : i32
        %dma_start3A_395 = arith.constant 0 : i32
        %dma_start3A_396 = tpu.memref_slice %arg9[%run_scoped3A_301, %dma_start3A_394, %dma_start3A_395] : memref<2x128x128xf32, #tpu.memory_space<vmem>> -> memref<1x128x128xf32, #tpu.memory_space<vmem>>
        %dma_start3A_397 = tpu.memref_squeeze %dma_start3A_396 : memref<1x128x128xf32, #tpu.memory_space<vmem>> -> memref<128x128xf32, #tpu.memory_space<vmem>>
        %dma_start3A_398 = arith.constant 0 : i32
        %dma_start3A_399 = arith.constant 0 : i32
        %dma_start3A_400 = tpu.memref_slice %arg8[%select_n3A_65, %dma_start3A_398, %dma_start3A_399] : memref<2x10x128xi32, #tpu.memory_space<vmem>> -> memref<1x10x128xi32, #tpu.memory_space<vmem>>
        %dma_start3A_401 = tpu.memref_squeeze %dma_start3A_400 : memref<1x10x128xi32, #tpu.memory_space<vmem>> -> memref<10x128xi32, #tpu.memory_space<vmem>>
        %dma_start3A_402 = arith.constant 0 : i32
        %dma_start3A_403 = tpu.memref_slice %dma_start3A_401[%run_scoped3A_302, %dma_start3A_402] : memref<10x128xi32, #tpu.memory_space<vmem>> -> memref<1x128xi32, #tpu.memory_space<vmem>>
        %dma_start3A_404 = tpu.memref_squeeze %dma_start3A_403 : memref<1x128xi32, #tpu.memory_space<vmem>> -> memref<128xi32, #tpu.memory_space<vmem>>
        %dma_start3A_405 = arith.constant 0 : i32
        %dma_start3A_406 = arith.constant 0 : i32
        %dma_start3A_407 = tpu.memref_slice %arg10[%dma_start3A_405, %dma_start3A_406] : memref<10008x128xf32, #tpu.memory_space<vmem_shared>> -> memref<10008x128xf32, #tpu.memory_space<vmem_shared>>
        tpu.enqueue_indirect_dma source(%dma_start3A_397 : memref<128x128xf32, #tpu.memory_space<vmem>>) target(%dma_start3A_407 : memref<10008x128xf32, #tpu.memory_space<vmem_shared>>) offsets(%dma_start3A_404 : memref<128xi32, #tpu.memory_space<vmem>>) semaphore(%run_scoped3A_393 : memref<!tpu.dma_semaphore, #tpu.memory_space<semaphore_mem>>) {add = true}
        %dma_wait3A_408 = arith.constant 0 : i32
        %dma_wait3A_409 = arith.constant 0 : i32
        %dma_wait3A_410 = tpu.memref_slice %arg9[%run_scoped3A_301, %dma_wait3A_408, %dma_wait3A_409] : memref<2x128x128xf32, #tpu.memory_space<vmem>> -> memref<1x128x128xf32, #tpu.memory_space<vmem>>
        %dma_wait3A_411 = tpu.memref_squeeze %dma_wait3A_410 : memref<1x128x128xf32, #tpu.memory_space<vmem>> -> memref<128x128xf32, #tpu.memory_space<vmem>>
        %dma_wait3A_412 = arith.constant 0 : i32
        %dma_wait3A_413 = arith.constant 0 : i32
        %dma_wait3A_414 = tpu.memref_slice %arg8[%select_n3A_65, %dma_wait3A_412, %dma_wait3A_413] : memref<2x10x128xi32, #tpu.memory_space<vmem>> -> memref<1x10x128xi32, #tpu.memory_space<vmem>>
        %dma_wait3A_415 = tpu.memref_squeeze %dma_wait3A_414 : memref<1x10x128xi32, #tpu.memory_space<vmem>> -> memref<10x128xi32, #tpu.memory_space<vmem>>
        %dma_wait3A_416 = arith.constant 0 : i32
        %dma_wait3A_417 = tpu.memref_slice %dma_wait3A_415[%run_scoped3A_302, %dma_wait3A_416] : memref<10x128xi32, #tpu.memory_space<vmem>> -> memref<1x128xi32, #tpu.memory_space<vmem>>
        %dma_wait3A_418 = tpu.memref_squeeze %dma_wait3A_417 : memref<1x128xi32, #tpu.memory_space<vmem>> -> memref<128xi32, #tpu.memory_space<vmem>>
        %dma_wait3A_419 = arith.constant 0 : i32
        %dma_wait3A_420 = arith.constant 0 : i32
        %dma_wait3A_421 = tpu.memref_slice %arg10[%dma_wait3A_419, %dma_wait3A_420] : memref<10008x128xf32, #tpu.memory_space<vmem_shared>> -> memref<10008x128xf32, #tpu.memory_space<vmem_shared>>
        tpu.wait_indirect_dma semaphore(%run_scoped3A_393 : memref<!tpu.dma_semaphore, #tpu.memory_space<semaphore_mem>>) src(%dma_wait3A_411 : memref<128x128xf32, #tpu.memory_space<vmem>>) dst(%dma_wait3A_421 : memref<10008x128xf32, #tpu.memory_space<vmem_shared>>)
        tpu.yield
      }) : () -> ()
      %dma_wait3A_303 = arith.constant 1 : i32
      %dma_wait3A_304 = arith.constant 0 : i32
      %dma_wait3A_305 = arith.constant 0 : i32
      %dma_wait3A_306 = tpu.memref_slice %arg9[%dma_wait3A_303, %dma_wait3A_304, %dma_wait3A_305] : memref<2x128x128xf32, #tpu.memory_space<vmem>> -> memref<1x128x128xf32, #tpu.memory_space<vmem>>
      %dma_wait3A_307 = tpu.memref_squeeze %dma_wait3A_306 : memref<1x128x128xf32, #tpu.memory_space<vmem>> -> memref<128x128xf32, #tpu.memory_space<vmem>>
      %dma_wait3A_308 = arith.constant 0 : i32
      %dma_wait3A_309 = arith.constant 0 : i32
      %dma_wait3A_310 = tpu.memref_slice %arg2[%dma_wait3A_308, %dma_wait3A_309] : memref<20000x128xf32, #tpu.memory_space<hbm>> -> memref<128x128xf32, #tpu.memory_space<hbm>>
      %dma_wait3A_311 = arith.constant 0 : i32
      %dma_wait3A_312 = arith.constant 0 : i32
      %dma_wait3A_313 = tpu.memref_slice %arg9[%dma_wait3A_303, %dma_wait3A_311, %dma_wait3A_312] : memref<2x128x128xf32, #tpu.memory_space<vmem>> -> memref<1x128x128xf32, #tpu.memory_space<vmem>>
      %dma_wait3A_314 = tpu.memref_squeeze %dma_wait3A_313 : memref<1x128x128xf32, #tpu.memory_space<vmem>> -> memref<128x128xf32, #tpu.memory_space<vmem>>
      %dma_wait3A_315 = arith.constant 0 : i32
      %dma_wait3A_316 = arith.constant 0 : i32
      %dma_wait3A_317 = tpu.memref_slice %arg2[%dma_wait3A_315, %dma_wait3A_316] : memref<20000x128xf32, #tpu.memory_space<hbm>> -> memref<128x128xf32, #tpu.memory_space<hbm>>
      tpu.wait_dma2 semaphore(%arg11 : memref<!tpu.dma_semaphore, #tpu.memory_space<semaphore_mem>>) src(%dma_wait3A_317 : memref<128x128xf32, #tpu.memory_space<hbm>>) dst(%dma_wait3A_314 : memref<128x128xf32, #tpu.memory_space<vmem>>)
      %dma_start3A_318 = arith.constant 8 : i32
      %dma_start3A_319 = arith.constant 0 : i32
      %dma_start3A_320 = arith.constant 0 : i32
      %dma_start3A_321 = arith.constant 0 : i32
      %dma_start3A_322 = tpu.memref_slice %arg9[%dma_start3A_319, %dma_start3A_320, %dma_start3A_321] : memref<2x128x128xf32, #tpu.memory_space<vmem>> -> memref<1x128x128xf32, #tpu.memory_space<vmem>>
      %dma_start3A_323 = tpu.memref_squeeze %dma_start3A_322 : memref<1x128x128xf32, #tpu.memory_space<vmem>> -> memref<128x128xf32, #tpu.memory_space<vmem>>
      %dma_start3A_324 = arith.constant 0 : i32
      %dma_start3A_325 = arith.constant 0 : i32
      %dma_start3A_326 = tpu.memref_slice %arg7[%select_n3A_65, %dma_start3A_324, %dma_start3A_325] : memref<2x10x128xi32, #tpu.memory_space<vmem>> -> memref<1x10x128xi32, #tpu.memory_space<vmem>>
      %dma_start3A_327 = tpu.memref_squeeze %dma_start3A_326 : memref<1x10x128xi32, #tpu.memory_space<vmem>> -> memref<10x128xi32, #tpu.memory_space<vmem>>
      %dma_start3A_328 = arith.constant 0 : i32
      %dma_start3A_329 = tpu.memref_slice %dma_start3A_327[%dma_start3A_318, %dma_start3A_328] : memref<10x128xi32, #tpu.memory_space<vmem>> -> memref<1x128xi32, #tpu.memory_space<vmem>>
      %dma_start3A_330 = tpu.memref_squeeze %dma_start3A_329 : memref<1x128xi32, #tpu.memory_space<vmem>> -> memref<128xi32, #tpu.memory_space<vmem>>
      %dma_start3A_331 = arith.constant 0 : i32
      %dma_start3A_332 = arith.constant 0 : i32
      %dma_start3A_333 = tpu.memref_slice %arg2[%dma_start3A_331, %dma_start3A_332] : memref<20000x128xf32, #tpu.memory_space<hbm>> -> memref<20000x128xf32, #tpu.memory_space<hbm>>
      tpu.enqueue_indirect_dma source(%dma_start3A_333 : memref<20000x128xf32, #tpu.memory_space<hbm>>) target(%dma_start3A_323 : memref<128x128xf32, #tpu.memory_space<vmem>>) offsets(%dma_start3A_330 : memref<128xi32, #tpu.memory_space<vmem>>) semaphore(%arg11 : memref<!tpu.dma_semaphore, #tpu.memory_space<semaphore_mem>>)
      %run_scoped3A_334 = arith.constant 1 : i32
      %run_scoped3A_335 = arith.constant 7 : i32
      "tpu.region"() ({
        %run_scoped3A_393 = tpu.sem_alloc : memref<!tpu.dma_semaphore, #tpu.memory_space<semaphore_mem>>
        %dma_start3A_394 = arith.constant 0 : i32
        %dma_start3A_395 = arith.constant 0 : i32
        %dma_start3A_396 = tpu.memref_slice %arg9[%run_scoped3A_334, %dma_start3A_394, %dma_start3A_395] : memref<2x128x128xf32, #tpu.memory_space<vmem>> -> memref<1x128x128xf32, #tpu.memory_space<vmem>>
        %dma_start3A_397 = tpu.memref_squeeze %dma_start3A_396 : memref<1x128x128xf32, #tpu.memory_space<vmem>> -> memref<128x128xf32, #tpu.memory_space<vmem>>
        %dma_start3A_398 = arith.constant 0 : i32
        %dma_start3A_399 = arith.constant 0 : i32
        %dma_start3A_400 = tpu.memref_slice %arg8[%select_n3A_65, %dma_start3A_398, %dma_start3A_399] : memref<2x10x128xi32, #tpu.memory_space<vmem>> -> memref<1x10x128xi32, #tpu.memory_space<vmem>>
        %dma_start3A_401 = tpu.memref_squeeze %dma_start3A_400 : memref<1x10x128xi32, #tpu.memory_space<vmem>> -> memref<10x128xi32, #tpu.memory_space<vmem>>
        %dma_start3A_402 = arith.constant 0 : i32
        %dma_start3A_403 = tpu.memref_slice %dma_start3A_401[%run_scoped3A_335, %dma_start3A_402] : memref<10x128xi32, #tpu.memory_space<vmem>> -> memref<1x128xi32, #tpu.memory_space<vmem>>
        %dma_start3A_404 = tpu.memref_squeeze %dma_start3A_403 : memref<1x128xi32, #tpu.memory_space<vmem>> -> memref<128xi32, #tpu.memory_space<vmem>>
        %dma_start3A_405 = arith.constant 0 : i32
        %dma_start3A_406 = arith.constant 0 : i32
        %dma_start3A_407 = tpu.memref_slice %arg10[%dma_start3A_405, %dma_start3A_406] : memref<10008x128xf32, #tpu.memory_space<vmem_shared>> -> memref<10008x128xf32, #tpu.memory_space<vmem_shared>>
        tpu.enqueue_indirect_dma source(%dma_start3A_397 : memref<128x128xf32, #tpu.memory_space<vmem>>) target(%dma_start3A_407 : memref<10008x128xf32, #tpu.memory_space<vmem_shared>>) offsets(%dma_start3A_404 : memref<128xi32, #tpu.memory_space<vmem>>) semaphore(%run_scoped3A_393 : memref<!tpu.dma_semaphore, #tpu.memory_space<semaphore_mem>>) {add = true}
        %dma_wait3A_408 = arith.constant 0 : i32
        %dma_wait3A_409 = arith.constant 0 : i32
        %dma_wait3A_410 = tpu.memref_slice %arg9[%run_scoped3A_334, %dma_wait3A_408, %dma_wait3A_409] : memref<2x128x128xf32, #tpu.memory_space<vmem>> -> memref<1x128x128xf32, #tpu.memory_space<vmem>>
        %dma_wait3A_411 = tpu.memref_squeeze %dma_wait3A_410 : memref<1x128x128xf32, #tpu.memory_space<vmem>> -> memref<128x128xf32, #tpu.memory_space<vmem>>
        %dma_wait3A_412 = arith.constant 0 : i32
        %dma_wait3A_413 = arith.constant 0 : i32
        %dma_wait3A_414 = tpu.memref_slice %arg8[%select_n3A_65, %dma_wait3A_412, %dma_wait3A_413] : memref<2x10x128xi32, #tpu.memory_space<vmem>> -> memref<1x10x128xi32, #tpu.memory_space<vmem>>
        %dma_wait3A_415 = tpu.memref_squeeze %dma_wait3A_414 : memref<1x10x128xi32, #tpu.memory_space<vmem>> -> memref<10x128xi32, #tpu.memory_space<vmem>>
        %dma_wait3A_416 = arith.constant 0 : i32
        %dma_wait3A_417 = tpu.memref_slice %dma_wait3A_415[%run_scoped3A_335, %dma_wait3A_416] : memref<10x128xi32, #tpu.memory_space<vmem>> -> memref<1x128xi32, #tpu.memory_space<vmem>>
        %dma_wait3A_418 = tpu.memref_squeeze %dma_wait3A_417 : memref<1x128xi32, #tpu.memory_space<vmem>> -> memref<128xi32, #tpu.memory_space<vmem>>
        %dma_wait3A_419 = arith.constant 0 : i32
        %dma_wait3A_420 = arith.constant 0 : i32
        %dma_wait3A_421 = tpu.memref_slice %arg10[%dma_wait3A_419, %dma_wait3A_420] : memref<10008x128xf32, #tpu.memory_space<vmem_shared>> -> memref<10008x128xf32, #tpu.memory_space<vmem_shared>>
        tpu.wait_indirect_dma semaphore(%run_scoped3A_393 : memref<!tpu.dma_semaphore, #tpu.memory_space<semaphore_mem>>) src(%dma_wait3A_411 : memref<128x128xf32, #tpu.memory_space<vmem>>) dst(%dma_wait3A_421 : memref<10008x128xf32, #tpu.memory_space<vmem_shared>>)
        tpu.yield
      }) : () -> ()
      %dma_wait3A_336 = arith.constant 0 : i32
      %dma_wait3A_337 = arith.constant 0 : i32
      %dma_wait3A_338 = arith.constant 0 : i32
      %dma_wait3A_339 = tpu.memref_slice %arg9[%dma_wait3A_336, %dma_wait3A_337, %dma_wait3A_338] : memref<2x128x128xf32, #tpu.memory_space<vmem>> -> memref<1x128x128xf32, #tpu.memory_space<vmem>>
      %dma_wait3A_340 = tpu.memref_squeeze %dma_wait3A_339 : memref<1x128x128xf32, #tpu.memory_space<vmem>> -> memref<128x128xf32, #tpu.memory_space<vmem>>
      %dma_wait3A_341 = arith.constant 0 : i32
      %dma_wait3A_342 = arith.constant 0 : i32
      %dma_wait3A_343 = tpu.memref_slice %arg2[%dma_wait3A_341, %dma_wait3A_342] : memref<20000x128xf32, #tpu.memory_space<hbm>> -> memref<128x128xf32, #tpu.memory_space<hbm>>
      %dma_wait3A_344 = arith.constant 0 : i32
      %dma_wait3A_345 = arith.constant 0 : i32
      %dma_wait3A_346 = tpu.memref_slice %arg9[%dma_wait3A_336, %dma_wait3A_344, %dma_wait3A_345] : memref<2x128x128xf32, #tpu.memory_space<vmem>> -> memref<1x128x128xf32, #tpu.memory_space<vmem>>
      %dma_wait3A_347 = tpu.memref_squeeze %dma_wait3A_346 : memref<1x128x128xf32, #tpu.memory_space<vmem>> -> memref<128x128xf32, #tpu.memory_space<vmem>>
      %dma_wait3A_348 = arith.constant 0 : i32
      %dma_wait3A_349 = arith.constant 0 : i32
      %dma_wait3A_350 = tpu.memref_slice %arg2[%dma_wait3A_348, %dma_wait3A_349] : memref<20000x128xf32, #tpu.memory_space<hbm>> -> memref<128x128xf32, #tpu.memory_space<hbm>>
      tpu.wait_dma2 semaphore(%arg11 : memref<!tpu.dma_semaphore, #tpu.memory_space<semaphore_mem>>) src(%dma_wait3A_350 : memref<128x128xf32, #tpu.memory_space<hbm>>) dst(%dma_wait3A_347 : memref<128x128xf32, #tpu.memory_space<vmem>>)
      %dma_start3A_351 = arith.constant 9 : i32
      %dma_start3A_352 = arith.constant 1 : i32
      %dma_start3A_353 = arith.constant 0 : i32
      %dma_start3A_354 = arith.constant 0 : i32
      %dma_start3A_355 = tpu.memref_slice %arg9[%dma_start3A_352, %dma_start3A_353, %dma_start3A_354] : memref<2x128x128xf32, #tpu.memory_space<vmem>> -> memref<1x128x128xf32, #tpu.memory_space<vmem>>
      %dma_start3A_356 = tpu.memref_squeeze %dma_start3A_355 : memref<1x128x128xf32, #tpu.memory_space<vmem>> -> memref<128x128xf32, #tpu.memory_space<vmem>>
      %dma_start3A_357 = arith.constant 0 : i32
      %dma_start3A_358 = arith.constant 0 : i32
      %dma_start3A_359 = tpu.memref_slice %arg7[%select_n3A_65, %dma_start3A_357, %dma_start3A_358] : memref<2x10x128xi32, #tpu.memory_space<vmem>> -> memref<1x10x128xi32, #tpu.memory_space<vmem>>
      %dma_start3A_360 = tpu.memref_squeeze %dma_start3A_359 : memref<1x10x128xi32, #tpu.memory_space<vmem>> -> memref<10x128xi32, #tpu.memory_space<vmem>>
      %dma_start3A_361 = arith.constant 0 : i32
      %dma_start3A_362 = tpu.memref_slice %dma_start3A_360[%dma_start3A_351, %dma_start3A_361] : memref<10x128xi32, #tpu.memory_space<vmem>> -> memref<1x128xi32, #tpu.memory_space<vmem>>
      %dma_start3A_363 = tpu.memref_squeeze %dma_start3A_362 : memref<1x128xi32, #tpu.memory_space<vmem>> -> memref<128xi32, #tpu.memory_space<vmem>>
      %dma_start3A_364 = arith.constant 0 : i32
      %dma_start3A_365 = arith.constant 0 : i32
      %dma_start3A_366 = tpu.memref_slice %arg2[%dma_start3A_364, %dma_start3A_365] : memref<20000x128xf32, #tpu.memory_space<hbm>> -> memref<20000x128xf32, #tpu.memory_space<hbm>>
      tpu.enqueue_indirect_dma source(%dma_start3A_366 : memref<20000x128xf32, #tpu.memory_space<hbm>>) target(%dma_start3A_356 : memref<128x128xf32, #tpu.memory_space<vmem>>) offsets(%dma_start3A_363 : memref<128xi32, #tpu.memory_space<vmem>>) semaphore(%arg11 : memref<!tpu.dma_semaphore, #tpu.memory_space<semaphore_mem>>)
      %run_scoped3A_367 = arith.constant 0 : i32
      %run_scoped3A_368 = arith.constant 8 : i32
      "tpu.region"() ({
        %run_scoped3A_393 = tpu.sem_alloc : memref<!tpu.dma_semaphore, #tpu.memory_space<semaphore_mem>>
        %dma_start3A_394 = arith.constant 0 : i32
        %dma_start3A_395 = arith.constant 0 : i32
        %dma_start3A_396 = tpu.memref_slice %arg9[%run_scoped3A_367, %dma_start3A_394, %dma_start3A_395] : memref<2x128x128xf32, #tpu.memory_space<vmem>> -> memref<1x128x128xf32, #tpu.memory_space<vmem>>
        %dma_start3A_397 = tpu.memref_squeeze %dma_start3A_396 : memref<1x128x128xf32, #tpu.memory_space<vmem>> -> memref<128x128xf32, #tpu.memory_space<vmem>>
        %dma_start3A_398 = arith.constant 0 : i32
        %dma_start3A_399 = arith.constant 0 : i32
        %dma_start3A_400 = tpu.memref_slice %arg8[%select_n3A_65, %dma_start3A_398, %dma_start3A_399] : memref<2x10x128xi32, #tpu.memory_space<vmem>> -> memref<1x10x128xi32, #tpu.memory_space<vmem>>
        %dma_start3A_401 = tpu.memref_squeeze %dma_start3A_400 : memref<1x10x128xi32, #tpu.memory_space<vmem>> -> memref<10x128xi32, #tpu.memory_space<vmem>>
        %dma_start3A_402 = arith.constant 0 : i32
        %dma_start3A_403 = tpu.memref_slice %dma_start3A_401[%run_scoped3A_368, %dma_start3A_402] : memref<10x128xi32, #tpu.memory_space<vmem>> -> memref<1x128xi32, #tpu.memory_space<vmem>>
        %dma_start3A_404 = tpu.memref_squeeze %dma_start3A_403 : memref<1x128xi32, #tpu.memory_space<vmem>> -> memref<128xi32, #tpu.memory_space<vmem>>
        %dma_start3A_405 = arith.constant 0 : i32
        %dma_start3A_406 = arith.constant 0 : i32
        %dma_start3A_407 = tpu.memref_slice %arg10[%dma_start3A_405, %dma_start3A_406] : memref<10008x128xf32, #tpu.memory_space<vmem_shared>> -> memref<10008x128xf32, #tpu.memory_space<vmem_shared>>
        tpu.enqueue_indirect_dma source(%dma_start3A_397 : memref<128x128xf32, #tpu.memory_space<vmem>>) target(%dma_start3A_407 : memref<10008x128xf32, #tpu.memory_space<vmem_shared>>) offsets(%dma_start3A_404 : memref<128xi32, #tpu.memory_space<vmem>>) semaphore(%run_scoped3A_393 : memref<!tpu.dma_semaphore, #tpu.memory_space<semaphore_mem>>) {add = true}
        %dma_wait3A_408 = arith.constant 0 : i32
        %dma_wait3A_409 = arith.constant 0 : i32
        %dma_wait3A_410 = tpu.memref_slice %arg9[%run_scoped3A_367, %dma_wait3A_408, %dma_wait3A_409] : memref<2x128x128xf32, #tpu.memory_space<vmem>> -> memref<1x128x128xf32, #tpu.memory_space<vmem>>
        %dma_wait3A_411 = tpu.memref_squeeze %dma_wait3A_410 : memref<1x128x128xf32, #tpu.memory_space<vmem>> -> memref<128x128xf32, #tpu.memory_space<vmem>>
        %dma_wait3A_412 = arith.constant 0 : i32
        %dma_wait3A_413 = arith.constant 0 : i32
        %dma_wait3A_414 = tpu.memref_slice %arg8[%select_n3A_65, %dma_wait3A_412, %dma_wait3A_413] : memref<2x10x128xi32, #tpu.memory_space<vmem>> -> memref<1x10x128xi32, #tpu.memory_space<vmem>>
        %dma_wait3A_415 = tpu.memref_squeeze %dma_wait3A_414 : memref<1x10x128xi32, #tpu.memory_space<vmem>> -> memref<10x128xi32, #tpu.memory_space<vmem>>
        %dma_wait3A_416 = arith.constant 0 : i32
        %dma_wait3A_417 = tpu.memref_slice %dma_wait3A_415[%run_scoped3A_368, %dma_wait3A_416] : memref<10x128xi32, #tpu.memory_space<vmem>> -> memref<1x128xi32, #tpu.memory_space<vmem>>
        %dma_wait3A_418 = tpu.memref_squeeze %dma_wait3A_417 : memref<1x128xi32, #tpu.memory_space<vmem>> -> memref<128xi32, #tpu.memory_space<vmem>>
        %dma_wait3A_419 = arith.constant 0 : i32
        %dma_wait3A_420 = arith.constant 0 : i32
        %dma_wait3A_421 = tpu.memref_slice %arg10[%dma_wait3A_419, %dma_wait3A_420] : memref<10008x128xf32, #tpu.memory_space<vmem_shared>> -> memref<10008x128xf32, #tpu.memory_space<vmem_shared>>
        tpu.wait_indirect_dma semaphore(%run_scoped3A_393 : memref<!tpu.dma_semaphore, #tpu.memory_space<semaphore_mem>>) src(%dma_wait3A_411 : memref<128x128xf32, #tpu.memory_space<vmem>>) dst(%dma_wait3A_421 : memref<10008x128xf32, #tpu.memory_space<vmem_shared>>)
        tpu.yield
      }) : () -> ()
      %dma_wait3A_369 = arith.constant 1 : i32
      %dma_wait3A_370 = arith.constant 0 : i32
      %dma_wait3A_371 = arith.constant 0 : i32
      %dma_wait3A_372 = tpu.memref_slice %arg9[%dma_wait3A_369, %dma_wait3A_370, %dma_wait3A_371] : memref<2x128x128xf32, #tpu.memory_space<vmem>> -> memref<1x128x128xf32, #tpu.memory_space<vmem>>
      %dma_wait3A_373 = tpu.memref_squeeze %dma_wait3A_372 : memref<1x128x128xf32, #tpu.memory_space<vmem>> -> memref<128x128xf32, #tpu.memory_space<vmem>>
      %dma_wait3A_374 = arith.constant 0 : i32
      %dma_wait3A_375 = arith.constant 0 : i32
      %dma_wait3A_376 = tpu.memref_slice %arg2[%dma_wait3A_374, %dma_wait3A_375] : memref<20000x128xf32, #tpu.memory_space<hbm>> -> memref<128x128xf32, #tpu.memory_space<hbm>>
      %dma_wait3A_377 = arith.constant 0 : i32
      %dma_wait3A_378 = arith.constant 0 : i32
      %dma_wait3A_379 = tpu.memref_slice %arg9[%dma_wait3A_369, %dma_wait3A_377, %dma_wait3A_378] : memref<2x128x128xf32, #tpu.memory_space<vmem>> -> memref<1x128x128xf32, #tpu.memory_space<vmem>>
      %dma_wait3A_380 = tpu.memref_squeeze %dma_wait3A_379 : memref<1x128x128xf32, #tpu.memory_space<vmem>> -> memref<128x128xf32, #tpu.memory_space<vmem>>
      %dma_wait3A_381 = arith.constant 0 : i32
      %dma_wait3A_382 = arith.constant 0 : i32
      %dma_wait3A_383 = tpu.memref_slice %arg2[%dma_wait3A_381, %dma_wait3A_382] : memref<20000x128xf32, #tpu.memory_space<hbm>> -> memref<128x128xf32, #tpu.memory_space<hbm>>
      tpu.wait_dma2 semaphore(%arg11 : memref<!tpu.dma_semaphore, #tpu.memory_space<semaphore_mem>>) src(%dma_wait3A_383 : memref<128x128xf32, #tpu.memory_space<hbm>>) dst(%dma_wait3A_380 : memref<128x128xf32, #tpu.memory_space<vmem>>)
      %add3A_384 = arith.constant 1 : i32
      %add3A_385 = arith.addi %scan3A_55, %add3A_384 : i32
      %lt3A_386 = arith.constant 16 : i32
      %lt3A_387 = arith.cmpi slt, %add3A_385, %lt3A_386 : i32
      %convert_element_type3A_388 = arith.extui %lt3A_387 : i1 to i32
      %cond3A_389 = arith.constant 0 : i32
      %cond3A_390 = arith.cmpi ne, %convert_element_type3A_388, %cond3A_389 : i32
      scf.if %cond3A_390 {
        %dma_wait3A_393 = arith.constant 0 : i32
        %dma_wait3A_394 = arith.constant 0 : i32
        %dma_wait3A_395 = arith.constant 0 : i32
        %dma_wait3A_396 = arith.constant 0 : i32
        %dma_wait3A_397 = tpu.memref_slice %arg7[%dma_wait3A_394, %dma_wait3A_395, %dma_wait3A_396] : memref<2x10x128xi32, #tpu.memory_space<vmem>> -> memref<1x10x128xi32, #tpu.memory_space<vmem>>
        %dma_wait3A_398 = tpu.memref_squeeze %dma_wait3A_397 : memref<1x10x128xi32, #tpu.memory_space<vmem>> -> memref<10x128xi32, #tpu.memory_space<vmem>>
        %dma_wait3A_399 = arith.constant 0 : i32
        %dma_wait3A_400 = arith.constant 0 : i32
        %dma_wait3A_401 = tpu.memref_slice %arg3[%dma_wait3A_393, %dma_wait3A_399, %dma_wait3A_400] : memref<512x10x128xi32, #tpu.memory_space<hbm>> -> memref<1x10x128xi32, #tpu.memory_space<hbm>>
        %dma_wait3A_402 = tpu.memref_squeeze %dma_wait3A_401 : memref<1x10x128xi32, #tpu.memory_space<hbm>> -> memref<10x128xi32, #tpu.memory_space<hbm>>
        %dma_wait3A_403 = arith.constant 0 : i32
        %dma_wait3A_404 = arith.constant 0 : i32
        %dma_wait3A_405 = tpu.memref_slice %arg7[%dma_wait3A_394, %dma_wait3A_403, %dma_wait3A_404] : memref<2x10x128xi32, #tpu.memory_space<vmem>> -> memref<1x10x128xi32, #tpu.memory_space<vmem>>
        %dma_wait3A_406 = tpu.memref_squeeze %dma_wait3A_405 : memref<1x10x128xi32, #tpu.memory_space<vmem>> -> memref<10x128xi32, #tpu.memory_space<vmem>>
        %dma_wait3A_407 = arith.constant 0 : i32
        %dma_wait3A_408 = arith.constant 0 : i32
        %dma_wait3A_409 = tpu.memref_slice %arg3[%dma_wait3A_393, %dma_wait3A_407, %dma_wait3A_408] : memref<512x10x128xi32, #tpu.memory_space<hbm>> -> memref<1x10x128xi32, #tpu.memory_space<hbm>>
        %dma_wait3A_410 = tpu.memref_squeeze %dma_wait3A_409 : memref<1x10x128xi32, #tpu.memory_space<hbm>> -> memref<10x128xi32, #tpu.memory_space<hbm>>
        tpu.wait_dma2 semaphore(%arg12 : memref<!tpu.dma_semaphore, #tpu.memory_space<semaphore_mem>>) src(%dma_wait3A_410 : memref<10x128xi32, #tpu.memory_space<hbm>>) dst(%dma_wait3A_406 : memref<10x128xi32, #tpu.memory_space<vmem>>)
        %dma_wait3A_411 = arith.constant 0 : i32
        %dma_wait3A_412 = arith.constant 0 : i32
        %dma_wait3A_413 = arith.constant 0 : i32
        %dma_wait3A_414 = arith.constant 0 : i32
        %dma_wait3A_415 = tpu.memref_slice %arg8[%dma_wait3A_412, %dma_wait3A_413, %dma_wait3A_414] : memref<2x10x128xi32, #tpu.memory_space<vmem>> -> memref<1x10x128xi32, #tpu.memory_space<vmem>>
        %dma_wait3A_416 = tpu.memref_squeeze %dma_wait3A_415 : memref<1x10x128xi32, #tpu.memory_space<vmem>> -> memref<10x128xi32, #tpu.memory_space<vmem>>
        %dma_wait3A_417 = arith.constant 0 : i32
        %dma_wait3A_418 = arith.constant 0 : i32
        %dma_wait3A_419 = tpu.memref_slice %arg4[%dma_wait3A_411, %dma_wait3A_417, %dma_wait3A_418] : memref<256x10x128xi32, #tpu.memory_space<hbm>> -> memref<1x10x128xi32, #tpu.memory_space<hbm>>
        %dma_wait3A_420 = tpu.memref_squeeze %dma_wait3A_419 : memref<1x10x128xi32, #tpu.memory_space<hbm>> -> memref<10x128xi32, #tpu.memory_space<hbm>>
        %dma_wait3A_421 = arith.constant 0 : i32
        %dma_wait3A_422 = arith.constant 0 : i32
        %dma_wait3A_423 = tpu.memref_slice %arg8[%dma_wait3A_412, %dma_wait3A_421, %dma_wait3A_422] : memref<2x10x128xi32, #tpu.memory_space<vmem>> -> memref<1x10x128xi32, #tpu.memory_space<vmem>>
        %dma_wait3A_424 = tpu.memref_squeeze %dma_wait3A_423 : memref<1x10x128xi32, #tpu.memory_space<vmem>> -> memref<10x128xi32, #tpu.memory_space<vmem>>
        %dma_wait3A_425 = arith.constant 0 : i32
        %dma_wait3A_426 = arith.constant 0 : i32
        %dma_wait3A_427 = tpu.memref_slice %arg4[%dma_wait3A_411, %dma_wait3A_425, %dma_wait3A_426] : memref<256x10x128xi32, #tpu.memory_space<hbm>> -> memref<1x10x128xi32, #tpu.memory_space<hbm>>
        %dma_wait3A_428 = tpu.memref_squeeze %dma_wait3A_427 : memref<1x10x128xi32, #tpu.memory_space<hbm>> -> memref<10x128xi32, #tpu.memory_space<hbm>>
        tpu.wait_dma2 semaphore(%arg12 : memref<!tpu.dma_semaphore, #tpu.memory_space<semaphore_mem>>) src(%dma_wait3A_428 : memref<10x128xi32, #tpu.memory_space<hbm>>) dst(%dma_wait3A_424 : memref<10x128xi32, #tpu.memory_space<vmem>>)
        %add3A_429 = arith.constant 1 : i32
        %add3A_430 = arith.addi %scan3A_55, %add3A_429 : i32
        %jit3A_431 = arith.constant 2 : i32
        %eq3A_432 = arith.constant 0 : i32
        %eq3A_433 = arith.cmpi eq, %jit3A_431, %eq3A_432 : i32
        %jit3A_434 = arith.constant 1 : i32
        %select_n3A_435 = arith.select %eq3A_433, %jit3A_434, %jit3A_431 : i32
        %rem3A_436 = arith.remsi %add3A_430, %select_n3A_435 : i32
        %ne3A_437 = arith.constant 0 : i32
        %ne3A_438 = arith.cmpi ne, %rem3A_436, %ne3A_437 : i32
        %lt3A_439 = arith.constant 0 : i32
        %lt3A_440 = arith.cmpi slt, %rem3A_436, %lt3A_439 : i32
        %lt3A_441 = arith.constant 0 : i32
        %lt3A_442 = arith.cmpi slt, %select_n3A_435, %lt3A_441 : i32
        %ne3A_443 = arith.xori %lt3A_440, %lt3A_442 : i1
        %and3A_444 = arith.andi %ne3A_443, %ne3A_438 : i1
        %add3A_445 = arith.addi %rem3A_436, %select_n3A_435 : i32
        %select_n3A_446 = arith.select %and3A_444, %add3A_445, %rem3A_436 : i32
        %dma_start3A_447 = arith.constant 0 : i32
        %dma_start3A_448 = arith.constant 0 : i32
        %dma_start3A_449 = arith.constant 0 : i32
        %dma_start3A_450 = arith.constant 0 : i32
        %dma_start3A_451 = tpu.memref_slice %arg9[%dma_start3A_448, %dma_start3A_449, %dma_start3A_450] : memref<2x128x128xf32, #tpu.memory_space<vmem>> -> memref<1x128x128xf32, #tpu.memory_space<vmem>>
        %dma_start3A_452 = tpu.memref_squeeze %dma_start3A_451 : memref<1x128x128xf32, #tpu.memory_space<vmem>> -> memref<128x128xf32, #tpu.memory_space<vmem>>
        %dma_start3A_453 = arith.constant 0 : i32
        %dma_start3A_454 = arith.constant 0 : i32
        %dma_start3A_455 = tpu.memref_slice %arg7[%select_n3A_446, %dma_start3A_453, %dma_start3A_454] : memref<2x10x128xi32, #tpu.memory_space<vmem>> -> memref<1x10x128xi32, #tpu.memory_space<vmem>>
        %dma_start3A_456 = tpu.memref_squeeze %dma_start3A_455 : memref<1x10x128xi32, #tpu.memory_space<vmem>> -> memref<10x128xi32, #tpu.memory_space<vmem>>
        %dma_start3A_457 = arith.constant 0 : i32
        %dma_start3A_458 = tpu.memref_slice %dma_start3A_456[%dma_start3A_447, %dma_start3A_457] : memref<10x128xi32, #tpu.memory_space<vmem>> -> memref<1x128xi32, #tpu.memory_space<vmem>>
        %dma_start3A_459 = tpu.memref_squeeze %dma_start3A_458 : memref<1x128xi32, #tpu.memory_space<vmem>> -> memref<128xi32, #tpu.memory_space<vmem>>
        %dma_start3A_460 = arith.constant 0 : i32
        %dma_start3A_461 = arith.constant 0 : i32
        %dma_start3A_462 = tpu.memref_slice %arg2[%dma_start3A_460, %dma_start3A_461] : memref<20000x128xf32, #tpu.memory_space<hbm>> -> memref<20000x128xf32, #tpu.memory_space<hbm>>
        tpu.enqueue_indirect_dma source(%dma_start3A_462 : memref<20000x128xf32, #tpu.memory_space<hbm>>) target(%dma_start3A_452 : memref<128x128xf32, #tpu.memory_space<vmem>>) offsets(%dma_start3A_459 : memref<128xi32, #tpu.memory_space<vmem>>) semaphore(%arg11 : memref<!tpu.dma_semaphore, #tpu.memory_space<semaphore_mem>>)
      } else {
      }
      %run_scoped3A_391 = arith.constant 1 : i32
      %run_scoped3A_392 = arith.constant 9 : i32
      "tpu.region"() ({
        %run_scoped3A_393 = tpu.sem_alloc : memref<!tpu.dma_semaphore, #tpu.memory_space<semaphore_mem>>
        %dma_start3A_394 = arith.constant 0 : i32
        %dma_start3A_395 = arith.constant 0 : i32
        %dma_start3A_396 = tpu.memref_slice %arg9[%run_scoped3A_391, %dma_start3A_394, %dma_start3A_395] : memref<2x128x128xf32, #tpu.memory_space<vmem>> -> memref<1x128x128xf32, #tpu.memory_space<vmem>>
        %dma_start3A_397 = tpu.memref_squeeze %dma_start3A_396 : memref<1x128x128xf32, #tpu.memory_space<vmem>> -> memref<128x128xf32, #tpu.memory_space<vmem>>
        %dma_start3A_398 = arith.constant 0 : i32
        %dma_start3A_399 = arith.constant 0 : i32
        %dma_start3A_400 = tpu.memref_slice %arg8[%select_n3A_65, %dma_start3A_398, %dma_start3A_399] : memref<2x10x128xi32, #tpu.memory_space<vmem>> -> memref<1x10x128xi32, #tpu.memory_space<vmem>>
        %dma_start3A_401 = tpu.memref_squeeze %dma_start3A_400 : memref<1x10x128xi32, #tpu.memory_space<vmem>> -> memref<10x128xi32, #tpu.memory_space<vmem>>
        %dma_start3A_402 = arith.constant 0 : i32
        %dma_start3A_403 = tpu.memref_slice %dma_start3A_401[%run_scoped3A_392, %dma_start3A_402] : memref<10x128xi32, #tpu.memory_space<vmem>> -> memref<1x128xi32, #tpu.memory_space<vmem>>
        %dma_start3A_404 = tpu.memref_squeeze %dma_start3A_403 : memref<1x128xi32, #tpu.memory_space<vmem>> -> memref<128xi32, #tpu.memory_space<vmem>>
        %dma_start3A_405 = arith.constant 0 : i32
        %dma_start3A_406 = arith.constant 0 : i32
        %dma_start3A_407 = tpu.memref_slice %arg10[%dma_start3A_405, %dma_start3A_406] : memref<10008x128xf32, #tpu.memory_space<vmem_shared>> -> memref<10008x128xf32, #tpu.memory_space<vmem_shared>>
        tpu.enqueue_indirect_dma source(%dma_start3A_397 : memref<128x128xf32, #tpu.memory_space<vmem>>) target(%dma_start3A_407 : memref<10008x128xf32, #tpu.memory_space<vmem_shared>>) offsets(%dma_start3A_404 : memref<128xi32, #tpu.memory_space<vmem>>) semaphore(%run_scoped3A_393 : memref<!tpu.dma_semaphore, #tpu.memory_space<semaphore_mem>>) {add = true}
        %dma_wait3A_408 = arith.constant 0 : i32
        %dma_wait3A_409 = arith.constant 0 : i32
        %dma_wait3A_410 = tpu.memref_slice %arg9[%run_scoped3A_391, %dma_wait3A_408, %dma_wait3A_409] : memref<2x128x128xf32, #tpu.memory_space<vmem>> -> memref<1x128x128xf32, #tpu.memory_space<vmem>>
        %dma_wait3A_411 = tpu.memref_squeeze %dma_wait3A_410 : memref<1x128x128xf32, #tpu.memory_space<vmem>> -> memref<128x128xf32, #tpu.memory_space<vmem>>
        %dma_wait3A_412 = arith.constant 0 : i32
        %dma_wait3A_413 = arith.constant 0 : i32
        %dma_wait3A_414 = tpu.memref_slice %arg8[%select_n3A_65, %dma_wait3A_412, %dma_wait3A_413] : memref<2x10x128xi32, #tpu.memory_space<vmem>> -> memref<1x10x128xi32, #tpu.memory_space<vmem>>
        %dma_wait3A_415 = tpu.memref_squeeze %dma_wait3A_414 : memref<1x10x128xi32, #tpu.memory_space<vmem>> -> memref<10x128xi32, #tpu.memory_space<vmem>>
        %dma_wait3A_416 = arith.constant 0 : i32
        %dma_wait3A_417 = tpu.memref_slice %dma_wait3A_415[%run_scoped3A_392, %dma_wait3A_416] : memref<10x128xi32, #tpu.memory_space<vmem>> -> memref<1x128xi32, #tpu.memory_space<vmem>>
        %dma_wait3A_418 = tpu.memref_squeeze %dma_wait3A_417 : memref<1x128xi32, #tpu.memory_space<vmem>> -> memref<128xi32, #tpu.memory_space<vmem>>
        %dma_wait3A_419 = arith.constant 0 : i32
        %dma_wait3A_420 = arith.constant 0 : i32
        %dma_wait3A_421 = tpu.memref_slice %arg10[%dma_wait3A_419, %dma_wait3A_420] : memref<10008x128xf32, #tpu.memory_space<vmem_shared>> -> memref<10008x128xf32, #tpu.memory_space<vmem_shared>>
        tpu.wait_indirect_dma semaphore(%run_scoped3A_393 : memref<!tpu.dma_semaphore, #tpu.memory_space<semaphore_mem>>) src(%dma_wait3A_411 : memref<128x128xf32, #tpu.memory_space<vmem>>) dst(%dma_wait3A_421 : memref<10008x128xf32, #tpu.memory_space<vmem_shared>>)
        tpu.yield
      }) : () -> ()
    }
    %scan3A_37 = arith.constant 16 : i32
    %barrier3A_38 = arith.constant 0 : index
    tpu.barrier barrier_id(%barrier3A_38)
    %mul3A_39 = arith.constant 10000 : i32
    %mul3A_40 = arith.muli %arg0, %mul3A_39 : i32
    %mul3A_41 = arith.constant 624 : i32
    %mul3A_42 = arith.muli %arg1, %mul3A_41 : i32
    %add3A_43 = arith.constant 0 : i32
    %add3A_44 = arith.addi %add3A_43, %mul3A_42 : i32
    %multiple_of3A_45 = tpu.assume_multiple %add3A_44, 8 : i32
    %mul3A_46 = arith.constant 624 : i32
    %mul3A_47 = arith.muli %arg1, %mul3A_46 : i32
    %add3A_48 = arith.addi %mul3A_40, %mul3A_47 : i32
    %multiple_of3A_49 = tpu.assume_multiple %add3A_48, 8 : i32
    "tpu.region"() ({
      %run_scoped3A_55 = tpu.sem_alloc : memref<!tpu.dma_semaphore, #tpu.memory_space<semaphore_mem>>
      %dma_start3A_56 = arith.constant 0 : i32
      %dma_start3A_57 = tpu.memref_slice %arg6[%multiple_of3A_49, %dma_start3A_56] : memref<20000x128xf32, #tpu.memory_space<hbm>> -> memref<624x128xf32, #tpu.memory_space<hbm>>
      %dma_start3A_58 = arith.constant 0 : i32
      %dma_start3A_59 = tpu.memref_slice %arg10[%multiple_of3A_45, %dma_start3A_58] : memref<10008x128xf32, #tpu.memory_space<vmem_shared>> -> memref<624x128xf32, #tpu.memory_space<vmem_shared>>
      tpu.enqueue_dma source(%dma_start3A_59 : memref<624x128xf32, #tpu.memory_space<vmem_shared>>) target(%dma_start3A_57 : memref<624x128xf32, #tpu.memory_space<hbm>>) target_semaphore(%run_scoped3A_55 : memref<!tpu.dma_semaphore, #tpu.memory_space<semaphore_mem>>)
      %dma_wait3A = arith.constant 0 : i32
      %dma_wait3A_60 = tpu.memref_slice %arg6[%multiple_of3A_49, %dma_wait3A] : memref<20000x128xf32, #tpu.memory_space<hbm>> -> memref<624x128xf32, #tpu.memory_space<hbm>>
      %dma_wait3A_61 = arith.constant 0 : i32
      %dma_wait3A_62 = tpu.memref_slice %arg10[%multiple_of3A_45, %dma_wait3A_61] : memref<10008x128xf32, #tpu.memory_space<vmem_shared>> -> memref<624x128xf32, #tpu.memory_space<vmem_shared>>
      tpu.wait_dma2 semaphore(%run_scoped3A_55 : memref<!tpu.dma_semaphore, #tpu.memory_space<semaphore_mem>>) src(%dma_wait3A_62 : memref<624x128xf32, #tpu.memory_space<vmem_shared>>) dst(%dma_wait3A_60 : memref<624x128xf32, #tpu.memory_space<hbm>>)
      tpu.yield
    }) : () -> ()
    %eq3A_50 = arith.constant 15 : i32
    %eq3A_51 = arith.cmpi eq, %arg1, %eq3A_50 : i32
    %convert_element_type3A_52 = arith.extui %eq3A_51 : i1 to i32
    %cond3A_53 = arith.constant 0 : i32
    %cond3A_54 = arith.cmpi ne, %convert_element_type3A_52, %cond3A_53 : i32
    scf.if %cond3A_54 {
      %multiple_of3A_55 = arith.constant 9984 : i32
      %multiple_of3A_56 = tpu.assume_multiple %multiple_of3A_55, 8 : i32
      %add3A_57 = arith.constant 9984 : i32
      %add3A_58 = arith.addi %mul3A_40, %add3A_57 : i32
      %multiple_of3A_59 = tpu.assume_multiple %add3A_58, 8 : i32
      "tpu.region"() ({
        %run_scoped3A_60 = tpu.sem_alloc : memref<!tpu.dma_semaphore, #tpu.memory_space<semaphore_mem>>
        %dma_start3A_61 = arith.constant 0 : i32
        %dma_start3A_62 = tpu.memref_slice %arg6[%multiple_of3A_59, %dma_start3A_61] : memref<20000x128xf32, #tpu.memory_space<hbm>> -> memref<16x128xf32, #tpu.memory_space<hbm>>
        %dma_start3A_63 = arith.constant 0 : i32
        %dma_start3A_64 = tpu.memref_slice %arg10[%multiple_of3A_56, %dma_start3A_63] : memref<10008x128xf32, #tpu.memory_space<vmem_shared>> -> memref<16x128xf32, #tpu.memory_space<vmem_shared>>
        tpu.enqueue_dma source(%dma_start3A_64 : memref<16x128xf32, #tpu.memory_space<vmem_shared>>) target(%dma_start3A_62 : memref<16x128xf32, #tpu.memory_space<hbm>>) target_semaphore(%run_scoped3A_60 : memref<!tpu.dma_semaphore, #tpu.memory_space<semaphore_mem>>)
        %dma_wait3A = arith.constant 0 : i32
        %dma_wait3A_65 = tpu.memref_slice %arg6[%multiple_of3A_59, %dma_wait3A] : memref<20000x128xf32, #tpu.memory_space<hbm>> -> memref<16x128xf32, #tpu.memory_space<hbm>>
        %dma_wait3A_66 = arith.constant 0 : i32
        %dma_wait3A_67 = tpu.memref_slice %arg10[%multiple_of3A_56, %dma_wait3A_66] : memref<10008x128xf32, #tpu.memory_space<vmem_shared>> -> memref<16x128xf32, #tpu.memory_space<vmem_shared>>
        tpu.wait_dma2 semaphore(%run_scoped3A_60 : memref<!tpu.dma_semaphore, #tpu.memory_space<semaphore_mem>>) src(%dma_wait3A_67 : memref<16x128xf32, #tpu.memory_space<vmem_shared>>) dst(%dma_wait3A_65 : memref<16x128xf32, #tpu.memory_space<hbm>>)
        tpu.yield
      }) : () -> ()
    } else {
    }
    return
  }
}

module attributes {stable_mosaic.version = 14 : i64} {
  func.func @body(%arg0: i32, %arg1: memref<400x128xf32, #tpu.memory_space<vmem>>, %arg2: memref<128x256xf32, #tpu.memory_space<vmem>>, %arg3: memref<1x256xf32, #tpu.memory_space<vmem>>, %arg4: memref<256x256xf32, #tpu.memory_space<vmem>>, %arg5: memref<1x256xf32, #tpu.memory_space<vmem>>, %arg6: memref<400x256xf32, #tpu.memory_space<vmem>>) attributes {dimension_semantics = [#tpu.dimension_semantics<arbitrary>], iteration_bounds = array<i64: 25>, scalar_prefetch = 0 : i64, scratch_operands = 0 : i64, tpu.core_type = #tpu.core_type<tc>, window_params = [{transform_indices = @transform_0, window_bounds = array<i64: 400, 128>}, {pipeline_mode = #tpu.pipeline_mode<synchronous>, transform_indices = @transform_1, window_bounds = array<i64: 128, 256>}, {pipeline_mode = #tpu.pipeline_mode<synchronous>, transform_indices = @transform_2, window_bounds = array<i64: 1, 256>}, {pipeline_mode = #tpu.pipeline_mode<synchronous>, transform_indices = @transform_3, window_bounds = array<i64: 256, 256>}, {pipeline_mode = #tpu.pipeline_mode<synchronous>, transform_indices = @transform_4, window_bounds = array<i64: 1, 256>}, {transform_indices = @transform_5, window_bounds = array<i64: 400, 256>}]} {
    %get3A = arith.constant 0 : index
    %get3A_0 = arith.constant 0 : index
    %get3A_1 = vector.load %arg1[%get3A, %get3A_0] : memref<400x128xf32, #tpu.memory_space<vmem>>, vector<400x128xf32>
    %get3A_2 = arith.constant 0 : index
    %get3A_3 = arith.constant 0 : index
    %get3A_4 = vector.load %arg2[%get3A_2, %get3A_3] : memref<128x256xf32, #tpu.memory_space<vmem>>, vector<128x256xf32>
    %dot_general3A = arith.constant dense<0.000000e+00> : vector<400x256xf32>
    %dot_general3A_5 = tpu.matmul %get3A_1, %get3A_4, %dot_general3A {dimension_numbers = #tpu.dot_dimension_numbers<[1], [0], [0], [1], [0, 0, 1, 1], [], []>, transpose_lhs_hint = false} : vector<400x128xf32>, vector<128x256xf32>, vector<400x256xf32> -> vector<400x256xf32>
    %get3A_6 = arith.constant 0 : index
    %get3A_7 = arith.constant 0 : index
    %get3A_8 = vector.load %arg3[%get3A_6, %get3A_7] : memref<1x256xf32, #tpu.memory_space<vmem>>, vector<1x256xf32>
    %add3A = vector.broadcast %get3A_8 : vector<1x256xf32> to vector<400x256xf32>
    %add3A_9 = arith.addf %dot_general3A_5, %add3A : vector<400x256xf32>
    %max3A = arith.constant 0.000000e+00 : f32
    %max3A_10 = vector.broadcast %max3A : f32 to vector<400x256xf32>
    %max3A_11 = arith.maximumf %add3A_9, %max3A_10 : vector<400x256xf32>
    %get3A_12 = arith.constant 0 : index
    %get3A_13 = arith.constant 0 : index
    %get3A_14 = vector.load %arg4[%get3A_12, %get3A_13] : memref<256x256xf32, #tpu.memory_space<vmem>>, vector<256x256xf32>
    %dot_general3A_15 = arith.constant dense<0.000000e+00> : vector<400x256xf32>
    %dot_general3A_16 = tpu.matmul %max3A_11, %get3A_14, %dot_general3A_15 {dimension_numbers = #tpu.dot_dimension_numbers<[1], [0], [0], [1], [0, 0, 1, 1], [], []>, transpose_lhs_hint = false} : vector<400x256xf32>, vector<256x256xf32>, vector<400x256xf32> -> vector<400x256xf32>
    %get3A_17 = arith.constant 0 : index
    %get3A_18 = arith.constant 0 : index
    %get3A_19 = vector.load %arg5[%get3A_17, %get3A_18] : memref<1x256xf32, #tpu.memory_space<vmem>>, vector<1x256xf32>
    %add3A_20 = vector.broadcast %get3A_19 : vector<1x256xf32> to vector<400x256xf32>
    %add3A_21 = arith.addf %dot_general3A_16, %add3A_20 : vector<400x256xf32>
    %swap3A = arith.constant 0 : index
    %swap3A_22 = arith.constant 0 : index
    %swap3A_23 = vector.load %arg6[%swap3A, %swap3A_22] : memref<400x256xf32, #tpu.memory_space<vmem>>, vector<400x256xf32>
    tpu.vector_store %arg6[%swap3A, %swap3A_22], %add3A_21 {strides = array<i32>} : memref<400x256xf32, #tpu.memory_space<vmem>>, vector<400x256xf32>,
    return
  }
  func.func @transform_0(%arg0: i32) -> (i32, i32) {
    %c0_i32 = arith.constant 0 : i32
    %c0_i32_0 = arith.constant 0 : i32
    return %arg0, %c0_i32 : i32, i32
  }
  func.func @transform_1(%arg0: i32) -> (i32, i32) {
    %c0_i32 = arith.constant 0 : i32
    %c0_i32_0 = arith.constant 0 : i32
    %c0_i32_1 = arith.constant 0 : i32
    return %c0_i32, %c0_i32_0 : i32, i32
  }
  func.func @transform_2(%arg0: i32) -> (i32, i32) {
    %c0_i32 = arith.constant 0 : i32
    %c0_i32_0 = arith.constant 0 : i32
    %c0_i32_1 = arith.constant 0 : i32
    return %c0_i32, %c0_i32_0 : i32, i32
  }
  func.func @transform_3(%arg0: i32) -> (i32, i32) {
    %c0_i32 = arith.constant 0 : i32
    %c0_i32_0 = arith.constant 0 : i32
    %c0_i32_1 = arith.constant 0 : i32
    return %c0_i32, %c0_i32_0 : i32, i32
  }
  func.func @transform_4(%arg0: i32) -> (i32, i32) {
    %c0_i32 = arith.constant 0 : i32
    %c0_i32_0 = arith.constant 0 : i32
    %c0_i32_1 = arith.constant 0 : i32
    return %c0_i32, %c0_i32_0 : i32, i32
  }
  func.func @transform_5(%arg0: i32) -> (i32, i32) {
    %c0_i32 = arith.constant 0 : i32
    %c0_i32_0 = arith.constant 0 : i32
    return %arg0, %c0_i32 : i32, i32
  }
}

module attributes {stable_mosaic.version = 14 : i64} {
  func.func @body(%arg0: i32, %arg1: memref<400x128xf32, #tpu.memory_space<vmem>>, %arg2: memref<400x128xf32, #tpu.memory_space<vmem>>, %arg3: memref<400x128xf32, #tpu.memory_space<vmem>>, %arg4: memref<400x128xf32, #tpu.memory_space<vmem>>, %arg5: memref<400x1xf32, #tpu.memory_space<vmem>>, %arg6: memref<400x1xf32, #tpu.memory_space<vmem>>, %arg7: memref<1x256xf32, #tpu.memory_space<vmem>>, %arg8: memref<400x256xf32, #tpu.memory_space<vmem>>) attributes {dimension_semantics = [#tpu.dimension_semantics<arbitrary>], iteration_bounds = array<i64: 25>, scalar_prefetch = 0 : i64, scratch_operands = 0 : i64, tpu.core_type = #tpu.core_type<tc>, window_params = [{transform_indices = @transform_0, window_bounds = array<i64: 400, 128>}, {transform_indices = @transform_1, window_bounds = array<i64: 400, 128>}, {transform_indices = @transform_2, window_bounds = array<i64: 400, 128>}, {transform_indices = @transform_3, window_bounds = array<i64: 400, 128>}, {transform_indices = @transform_4, window_bounds = array<i64: 400, 1>}, {transform_indices = @transform_5, window_bounds = array<i64: 400, 1>}, {pipeline_mode = #tpu.pipeline_mode<synchronous>, transform_indices = @transform_6, window_bounds = array<i64: 1, 256>}, {transform_indices = @transform_7, window_bounds = array<i64: 400, 256>}]} {
    %get3A = arith.constant 0 : index
    %get3A_0 = arith.constant 0 : index
    %get3A_1 = vector.load %arg5[%get3A, %get3A_0] : memref<400x1xf32, #tpu.memory_space<vmem>>, vector<400x1xf32>
    %get3A_2 = arith.constant 0 : index
    %get3A_3 = arith.constant 0 : index
    %get3A_4 = vector.load %arg6[%get3A_2, %get3A_3] : memref<400x1xf32, #tpu.memory_space<vmem>>, vector<400x1xf32>
    %add3A = arith.addf %get3A_1, %get3A_4 : vector<400x1xf32>
    %add3A_5 = arith.constant 1.000000e+00 : f32
    %add3A_6 = vector.broadcast %add3A_5 : f32 to vector<400x1xf32>
    %add3A_7 = arith.addf %add3A, %add3A_6 : vector<400x1xf32>
    %rsqrt3A = math.rsqrt %add3A_7 : vector<400x1xf32>
    %get3A_8 = arith.constant 0 : index
    %get3A_9 = arith.constant 0 : index
    %get3A_10 = vector.load %arg1[%get3A_8, %get3A_9] : memref<400x128xf32, #tpu.memory_space<vmem>>, vector<400x128xf32>
    %get3A_11 = arith.constant 0 : index
    %get3A_12 = arith.constant 0 : index
    %get3A_13 = vector.load %arg3[%get3A_11, %get3A_12] : memref<400x128xf32, #tpu.memory_space<vmem>>, vector<400x128xf32>
    %add3A_14 = arith.addf %get3A_10, %get3A_13 : vector<400x128xf32>
    %mul3A = vector.broadcast %rsqrt3A : vector<400x1xf32> to vector<400x128xf32>
    %mul3A_15 = arith.mulf %mul3A, %add3A_14 : vector<400x128xf32>
    %get3A_16 = arith.constant 0 : index
    %get3A_17 = arith.constant 0 : index
    %get3A_18 = vector.load %arg7[%get3A_16, %get3A_17] : memref<1x256xf32, #tpu.memory_space<vmem>>, vector<1x128xf32>
    %add3A_19 = vector.broadcast %get3A_18 : vector<1x128xf32> to vector<400x128xf32>
    %add3A_20 = arith.addf %mul3A_15, %add3A_19 : vector<400x128xf32>
    %max3A = arith.constant 0.000000e+00 : f32
    %max3A_21 = vector.broadcast %max3A : f32 to vector<400x128xf32>
    %max3A_22 = arith.maximumf %add3A_20, %max3A_21 : vector<400x128xf32>
    %swap3A = arith.constant 0 : index
    %swap3A_23 = arith.constant 0 : index
    %swap3A_24 = vector.load %arg8[%swap3A, %swap3A_23] : memref<400x256xf32, #tpu.memory_space<vmem>>, vector<400x128xf32>
    tpu.vector_store %arg8[%swap3A, %swap3A_23], %max3A_22 {strides = array<i32>} : memref<400x256xf32, #tpu.memory_space<vmem>>, vector<400x128xf32>,
    %get3A_25 = arith.constant 0 : index
    %get3A_26 = arith.constant 0 : index
    %get3A_27 = vector.load %arg2[%get3A_25, %get3A_26] : memref<400x128xf32, #tpu.memory_space<vmem>>, vector<400x128xf32>
    %get3A_28 = arith.constant 0 : index
    %get3A_29 = arith.constant 0 : index
    %get3A_30 = vector.load %arg4[%get3A_28, %get3A_29] : memref<400x128xf32, #tpu.memory_space<vmem>>, vector<400x128xf32>
    %add3A_31 = arith.addf %get3A_27, %get3A_30 : vector<400x128xf32>
    %mul3A_32 = vector.broadcast %rsqrt3A : vector<400x1xf32> to vector<400x128xf32>
    %mul3A_33 = arith.mulf %mul3A_32, %add3A_31 : vector<400x128xf32>
    %get3A_34 = arith.constant 0 : index
    %get3A_35 = arith.constant 128 : index
    %get3A_36 = vector.load %arg7[%get3A_34, %get3A_35] : memref<1x256xf32, #tpu.memory_space<vmem>>, vector<1x128xf32>
    %add3A_37 = vector.broadcast %get3A_36 : vector<1x128xf32> to vector<400x128xf32>
    %add3A_38 = arith.addf %mul3A_33, %add3A_37 : vector<400x128xf32>
    %max3A_39 = arith.constant 0.000000e+00 : f32
    %max3A_40 = vector.broadcast %max3A_39 : f32 to vector<400x128xf32>
    %max3A_41 = arith.maximumf %add3A_38, %max3A_40 : vector<400x128xf32>
    %swap3A_42 = arith.constant 0 : index
    %swap3A_43 = arith.constant 128 : index
    %swap3A_44 = vector.load %arg8[%swap3A_42, %swap3A_43] : memref<400x256xf32, #tpu.memory_space<vmem>>, vector<400x128xf32>
    tpu.vector_store %arg8[%swap3A_42, %swap3A_43], %max3A_41 {strides = array<i32>} : memref<400x256xf32, #tpu.memory_space<vmem>>, vector<400x128xf32>,
    return
  }
  func.func @transform_0(%arg0: i32) -> (i32, i32) {
    %c0_i32 = arith.constant 0 : i32
    %c0_i32_0 = arith.constant 0 : i32
    return %arg0, %c0_i32 : i32, i32
  }
  func.func @transform_1(%arg0: i32) -> (i32, i32) {
    %add3A = arith.constant 25 : i32
    %add3A_0 = arith.addi %add3A, %arg0 : i32
    %c0_i32 = arith.constant 0 : i32
    %c0_i32_1 = arith.constant 0 : i32
    return %add3A_0, %c0_i32 : i32, i32
  }
  func.func @transform_2(%arg0: i32) -> (i32, i32) {
    %c0_i32 = arith.constant 0 : i32
    %c0_i32_0 = arith.constant 0 : i32
    return %arg0, %c0_i32 : i32, i32
  }
  func.func @transform_3(%arg0: i32) -> (i32, i32) {
    %add3A = arith.constant 25 : i32
    %add3A_0 = arith.addi %add3A, %arg0 : i32
    %c0_i32 = arith.constant 0 : i32
    %c0_i32_1 = arith.constant 0 : i32
    return %add3A_0, %c0_i32 : i32, i32
  }
  func.func @transform_4(%arg0: i32) -> (i32, i32) {
    %c0_i32 = arith.constant 0 : i32
    %c0_i32_0 = arith.constant 0 : i32
    return %arg0, %c0_i32 : i32, i32
  }
  func.func @transform_5(%arg0: i32) -> (i32, i32) {
    %add3A = arith.constant 25 : i32
    %add3A_0 = arith.addi %add3A, %arg0 : i32
    %c0_i32 = arith.constant 0 : i32
    %c0_i32_1 = arith.constant 0 : i32
    return %add3A_0, %c0_i32 : i32, i32
  }
  func.func @transform_6(%arg0: i32) -> (i32, i32) {
    %c0_i32 = arith.constant 0 : i32
    %c0_i32_0 = arith.constant 0 : i32
    %c0_i32_1 = arith.constant 0 : i32
    return %c0_i32, %c0_i32_0 : i32, i32
  }
  func.func @transform_7(%arg0: i32) -> (i32, i32) {
    %c0_i32 = arith.constant 0 : i32
    %c0_i32_0 = arith.constant 0 : i32
    return %arg0, %c0_i32 : i32, i32
  }
}

module attributes {stable_mosaic.version = 14 : i64} {
  func.func @body(%arg0: i32, %arg1: memref<2xi32, #tpu.memory_space<smem>>, %arg2: memref<8x256xf32, #tpu.memory_space<vmem>>, %arg3: memref<8x256xf32, #tpu.memory_space<vmem>>, %arg4: memref<1x16xf32, #tpu.memory_space<vmem>>, %arg5: memref<512x256xf32, #tpu.memory_space<vmem>>, %arg6: memref<1x256xf32, #tpu.memory_space<vmem>>, %arg7: memref<256x128xf32, #tpu.memory_space<vmem>>, %arg8: memref<1x128xf32, #tpu.memory_space<vmem>>, %arg9: memref<144x256xf32, #tpu.memory_space<vmem>>, %arg10: memref<1x256xf32, #tpu.memory_space<vmem>>, %arg11: memref<256x128xf32, #tpu.memory_space<vmem>>, %arg12: memref<1x128xf32, #tpu.memory_space<vmem>>, %arg13: memref<128x256xf32, #tpu.memory_space<vmem>>, %arg14: memref<1x256xf32, #tpu.memory_space<vmem>>, %arg15: memref<256x1xf32, #tpu.memory_space<vmem>>, %arg16: memref<1x1xf32, #tpu.memory_space<vmem>>, %arg17: memref<1x128xf32, #tpu.memory_space<vmem>>, %arg18: memref<1x1xf32, #tpu.memory_space<vmem>>) attributes {dimension_semantics = [#tpu.dimension_semantics<arbitrary>], iteration_bounds = array<i64: 1>, scalar_prefetch = 1 : i64, scratch_operands = 0 : i64, tpu.core_type = #tpu.core_type<tc>, window_params = [{transform_indices = @transform_0, window_bounds = array<i64: 8, 256>}, {transform_indices = @transform_1, window_bounds = array<i64: 8, 256>}, {pipeline_mode = #tpu.pipeline_mode<synchronous>, transform_indices = @transform_2, window_bounds = array<i64: 1, 16>}, {pipeline_mode = #tpu.pipeline_mode<synchronous>, transform_indices = @transform_3, window_bounds = array<i64: 512, 256>}, {pipeline_mode = #tpu.pipeline_mode<synchronous>, transform_indices = @transform_4, window_bounds = array<i64: 1, 256>}, {pipeline_mode = #tpu.pipeline_mode<synchronous>, transform_indices = @transform_5, window_bounds = array<i64: 256, 128>}, {pipeline_mode = #tpu.pipeline_mode<synchronous>, transform_indices = @transform_6, window_bounds = array<i64: 1, 128>}, {pipeline_mode = #tpu.pipeline_mode<synchronous>, transform_indices = @transform_7, window_bounds = array<i64: 144, 256>}, {pipeline_mode = #tpu.pipeline_mode<synchronous>, transform_indices = @transform_8, window_bounds = array<i64: 1, 256>}, {pipeline_mode = #tpu.pipeline_mode<synchronous>, transform_indices = @transform_9, window_bounds = array<i64: 256, 128>}, {pipeline_mode = #tpu.pipeline_mode<synchronous>, transform_indices = @transform_10, window_bounds = array<i64: 1, 128>}, {pipeline_mode = #tpu.pipeline_mode<synchronous>, transform_indices = @transform_11, window_bounds = array<i64: 128, 256>}, {pipeline_mode = #tpu.pipeline_mode<synchronous>, transform_indices = @transform_12, window_bounds = array<i64: 1, 256>}, {pipeline_mode = #tpu.pipeline_mode<synchronous>, transform_indices = @transform_13, window_bounds = array<i64: 256, 1>}, {pipeline_mode = #tpu.pipeline_mode<synchronous>, transform_indices = @transform_14, window_bounds = array<i64: 1, 1>}, {pipeline_mode = #tpu.pipeline_mode<synchronous>, transform_indices = @transform_15, window_bounds = array<i64: 1, 128>}, {pipeline_mode = #tpu.pipeline_mode<synchronous>, transform_indices = @transform_16, window_bounds = array<i64: 1, 1>}]} {
    %get3A = arith.constant 0 : index
    %get3A_0 = memref.load %arg1[%get3A] : memref<2xi32, #tpu.memory_space<smem>>
    %jit3A = arith.constant 8 : i32
    %eq3A = arith.constant 0 : i32
    %eq3A_1 = arith.cmpi eq, %jit3A, %eq3A : i32
    %jit3A_2 = arith.constant 1 : i32
    %select_n3A = arith.select %eq3A_1, %jit3A_2, %jit3A : i32
    %rem3A = arith.remsi %get3A_0, %select_n3A : i32
    %ne3A = arith.constant 0 : i32
    %ne3A_3 = arith.cmpi ne, %rem3A, %ne3A : i32
    %lt3A = arith.constant 0 : i32
    %lt3A_4 = arith.cmpi slt, %rem3A, %lt3A : i32
    %lt3A_5 = arith.constant 0 : i32
    %lt3A_6 = arith.cmpi slt, %select_n3A, %lt3A_5 : i32
    %ne3A_7 = arith.xori %lt3A_4, %lt3A_6 : i1
    %and3A = arith.andi %ne3A_7, %ne3A_3 : i1
    %add3A = arith.addi %rem3A, %select_n3A : i32
    %select_n3A_8 = arith.select %and3A, %add3A, %rem3A : i32
    %get3A_9 = arith.constant 1 : index
    %get3A_10 = memref.load %arg1[%get3A_9] : memref<2xi32, #tpu.memory_space<smem>>
    %jit3A_11 = arith.constant 8 : i32
    %eq3A_12 = arith.constant 0 : i32
    %eq3A_13 = arith.cmpi eq, %jit3A_11, %eq3A_12 : i32
    %jit3A_14 = arith.constant 1 : i32
    %select_n3A_15 = arith.select %eq3A_13, %jit3A_14, %jit3A_11 : i32
    %rem3A_16 = arith.remsi %get3A_10, %select_n3A_15 : i32
    %ne3A_17 = arith.constant 0 : i32
    %ne3A_18 = arith.cmpi ne, %rem3A_16, %ne3A_17 : i32
    %lt3A_19 = arith.constant 0 : i32
    %lt3A_20 = arith.cmpi slt, %rem3A_16, %lt3A_19 : i32
    %lt3A_21 = arith.constant 0 : i32
    %lt3A_22 = arith.cmpi slt, %select_n3A_15, %lt3A_21 : i32
    %ne3A_23 = arith.xori %lt3A_20, %lt3A_22 : i1
    %and3A_24 = arith.andi %ne3A_23, %ne3A_18 : i1
    %add3A_25 = arith.addi %rem3A_16, %select_n3A_15 : i32
    %select_n3A_26 = arith.select %and3A_24, %add3A_25, %rem3A_16 : i32
    %get3A_27 = arith.index_cast %select_n3A_8 : i32 to index
    %get3A_28 = arith.constant 0 : index
    %get3A_29 = vector.load %arg2[%get3A_27, %get3A_28] : memref<8x256xf32, #tpu.memory_space<vmem>>, vector<1x256xf32>
    %get3A_30 = arith.index_cast %select_n3A_26 : i32 to index
    %get3A_31 = arith.constant 0 : index
    %get3A_32 = vector.load %arg3[%get3A_30, %get3A_31] : memref<8x256xf32, #tpu.memory_space<vmem>>, vector<1x256xf32>
    %get3A_33 = arith.constant 0 : index
    %get3A_34 = arith.constant 0 : index
    %get3A_35 = vector.load %arg5[%get3A_33, %get3A_34] : memref<512x256xf32, #tpu.memory_space<vmem>>, vector<256x256xf32>
    %dot_general3A = arith.constant dense<0.000000e+00> : vector<1x256xf32>
    %dot_general3A_36 = tpu.matmul %get3A_29, %get3A_35, %dot_general3A {dimension_numbers = #tpu.dot_dimension_numbers<[1], [0], [0], [1], [0, 0, 1, 1], [], []>, transpose_lhs_hint = false} : vector<1x256xf32>, vector<256x256xf32>, vector<1x256xf32> -> vector<1x256xf32>
    %get3A_37 = arith.constant 256 : index
    %get3A_38 = arith.constant 0 : index
    %get3A_39 = vector.load %arg5[%get3A_37, %get3A_38] : memref<512x256xf32, #tpu.memory_space<vmem>>, vector<256x256xf32>
    %dot_general3A_40 = arith.constant dense<0.000000e+00> : vector<1x256xf32>
    %dot_general3A_41 = tpu.matmul %get3A_32, %get3A_39, %dot_general3A_40 {dimension_numbers = #tpu.dot_dimension_numbers<[1], [0], [0], [1], [0, 0, 1, 1], [], []>, transpose_lhs_hint = false} : vector<1x256xf32>, vector<256x256xf32>, vector<1x256xf32> -> vector<1x256xf32>
    %add3A_42 = arith.addf %dot_general3A_36, %dot_general3A_41 : vector<1x256xf32>
    %get3A_43 = arith.constant 0 : index
    %get3A_44 = arith.constant 0 : index
    %get3A_45 = vector.load %arg6[%get3A_43, %get3A_44] : memref<1x256xf32, #tpu.memory_space<vmem>>, vector<1x256xf32>
    %add3A_46 = arith.addf %add3A_42, %get3A_45 : vector<1x256xf32>
    %max3A = arith.constant 0.000000e+00 : f32
    %max3A_47 = vector.broadcast %max3A : f32 to vector<1x256xf32>
    %max3A_48 = arith.maximumf %add3A_46, %max3A_47 : vector<1x256xf32>
    %get3A_49 = arith.constant 0 : index
    %get3A_50 = arith.constant 0 : index
    %get3A_51 = vector.load %arg7[%get3A_49, %get3A_50] : memref<256x128xf32, #tpu.memory_space<vmem>>, vector<256x128xf32>
    %dot_general3A_52 = arith.constant dense<0.000000e+00> : vector<1x128xf32>
    %dot_general3A_53 = tpu.matmul %max3A_48, %get3A_51, %dot_general3A_52 {dimension_numbers = #tpu.dot_dimension_numbers<[1], [0], [0], [1], [0, 0, 1, 1], [], []>, transpose_lhs_hint = false} : vector<1x256xf32>, vector<256x128xf32>, vector<1x128xf32> -> vector<1x128xf32>
    %get3A_54 = arith.constant 0 : index
    %get3A_55 = arith.constant 0 : index
    %get3A_56 = vector.load %arg8[%get3A_54, %get3A_55] : memref<1x128xf32, #tpu.memory_space<vmem>>, vector<1x128xf32>
    %add3A_57 = arith.addf %dot_general3A_53, %get3A_56 : vector<1x128xf32>
    %get3A_58 = arith.constant 0 : index
    %get3A_59 = arith.constant 0 : index
    %get3A_60 = vector.load %arg9[%get3A_58, %get3A_59] : memref<144x256xf32, #tpu.memory_space<vmem>>, vector<128x256xf32>
    %dot_general3A_61 = arith.constant dense<0.000000e+00> : vector<1x256xf32>
    %dot_general3A_62 = tpu.matmul %add3A_57, %get3A_60, %dot_general3A_61 {dimension_numbers = #tpu.dot_dimension_numbers<[1], [0], [0], [1], [0, 0, 1, 1], [], []>, transpose_lhs_hint = false} : vector<1x128xf32>, vector<128x256xf32>, vector<1x256xf32> -> vector<1x256xf32>
    %get3A_63 = arith.constant 0 : index
    %get3A_64 = arith.constant 0 : index
    %get3A_65 = vector.load %arg4[%get3A_63, %get3A_64] : memref<1x16xf32, #tpu.memory_space<vmem>>, vector<1x16xf32>
    %get3A_66 = arith.constant 128 : index
    %get3A_67 = arith.constant 0 : index
    %get3A_68 = vector.load %arg9[%get3A_66, %get3A_67] : memref<144x256xf32, #tpu.memory_space<vmem>>, vector<16x256xf32>
    %dot_general3A_69 = arith.constant dense<0.000000e+00> : vector<1x256xf32>
    %dot_general3A_70 = tpu.matmul %get3A_65, %get3A_68, %dot_general3A_69 {dimension_numbers = #tpu.dot_dimension_numbers<[1], [0], [0], [1], [0, 0, 1, 1], [], []>, transpose_lhs_hint = false} : vector<1x16xf32>, vector<16x256xf32>, vector<1x256xf32> -> vector<1x256xf32>
    %add3A_71 = arith.addf %dot_general3A_62, %dot_general3A_70 : vector<1x256xf32>
    %get3A_72 = arith.constant 0 : index
    %get3A_73 = arith.constant 0 : index
    %get3A_74 = vector.load %arg10[%get3A_72, %get3A_73] : memref<1x256xf32, #tpu.memory_space<vmem>>, vector<1x256xf32>
    %add3A_75 = arith.addf %add3A_71, %get3A_74 : vector<1x256xf32>
    %max3A_76 = arith.constant 0.000000e+00 : f32
    %max3A_77 = vector.broadcast %max3A_76 : f32 to vector<1x256xf32>
    %max3A_78 = arith.maximumf %add3A_75, %max3A_77 : vector<1x256xf32>
    %get3A_79 = arith.constant 0 : index
    %get3A_80 = arith.constant 0 : index
    %get3A_81 = vector.load %arg11[%get3A_79, %get3A_80] : memref<256x128xf32, #tpu.memory_space<vmem>>, vector<256x128xf32>
    %dot_general3A_82 = arith.constant dense<0.000000e+00> : vector<1x128xf32>
    %dot_general3A_83 = tpu.matmul %max3A_78, %get3A_81, %dot_general3A_82 {dimension_numbers = #tpu.dot_dimension_numbers<[1], [0], [0], [1], [0, 0, 1, 1], [], []>, transpose_lhs_hint = false} : vector<1x256xf32>, vector<256x128xf32>, vector<1x128xf32> -> vector<1x128xf32>
    %get3A_84 = arith.constant 0 : index
    %get3A_85 = arith.constant 0 : index
    %get3A_86 = vector.load %arg12[%get3A_84, %get3A_85] : memref<1x128xf32, #tpu.memory_space<vmem>>, vector<1x128xf32>
    %add3A_87 = arith.addf %dot_general3A_83, %get3A_86 : vector<1x128xf32>
    %swap3A = arith.constant 0 : index
    %swap3A_88 = arith.constant 0 : index
    %swap3A_89 = vector.load %arg17[%swap3A, %swap3A_88] : memref<1x128xf32, #tpu.memory_space<vmem>>, vector<1x128xf32>
    tpu.vector_store %arg17[%swap3A, %swap3A_88], %add3A_87 {strides = array<i32>} : memref<1x128xf32, #tpu.memory_space<vmem>>, vector<1x128xf32>,
    %get3A_90 = arith.constant 0 : index
    %get3A_91 = arith.constant 0 : index
    %get3A_92 = vector.load %arg13[%get3A_90, %get3A_91] : memref<128x256xf32, #tpu.memory_space<vmem>>, vector<128x256xf32>
    %dot_general3A_93 = arith.constant dense<0.000000e+00> : vector<1x256xf32>
    %dot_general3A_94 = tpu.matmul %add3A_87, %get3A_92, %dot_general3A_93 {dimension_numbers = #tpu.dot_dimension_numbers<[1], [0], [0], [1], [0, 0, 1, 1], [], []>, transpose_lhs_hint = false} : vector<1x128xf32>, vector<128x256xf32>, vector<1x256xf32> -> vector<1x256xf32>
    %get3A_95 = arith.constant 0 : index
    %get3A_96 = arith.constant 0 : index
    %get3A_97 = vector.load %arg14[%get3A_95, %get3A_96] : memref<1x256xf32, #tpu.memory_space<vmem>>, vector<1x256xf32>
    %add3A_98 = arith.addf %dot_general3A_94, %get3A_97 : vector<1x256xf32>
    %max3A_99 = arith.constant 0.000000e+00 : f32
    %max3A_100 = vector.broadcast %max3A_99 : f32 to vector<1x256xf32>
    %max3A_101 = arith.maximumf %add3A_98, %max3A_100 : vector<1x256xf32>
    %get3A_102 = arith.constant 0 : index
    %get3A_103 = arith.constant 0 : index
    %get3A_104 = vector.load %arg15[%get3A_102, %get3A_103] : memref<256x1xf32, #tpu.memory_space<vmem>>, vector<256x1xf32>
    %dot_general3A_105 = arith.constant dense<0.000000e+00> : vector<1x1xf32>
    %dot_general3A_106 = tpu.matmul %max3A_101, %get3A_104, %dot_general3A_105 {dimension_numbers = #tpu.dot_dimension_numbers<[1], [0], [0], [1], [0, 0, 1, 1], [], []>, transpose_lhs_hint = false} : vector<1x256xf32>, vector<256x1xf32>, vector<1x1xf32> -> vector<1x1xf32>
    %get3A_107 = arith.constant 0 : index
    %get3A_108 = arith.constant 0 : index
    %get3A_109 = vector.load %arg16[%get3A_107, %get3A_108] : memref<1x1xf32, #tpu.memory_space<vmem>>, vector<1x1xf32>
    %add3A_110 = arith.addf %dot_general3A_106, %get3A_109 : vector<1x1xf32>
    %neg3A = arith.constant 0.000000e+00 : f32
    %neg3A_111 = vector.broadcast %neg3A : f32 to vector<1x1xf32>
    %neg3A_112 = arith.subf %neg3A_111, %add3A_110 : vector<1x1xf32>
    %exp3A = math.exp %neg3A_112 : vector<1x1xf32>
    %add3A_113 = arith.constant 1.000000e+00 : f32
    %add3A_114 = vector.broadcast %add3A_113 : f32 to vector<1x1xf32>
    %add3A_115 = arith.addf %add3A_114, %exp3A : vector<1x1xf32>
    %div3A = arith.constant 1.000000e+00 : f32
    %div3A_116 = vector.broadcast %div3A : f32 to vector<1x1xf32>
    %div3A_117 = arith.divf %div3A_116, %add3A_115 : vector<1x1xf32>
    %swap3A_118 = arith.constant 0 : index
    %swap3A_119 = arith.constant 0 : index
    %swap3A_120 = vector.load %arg18[%swap3A_118, %swap3A_119] : memref<1x1xf32, #tpu.memory_space<vmem>>, vector<1x1xf32>
    tpu.vector_store %arg18[%swap3A_118, %swap3A_119], %div3A_117 {strides = array<i32>} : memref<1x1xf32, #tpu.memory_space<vmem>>, vector<1x1xf32>,
    return
  }
  func.func @transform_0(%arg0: i32, %arg1: memref<2xi32, #tpu.memory_space<smem>>) -> (i32, i32) {
    %get3A = arith.constant 0 : index
    %get3A_0 = memref.load %arg1[%get3A] : memref<2xi32, #tpu.memory_space<smem>>
    %jit3A = arith.constant 8 : i32
    %div3A = arith.divsi %get3A_0, %jit3A : i32
    %sign3A = arith.constant 0 : i32
    %sign3A_1 = arith.cmpi sgt, %get3A_0, %sign3A : i32
    %sign3A_2 = arith.extui %sign3A_1 : i1 to i32
    %sign3A_3 = arith.constant 0 : i32
    %sign3A_4 = arith.cmpi slt, %get3A_0, %sign3A_3 : i32
    %sign3A_5 = arith.extui %sign3A_4 : i1 to i32
    %sign3A_6 = arith.subi %sign3A_2, %sign3A_5 : i32
    %sign3A_7 = arith.constant 0 : i32
    %sign3A_8 = arith.cmpi sgt, %jit3A, %sign3A_7 : i32
    %sign3A_9 = arith.extui %sign3A_8 : i1 to i32
    %sign3A_10 = arith.constant 0 : i32
    %sign3A_11 = arith.cmpi slt, %jit3A, %sign3A_10 : i32
    %sign3A_12 = arith.extui %sign3A_11 : i1 to i32
    %sign3A_13 = arith.subi %sign3A_9, %sign3A_12 : i32
    %ne3A = arith.cmpi ne, %sign3A_6, %sign3A_13 : i32
    %rem3A = arith.remsi %get3A_0, %jit3A : i32
    %ne3A_14 = arith.constant 0 : i32
    %ne3A_15 = arith.cmpi ne, %rem3A, %ne3A_14 : i32
    %and3A = arith.andi %ne3A, %ne3A_15 : i1
    %sub3A = arith.constant 1 : i32
    %sub3A_16 = arith.subi %div3A, %sub3A : i32
    %select_n3A = arith.select %and3A, %sub3A_16, %div3A : i32
    %c0_i32 = arith.constant 0 : i32
    %c0_i32_17 = arith.constant 0 : i32
    return %select_n3A, %c0_i32 : i32, i32
  }
  func.func @transform_1(%arg0: i32, %arg1: memref<2xi32, #tpu.memory_space<smem>>) -> (i32, i32) {
    %get3A = arith.constant 1 : index
    %get3A_0 = memref.load %arg1[%get3A] : memref<2xi32, #tpu.memory_space<smem>>
    %jit3A = arith.constant 8 : i32
    %div3A = arith.divsi %get3A_0, %jit3A : i32
    %sign3A = arith.constant 0 : i32
    %sign3A_1 = arith.cmpi sgt, %get3A_0, %sign3A : i32
    %sign3A_2 = arith.extui %sign3A_1 : i1 to i32
    %sign3A_3 = arith.constant 0 : i32
    %sign3A_4 = arith.cmpi slt, %get3A_0, %sign3A_3 : i32
    %sign3A_5 = arith.extui %sign3A_4 : i1 to i32
    %sign3A_6 = arith.subi %sign3A_2, %sign3A_5 : i32
    %sign3A_7 = arith.constant 0 : i32
    %sign3A_8 = arith.cmpi sgt, %jit3A, %sign3A_7 : i32
    %sign3A_9 = arith.extui %sign3A_8 : i1 to i32
    %sign3A_10 = arith.constant 0 : i32
    %sign3A_11 = arith.cmpi slt, %jit3A, %sign3A_10 : i32
    %sign3A_12 = arith.extui %sign3A_11 : i1 to i32
    %sign3A_13 = arith.subi %sign3A_9, %sign3A_12 : i32
    %ne3A = arith.cmpi ne, %sign3A_6, %sign3A_13 : i32
    %rem3A = arith.remsi %get3A_0, %jit3A : i32
    %ne3A_14 = arith.constant 0 : i32
    %ne3A_15 = arith.cmpi ne, %rem3A, %ne3A_14 : i32
    %and3A = arith.andi %ne3A, %ne3A_15 : i1
    %sub3A = arith.constant 1 : i32
    %sub3A_16 = arith.subi %div3A, %sub3A : i32
    %select_n3A = arith.select %and3A, %sub3A_16, %div3A : i32
    %c0_i32 = arith.constant 0 : i32
    %c0_i32_17 = arith.constant 0 : i32
    return %select_n3A, %c0_i32 : i32, i32
  }
  func.func @transform_2(%arg0: i32, %arg1: memref<2xi32, #tpu.memory_space<smem>>) -> (i32, i32) {
    %c0_i32 = arith.constant 0 : i32
    %c0_i32_0 = arith.constant 0 : i32
    %c0_i32_1 = arith.constant 0 : i32
    return %c0_i32, %c0_i32_0 : i32, i32
  }
  func.func @transform_3(%arg0: i32, %arg1: memref<2xi32, #tpu.memory_space<smem>>) -> (i32, i32) {
    %c0_i32 = arith.constant 0 : i32
    %c0_i32_0 = arith.constant 0 : i32
    %c0_i32_1 = arith.constant 0 : i32
    return %c0_i32, %c0_i32_0 : i32, i32
  }
  func.func @transform_4(%arg0: i32, %arg1: memref<2xi32, #tpu.memory_space<smem>>) -> (i32, i32) {
    %c0_i32 = arith.constant 0 : i32
    %c0_i32_0 = arith.constant 0 : i32
    %c0_i32_1 = arith.constant 0 : i32
    return %c0_i32, %c0_i32_0 : i32, i32
  }
  func.func @transform_5(%arg0: i32, %arg1: memref<2xi32, #tpu.memory_space<smem>>) -> (i32, i32) {
    %c0_i32 = arith.constant 0 : i32
    %c0_i32_0 = arith.constant 0 : i32
    %c0_i32_1 = arith.constant 0 : i32
    return %c0_i32, %c0_i32_0 : i32, i32
  }
  func.func @transform_6(%arg0: i32, %arg1: memref<2xi32, #tpu.memory_space<smem>>) -> (i32, i32) {
    %c0_i32 = arith.constant 0 : i32
    %c0_i32_0 = arith.constant 0 : i32
    %c0_i32_1 = arith.constant 0 : i32
    return %c0_i32, %c0_i32_0 : i32, i32
  }
  func.func @transform_7(%arg0: i32, %arg1: memref<2xi32, #tpu.memory_space<smem>>) -> (i32, i32) {
    %c0_i32 = arith.constant 0 : i32
    %c0_i32_0 = arith.constant 0 : i32
    %c0_i32_1 = arith.constant 0 : i32
    return %c0_i32, %c0_i32_0 : i32, i32
  }
  func.func @transform_8(%arg0: i32, %arg1: memref<2xi32, #tpu.memory_space<smem>>) -> (i32, i32) {
    %c0_i32 = arith.constant 0 : i32
    %c0_i32_0 = arith.constant 0 : i32
    %c0_i32_1 = arith.constant 0 : i32
    return %c0_i32, %c0_i32_0 : i32, i32
  }
  func.func @transform_9(%arg0: i32, %arg1: memref<2xi32, #tpu.memory_space<smem>>) -> (i32, i32) {
    %c0_i32 = arith.constant 0 : i32
    %c0_i32_0 = arith.constant 0 : i32
    %c0_i32_1 = arith.constant 0 : i32
    return %c0_i32, %c0_i32_0 : i32, i32
  }
  func.func @transform_10(%arg0: i32, %arg1: memref<2xi32, #tpu.memory_space<smem>>) -> (i32, i32) {
    %c0_i32 = arith.constant 0 : i32
    %c0_i32_0 = arith.constant 0 : i32
    %c0_i32_1 = arith.constant 0 : i32
    return %c0_i32, %c0_i32_0 : i32, i32
  }
  func.func @transform_11(%arg0: i32, %arg1: memref<2xi32, #tpu.memory_space<smem>>) -> (i32, i32) {
    %c0_i32 = arith.constant 0 : i32
    %c0_i32_0 = arith.constant 0 : i32
    %c0_i32_1 = arith.constant 0 : i32
    return %c0_i32, %c0_i32_0 : i32, i32
  }
  func.func @transform_12(%arg0: i32, %arg1: memref<2xi32, #tpu.memory_space<smem>>) -> (i32, i32) {
    %c0_i32 = arith.constant 0 : i32
    %c0_i32_0 = arith.constant 0 : i32
    %c0_i32_1 = arith.constant 0 : i32
    return %c0_i32, %c0_i32_0 : i32, i32
  }
  func.func @transform_13(%arg0: i32, %arg1: memref<2xi32, #tpu.memory_space<smem>>) -> (i32, i32) {
    %c0_i32 = arith.constant 0 : i32
    %c0_i32_0 = arith.constant 0 : i32
    %c0_i32_1 = arith.constant 0 : i32
    return %c0_i32, %c0_i32_0 : i32, i32
  }
  func.func @transform_14(%arg0: i32, %arg1: memref<2xi32, #tpu.memory_space<smem>>) -> (i32, i32) {
    %c0_i32 = arith.constant 0 : i32
    %c0_i32_0 = arith.constant 0 : i32
    %c0_i32_1 = arith.constant 0 : i32
    return %c0_i32, %c0_i32_0 : i32, i32
  }
  func.func @transform_15(%arg0: i32, %arg1: memref<2xi32, #tpu.memory_space<smem>>) -> (i32, i32) {
    %c0_i32 = arith.constant 0 : i32
    %c0_i32_0 = arith.constant 0 : i32
    %c0_i32_1 = arith.constant 0 : i32
    return %c0_i32, %c0_i32_0 : i32, i32
  }
  func.func @transform_16(%arg0: i32, %arg1: memref<2xi32, #tpu.memory_space<smem>>) -> (i32, i32) {
    %c0_i32 = arith.constant 0 : i32
    %c0_i32_0 = arith.constant 0 : i32
    %c0_i32_1 = arith.constant 0 : i32
    return %c0_i32, %c0_i32_0 : i32, i32
  }
}

module attributes {stable_mosaic.version = 14 : i64} {
  func.func @body(%arg0: i32, %arg1: memref<400x256xf32, #tpu.memory_space<vmem>>, %arg2: memref<256x256xf32, #tpu.memory_space<vmem>>, %arg3: memref<400x1xf32, #tpu.memory_space<vmem>>, %arg4: memref<400x1xf32, #tpu.memory_space<vmem>>, %arg5: memref<2x400x128xf32, #tpu.memory_space<vmem>>) attributes {dimension_semantics = [#tpu.dimension_semantics<arbitrary>], iteration_bounds = array<i64: 25>, scalar_prefetch = 0 : i64, scratch_operands = 0 : i64, tpu.core_type = #tpu.core_type<tc>, window_params = [{transform_indices = @transform_0, window_bounds = array<i64: 400, 256>}, {pipeline_mode = #tpu.pipeline_mode<synchronous>, transform_indices = @transform_1, window_bounds = array<i64: 256, 256>}, {transform_indices = @transform_2, window_bounds = array<i64: 400, 1>}, {transform_indices = @transform_3, window_bounds = array<i64: 400, 1>}, {transform_indices = @transform_4, window_bounds = array<i64: 2, 400, 128>}]} {
    %get3A = arith.constant 0 : index
    %get3A_0 = arith.constant 0 : index
    %get3A_1 = vector.load %arg3[%get3A, %get3A_0] : memref<400x1xf32, #tpu.memory_space<vmem>>, vector<400x1xf32>
    %get3A_2 = arith.constant 0 : index
    %get3A_3 = arith.constant 0 : index
    %get3A_4 = vector.load %arg4[%get3A_2, %get3A_3] : memref<400x1xf32, #tpu.memory_space<vmem>>, vector<400x1xf32>
    %add3A = arith.addf %get3A_1, %get3A_4 : vector<400x1xf32>
    %add3A_5 = arith.constant 1.000000e+00 : f32
    %add3A_6 = vector.broadcast %add3A_5 : f32 to vector<400x1xf32>
    %add3A_7 = arith.addf %add3A, %add3A_6 : vector<400x1xf32>
    %rsqrt3A = math.rsqrt %add3A_7 : vector<400x1xf32>
    %get3A_8 = arith.constant 0 : index
    %get3A_9 = arith.constant 0 : index
    %get3A_10 = vector.load %arg1[%get3A_8, %get3A_9] : memref<400x256xf32, #tpu.memory_space<vmem>>, vector<400x256xf32>
    %get3A_11 = arith.constant 0 : index
    %get3A_12 = arith.constant 0 : index
    %get3A_13 = vector.load %arg2[%get3A_11, %get3A_12] : memref<256x256xf32, #tpu.memory_space<vmem>>, vector<256x256xf32>
    %dot_general3A = arith.constant dense<0.000000e+00> : vector<400x256xf32>
    %dot_general3A_14 = tpu.matmul %get3A_10, %get3A_13, %dot_general3A {dimension_numbers = #tpu.dot_dimension_numbers<[1], [0], [0], [1], [0, 0, 1, 1], [], []>, transpose_lhs_hint = false} : vector<400x256xf32>, vector<256x256xf32>, vector<400x256xf32> -> vector<400x256xf32>
    %mul3A = vector.broadcast %rsqrt3A : vector<400x1xf32> to vector<400x256xf32>
    %mul3A_15 = arith.mulf %mul3A, %dot_general3A_14 : vector<400x256xf32>
    %slice3A = vector.extract_strided_slice %mul3A_15 {offsets = [0, 0], sizes = [400, 128], strides = [1, 1]} : vector<400x256xf32> to vector<400x128xf32>
    %swap3A = arith.constant 0 : index
    %swap3A_16 = arith.constant 0 : index
    %swap3A_17 = arith.constant 0 : index
    %swap3A_18 = vector.load %arg5[%swap3A, %swap3A_16, %swap3A_17] : memref<2x400x128xf32, #tpu.memory_space<vmem>>, vector<1x400x128xf32>
    %swap3A_19 = vector.shape_cast %swap3A_18 : vector<1x400x128xf32> to vector<400x128xf32>
    %swap3A_20 = vector.shape_cast %slice3A : vector<400x128xf32> to vector<1x400x128xf32>
    tpu.vector_store %arg5[%swap3A, %swap3A_16, %swap3A_17], %swap3A_20 {strides = array<i32>} : memref<2x400x128xf32, #tpu.memory_space<vmem>>, vector<1x400x128xf32>,
    %slice3A_21 = vector.extract_strided_slice %mul3A_15 {offsets = [0, 128], sizes = [400, 128], strides = [1, 1]} : vector<400x256xf32> to vector<400x128xf32>
    %swap3A_22 = arith.constant 1 : index
    %swap3A_23 = arith.constant 0 : index
    %swap3A_24 = arith.constant 0 : index
    %swap3A_25 = vector.load %arg5[%swap3A_22, %swap3A_23, %swap3A_24] : memref<2x400x128xf32, #tpu.memory_space<vmem>>, vector<1x400x128xf32>
    %swap3A_26 = vector.shape_cast %swap3A_25 : vector<1x400x128xf32> to vector<400x128xf32>
    %swap3A_27 = vector.shape_cast %slice3A_21 : vector<400x128xf32> to vector<1x400x128xf32>
    tpu.vector_store %arg5[%swap3A_22, %swap3A_23, %swap3A_24], %swap3A_27 {strides = array<i32>} : memref<2x400x128xf32, #tpu.memory_space<vmem>>, vector<1x400x128xf32>,
    return
  }
  func.func @transform_0(%arg0: i32) -> (i32, i32) {
    %c0_i32 = arith.constant 0 : i32
    %c0_i32_0 = arith.constant 0 : i32
    return %arg0, %c0_i32 : i32, i32
  }
  func.func @transform_1(%arg0: i32) -> (i32, i32) {
    %c0_i32 = arith.constant 0 : i32
    %c0_i32_0 = arith.constant 0 : i32
    %c0_i32_1 = arith.constant 0 : i32
    return %c0_i32, %c0_i32_0 : i32, i32
  }
  func.func @transform_2(%arg0: i32) -> (i32, i32) {
    %c0_i32 = arith.constant 0 : i32
    %c0_i32_0 = arith.constant 0 : i32
    return %arg0, %c0_i32 : i32, i32
  }
  func.func @transform_3(%arg0: i32) -> (i32, i32) {
    %add3A = arith.constant 25 : i32
    %add3A_0 = arith.addi %add3A, %arg0 : i32
    %c0_i32 = arith.constant 0 : i32
    %c0_i32_1 = arith.constant 0 : i32
    return %add3A_0, %c0_i32 : i32, i32
  }
  func.func @transform_4(%arg0: i32) -> (i32, i32, i32) {
    %c0_i32 = arith.constant 0 : i32
    %c0_i32_0 = arith.constant 0 : i32
    %c0_i32_1 = arith.constant 0 : i32
    return %c0_i32, %arg0, %c0_i32_0 : i32, i32, i32
  }
}

</mosaic_0001>

<sc_bundles>
// kernel: kernel.14.cloned.1.call-start
scs
__scs_entry_jumppad:
0x0: {  	(pc) =	sbr.rel $0x88, $3  }
0x1: {  	(tag) =	ssettag $0x0;
	lr =	simm.s32 $0x1  }
0x2: {  	[smem:$0x3F88] =	sst lr;
	_ =	strace $0xD0000000  }
0x3: {  	_ = 	snop  }
0x4: {  	_ = 	snop  }
0x5: {  	_ = 	snop  }
0x6: {  	_ = 	snop  }
0x7: {  	_ = 	snop  }
__scs_overlays_trampoline_lowered:
0x8: {  	[smem:$0x3F97] =	sst s0  }
0x9: {  	[smem:$0x3F98] =	sst s1  }
0xa: {  	[smem:$0x3F99] =	sst s2  }
0xb: {  	[smem:$0x3F9A] =	sst s3  }
0xc: {  	[smem:$0x3F9B] =	sst s4  }
0xd: {  	[smem:$0x3F9C] =	sst s5  }
0xe: {  	[smem:$0x3F9D] =	sst s6  }
0xf: {  	[smem:$0x3F9E] =	sst s7  }
0x10: {  	[smem:$0x3F9F] =	sst s8  }
0x11: {  	[smem:$0x3FA0] =	sst s9;
	s0 =	simm.s32 @!p0 $0x0  }
0x12: {  	s1 =	sld [smem:$0x3F86];
	s0 =	simm.s32 @p0 $0x1  }
0x13: {  	[smem:$0x3FA1] =	sst s0;
	s0 =	simm.s32 @!p1 $0x0  }
0x14: {  	s2 =	sld [smem:$0x3F85];
	s0 =	simm.s32 @p1 $0x1  }
0x15: {  	[smem:$0x3FA2] =	sst s0;
	s0 =	simm.s32 @!p2 $0x0  }
0x16: {  	s3 =	sld [smem:$0x3FDB];
	s0 =	simm.s32 @p2 $0x1  }
0x17: {  	s4 =	simm.s32 $0x1BF5;
	[smem:$0x3FA4] =	sst s0  }
0x18: {  	s0 =	sld [smem:$0x3F87];
	_ =	swait.ge [sflag:s4], $0x0  }
0x19: {  	s7 =	sld [smem:$0x3F88]  }
0x1a: {  	s8 =	sadd.s32 $0xFFFFE003, lr  }
0x1b: {  	s9 =	sadd.s32 $0xFFFFFEF7, lr;
	s5 =	simm.s32 $0xFFFFFFFF;
	p2 =	slt.u32 s8, $0xFFFFF086  }
0x1c: {  	p1 =	slt.u32 s9, $0xF7A;
	s5 =	simm.s32 @!p2 $0x0  }
0x1d: {  	s5 =	simm.s32 @p1 $0x1;
	p0 =	seq.s32 s7, s2  }
0x1e: {  	s7 =	smul.u32 @!p0 $0xF7A, s2;
	p2 =	seq.s32 @!p0 s5, $0x0  }
0x1f: {  	s9 =	smul.u32 $0xF7A, s1;
	s8 =	simm.s32 @!p0 $0x1BF5;
	p2 =	por !p2, p0  }
0x20: {  	[sflag:s8] =	ssyncset.s32 @!p0 $0xFFFFF086;
	s6 =	sadd.s32 @!p0 s3, s7;
	s7 =	simm.s32 @!p0 $0x108  }
0x21: {  	s3 =	sadd.s32 s3, s9;
	s6 =	sadd.s32 @!p0 $0x88, s6;
	s7 =	simm.s32 @p2 $0x1082  }
0x22: {  	[simem:s7], [sflag:s8] =	dma.local @!p0 [hbm:s6], $0xF7A  }
0x23: {  	s9 =	sor.u32 $0xD0000000, s2;
	s6 =	simm.s32 $0x108;
	_ =	swait.ge @!p0 [sflag:s8], $0x0  }
0x24: {  	s3 =	sadd.s32 $0x88, s3;
	s6 =	simm.s32 @!p1 $0x1082;
	[sflag:s4] =	ssyncset.s32 $0xFFFFF086  }
0x25: {  	[simem:s6], [sflag:s4] =	dma.local [hbm:s3], $0xF7A  }
0x26: {  	[smem:$0x3F88] =	sst s1;
	(tag) =	ssettag s2;
	_ =	strace s9  }
0x27: {  	s1 =	sld [smem:$0x3F98]  }
0x28: {  	s2 =	sld [smem:$0x3F99]  }
0x29: {  	s4 =	sld [smem:$0x3F9B]  }
0x2a: {  	p0 =	seq.s32 s5, $0x0;
	s5 =	sld [smem:$0x3F9C]  }
0x2b: {  	s6 =	sld [smem:$0x3F9D]  }
0x2c: {  	s7 =	sld [smem:$0x3F9E]  }
0x2d: {  	s3 =	simm.s32 $0x108;
	s8 =	sld [smem:$0x3F9F]  }
0x2e: {  	s3 =	simm.s32 @!p0 $0x1082;
	s9 =	sld [smem:$0x3FA0]  }
0x2f: {  	lr =	sadd.s32 s0, s3;
	s0 =	sld [smem:$0x3F97]  }
0x30: {  	s3 =	sld [smem:$0x3F9A]  }
0x31: {  	[smem:$0x3FA3] =	sst s10  }
0x32: {  	s10 =	sld [smem:$0x3FA1];
	_ =	sdelay $0x3  }
0x33: {  	p0 =	seq.s32 s10, $0x1;
	s10 =	sld [smem:$0x3FA3];
	_ =	sdelay $0x3  }
0x34: {  	[smem:$0x3FA3] =	sst s10  }
0x35: {  	s10 =	sld [smem:$0x3FA2];
	_ =	sdelay $0x3  }
0x36: {  	p1 =	seq.s32 s10, $0x1;
	s10 =	sld [smem:$0x3FA3];
	_ =	sdelay $0x3  }
0x37: {  	[smem:$0x3FA3] =	sst s10  }
0x38: {  	s10 =	sld [smem:$0x3FA4]  }
0x39: {  	_ = 	snop;
	(pc) =	sbr.ind lr, $3  }
0x3a: {  	_ = 	snop  }
0x3b: {  	_ = 	snop  }
0x3c: {  	p2 =	seq.s32 s10, $0x1;
	s10 =	sld [smem:$0x3FA3]  }
0x3d: {  	_ =	shalt  }
0x3e: {  	_ =	shalt  }
0x3f: {  	_ =	shalt  }
0x40: {  	_ =	shalt  }
0x41: {  	_ =	shalt  }
0x42: {  	_ =	shalt  }
0x43: {  	_ =	shalt  }
0x44: {  	_ =	shalt  }
0x45: {  	_ =	shalt  }
0x46: {  	_ =	shalt  }
0x47: {  	_ =	shalt  }
0x48: {  	_ =	shalt  }
0x49: {  	_ =	shalt  }
0x4a: {  	_ =	shalt  }
0x4b: {  	_ =	shalt  }
0x4c: {  	_ =	shalt  }
0x4d: {  	_ =	shalt  }
0x4e: {  	_ =	shalt  }
0x4f: {  	_ =	shalt  }
0x50: {  	_ =	shalt  }
0x51: {  	_ =	shalt  }
0x52: {  	_ =	shalt  }
0x53: {  	_ =	shalt  }
0x54: {  	_ =	shalt  }
0x55: {  	_ =	shalt  }
0x56: {  	_ =	shalt  }
0x57: {  	_ =	shalt  }
0x58: {  	_ =	shalt  }
0x59: {  	_ =	shalt  }
0x5a: {  	_ =	shalt  }
0x5b: {  	_ =	shalt  }
0x5c: {  	_ =	shalt  }
0x5d: {  	_ =	shalt  }
0x5e: {  	_ =	shalt  }
0x5f: {  	_ =	shalt  }
0x60: {  	_ =	shalt  }
0x61: {  	_ =	shalt  }
0x62: {  	_ =	shalt  }
0x63: {  	_ =	shalt  }
0x64: {  	_ =	shalt  }
0x65: {  	_ =	shalt  }
0x66: {  	_ =	shalt  }
0x67: {  	_ =	shalt  }
0x68: {  	_ =	shalt  }
0x69: {  	_ =	shalt  }
0x6a: {  	_ =	shalt  }
0x6b: {  	_ =	shalt  }
0x6c: {  	_ =	shalt  }
0x6d: {  	_ =	shalt  }
0x6e: {  	_ =	shalt  }
0x6f: {  	_ =	shalt  }
0x70: {  	_ =	shalt  }
0x71: {  	_ =	shalt  }
0x72: {  	_ =	shalt  }
0x73: {  	_ =	shalt  }
0x74: {  	_ =	shalt  }
0x75: {  	_ =	shalt  }
0x76: {  	_ =	shalt  }
0x77: {  	_ =	shalt  }
0x78: {  	_ =	shalt  }
0x79: {  	_ =	shalt  }
0x7a: {  	_ =	shalt  }
0x7b: {  	_ =	shalt  }
0x7c: {  	_ =	shalt  }
0x7d: {  	_ =	shalt  }
0x7e: {  	_ =	shalt  }
0x7f: {  	_ =	shalt  }
0x80: {  	_ =	shalt  }
0x81: {  	_ =	shalt  }
0x82: {  	_ =	shalt  }
0x83: {  	_ =	shalt  }
0x84: {  	_ =	shalt  }
0x85: {  	_ =	shalt  }
0x86: {  	_ =	shalt  }
0x87: {  	_ =	shalt  }
.Lfunc_end0:
.L_simem_size_0:
called_computation_lowered:
.L_overlay_start_0:
0x88: {  	s2 =	sld [smem:$0x3FD9]  }
0x89: {  	s3 =	sld [smem:$0x3FFE];
	_ =	sdelay $0x1  }
0x8a: {  	s1 =	srdreg.scid  }
0x8b: {  	s0 =	sand.u32 $0x1, s1  }
0x8c: {  	s16 =	sshll.u32 s0, $0xA;
	s2 =	sadd.s32 s3, s2  }
0x8d: {  	s2 =	sadd.s32 s2, s16  }
0x8e: {  	[smem:$0x3FAF] =	sst s2  }
0x8f: {  	_ = 	snop  }
0x90: {  	(tm) =	ssettm $0x1  }
0x91: {  	s17 =	sld [smem:$0x3FFB];
	_ =	sdelay $0x3  }
0x92: {  	_ =	strace s17  }
0x93: {  	s2 =	sld [smem:$0x3FFC];
	_ =	sdelay $0x3  }
0x94: {  	_ =	strace s2  }
0x95: {  	s2 =	sld [smem:$0x3FFD];
	_ =	sdelay $0x3  }
0x96: {  	_ =	strace s2  }
0x97: {  	_ =	strace $0x8FFFFFFF  }
0x98: {  	s18 =	sld [smem:$0x3FDB];
	_ =	sdelay $0x1  }
0x99: {  	s19 =	simm.s32 $_scs_section_size  }
0x9a: {  	s4 =	simm.s32 $_size__tile_overlayer_lowered;
	s5 =	simm.s32 $_tile_overlayer_lowered  }
0x9b: {  	s22 =	simm.s32 $0x1BFF;
	s21 =	sshll.u32 s5, $0x1;
	s2 =	sadd.s32 s19, s18  }
0x9c: {  	s6 =	simm.s32 $0x0;
	s20 =	sshll.u32 s4, $0x1;
	s4 =	sadd.s32 s21, s2  }
0x9d: {  	[timem:s6], [sflag:s22] =	dma.local [hbm:s4], s20  }
0x9e: {  	_ =	swait.ge [sflag:s22], s20  }
0x9f: {  	s3 =	ssub.s32 $0x0, s20;
	[sflag:s22] =	ssyncset.done $0x0  }
0xa0: {  	[sflag:s22] =	ssyncadd.s32 s3;
	_ =	sdelay $0x1  }
0xa1: {  	s23 =	simm.s32 $0x1B8B  }
0xa2: {  	_ =	swait.ge [sflag:s23], $0x1  }
0xa3: {  	[sflag:s23] =	ssyncset.done $0x0  }
0xa4: {  	s25 =	simm.s32 $0x1B8E;
	s24 =	sld [smem:$0x3FFE];
	[sflag:s23] =	ssyncadd.s32 $0xFFFFFFFF  }
0xa5: {  	s26 =	simm.s32 $execute0_lowered;
	[smem:$0x3FD2] =	sst s25  }
0xa6: {  	s4 =	sshll.u32 s26, $0x1;
	_ =	strace $0x80000046;
	[dreg:$0x1] =	wrdreg $0xFFFFFFFF  }
0xa7: {  	s28 =	simm.s32 $_size_execute0_lowered;
	s2 =	sadd.s32 s2, s4;
	[dreg:$0x0] =	wrdreg $0x0  }
0xa8: {  	s4 =	sshll.u32 s28, $0x1;
	[dreg:$0x2] =	wrdreg s2  }
0xa9: {  	[dreg:$0x3] =	wrdreg s4  }
0xaa: {  	[dreg:$0x4] =	wrdreg $0xC0  }
0xab: {  	_ =	task [dreg:s6], $0x5FFFF  }
0xac: {  	[dreg:$0x1] =	wrdreg $0xFFFFFFFF  }
0xad: {  	[dreg:$0x0] =	wrdreg $0x60  }
0xae: {  	[dreg:$0x2] =	wrdreg s24  }
0xaf: {  	[dreg:$0x3] =	wrdreg $0x28800  }
0xb0: {  	[dreg:$0x4] =	wrdreg $0x9  }
0xb1: {  	_ =	task.clear_ibuf [dreg:s6], $0x5FFFF;
	_ =	strace $0x90000046  }
0xb2: {  	s29 =	simm.s32 $0x9;
	_ =	strace $0x80000048  }
0xb3: {  	_ =	swait.ge [sflag:s29], $0x1  }
0xb4: {  	[sflag:s29] =	ssyncadd.s32 $0xFFFFFFFF  }
0xb5: {  	_ =	strace $0x90000048  }
0xb6: {  	_ =	sfence  }
0xb7: {  	s30 =	sld [smem:$0x0];
	_ =	sdelay $0x2  }
0xb8: {  	s31 =	sshll.u32 s1, $0xD;
	s1 =	sshrl.u32 s1, $0x2  }
0xb9: {  	s3 =	sand.u32 $0x4000, s31;
	s1 =	sadd.s32 s1, s30  }
0xba: {  	s0 =	sor.u32 s3, s0;
	s1 =	sshll.u32 s1, $0x11  }
0xbb: {  	s0 =	sor.u32 s1, s0  }
0xbc: {  	s0 =	sadd.s32 $0x8F2B, s0  }
0xbd: {  	[sflag:s0] =	ssyncadd.remote.s32 $0x1  }
0xbe: {  	_ =	sfence.sel $0xFFFF  }
0xbf: {  	[dreg:$0x0] =	wrdreg $0xFFFFFFFF;
	(pc) =	sbr.abs _section_cstart, $3  }
0xc0: {  	[dreg:$0x1] =	wrdreg $0xFFFFFFFF  }
0xc1: {  	_ =	task.clear_ibuf [dreg:s6], $0x2FFFF;
	_ =	strace $0x9FFFFFFF  }
0xc2: {  	(tm) =	ssettm $0x7FFFFFFF  }
0xc3: {  	_ =	shalt  }
tec
execute0_lowered:
.L_overlay_start_1:
0x0: {  	(tag) =	ssettag $0x1  }
0x1: {  	s7 =	rddreg [dreg:$0x0]  }
0x2: {  	s0 =	srdreg.scid;
	s2 =	rddreg [dreg:$0x1]  }
0x3: {  	s1 =	rddreg [dreg:$0x2];
	s5 =	sand.u32 $0x1, s0  }
0x4: {  	s3 =	simm.s32 $0x0;
	s0 =	stileid.u32;
	s8 =	smul.u32 $0x27100, s5  }
0x5: {  	s16 =	simm.s32 $0x50;
	s17 =	simm.s32 $0x0;
	s4 =	smul.u32 $0x2710, s0  }
0x6: {  	[smem:$0x7FF] =	sst s3;
	s12 =	sadd.s32 $0x36000, s7;
	s9 =	smul.u32 $0x2700, s0  }
0x7: {  	_ =	strace $0x80000047;
	s10 =	smul.u32 $0x4E000, s0;
	s13 =	ssub.s32 $0x2, s5  }
0x8: {  	s15 =	smul.u32 $0x138800, s5;
	s29 =	sshll.u32 s0, $0x6;
	p0 =	sne.s32 s0, $0xF  }
0x9: {  	s14 =	sshrl.u32 s13, $0x1;
	s4 =	sadd.s32 s4, s8;
	s6 =	sadd.s32 s9, s7  }
0xa: {  	s10 =	sshrl.u32 s10, $0x2;
	s13 =	ssub.s32 s13, s14;
	s30 =	sshrl.u32 s15, $0x3  }
0xb: {  	s15 =	sadd.s32 $0x138000, s2;
	s8 =	sadd.s32 s9, s8;
	s4 =	sshrl.u32 s4, $0x3  }
0xc: {  	s28 =	sadd.s32 s10, s2;
	s5 =	sadd.s32 $0xE800, s6;
	s6 =	sor.u32 $0x1C01, s29  }
0xd: {  	s31 =	sadd.s32 s12, s30;
	s8 =	sadd.s32 s12, s8;
	s10 =	smax.u32 s13, $0x1  }
0xe: {  	s13 =	simm.s32 $0x1;
	s14 =	sshrl.u32 @!p0 s15, $0x3;
	s15 =	simm.s32 $0x80  }
0xf: {  	s11 =	sadd.s32 s4, s7;
	s4 =	sadd.s32 $0x35A00, s7;
	s7 =	sadd.s32 $0x35800, s7  }
0x10: {  	s9 =	sadd.s32 $0x27000, s31;
	s12 =	sshrl.u32 s28, $0x3;
	s11 =	sadd.s32 $0x4A00, s11  }
.LBB2_1:
0x11: {  	[spmem:s12], [sflag:s6] =	dma.local [hbm:s5], $0x2700  }
0x12: {  	_ =	swait.ge [sflag:s13], $0x2700  }
0x13: {  	[sflag:s13] =	ssyncset.done $0x0  }
0x14: {  	s18 =	simm.s32 @!p0 $0x1;
	[sflag:s13] =	ssyncadd.s32 $0xFFFFD900  }
0x15: {  	[spmem:s14], [sflag:s6] =	dma.local @!p0 [hbm:s7], $0x100  }
0x16: {  	_ =	swait.ge @!p0 [sflag:s18], $0x100  }
0x17: {  	[sflag:s18] =	ssyncset.done @!p0 $0x0  }
0x18: {  	[sflag:s18] =	ssyncadd.s32 @!p0 $0xFFFFFF00  }
0x19: {  	[tilespmem:s15], [sflag:$0x1] =	stream.linear.gather [hbm4b:s4+s3], $0x2800, $0x38;
	[tilespmem:$0x16100] =	vst v63  }
0x1a: {  	_ =	swait.ge [sflag:s13], $0x2800  }
0x1b: {  	[sflag:s13] =	ssyncset.done $0x0  }
0x1c: {  	[sflag:s13] =	ssyncadd.s32 $0xFFFFD800  }
0x1d: {  	s31 =	sadd.s32 $0x0, s11;
	[bflag:$0x0] =	sbarrier.arrive $0xFFFF  }
0x1e: {  	[tilespmem:s3], [sflag:$0x1] =	stream.linear.gather [hbm4b:s31+s3], $0x50, $0x38;
	[tilespmem:$0x16100] =	vst v63  }
0x1f: {  	_ =	swait.ge [sflag:s13], $0x50  }
0x20: {  	[sflag:s13] =	ssyncset.done $0x0  }
0x21: {  	[sflag:s13] =	ssyncadd.s32 $0xFFFFFFB0  }
0x22: {  	[spmem:s2] =	stream.indirect.scatter.add.f32 [tilespmem:s15], [sflag:$0x1], $0x80, s3, s16, $0xb8;
	[tilespmem:$0x16100] =	vst v63  }
0x23: {  	_ =	swait.ge [sflag:s13], $0x2800  }
0x24: {  	s19 =	simm.s32 $0x14;
	s18 =	simm.s32 $0xA;
	[sflag:s13] =	ssyncset.done $0x0  }
.LBB2_2:
0x25: {  	s20 =	sadd.s32 s18, s11  }
0x26: {  	[sflag:s13] =	ssyncadd.s32 $0xFFFFD800;
	s18 =	smov.u32 s19;
	s21 =	sadd.s32 $0xA, s19  }
0x27: {  	[tilespmem:s3], [sflag:$0x1] =	stream.linear.gather [hbm4b:s20+s3], $0x50, $0x38;
	[tilespmem:$0x16100] =	vst v63  }
0x28: {  	p1 =	sne.s32 s19, $0x4D8;
	_ =	swait.ge [sflag:s13], $0x50  }
.Ltmp0:
0x29: {  	[sflag:s13] =	ssyncset.done $0x0;
	(pc) =	sbr.rel @p1 .LBB2_2-.Ltmp0, $4  }
0x2a: {  	[sflag:s13] =	ssyncadd.s32 $0xFFFFFFB0  }
0x2b: {  	[spmem:s2] =	stream.indirect.scatter.add.f32 [tilespmem:s15], [sflag:$0x1], $0x80, s3, s16, $0xb8;
	[tilespmem:$0x16100] =	vst v63  }
0x2c: {  	_ =	swait.ge [sflag:s13], $0x2800  }
0x2d: {  	s19 =	smov.u32 s21;
	[sflag:s13] =	ssyncset.done $0x0  }
0x2e: {  	s18 =	sadd.s32 s18, s11;
	[sflag:s13] =	ssyncadd.s32 $0xFFFFD800  }
0x2f: {  	[tilespmem:s3], [sflag:$0x1] =	stream.linear.gather [hbm4b:s18+s3], $0x50, $0x38;
	[tilespmem:$0x16100] =	vst v63  }
0x30: {  	_ =	swait.ge [sflag:s13], $0x50  }
0x31: {  	[sflag:s13] =	ssyncset.done $0x0  }
0x32: {  	[sflag:s13] =	ssyncadd.s32 $0xFFFFFFB0  }
0x33: {  	[spmem:s2] =	stream.indirect.scatter.add.f32 [tilespmem:s15], [sflag:$0x1], $0x80, s3, s16, $0xb8;
	[tilespmem:$0x16100] =	vst v63  }
0x34: {  	_ =	swait.ge [sflag:s13], $0x2800  }
0x35: {  	[sflag:s13] =	ssyncset.done $0x0  }
0x36: {  	[sflag:s13] =	ssyncadd.s32 $0xFFFFD800  }
0x37: {  	[bflag:$0x0] =	sbarrier.arrive $0xFFFF  }
0x38: {  	[hbm:s8], [sflag:s6] =	dma.local [spmem:s12], $0x2700  }
0x39: {  	s17 =	sadd.s32 $0x1, s17;
	_ =	swait.ge [sflag:s13], $0x2700  }
0x3a: {  	p1 =	sne.s32 s17, s10;
	[sflag:s13] =	ssyncset.done $0x0  }
.Ltmp1:
0x3b: {  	s18 =	simm.s32 @!p0 $0x1;
	[sflag:s13] =	ssyncadd.s32 $0xFFFFD900;
	(pc) =	sbr.rel @p1 .LBB2_1-.Ltmp1, $4  }
0x3c: {  	[hbm:s9], [sflag:s6] =	dma.local @!p0 [spmem:s14], $0x100  }
0x3d: {  	_ =	swait.ge @!p0 [sflag:s18], $0x100  }
0x3e: {  	[sflag:s18] =	ssyncset.done @!p0 $0x0  }
0x3f: {  	[sflag:s18] =	ssyncadd.s32 @!p0 $0xFFFFFF00  }
0x40: {  	_ =	sfence.sel $0x180000  }
0x41: {  	[bflag:$0x0] =	sbarrier.arrive $0xFFFF  }
0x42: {  	p0 =	sne.s32 s0, $0x0;
	_ =	strace $0x90000047  }
0x43: {  	s0 =	sadd.s32 @!p0 $0x100000, s1;
	[bflag:$0x2] =	sbarrier.arrive $0xFFFF  }
0x44: {  	[sflag:s0] =	ssyncadd.tile.s32 @!p0 $0x1;
	_ =	shalt  }
.Lfunc_end2:
_tile_overlayer_lowered:
.L_overlay_start_2:
0x45: {  	(tag) =	ssettag $0x2  }
0x46: {  	s0 =	rddreg [dreg:$0x0];
	s2 =	stileid.u32  }
0x47: {  	s1 =	rddreg [dreg:$0x1];
	p0 =	sne.s32 s2, $0x0  }
0x48: {  	s3 =	rddreg [dreg:$0x2];
	[bflag:$0x3] =	sbarrier.arrive $0xFFFF;
	s2 =	simm.s32 @!p0 $0x1C01  }
0x49: {  	[timem:s3], [sflag:s2] =	dma.local @!p0 [hbm:s0], s1  }
0x4a: {  	s0 =	simm.s32 @!p0 $0x1  }
0x4b: {  	_ =	swait.ge @!p0 [sflag:s0], s1  }
0x4c: {  	s1 =	ssub.s32 @!p0 $0x0, s1;
	[sflag:s0] =	ssyncset.done @!p0 $0x0  }
0x4d: {  	[sflag:s0] =	ssyncadd.s32 @!p0 s1  }
0x4e: {  	[bflag:$0x3] =	sbarrier.arrive $0xFFFF  }
0x4f: {  	_ =	shalt  }

// kernel: kernel.17.cloned.1.call-start
scs
__scs_entry_jumppad:
0x0: {  	(pc) =	sbr.rel $0x88, $3  }
0x1: {  	(tag) =	ssettag $0x0;
	lr =	simm.s32 $0x1  }
0x2: {  	[smem:$0x3F88] =	sst lr;
	_ =	strace $0xD0000000  }
0x3: {  	_ = 	snop  }
0x4: {  	_ = 	snop  }
0x5: {  	_ = 	snop  }
0x6: {  	_ = 	snop  }
0x7: {  	_ = 	snop  }
__scs_overlays_trampoline_lowered:
0x8: {  	[smem:$0x3F97] =	sst s0  }
0x9: {  	[smem:$0x3F98] =	sst s1  }
0xa: {  	[smem:$0x3F99] =	sst s2  }
0xb: {  	[smem:$0x3F9A] =	sst s3  }
0xc: {  	[smem:$0x3F9B] =	sst s4  }
0xd: {  	[smem:$0x3F9C] =	sst s5  }
0xe: {  	[smem:$0x3F9D] =	sst s6  }
0xf: {  	[smem:$0x3F9E] =	sst s7  }
0x10: {  	[smem:$0x3F9F] =	sst s8  }
0x11: {  	[smem:$0x3FA0] =	sst s9;
	s0 =	simm.s32 @!p0 $0x0  }
0x12: {  	s1 =	sld [smem:$0x3F86];
	s0 =	simm.s32 @p0 $0x1  }
0x13: {  	[smem:$0x3FA1] =	sst s0;
	s0 =	simm.s32 @!p1 $0x0  }
0x14: {  	s2 =	sld [smem:$0x3F85];
	s0 =	simm.s32 @p1 $0x1  }
0x15: {  	[smem:$0x3FA2] =	sst s0;
	s0 =	simm.s32 @!p2 $0x0  }
0x16: {  	s3 =	sld [smem:$0x3FDB];
	s0 =	simm.s32 @p2 $0x1  }
0x17: {  	s4 =	simm.s32 $0x1BF5;
	[smem:$0x3FA4] =	sst s0  }
0x18: {  	s0 =	sld [smem:$0x3F87];
	_ =	swait.ge [sflag:s4], $0x0  }
0x19: {  	s7 =	sld [smem:$0x3F88]  }
0x1a: {  	s8 =	sadd.s32 $0xFFFFE003, lr  }
0x1b: {  	s9 =	sadd.s32 $0xFFFFFEF7, lr;
	s5 =	simm.s32 $0xFFFFFFFF;
	p2 =	slt.u32 s8, $0xFFFFF086  }
0x1c: {  	p1 =	slt.u32 s9, $0xF7A;
	s5 =	simm.s32 @!p2 $0x0  }
0x1d: {  	s5 =	simm.s32 @p1 $0x1;
	p0 =	seq.s32 s7, s2  }
0x1e: {  	s7 =	smul.u32 @!p0 $0xF7A, s2;
	p2 =	seq.s32 @!p0 s5, $0x0  }
0x1f: {  	s9 =	smul.u32 $0xF7A, s1;
	s8 =	simm.s32 @!p0 $0x1BF5;
	p2 =	por !p2, p0  }
0x20: {  	[sflag:s8] =	ssyncset.s32 @!p0 $0xFFFFF086;
	s6 =	sadd.s32 @!p0 s3, s7;
	s7 =	simm.s32 @!p0 $0x108  }
0x21: {  	s3 =	sadd.s32 s3, s9;
	s6 =	sadd.s32 @!p0 $0x88, s6;
	s7 =	simm.s32 @p2 $0x1082  }
0x22: {  	[simem:s7], [sflag:s8] =	dma.local @!p0 [hbm:s6], $0xF7A  }
0x23: {  	s9 =	sor.u32 $0xD0000000, s2;
	s6 =	simm.s32 $0x108;
	_ =	swait.ge @!p0 [sflag:s8], $0x0  }
0x24: {  	s3 =	sadd.s32 $0x88, s3;
	s6 =	simm.s32 @!p1 $0x1082;
	[sflag:s4] =	ssyncset.s32 $0xFFFFF086  }
0x25: {  	[simem:s6], [sflag:s4] =	dma.local [hbm:s3], $0xF7A  }
0x26: {  	[smem:$0x3F88] =	sst s1;
	(tag) =	ssettag s2;
	_ =	strace s9  }
0x27: {  	s1 =	sld [smem:$0x3F98]  }
0x28: {  	s2 =	sld [smem:$0x3F99]  }
0x29: {  	s4 =	sld [smem:$0x3F9B]  }
0x2a: {  	p0 =	seq.s32 s5, $0x0;
	s5 =	sld [smem:$0x3F9C]  }
0x2b: {  	s6 =	sld [smem:$0x3F9D]  }
0x2c: {  	s7 =	sld [smem:$0x3F9E]  }
0x2d: {  	s3 =	simm.s32 $0x108;
	s8 =	sld [smem:$0x3F9F]  }
0x2e: {  	s3 =	simm.s32 @!p0 $0x1082;
	s9 =	sld [smem:$0x3FA0]  }
0x2f: {  	lr =	sadd.s32 s0, s3;
	s0 =	sld [smem:$0x3F97]  }
0x30: {  	s3 =	sld [smem:$0x3F9A]  }
0x31: {  	[smem:$0x3FA3] =	sst s10  }
0x32: {  	s10 =	sld [smem:$0x3FA1];
	_ =	sdelay $0x3  }
0x33: {  	p0 =	seq.s32 s10, $0x1;
	s10 =	sld [smem:$0x3FA3];
	_ =	sdelay $0x3  }
0x34: {  	[smem:$0x3FA3] =	sst s10  }
0x35: {  	s10 =	sld [smem:$0x3FA2];
	_ =	sdelay $0x3  }
0x36: {  	p1 =	seq.s32 s10, $0x1;
	s10 =	sld [smem:$0x3FA3];
	_ =	sdelay $0x3  }
0x37: {  	[smem:$0x3FA3] =	sst s10  }
0x38: {  	s10 =	sld [smem:$0x3FA4]  }
0x39: {  	_ = 	snop;
	(pc) =	sbr.ind lr, $3  }
0x3a: {  	_ = 	snop  }
0x3b: {  	_ = 	snop  }
0x3c: {  	p2 =	seq.s32 s10, $0x1;
	s10 =	sld [smem:$0x3FA3]  }
0x3d: {  	_ =	shalt  }
0x3e: {  	_ =	shalt  }
0x3f: {  	_ =	shalt  }
0x40: {  	_ =	shalt  }
0x41: {  	_ =	shalt  }
0x42: {  	_ =	shalt  }
0x43: {  	_ =	shalt  }
0x44: {  	_ =	shalt  }
0x45: {  	_ =	shalt  }
0x46: {  	_ =	shalt  }
0x47: {  	_ =	shalt  }
0x48: {  	_ =	shalt  }
0x49: {  	_ =	shalt  }
0x4a: {  	_ =	shalt  }
0x4b: {  	_ =	shalt  }
0x4c: {  	_ =	shalt  }
0x4d: {  	_ =	shalt  }
0x4e: {  	_ =	shalt  }
0x4f: {  	_ =	shalt  }
0x50: {  	_ =	shalt  }
0x51: {  	_ =	shalt  }
0x52: {  	_ =	shalt  }
0x53: {  	_ =	shalt  }
0x54: {  	_ =	shalt  }
0x55: {  	_ =	shalt  }
0x56: {  	_ =	shalt  }
0x57: {  	_ =	shalt  }
0x58: {  	_ =	shalt  }
0x59: {  	_ =	shalt  }
0x5a: {  	_ =	shalt  }
0x5b: {  	_ =	shalt  }
0x5c: {  	_ =	shalt  }
0x5d: {  	_ =	shalt  }
0x5e: {  	_ =	shalt  }
0x5f: {  	_ =	shalt  }
0x60: {  	_ =	shalt  }
0x61: {  	_ =	shalt  }
0x62: {  	_ =	shalt  }
0x63: {  	_ =	shalt  }
0x64: {  	_ =	shalt  }
0x65: {  	_ =	shalt  }
0x66: {  	_ =	shalt  }
0x67: {  	_ =	shalt  }
0x68: {  	_ =	shalt  }
0x69: {  	_ =	shalt  }
0x6a: {  	_ =	shalt  }
0x6b: {  	_ =	shalt  }
0x6c: {  	_ =	shalt  }
0x6d: {  	_ =	shalt  }
0x6e: {  	_ =	shalt  }
0x6f: {  	_ =	shalt  }
0x70: {  	_ =	shalt  }
0x71: {  	_ =	shalt  }
0x72: {  	_ =	shalt  }
0x73: {  	_ =	shalt  }
0x74: {  	_ =	shalt  }
0x75: {  	_ =	shalt  }
0x76: {  	_ =	shalt  }
0x77: {  	_ =	shalt  }
0x78: {  	_ =	shalt  }
0x79: {  	_ =	shalt  }
0x7a: {  	_ =	shalt  }
0x7b: {  	_ =	shalt  }
0x7c: {  	_ =	shalt  }
0x7d: {  	_ =	shalt  }
0x7e: {  	_ =	shalt  }
0x7f: {  	_ =	shalt  }
0x80: {  	_ =	shalt  }
0x81: {  	_ =	shalt  }
0x82: {  	_ =	shalt  }
0x83: {  	_ =	shalt  }
0x84: {  	_ =	shalt  }
0x85: {  	_ =	shalt  }
0x86: {  	_ =	shalt  }
0x87: {  	_ =	shalt  }
.Lfunc_end0:
.L_simem_size_0:
called_computation.1_lowered:
.L_overlay_start_0:
0x88: {  	s2 =	sld [smem:$0x3FD9]  }
0x89: {  	s3 =	sld [smem:$0x3FFE];
	_ =	sdelay $0x1  }
0x8a: {  	s1 =	srdreg.scid  }
0x8b: {  	s0 =	sand.u32 $0x1, s1  }
0x8c: {  	s16 =	sshll.u32 s0, $0xA;
	s2 =	sadd.s32 s3, s2  }
0x8d: {  	s2 =	sadd.s32 s2, s16  }
0x8e: {  	[smem:$0x3FAF] =	sst s2  }
0x8f: {  	_ = 	snop  }
0x90: {  	(tm) =	ssettm $0x1  }
0x91: {  	s17 =	sld [smem:$0x3FFB];
	_ =	sdelay $0x3  }
0x92: {  	_ =	strace s17  }
0x93: {  	s2 =	sld [smem:$0x3FFC];
	_ =	sdelay $0x3  }
0x94: {  	_ =	strace s2  }
0x95: {  	s2 =	sld [smem:$0x3FFD];
	_ =	sdelay $0x3  }
0x96: {  	_ =	strace s2  }
0x97: {  	_ =	strace $0x8FFFFFFF  }
0x98: {  	s18 =	sld [smem:$0x3FDB];
	_ =	sdelay $0x1  }
0x99: {  	s19 =	simm.s32 $_scs_section_size  }
0x9a: {  	s4 =	simm.s32 $_size__tile_overlayer_lowered;
	s5 =	simm.s32 $_tile_overlayer_lowered  }
0x9b: {  	s22 =	simm.s32 $0x1BFF;
	s21 =	sshll.u32 s5, $0x1;
	s2 =	sadd.s32 s19, s18  }
0x9c: {  	s6 =	simm.s32 $0x0;
	s20 =	sshll.u32 s4, $0x1;
	s4 =	sadd.s32 s21, s2  }
0x9d: {  	[timem:s6], [sflag:s22] =	dma.local [hbm:s4], s20  }
0x9e: {  	_ =	swait.ge [sflag:s22], s20  }
0x9f: {  	s3 =	ssub.s32 $0x0, s20;
	[sflag:s22] =	ssyncset.done $0x0  }
0xa0: {  	[sflag:s22] =	ssyncadd.s32 s3;
	_ =	sdelay $0x1  }
0xa1: {  	s23 =	simm.s32 $0x1B8B  }
0xa2: {  	_ =	swait.ge [sflag:s23], $0x1  }
0xa3: {  	[sflag:s23] =	ssyncset.done $0x0  }
0xa4: {  	s25 =	simm.s32 $0x1B8E;
	s24 =	sld [smem:$0x3FFE];
	[sflag:s23] =	ssyncadd.s32 $0xFFFFFFFF  }
0xa5: {  	s26 =	simm.s32 $execute0_lowered;
	[smem:$0x3FD2] =	sst s25  }
0xa6: {  	s4 =	sshll.u32 s26, $0x1;
	_ =	strace $0x80000049;
	[dreg:$0x1] =	wrdreg $0xFFFFFFFF  }
0xa7: {  	s28 =	simm.s32 $_size_execute0_lowered;
	s2 =	sadd.s32 s2, s4;
	[dreg:$0x0] =	wrdreg $0x0  }
0xa8: {  	s4 =	sshll.u32 s28, $0x1;
	[dreg:$0x2] =	wrdreg s2  }
0xa9: {  	[dreg:$0x3] =	wrdreg s4  }
0xaa: {  	[dreg:$0x4] =	wrdreg $0xC0  }
0xab: {  	_ =	task [dreg:s6], $0x5FFFF  }
0xac: {  	[dreg:$0x1] =	wrdreg $0xFFFFFFFF  }
0xad: {  	[dreg:$0x0] =	wrdreg $0x60  }
0xae: {  	[dreg:$0x2] =	wrdreg s24  }
0xaf: {  	[dreg:$0x3] =	wrdreg $0xA0000  }
0xb0: {  	[dreg:$0x4] =	wrdreg $0x9  }
0xb1: {  	_ =	task.clear_ibuf [dreg:s6], $0x5FFFF;
	_ =	strace $0x90000049  }
0xb2: {  	s29 =	simm.s32 $0x9;
	_ =	strace $0x8000004B  }
0xb3: {  	_ =	swait.ge [sflag:s29], $0x1  }
0xb4: {  	[sflag:s29] =	ssyncadd.s32 $0xFFFFFFFF  }
0xb5: {  	_ =	strace $0x9000004B  }
0xb6: {  	_ =	sfence  }
0xb7: {  	s30 =	sld [smem:$0x0];
	_ =	sdelay $0x2  }
0xb8: {  	s31 =	sshll.u32 s1, $0xD;
	s1 =	sshrl.u32 s1, $0x2  }
0xb9: {  	s3 =	sand.u32 $0x4000, s31;
	s1 =	sadd.s32 s1, s30  }
0xba: {  	s0 =	sor.u32 s3, s0;
	s1 =	sshll.u32 s1, $0x11  }
0xbb: {  	s0 =	sor.u32 s1, s0  }
0xbc: {  	s0 =	sadd.s32 $0x8F2B, s0  }
0xbd: {  	[sflag:s0] =	ssyncadd.remote.s32 $0x1  }
0xbe: {  	_ =	sfence.sel $0xFFFF  }
0xbf: {  	[dreg:$0x0] =	wrdreg $0xFFFFFFFF;
	(pc) =	sbr.abs _section_cstart, $3  }
0xc0: {  	[dreg:$0x1] =	wrdreg $0xFFFFFFFF  }
0xc1: {  	_ =	task.clear_ibuf [dreg:s6], $0x2FFFF;
	_ =	strace $0x9FFFFFFF  }
0xc2: {  	(tm) =	ssettm $0x7FFFFFFF  }
0xc3: {  	_ =	shalt  }
tec
execute0_lowered:
.L_overlay_start_1:
0x0: {  	(tag) =	ssettag $0x1  }
0x1: {  	s8 =	rddreg [dreg:$0x0]  }
0x2: {  	s1 =	rddreg [dreg:$0x1];
	s3 =	simm.s32 $0x0;
	s2 =	stileid.u32  }
0x3: {  	s5 =	srdreg.scid;
	s21 =	simm.s32 $0x1;
	s22 =	simm.s32 $0x6000  }
0x4: {  	s23 =	simm.s32 $0x0;
	[smem:$0x7FF] =	sst s3;
	s4 =	sadd.s32 $0xB4200, s8  }
0x5: {  	s11 =	sshll.u32 s2, $0xC;
	s9 =	smul.u32 $0x2700, s2;
	s10 =	sadd.s32 $0x84200, s8  }
0x6: {  	s12 =	sand.u32 $0x1, s5;
	s16 =	smul.u32 $0x4E000, s2;
	s17 =	sadd.s32 $0x102400, s8  }
0x7: {  	s20 =	sadd.s32 $0x138000, s1;
	p0 =	sne.s32 s2, $0xF;
	s31 =	sshll.u32 s2, $0x6  }
0x8: {  	_ =	strace $0x8000004A;
	s13 =	sadd.s32 s11, s8;
	s26 =	smul.u32 $0x138800, s12  }
0x9: {  	s5 =	ssub.s32 $0x2, s12;
	s14 =	sshll.u32 s12, $0x10;
	s12 =	smul.u32 $0x27100, s12  }
0xa: {  	s7 =	sadd.s32 s9, s8;
	s6 =	sshrl.u32 s5, $0x1;
	s15 =	sor.u32 s11, s14  }
0xb: {  	s25 =	sshrl.u32 s16, $0x2;
	s8 =	sadd.s32 $0x35800, s8;
	s14 =	sadd.s32 s14, s10  }
0xc: {  	s16 =	sor.u32 $0x1C03, s31;
	s18 =	ssub.s32 s5, s6;
	s5 =	sadd.s32 s10, s15  }
0xd: {  	s6 =	sadd.s32 $0xA4200, s13;
	s19 =	sadd.s32 s25, s1;
	s7 =	sadd.s32 $0xE800, s7  }
0xe: {  	s28 =	sshrl.u32 s26, $0x3;
	s9 =	sadd.s32 s9, s12;
	s30 =	sadd.s32 s11, s14  }
0xf: {  	s13 =	sadd.s32 $0xA4300, s13;
	s14 =	simm.s32 $0x3;
	s15 =	simm.s32 $0x1000  }
0x10: {  	s29 =	sadd.s32 s17, s28;
	s9 =	sadd.s32 s17, s9;
	s11 =	smax.u32 s18, $0x1  }
0x11: {  	s12 =	sadd.s32 $0x100, s30;
	s17 =	sshrl.u32 s19, $0x3;
	s18 =	sshrl.u32 @!p0 s20, $0x3  }
0x12: {  	s19 =	simm.s32 $0x80;
	s20 =	simm.s32 $0x2000;
	s10 =	sadd.s32 $0x27000, s29  }
.LBB2_1:
0x13: {  	[tilespmem:s3], [sflag:$0x3] =	stream.linear.gather [hbm4b:s5+s3], $0x500, $0x38;
	[tilespmem:$0x1D8C0] =	vst v63  }
0x14: {  	_ =	swait.ge [sflag:s14], $0x500  }
0x15: {  	[sflag:s14] =	ssyncset.done $0x0  }
0x16: {  	[sflag:s14] =	ssyncadd.s32 $0xFFFFFB00  }
0x17: {  	[tilespmem:s15], [sflag:$0x3] =	stream.linear.gather [hbm4b:s6+s3], $0x500, $0x38;
	[tilespmem:$0x1D8C0] =	vst v63  }
0x18: {  	_ =	swait.ge [sflag:s14], $0x500  }
0x19: {  	[sflag:s14] =	ssyncset.done $0x0  }
0x1a: {  	[sflag:s14] =	ssyncadd.s32 $0xFFFFFB00  }
0x1b: {  	[spmem:s17], [sflag:s16] =	dma.local [hbm:s7], $0x2700  }
0x1c: {  	_ =	swait.ge [sflag:s14], $0x2700  }
0x1d: {  	[sflag:s14] =	ssyncset.done $0x0  }
0x1e: {  	s24 =	simm.s32 @!p0 $0x3;
	[sflag:s14] =	ssyncadd.s32 $0xFFFFD900  }
0x1f: {  	[spmem:s18], [sflag:s16] =	dma.local @!p0 [hbm:s8], $0x100  }
0x20: {  	_ =	swait.ge @!p0 [sflag:s24], $0x100  }
0x21: {  	[sflag:s24] =	ssyncset.done @!p0 $0x0  }
0x22: {  	p1 =	por $0x0, $0x0;
	[sflag:s24] =	ssyncadd.s32 @!p0 $0xFFFFFF00  }
0x23: {  	s24 =	sxor.u32 @!p1 $0xFFFFFFFF, s3;
	[bflag:$0x0] =	sbarrier.arrive $0xFFFF  }
0x24: {  	[tilespmem:s20], [sflag:$0x1] =	stream.indirect.gather [hbm4b:s4+s19], $0x80, s3, s19, $0xb8;
	[tilespmem:$0x1D8C0] =	vst v63  }
0x25: {  	s25 =	simm.s32 @!p1 $0x0;
	s24 =	sand.u32 @!p1 $0x800, s24  }
0x26: {  	[tilespmem:s24], [sflag:$0x2] =	stream.linear.gather @!p1 [hbm4b:s12+s25], $0x500, $0x38;
	[tilespmem:$0x1D8C0] =	vst v63  }
0x27: {  	s26 =	sor.u32 @!p1 $0x1000, s24  }
0x28: {  	[tilespmem:s26], [sflag:$0x2] =	stream.linear.gather @!p1 [hbm4b:s13+s25], $0x500, $0x38;
	[tilespmem:$0x1D8C0] =	vst v63  }
0x29: {  	_ =	swait.ge [sflag:s21], $0x4000  }
0x2a: {  	s25 =	sand.u32 $0x800, s3;
	[sflag:s21] =	ssyncset.done $0x0  }
0x2b: {  	s30 =	sor.u32 $0x80, s25;
	[sflag:s21] =	ssyncadd.s32 $0xFFFFC000  }
0x2c: {  	[tilespmem:s22], [sflag:$0x1] =	stream.indirect.gather [hbm4b:s4+s19], $0x80, s30, s19, $0xb8;
	[tilespmem:$0x1D8C0] =	vst v63  }
0x2d: {  	s31 =	sor.u32 $0x1000, s25  }
0x2e: {  	[spmem:s1] =	stream.indirect.scatter.add.f32 [tilespmem:s20], [sflag:$0x3], $0x80, s31, s19, $0xb8;
	[tilespmem:$0x1D8C0] =	vst v63  }
0x2f: {  	_ =	swait.ge [sflag:s14], $0x4000  }
0x30: {  	[sflag:s14] =	ssyncset.done $0x0  }
0x31: {  	[sflag:s14] =	ssyncadd.s32 $0xFFFFC000  }
0x32: {  	_ =	swait.ge [sflag:s21], $0x4000  }
0x33: {  	[sflag:s21] =	ssyncset.done $0x0  }
0x34: {  	s0 =	sor.u32 $0x100, s25;
	[sflag:s21] =	ssyncadd.s32 $0xFFFFC000  }
0x35: {  	[tilespmem:s20], [sflag:$0x1] =	stream.indirect.gather [hbm4b:s4+s19], $0x80, s0, s19, $0xb8;
	[tilespmem:$0x1D8C0] =	vst v63  }
0x36: {  	s29 =	sor.u32 $0x1080, s25  }
0x37: {  	[spmem:s1] =	stream.indirect.scatter.add.f32 [tilespmem:s22], [sflag:$0x3], $0x80, s29, s19, $0xb8;
	[tilespmem:$0x1D8C0] =	vst v63  }
0x38: {  	_ =	swait.ge [sflag:s14], $0x4000  }
0x39: {  	[sflag:s14] =	ssyncset.done $0x0  }
0x3a: {  	[sflag:s14] =	ssyncadd.s32 $0xFFFFC000  }
0x3b: {  	_ =	swait.ge [sflag:s21], $0x4000  }
0x3c: {  	[sflag:s21] =	ssyncset.done $0x0  }
0x3d: {  	s30 =	sor.u32 $0x180, s25;
	[sflag:s21] =	ssyncadd.s32 $0xFFFFC000  }
0x3e: {  	[tilespmem:s22], [sflag:$0x1] =	stream.indirect.gather [hbm4b:s4+s19], $0x80, s30, s19, $0xb8;
	[tilespmem:$0x1D8C0] =	vst v63  }
0x3f: {  	s31 =	sor.u32 $0x1100, s25  }
0x40: {  	[spmem:s1] =	stream.indirect.scatter.add.f32 [tilespmem:s20], [sflag:$0x3], $0x80, s31, s19, $0xb8;
	[tilespmem:$0x1D8C0] =	vst v63  }
0x41: {  	_ =	swait.ge [sflag:s14], $0x4000  }
0x42: {  	[sflag:s14] =	ssyncset.done $0x0  }
0x43: {  	[sflag:s14] =	ssyncadd.s32 $0xFFFFC000  }
0x44: {  	_ =	swait.ge [sflag:s21], $0x4000  }
0x45: {  	[sflag:s21] =	ssyncset.done $0x0  }
0x46: {  	s0 =	sor.u32 $0x200, s25;
	[sflag:s21] =	ssyncadd.s32 $0xFFFFC000  }
0x47: {  	[tilespmem:s20], [sflag:$0x1] =	stream.indirect.gather [hbm4b:s4+s19], $0x80, s0, s19, $0xb8;
	[tilespmem:$0x1D8C0] =	vst v63  }
0x48: {  	s29 =	sor.u32 $0x1180, s25  }
0x49: {  	[spmem:s1] =	stream.indirect.scatter.add.f32 [tilespmem:s22], [sflag:$0x3], $0x80, s29, s19, $0xb8;
	[tilespmem:$0x1D8C0] =	vst v63  }
0x4a: {  	_ =	swait.ge [sflag:s14], $0x4000  }
0x4b: {  	[sflag:s14] =	ssyncset.done $0x0  }
0x4c: {  	[sflag:s14] =	ssyncadd.s32 $0xFFFFC000  }
0x4d: {  	_ =	swait.ge [sflag:s21], $0x4000  }
0x4e: {  	[sflag:s21] =	ssyncset.done $0x0  }
0x4f: {  	s30 =	sor.u32 $0x280, s25;
	[sflag:s21] =	ssyncadd.s32 $0xFFFFC000  }
0x50: {  	[tilespmem:s22], [sflag:$0x1] =	stream.indirect.gather [hbm4b:s4+s19], $0x80, s30, s19, $0xb8;
	[tilespmem:$0x1D8C0] =	vst v63  }
0x51: {  	s31 =	sor.u32 $0x1200, s25  }
0x52: {  	[spmem:s1] =	stream.indirect.scatter.add.f32 [tilespmem:s20], [sflag:$0x3], $0x80, s31, s19, $0xb8;
	[tilespmem:$0x1D8C0] =	vst v63  }
0x53: {  	_ =	swait.ge [sflag:s14], $0x4000  }
0x54: {  	[sflag:s14] =	ssyncset.done $0x0  }
0x55: {  	[sflag:s14] =	ssyncadd.s32 $0xFFFFC000  }
0x56: {  	_ =	swait.ge [sflag:s21], $0x4000  }
0x57: {  	[sflag:s21] =	ssyncset.done $0x0  }
0x58: {  	s0 =	sor.u32 $0x300, s25;
	[sflag:s21] =	ssyncadd.s32 $0xFFFFC000  }
0x59: {  	[tilespmem:s20], [sflag:$0x1] =	stream.indirect.gather [hbm4b:s4+s19], $0x80, s0, s19, $0xb8;
	[tilespmem:$0x1D8C0] =	vst v63  }
0x5a: {  	s29 =	sor.u32 $0x1280, s25  }
0x5b: {  	[spmem:s1] =	stream.indirect.scatter.add.f32 [tilespmem:s22], [sflag:$0x3], $0x80, s29, s19, $0xb8;
	[tilespmem:$0x1D8C0] =	vst v63  }
0x5c: {  	_ =	swait.ge [sflag:s14], $0x4000  }
0x5d: {  	[sflag:s14] =	ssyncset.done $0x0  }
0x5e: {  	[sflag:s14] =	ssyncadd.s32 $0xFFFFC000  }
0x5f: {  	_ =	swait.ge [sflag:s21], $0x4000  }
0x60: {  	[sflag:s21] =	ssyncset.done $0x0  }
0x61: {  	s30 =	sor.u32 $0x380, s25;
	[sflag:s21] =	ssyncadd.s32 $0xFFFFC000  }
0x62: {  	[tilespmem:s22], [sflag:$0x1] =	stream.indirect.gather [hbm4b:s4+s19], $0x80, s30, s19, $0xb8;
	[tilespmem:$0x1D8C0] =	vst v63  }
0x63: {  	s31 =	sor.u32 $0x1300, s25  }
0x64: {  	[spmem:s1] =	stream.indirect.scatter.add.f32 [tilespmem:s20], [sflag:$0x3], $0x80, s31, s19, $0xb8;
	[tilespmem:$0x1D8C0] =	vst v63  }
0x65: {  	_ =	swait.ge [sflag:s14], $0x4000  }
0x66: {  	[sflag:s14] =	ssyncset.done $0x0  }
0x67: {  	[sflag:s14] =	ssyncadd.s32 $0xFFFFC000  }
0x68: {  	_ =	swait.ge [sflag:s21], $0x4000  }
0x69: {  	[sflag:s21] =	ssyncset.done $0x0  }
0x6a: {  	s0 =	sor.u32 $0x400, s25;
	[sflag:s21] =	ssyncadd.s32 $0xFFFFC000  }
0x6b: {  	[tilespmem:s20], [sflag:$0x1] =	stream.indirect.gather [hbm4b:s4+s19], $0x80, s0, s19, $0xb8;
	[tilespmem:$0x1D8C0] =	vst v63  }
0x6c: {  	s29 =	sor.u32 $0x1380, s25  }
0x6d: {  	[spmem:s1] =	stream.indirect.scatter.add.f32 [tilespmem:s22], [sflag:$0x3], $0x80, s29, s19, $0xb8;
	[tilespmem:$0x1D8C0] =	vst v63  }
0x6e: {  	_ =	swait.ge [sflag:s14], $0x4000  }
0x6f: {  	[sflag:s14] =	ssyncset.done $0x0  }
0x70: {  	[sflag:s14] =	ssyncadd.s32 $0xFFFFC000  }
0x71: {  	_ =	swait.ge [sflag:s21], $0x4000  }
0x72: {  	[sflag:s21] =	ssyncset.done $0x0  }
0x73: {  	s30 =	sor.u32 $0x480, s25;
	[sflag:s21] =	ssyncadd.s32 $0xFFFFC000  }
0x74: {  	[tilespmem:s22], [sflag:$0x1] =	stream.indirect.gather [hbm4b:s4+s19], $0x80, s30, s19, $0xb8;
	[tilespmem:$0x1D8C0] =	vst v63  }
0x75: {  	s31 =	sor.u32 $0x1400, s25  }
0x76: {  	[spmem:s1] =	stream.indirect.scatter.add.f32 [tilespmem:s20], [sflag:$0x3], $0x80, s31, s19, $0xb8;
	[tilespmem:$0x1D8C0] =	vst v63  }
0x77: {  	_ =	swait.ge [sflag:s14], $0x4000  }
0x78: {  	[sflag:s14] =	ssyncset.done $0x0  }
0x79: {  	[sflag:s14] =	ssyncadd.s32 $0xFFFFC000  }
0x7a: {  	_ =	swait.ge [sflag:s21], $0x4000  }
0x7b: {  	[sflag:s21] =	ssyncset.done $0x0  }
0x7c: {  	s26 =	simm.s32 @!p1 $0x2;
	[sflag:s21] =	ssyncadd.s32 $0xFFFFC000  }
0x7d: {  	_ =	swait.ge @!p1 [sflag:s26], $0x500  }
0x7e: {  	[sflag:s26] =	ssyncset.done @!p1 $0x0  }
0x7f: {  	[sflag:s26] =	ssyncadd.s32 @!p1 $0xFFFFFB00  }
0x80: {  	_ =	swait.ge @!p1 [sflag:s26], $0x500  }
0x81: {  	[sflag:s26] =	ssyncset.done @!p1 $0x0  }
0x82: {  	s28 =	simm.s32 @!p1 $0x2000;
	[sflag:s26] =	ssyncadd.s32 @!p1 $0xFFFFFB00;
	s26 =	simm.s32 @!p1 $0x80  }
0x83: {  	[tilespmem:s28], [sflag:$0x1] =	stream.indirect.gather @!p1 [hbm4b:s4+s26], $0x80, s24, s26, $0xb8;
	[tilespmem:$0x1D8C0] =	vst v63  }
0x84: {  	s25 =	sadd.s32 $0x1480, s25;
	s24 =	simm.s32 $0x800  }
0x85: {  	[spmem:s1] =	stream.indirect.scatter.add.f32 [tilespmem:s22], [sflag:$0x3], $0x80, s25, s19, $0xb8;
	[tilespmem:$0x1D8C0] =	vst v63  }
0x86: {  	s28 =	simm.s32 $0x1000;
	p1 =	por $0x0, $0x0;
	_ =	swait.ge [sflag:s14], $0x4000  }
0x87: {  	s26 =	sadd.s32 $0x100, s12;
	s25 =	sadd.s32 $0x100, s13;
	[sflag:s14] =	ssyncset.done $0x0  }
.LBB2_2:
0x88: {  	s29 =	sxor.u32 @!p1 $0xFFFFFFFF, s24  }
0x89: {  	[sflag:s14] =	ssyncadd.s32 $0xFFFFC000;
	s31 =	smov.u32 s28;
	s28 =	sadd.s32 $0x800, s28  }
0x8a: {  	s30 =	simm.s32 @!p1 $0x0;
	p2 =	sne.s32 s28, $0x8000;
	s29 =	sand.u32 @!p1 $0x800, s29  }
0x8b: {  	[tilespmem:s29], [sflag:$0x2] =	stream.linear.gather @!p1 [hbm4b:s26+s30], $0x500, $0x38;
	[tilespmem:$0x1D8C0] =	vst v63  }
0x8c: {  	s0 =	sor.u32 @!p1 $0x1000, s29  }
0x8d: {  	[tilespmem:s0], [sflag:$0x2] =	stream.linear.gather @!p1 [hbm4b:s25+s30], $0x500, $0x38;
	[tilespmem:$0x1D8C0] =	vst v63  }
0x8e: {  	_ =	swait.ge [sflag:s21], $0x4000  }
0x8f: {  	s30 =	sand.u32 $0x800, s24;
	s24 =	smov.u32 s31;
	[sflag:s21] =	ssyncset.done $0x0  }
0x90: {  	s0 =	sor.u32 $0x80, s30;
	[sflag:s21] =	ssyncadd.s32 $0xFFFFC000  }
0x91: {  	[tilespmem:s22], [sflag:$0x1] =	stream.indirect.gather [hbm4b:s4+s19], $0x80, s0, s19, $0xb8;
	[tilespmem:$0x1D8C0] =	vst v63  }
0x92: {  	s0 =	sor.u32 $0x1000, s30  }
0x93: {  	[spmem:s1] =	stream.indirect.scatter.add.f32 [tilespmem:s20], [sflag:$0x3], $0x80, s0, s19, $0xb8;
	[tilespmem:$0x1D8C0] =	vst v63  }
0x94: {  	_ =	swait.ge [sflag:s14], $0x4000  }
0x95: {  	[sflag:s14] =	ssyncset.done $0x0  }
0x96: {  	[sflag:s14] =	ssyncadd.s32 $0xFFFFC000  }
0x97: {  	_ =	swait.ge [sflag:s21], $0x4000  }
0x98: {  	[sflag:s21] =	ssyncset.done $0x0  }
0x99: {  	s0 =	sor.u32 $0x100, s30;
	[sflag:s21] =	ssyncadd.s32 $0xFFFFC000  }
0x9a: {  	[tilespmem:s20], [sflag:$0x1] =	stream.indirect.gather [hbm4b:s4+s19], $0x80, s0, s19, $0xb8;
	[tilespmem:$0x1D8C0] =	vst v63  }
0x9b: {  	s0 =	sor.u32 $0x1080, s30  }
0x9c: {  	[spmem:s1] =	stream.indirect.scatter.add.f32 [tilespmem:s22], [sflag:$0x3], $0x80, s0, s19, $0xb8;
	[tilespmem:$0x1D8C0] =	vst v63  }
0x9d: {  	_ =	swait.ge [sflag:s14], $0x4000  }
0x9e: {  	[sflag:s14] =	ssyncset.done $0x0  }
0x9f: {  	[sflag:s14] =	ssyncadd.s32 $0xFFFFC000  }
0xa0: {  	_ =	swait.ge [sflag:s21], $0x4000  }
0xa1: {  	[sflag:s21] =	ssyncset.done $0x0  }
0xa2: {  	s0 =	sor.u32 $0x180, s30;
	[sflag:s21] =	ssyncadd.s32 $0xFFFFC000  }
0xa3: {  	[tilespmem:s22], [sflag:$0x1] =	stream.indirect.gather [hbm4b:s4+s19], $0x80, s0, s19, $0xb8;
	[tilespmem:$0x1D8C0] =	vst v63  }
0xa4: {  	s0 =	sor.u32 $0x1100, s30  }
0xa5: {  	[spmem:s1] =	stream.indirect.scatter.add.f32 [tilespmem:s20], [sflag:$0x3], $0x80, s0, s19, $0xb8;
	[tilespmem:$0x1D8C0] =	vst v63  }
0xa6: {  	_ =	swait.ge [sflag:s14], $0x4000  }
0xa7: {  	[sflag:s14] =	ssyncset.done $0x0  }
0xa8: {  	[sflag:s14] =	ssyncadd.s32 $0xFFFFC000  }
0xa9: {  	_ =	swait.ge [sflag:s21], $0x4000  }
0xaa: {  	[sflag:s21] =	ssyncset.done $0x0  }
0xab: {  	s0 =	sor.u32 $0x200, s30;
	[sflag:s21] =	ssyncadd.s32 $0xFFFFC000  }
0xac: {  	[tilespmem:s20], [sflag:$0x1] =	stream.indirect.gather [hbm4b:s4+s19], $0x80, s0, s19, $0xb8;
	[tilespmem:$0x1D8C0] =	vst v63  }
0xad: {  	s0 =	sor.u32 $0x1180, s30  }
0xae: {  	[spmem:s1] =	stream.indirect.scatter.add.f32 [tilespmem:s22], [sflag:$0x3], $0x80, s0, s19, $0xb8;
	[tilespmem:$0x1D8C0] =	vst v63  }
0xaf: {  	_ =	swait.ge [sflag:s14], $0x4000  }
0xb0: {  	[sflag:s14] =	ssyncset.done $0x0  }
0xb1: {  	[sflag:s14] =	ssyncadd.s32 $0xFFFFC000  }
0xb2: {  	_ =	swait.ge [sflag:s21], $0x4000  }
0xb3: {  	[sflag:s21] =	ssyncset.done $0x0  }
0xb4: {  	s0 =	sor.u32 $0x280, s30;
	[sflag:s21] =	ssyncadd.s32 $0xFFFFC000  }
0xb5: {  	[tilespmem:s22], [sflag:$0x1] =	stream.indirect.gather [hbm4b:s4+s19], $0x80, s0, s19, $0xb8;
	[tilespmem:$0x1D8C0] =	vst v63  }
0xb6: {  	s0 =	sor.u32 $0x1200, s30  }
0xb7: {  	[spmem:s1] =	stream.indirect.scatter.add.f32 [tilespmem:s20], [sflag:$0x3], $0x80, s0, s19, $0xb8;
	[tilespmem:$0x1D8C0] =	vst v63  }
0xb8: {  	_ =	swait.ge [sflag:s14], $0x4000  }
0xb9: {  	[sflag:s14] =	ssyncset.done $0x0  }
0xba: {  	[sflag:s14] =	ssyncadd.s32 $0xFFFFC000  }
0xbb: {  	_ =	swait.ge [sflag:s21], $0x4000  }
0xbc: {  	[sflag:s21] =	ssyncset.done $0x0  }
0xbd: {  	s0 =	sor.u32 $0x300, s30;
	[sflag:s21] =	ssyncadd.s32 $0xFFFFC000  }
0xbe: {  	[tilespmem:s20], [sflag:$0x1] =	stream.indirect.gather [hbm4b:s4+s19], $0x80, s0, s19, $0xb8;
	[tilespmem:$0x1D8C0] =	vst v63  }
0xbf: {  	s0 =	sor.u32 $0x1280, s30  }
0xc0: {  	[spmem:s1] =	stream.indirect.scatter.add.f32 [tilespmem:s22], [sflag:$0x3], $0x80, s0, s19, $0xb8;
	[tilespmem:$0x1D8C0] =	vst v63  }
0xc1: {  	_ =	swait.ge [sflag:s14], $0x4000  }
0xc2: {  	[sflag:s14] =	ssyncset.done $0x0  }
0xc3: {  	[sflag:s14] =	ssyncadd.s32 $0xFFFFC000  }
0xc4: {  	_ =	swait.ge [sflag:s21], $0x4000  }
0xc5: {  	[sflag:s21] =	ssyncset.done $0x0  }
0xc6: {  	s0 =	sor.u32 $0x380, s30;
	[sflag:s21] =	ssyncadd.s32 $0xFFFFC000  }
0xc7: {  	[tilespmem:s22], [sflag:$0x1] =	stream.indirect.gather [hbm4b:s4+s19], $0x80, s0, s19, $0xb8;
	[tilespmem:$0x1D8C0] =	vst v63  }
0xc8: {  	s0 =	sor.u32 $0x1300, s30  }
0xc9: {  	[spmem:s1] =	stream.indirect.scatter.add.f32 [tilespmem:s20], [sflag:$0x3], $0x80, s0, s19, $0xb8;
	[tilespmem:$0x1D8C0] =	vst v63  }
0xca: {  	_ =	swait.ge [sflag:s14], $0x4000  }
0xcb: {  	[sflag:s14] =	ssyncset.done $0x0  }
0xcc: {  	[sflag:s14] =	ssyncadd.s32 $0xFFFFC000  }
0xcd: {  	_ =	swait.ge [sflag:s21], $0x4000  }
0xce: {  	[sflag:s21] =	ssyncset.done $0x0  }
0xcf: {  	s0 =	sor.u32 $0x400, s30;
	[sflag:s21] =	ssyncadd.s32 $0xFFFFC000  }
0xd0: {  	[tilespmem:s20], [sflag:$0x1] =	stream.indirect.gather [hbm4b:s4+s19], $0x80, s0, s19, $0xb8;
	[tilespmem:$0x1D8C0] =	vst v63  }
0xd1: {  	s0 =	sor.u32 $0x1380, s30  }
0xd2: {  	[spmem:s1] =	stream.indirect.scatter.add.f32 [tilespmem:s22], [sflag:$0x3], $0x80, s0, s19, $0xb8;
	[tilespmem:$0x1D8C0] =	vst v63  }
0xd3: {  	_ =	swait.ge [sflag:s14], $0x4000  }
0xd4: {  	[sflag:s14] =	ssyncset.done $0x0  }
0xd5: {  	[sflag:s14] =	ssyncadd.s32 $0xFFFFC000  }
0xd6: {  	_ =	swait.ge [sflag:s21], $0x4000  }
0xd7: {  	[sflag:s21] =	ssyncset.done $0x0  }
0xd8: {  	s0 =	sor.u32 $0x480, s30;
	[sflag:s21] =	ssyncadd.s32 $0xFFFFC000  }
0xd9: {  	[tilespmem:s22], [sflag:$0x1] =	stream.indirect.gather [hbm4b:s4+s19], $0x80, s0, s19, $0xb8;
	[tilespmem:$0x1D8C0] =	vst v63  }
0xda: {  	s0 =	sor.u32 $0x1400, s30  }
0xdb: {  	[spmem:s1] =	stream.indirect.scatter.add.f32 [tilespmem:s20], [sflag:$0x3], $0x80, s0, s19, $0xb8;
	[tilespmem:$0x1D8C0] =	vst v63  }
0xdc: {  	_ =	swait.ge [sflag:s14], $0x4000  }
0xdd: {  	[sflag:s14] =	ssyncset.done $0x0  }
0xde: {  	[sflag:s14] =	ssyncadd.s32 $0xFFFFC000  }
0xdf: {  	_ =	swait.ge [sflag:s21], $0x4000  }
0xe0: {  	[sflag:s21] =	ssyncset.done $0x0  }
0xe1: {  	s0 =	simm.s32 @!p1 $0x2;
	[sflag:s21] =	ssyncadd.s32 $0xFFFFC000  }
0xe2: {  	_ =	swait.ge @!p1 [sflag:s0], $0x500  }
0xe3: {  	[sflag:s0] =	ssyncset.done @!p1 $0x0  }
0xe4: {  	[sflag:s0] =	ssyncadd.s32 @!p1 $0xFFFFFB00  }
0xe5: {  	_ =	swait.ge @!p1 [sflag:s0], $0x500  }
0xe6: {  	[sflag:s0] =	ssyncset.done @!p1 $0x0  }
0xe7: {  	s31 =	simm.s32 @!p1 $0x2000;
	[sflag:s0] =	ssyncadd.s32 @!p1 $0xFFFFFB00;
	s0 =	simm.s32 @!p1 $0x80  }
0xe8: {  	[tilespmem:s31], [sflag:$0x1] =	stream.indirect.gather @!p1 [hbm4b:s4+s0], $0x80, s29, s0, $0xb8;
	[tilespmem:$0x1D8C0] =	vst v63  }
.Ltmp0:
0xe9: {  	_ = 	snop;
	(pc) =	sbr.rel @p2 .LBB2_2-.Ltmp0, $4  }
0xea: {  	s0 =	sadd.s32 $0x1480, s30  }
0xeb: {  	[spmem:s1] =	stream.indirect.scatter.add.f32 [tilespmem:s22], [sflag:$0x3], $0x80, s0, s19, $0xb8;
	[tilespmem:$0x1D8C0] =	vst v63  }
0xec: {  	s25 =	sadd.s32 $0x100, s25;
	_ =	swait.ge [sflag:s14], $0x4000  }
0xed: {  	s26 =	sadd.s32 $0x100, s26;
	p1 =	seq.s32 s24, $0x7800;
	[sflag:s14] =	ssyncset.done $0x0  }
0xee: {  	s0 =	sxor.u32 @!p1 $0xFFFFFFFF, s24  }
0xef: {  	[sflag:s14] =	ssyncadd.s32 $0xFFFFC000;
	s28 =	sand.u32 @!p1 $0x800, s0;
	s0 =	simm.s32 @!p1 $0x0  }
0xf0: {  	[tilespmem:s28], [sflag:$0x2] =	stream.linear.gather @!p1 [hbm4b:s26+s0], $0x500, $0x38;
	[tilespmem:$0x1D8C0] =	vst v63  }
0xf1: {  	s26 =	sor.u32 @!p1 $0x1000, s28  }
0xf2: {  	[tilespmem:s26], [sflag:$0x2] =	stream.linear.gather @!p1 [hbm4b:s25+s0], $0x500, $0x38;
	[tilespmem:$0x1D8C0] =	vst v63  }
0xf3: {  	_ =	swait.ge [sflag:s21], $0x4000  }
0xf4: {  	s24 =	sand.u32 $0x800, s24;
	[sflag:s21] =	ssyncset.done $0x0  }
0xf5: {  	s26 =	sor.u32 $0x80, s24;
	[sflag:s21] =	ssyncadd.s32 $0xFFFFC000  }
0xf6: {  	[tilespmem:s22], [sflag:$0x1] =	stream.indirect.gather [hbm4b:s4+s19], $0x80, s26, s19, $0xb8;
	[tilespmem:$0x1D8C0] =	vst v63  }
0xf7: {  	s29 =	sor.u32 $0x1000, s24  }
0xf8: {  	[spmem:s1] =	stream.indirect.scatter.add.f32 [tilespmem:s20], [sflag:$0x3], $0x80, s29, s19, $0xb8;
	[tilespmem:$0x1D8C0] =	vst v63  }
0xf9: {  	_ =	swait.ge [sflag:s14], $0x4000  }
0xfa: {  	[sflag:s14] =	ssyncset.done $0x0  }
0xfb: {  	[sflag:s14] =	ssyncadd.s32 $0xFFFFC000  }
0xfc: {  	_ =	swait.ge [sflag:s21], $0x4000  }
0xfd: {  	[sflag:s21] =	ssyncset.done $0x0  }
0xfe: {  	s30 =	sor.u32 $0x100, s24;
	[sflag:s21] =	ssyncadd.s32 $0xFFFFC000  }
0xff: {  	[tilespmem:s20], [sflag:$0x1] =	stream.indirect.gather [hbm4b:s4+s19], $0x80, s30, s19, $0xb8;
	[tilespmem:$0x1D8C0] =	vst v63  }
0x100: {  	s31 =	sor.u32 $0x1080, s24  }
0x101: {  	[spmem:s1] =	stream.indirect.scatter.add.f32 [tilespmem:s22], [sflag:$0x3], $0x80, s31, s19, $0xb8;
	[tilespmem:$0x1D8C0] =	vst v63  }
0x102: {  	_ =	swait.ge [sflag:s14], $0x4000  }
0x103: {  	[sflag:s14] =	ssyncset.done $0x0  }
0x104: {  	[sflag:s14] =	ssyncadd.s32 $0xFFFFC000  }
0x105: {  	_ =	swait.ge [sflag:s21], $0x4000  }
0x106: {  	[sflag:s21] =	ssyncset.done $0x0  }
0x107: {  	s25 =	sor.u32 $0x180, s24;
	[sflag:s21] =	ssyncadd.s32 $0xFFFFC000  }
0x108: {  	[tilespmem:s22], [sflag:$0x1] =	stream.indirect.gather [hbm4b:s4+s19], $0x80, s25, s19, $0xb8;
	[tilespmem:$0x1D8C0] =	vst v63  }
0x109: {  	s26 =	sor.u32 $0x1100, s24  }
0x10a: {  	[spmem:s1] =	stream.indirect.scatter.add.f32 [tilespmem:s20], [sflag:$0x3], $0x80, s26, s19, $0xb8;
	[tilespmem:$0x1D8C0] =	vst v63  }
0x10b: {  	_ =	swait.ge [sflag:s14], $0x4000  }
0x10c: {  	[sflag:s14] =	ssyncset.done $0x0  }
0x10d: {  	[sflag:s14] =	ssyncadd.s32 $0xFFFFC000  }
0x10e: {  	_ =	swait.ge [sflag:s21], $0x4000  }
0x10f: {  	[sflag:s21] =	ssyncset.done $0x0  }
0x110: {  	s29 =	sor.u32 $0x200, s24;
	[sflag:s21] =	ssyncadd.s32 $0xFFFFC000  }
0x111: {  	[tilespmem:s20], [sflag:$0x1] =	stream.indirect.gather [hbm4b:s4+s19], $0x80, s29, s19, $0xb8;
	[tilespmem:$0x1D8C0] =	vst v63  }
0x112: {  	s30 =	sor.u32 $0x1180, s24  }
0x113: {  	[spmem:s1] =	stream.indirect.scatter.add.f32 [tilespmem:s22], [sflag:$0x3], $0x80, s30, s19, $0xb8;
	[tilespmem:$0x1D8C0] =	vst v63  }
0x114: {  	_ =	swait.ge [sflag:s14], $0x4000  }
0x115: {  	[sflag:s14] =	ssyncset.done $0x0  }
0x116: {  	[sflag:s14] =	ssyncadd.s32 $0xFFFFC000  }
0x117: {  	_ =	swait.ge [sflag:s21], $0x4000  }
0x118: {  	[sflag:s21] =	ssyncset.done $0x0  }
0x119: {  	s31 =	sor.u32 $0x280, s24;
	[sflag:s21] =	ssyncadd.s32 $0xFFFFC000  }
0x11a: {  	[tilespmem:s22], [sflag:$0x1] =	stream.indirect.gather [hbm4b:s4+s19], $0x80, s31, s19, $0xb8;
	[tilespmem:$0x1D8C0] =	vst v63  }
0x11b: {  	s25 =	sor.u32 $0x1200, s24  }
0x11c: {  	[spmem:s1] =	stream.indirect.scatter.add.f32 [tilespmem:s20], [sflag:$0x3], $0x80, s25, s19, $0xb8;
	[tilespmem:$0x1D8C0] =	vst v63  }
0x11d: {  	_ =	swait.ge [sflag:s14], $0x4000  }
0x11e: {  	[sflag:s14] =	ssyncset.done $0x0  }
0x11f: {  	[sflag:s14] =	ssyncadd.s32 $0xFFFFC000  }
0x120: {  	_ =	swait.ge [sflag:s21], $0x4000  }
0x121: {  	[sflag:s21] =	ssyncset.done $0x0  }
0x122: {  	s26 =	sor.u32 $0x300, s24;
	[sflag:s21] =	ssyncadd.s32 $0xFFFFC000  }
0x123: {  	[tilespmem:s20], [sflag:$0x1] =	stream.indirect.gather [hbm4b:s4+s19], $0x80, s26, s19, $0xb8;
	[tilespmem:$0x1D8C0] =	vst v63  }
0x124: {  	s29 =	sor.u32 $0x1280, s24  }
0x125: {  	[spmem:s1] =	stream.indirect.scatter.add.f32 [tilespmem:s22], [sflag:$0x3], $0x80, s29, s19, $0xb8;
	[tilespmem:$0x1D8C0] =	vst v63  }
0x126: {  	_ =	swait.ge [sflag:s14], $0x4000  }
0x127: {  	[sflag:s14] =	ssyncset.done $0x0  }
0x128: {  	[sflag:s14] =	ssyncadd.s32 $0xFFFFC000  }
0x129: {  	_ =	swait.ge [sflag:s21], $0x4000  }
0x12a: {  	[sflag:s21] =	ssyncset.done $0x0  }
0x12b: {  	s30 =	sor.u32 $0x380, s24;
	[sflag:s21] =	ssyncadd.s32 $0xFFFFC000  }
0x12c: {  	[tilespmem:s22], [sflag:$0x1] =	stream.indirect.gather [hbm4b:s4+s19], $0x80, s30, s19, $0xb8;
	[tilespmem:$0x1D8C0] =	vst v63  }
0x12d: {  	s31 =	sor.u32 $0x1300, s24  }
0x12e: {  	[spmem:s1] =	stream.indirect.scatter.add.f32 [tilespmem:s20], [sflag:$0x3], $0x80, s31, s19, $0xb8;
	[tilespmem:$0x1D8C0] =	vst v63  }
0x12f: {  	_ =	swait.ge [sflag:s14], $0x4000  }
0x130: {  	[sflag:s14] =	ssyncset.done $0x0  }
0x131: {  	[sflag:s14] =	ssyncadd.s32 $0xFFFFC000  }
0x132: {  	_ =	swait.ge [sflag:s21], $0x4000  }
0x133: {  	[sflag:s21] =	ssyncset.done $0x0  }
0x134: {  	s25 =	sor.u32 $0x400, s24;
	[sflag:s21] =	ssyncadd.s32 $0xFFFFC000  }
0x135: {  	[tilespmem:s20], [sflag:$0x1] =	stream.indirect.gather [hbm4b:s4+s19], $0x80, s25, s19, $0xb8;
	[tilespmem:$0x1D8C0] =	vst v63  }
0x136: {  	s26 =	sor.u32 $0x1380, s24  }
0x137: {  	[spmem:s1] =	stream.indirect.scatter.add.f32 [tilespmem:s22], [sflag:$0x3], $0x80, s26, s19, $0xb8;
	[tilespmem:$0x1D8C0] =	vst v63  }
0x138: {  	_ =	swait.ge [sflag:s14], $0x4000  }
0x139: {  	[sflag:s14] =	ssyncset.done $0x0  }
0x13a: {  	[sflag:s14] =	ssyncadd.s32 $0xFFFFC000  }
0x13b: {  	_ =	swait.ge [sflag:s21], $0x4000  }
0x13c: {  	[sflag:s21] =	ssyncset.done $0x0  }
0x13d: {  	s29 =	sor.u32 $0x480, s24;
	[sflag:s21] =	ssyncadd.s32 $0xFFFFC000  }
0x13e: {  	[tilespmem:s22], [sflag:$0x1] =	stream.indirect.gather [hbm4b:s4+s19], $0x80, s29, s19, $0xb8;
	[tilespmem:$0x1D8C0] =	vst v63  }
0x13f: {  	s30 =	sor.u32 $0x1400, s24  }
0x140: {  	[spmem:s1] =	stream.indirect.scatter.add.f32 [tilespmem:s20], [sflag:$0x3], $0x80, s30, s19, $0xb8;
	[tilespmem:$0x1D8C0] =	vst v63  }
0x141: {  	_ =	swait.ge [sflag:s14], $0x4000  }
0x142: {  	[sflag:s14] =	ssyncset.done $0x0  }
0x143: {  	[sflag:s14] =	ssyncadd.s32 $0xFFFFC000  }
0x144: {  	_ =	swait.ge [sflag:s21], $0x4000  }
0x145: {  	[sflag:s21] =	ssyncset.done $0x0  }
0x146: {  	s0 =	simm.s32 @!p1 $0x2;
	[sflag:s21] =	ssyncadd.s32 $0xFFFFC000  }
0x147: {  	_ =	swait.ge @!p1 [sflag:s0], $0x500  }
0x148: {  	[sflag:s0] =	ssyncset.done @!p1 $0x0  }
0x149: {  	[sflag:s0] =	ssyncadd.s32 @!p1 $0xFFFFFB00  }
0x14a: {  	_ =	swait.ge @!p1 [sflag:s0], $0x500  }
0x14b: {  	[sflag:s0] =	ssyncset.done @!p1 $0x0  }
0x14c: {  	s25 =	simm.s32 @!p1 $0x2000;
	[sflag:s0] =	ssyncadd.s32 @!p1 $0xFFFFFB00;
	s0 =	simm.s32 @!p1 $0x80  }
0x14d: {  	[tilespmem:s25], [sflag:$0x1] =	stream.indirect.gather @!p1 [hbm4b:s4+s0], $0x80, s28, s0, $0xb8;
	[tilespmem:$0x1D8C0] =	vst v63  }
0x14e: {  	s31 =	sadd.s32 $0x1480, s24  }
0x14f: {  	[spmem:s1] =	stream.indirect.scatter.add.f32 [tilespmem:s22], [sflag:$0x3], $0x80, s31, s19, $0xb8;
	[tilespmem:$0x1D8C0] =	vst v63  }
0x150: {  	_ =	swait.ge [sflag:s14], $0x4000  }
0x151: {  	[sflag:s14] =	ssyncset.done $0x0  }
0x152: {  	[sflag:s14] =	ssyncadd.s32 $0xFFFFC000  }
0x153: {  	[bflag:$0x0] =	sbarrier.arrive $0xFFFF  }
0x154: {  	[hbm:s9], [sflag:s16] =	dma.local [spmem:s17], $0x2700  }
0x155: {  	s23 =	sadd.s32 $0x1, s23;
	_ =	swait.ge [sflag:s14], $0x2700  }
0x156: {  	p1 =	sne.s32 s23, s11;
	[sflag:s14] =	ssyncset.done $0x0  }
.Ltmp1:
0x157: {  	s0 =	simm.s32 @!p0 $0x3;
	[sflag:s14] =	ssyncadd.s32 $0xFFFFD900;
	(pc) =	sbr.rel @p1 .LBB2_1-.Ltmp1, $4  }
0x158: {  	[hbm:s10], [sflag:s16] =	dma.local @!p0 [spmem:s18], $0x100  }
0x159: {  	_ =	swait.ge @!p0 [sflag:s0], $0x100  }
0x15a: {  	[sflag:s0] =	ssyncset.done @!p0 $0x0  }
0x15b: {  	[sflag:s0] =	ssyncadd.s32 @!p0 $0xFFFFFF00  }
0x15c: {  	_ =	sfence.sel $0x180000  }
0x15d: {  	[bflag:$0x0] =	sbarrier.arrive $0xFFFF  }
0x15e: {  	_ =	strace $0x9000004A  }
0x15f: {  	[bflag:$0x2] =	sbarrier.arrive $0xFFFF  }
0x160: {  	p0 =	sne.s32 s2, $0x0;
	s0 =	rddreg [dreg:$0x2]  }
0x161: {  	s0 =	sadd.s32 @!p0 $0x100000, s0  }
0x162: {  	[sflag:s0] =	ssyncadd.tile.s32 @!p0 $0x1;
	_ =	shalt  }
.Lfunc_end2:
_tile_overlayer_lowered:
.L_overlay_start_2:
0x163: {  	(tag) =	ssettag $0x2  }
0x164: {  	s0 =	rddreg [dreg:$0x0];
	s2 =	stileid.u32  }
0x165: {  	s1 =	rddreg [dreg:$0x1];
	p0 =	sne.s32 s2, $0x0  }
0x166: {  	s3 =	rddreg [dreg:$0x2];
	[bflag:$0x3] =	sbarrier.arrive $0xFFFF;
	s2 =	simm.s32 @!p0 $0x1C03  }
0x167: {  	[timem:s3], [sflag:s2] =	dma.local @!p0 [hbm:s0], s1  }
0x168: {  	s0 =	simm.s32 @!p0 $0x3  }
0x169: {  	_ =	swait.ge @!p0 [sflag:s0], s1  }
0x16a: {  	s1 =	ssub.s32 @!p0 $0x0, s1;
	[sflag:s0] =	ssyncset.done @!p0 $0x0  }
0x16b: {  	[sflag:s0] =	ssyncadd.s32 @!p0 s1  }
0x16c: {  	[bflag:$0x3] =	sbarrier.arrive $0xFFFF  }
0x16d: {  	_ =	shalt  }

// kernel: kernel.20.cloned.1.call-start
scs
__scs_entry_jumppad:
0x0: {  	(pc) =	sbr.rel $0x88, $3  }
0x1: {  	(tag) =	ssettag $0x0;
	lr =	simm.s32 $0x1  }
0x2: {  	[smem:$0x3F88] =	sst lr;
	_ =	strace $0xD0000000  }
0x3: {  	_ = 	snop  }
0x4: {  	_ = 	snop  }
0x5: {  	_ = 	snop  }
0x6: {  	_ = 	snop  }
0x7: {  	_ = 	snop  }
__scs_overlays_trampoline_lowered:
0x8: {  	[smem:$0x3F97] =	sst s0  }
0x9: {  	[smem:$0x3F98] =	sst s1  }
0xa: {  	[smem:$0x3F99] =	sst s2  }
0xb: {  	[smem:$0x3F9A] =	sst s3  }
0xc: {  	[smem:$0x3F9B] =	sst s4  }
0xd: {  	[smem:$0x3F9C] =	sst s5  }
0xe: {  	[smem:$0x3F9D] =	sst s6  }
0xf: {  	[smem:$0x3F9E] =	sst s7  }
0x10: {  	[smem:$0x3F9F] =	sst s8  }
0x11: {  	[smem:$0x3FA0] =	sst s9;
	s0 =	simm.s32 @!p0 $0x0  }
0x12: {  	s1 =	sld [smem:$0x3F86];
	s0 =	simm.s32 @p0 $0x1  }
0x13: {  	[smem:$0x3FA1] =	sst s0;
	s0 =	simm.s32 @!p1 $0x0  }
0x14: {  	s2 =	sld [smem:$0x3F85];
	s0 =	simm.s32 @p1 $0x1  }
0x15: {  	[smem:$0x3FA2] =	sst s0;
	s0 =	simm.s32 @!p2 $0x0  }
0x16: {  	s3 =	sld [smem:$0x3FDB];
	s0 =	simm.s32 @p2 $0x1  }
0x17: {  	s4 =	simm.s32 $0x1BF5;
	[smem:$0x3FA4] =	sst s0  }
0x18: {  	s0 =	sld [smem:$0x3F87];
	_ =	swait.ge [sflag:s4], $0x0  }
0x19: {  	s7 =	sld [smem:$0x3F88]  }
0x1a: {  	s8 =	sadd.s32 $0xFFFFE003, lr  }
0x1b: {  	s9 =	sadd.s32 $0xFFFFFEF7, lr;
	s5 =	simm.s32 $0xFFFFFFFF;
	p2 =	slt.u32 s8, $0xFFFFF086  }
0x1c: {  	p1 =	slt.u32 s9, $0xF7A;
	s5 =	simm.s32 @!p2 $0x0  }
0x1d: {  	s5 =	simm.s32 @p1 $0x1;
	p0 =	seq.s32 s7, s2  }
0x1e: {  	s7 =	smul.u32 @!p0 $0xF7A, s2;
	p2 =	seq.s32 @!p0 s5, $0x0  }
0x1f: {  	s9 =	smul.u32 $0xF7A, s1;
	s8 =	simm.s32 @!p0 $0x1BF5;
	p2 =	por !p2, p0  }
0x20: {  	[sflag:s8] =	ssyncset.s32 @!p0 $0xFFFFF086;
	s6 =	sadd.s32 @!p0 s3, s7;
	s7 =	simm.s32 @!p0 $0x108  }
0x21: {  	s3 =	sadd.s32 s3, s9;
	s6 =	sadd.s32 @!p0 $0x88, s6;
	s7 =	simm.s32 @p2 $0x1082  }
0x22: {  	[simem:s7], [sflag:s8] =	dma.local @!p0 [hbm:s6], $0xF7A  }
0x23: {  	s9 =	sor.u32 $0xD0000000, s2;
	s6 =	simm.s32 $0x108;
	_ =	swait.ge @!p0 [sflag:s8], $0x0  }
0x24: {  	s3 =	sadd.s32 $0x88, s3;
	s6 =	simm.s32 @!p1 $0x1082;
	[sflag:s4] =	ssyncset.s32 $0xFFFFF086  }
0x25: {  	[simem:s6], [sflag:s4] =	dma.local [hbm:s3], $0xF7A  }
0x26: {  	[smem:$0x3F88] =	sst s1;
	(tag) =	ssettag s2;
	_ =	strace s9  }
0x27: {  	s1 =	sld [smem:$0x3F98]  }
0x28: {  	s2 =	sld [smem:$0x3F99]  }
0x29: {  	s4 =	sld [smem:$0x3F9B]  }
0x2a: {  	p0 =	seq.s32 s5, $0x0;
	s5 =	sld [smem:$0x3F9C]  }
0x2b: {  	s6 =	sld [smem:$0x3F9D]  }
0x2c: {  	s7 =	sld [smem:$0x3F9E]  }
0x2d: {  	s3 =	simm.s32 $0x108;
	s8 =	sld [smem:$0x3F9F]  }
0x2e: {  	s3 =	simm.s32 @!p0 $0x1082;
	s9 =	sld [smem:$0x3FA0]  }
0x2f: {  	lr =	sadd.s32 s0, s3;
	s0 =	sld [smem:$0x3F97]  }
0x30: {  	s3 =	sld [smem:$0x3F9A]  }
0x31: {  	[smem:$0x3FA3] =	sst s10  }
0x32: {  	s10 =	sld [smem:$0x3FA1];
	_ =	sdelay $0x3  }
0x33: {  	p0 =	seq.s32 s10, $0x1;
	s10 =	sld [smem:$0x3FA3];
	_ =	sdelay $0x3  }
0x34: {  	[smem:$0x3FA3] =	sst s10  }
0x35: {  	s10 =	sld [smem:$0x3FA2];
	_ =	sdelay $0x3  }
0x36: {  	p1 =	seq.s32 s10, $0x1;
	s10 =	sld [smem:$0x3FA3];
	_ =	sdelay $0x3  }
0x37: {  	[smem:$0x3FA3] =	sst s10  }
0x38: {  	s10 =	sld [smem:$0x3FA4]  }
0x39: {  	_ = 	snop;
	(pc) =	sbr.ind lr, $3  }
0x3a: {  	_ = 	snop  }
0x3b: {  	_ = 	snop  }
0x3c: {  	p2 =	seq.s32 s10, $0x1;
	s10 =	sld [smem:$0x3FA3]  }
0x3d: {  	_ =	shalt  }
0x3e: {  	_ =	shalt  }
0x3f: {  	_ =	shalt  }
0x40: {  	_ =	shalt  }
0x41: {  	_ =	shalt  }
0x42: {  	_ =	shalt  }
0x43: {  	_ =	shalt  }
0x44: {  	_ =	shalt  }
0x45: {  	_ =	shalt  }
0x46: {  	_ =	shalt  }
0x47: {  	_ =	shalt  }
0x48: {  	_ =	shalt  }
0x49: {  	_ =	shalt  }
0x4a: {  	_ =	shalt  }
0x4b: {  	_ =	shalt  }
0x4c: {  	_ =	shalt  }
0x4d: {  	_ =	shalt  }
0x4e: {  	_ =	shalt  }
0x4f: {  	_ =	shalt  }
0x50: {  	_ =	shalt  }
0x51: {  	_ =	shalt  }
0x52: {  	_ =	shalt  }
0x53: {  	_ =	shalt  }
0x54: {  	_ =	shalt  }
0x55: {  	_ =	shalt  }
0x56: {  	_ =	shalt  }
0x57: {  	_ =	shalt  }
0x58: {  	_ =	shalt  }
0x59: {  	_ =	shalt  }
0x5a: {  	_ =	shalt  }
0x5b: {  	_ =	shalt  }
0x5c: {  	_ =	shalt  }
0x5d: {  	_ =	shalt  }
0x5e: {  	_ =	shalt  }
0x5f: {  	_ =	shalt  }
0x60: {  	_ =	shalt  }
0x61: {  	_ =	shalt  }
0x62: {  	_ =	shalt  }
0x63: {  	_ =	shalt  }
0x64: {  	_ =	shalt  }
0x65: {  	_ =	shalt  }
0x66: {  	_ =	shalt  }
0x67: {  	_ =	shalt  }
0x68: {  	_ =	shalt  }
0x69: {  	_ =	shalt  }
0x6a: {  	_ =	shalt  }
0x6b: {  	_ =	shalt  }
0x6c: {  	_ =	shalt  }
0x6d: {  	_ =	shalt  }
0x6e: {  	_ =	shalt  }
0x6f: {  	_ =	shalt  }
0x70: {  	_ =	shalt  }
0x71: {  	_ =	shalt  }
0x72: {  	_ =	shalt  }
0x73: {  	_ =	shalt  }
0x74: {  	_ =	shalt  }
0x75: {  	_ =	shalt  }
0x76: {  	_ =	shalt  }
0x77: {  	_ =	shalt  }
0x78: {  	_ =	shalt  }
0x79: {  	_ =	shalt  }
0x7a: {  	_ =	shalt  }
0x7b: {  	_ =	shalt  }
0x7c: {  	_ =	shalt  }
0x7d: {  	_ =	shalt  }
0x7e: {  	_ =	shalt  }
0x7f: {  	_ =	shalt  }
0x80: {  	_ =	shalt  }
0x81: {  	_ =	shalt  }
0x82: {  	_ =	shalt  }
0x83: {  	_ =	shalt  }
0x84: {  	_ =	shalt  }
0x85: {  	_ =	shalt  }
0x86: {  	_ =	shalt  }
0x87: {  	_ =	shalt  }
.Lfunc_end0:
.L_simem_size_0:
called_computation.2_lowered:
.L_overlay_start_0:
0x88: {  	s2 =	sld [smem:$0x3FD9]  }
0x89: {  	s3 =	sld [smem:$0x3FFE];
	_ =	sdelay $0x1  }
0x8a: {  	s1 =	srdreg.scid  }
0x8b: {  	s0 =	sand.u32 $0x1, s1  }
0x8c: {  	s16 =	sshll.u32 s0, $0xA;
	s2 =	sadd.s32 s3, s2  }
0x8d: {  	s2 =	sadd.s32 s2, s16  }
0x8e: {  	[smem:$0x3FAF] =	sst s2  }
0x8f: {  	_ = 	snop  }
0x90: {  	(tm) =	ssettm $0x1  }
0x91: {  	s17 =	sld [smem:$0x3FFB];
	_ =	sdelay $0x3  }
0x92: {  	_ =	strace s17  }
0x93: {  	s2 =	sld [smem:$0x3FFC];
	_ =	sdelay $0x3  }
0x94: {  	_ =	strace s2  }
0x95: {  	s2 =	sld [smem:$0x3FFD];
	_ =	sdelay $0x3  }
0x96: {  	_ =	strace s2  }
0x97: {  	_ =	strace $0x8FFFFFFF  }
0x98: {  	s18 =	sld [smem:$0x3FDB];
	_ =	sdelay $0x1  }
0x99: {  	s19 =	simm.s32 $_scs_section_size  }
0x9a: {  	s4 =	simm.s32 $_size__tile_overlayer_lowered;
	s5 =	simm.s32 $_tile_overlayer_lowered  }
0x9b: {  	s22 =	simm.s32 $0x1BFF;
	s21 =	sshll.u32 s5, $0x1;
	s2 =	sadd.s32 s19, s18  }
0x9c: {  	s6 =	simm.s32 $0x0;
	s20 =	sshll.u32 s4, $0x1;
	s4 =	sadd.s32 s21, s2  }
0x9d: {  	[timem:s6], [sflag:s22] =	dma.local [hbm:s4], s20  }
0x9e: {  	_ =	swait.ge [sflag:s22], s20  }
0x9f: {  	s3 =	ssub.s32 $0x0, s20;
	[sflag:s22] =	ssyncset.done $0x0  }
0xa0: {  	[sflag:s22] =	ssyncadd.s32 s3;
	_ =	sdelay $0x1  }
0xa1: {  	s23 =	simm.s32 $0x1B8B  }
0xa2: {  	_ =	swait.ge [sflag:s23], $0x1  }
0xa3: {  	[sflag:s23] =	ssyncset.done $0x0  }
0xa4: {  	s25 =	simm.s32 $0x1B8E;
	s24 =	sld [smem:$0x3FFE];
	[sflag:s23] =	ssyncadd.s32 $0xFFFFFFFF  }
0xa5: {  	s26 =	simm.s32 $execute0_lowered;
	[smem:$0x3FD2] =	sst s25  }
0xa6: {  	s4 =	sshll.u32 s26, $0x1;
	_ =	strace $0x8000004C;
	[dreg:$0x1] =	wrdreg $0xFFFFFFFF  }
0xa7: {  	s28 =	simm.s32 $_size_execute0_lowered;
	s2 =	sadd.s32 s2, s4;
	[dreg:$0x0] =	wrdreg $0x0  }
0xa8: {  	s4 =	sshll.u32 s28, $0x1;
	[dreg:$0x2] =	wrdreg s2  }
0xa9: {  	[dreg:$0x3] =	wrdreg s4  }
0xaa: {  	[dreg:$0x4] =	wrdreg $0xC0  }
0xab: {  	_ =	task [dreg:s6], $0x5FFFF  }
0xac: {  	[dreg:$0x1] =	wrdreg $0xFFFFFFFF  }
0xad: {  	[dreg:$0x0] =	wrdreg $0x60  }
0xae: {  	[dreg:$0x2] =	wrdreg s24  }
0xaf: {  	[dreg:$0x3] =	wrdreg $0xA0000  }
0xb0: {  	[dreg:$0x4] =	wrdreg $0x9  }
0xb1: {  	_ =	task.clear_ibuf [dreg:s6], $0x5FFFF;
	_ =	strace $0x9000004C  }
0xb2: {  	s29 =	simm.s32 $0x9;
	_ =	strace $0x8000004E  }
0xb3: {  	_ =	swait.ge [sflag:s29], $0x1  }
0xb4: {  	[sflag:s29] =	ssyncadd.s32 $0xFFFFFFFF  }
0xb5: {  	_ =	strace $0x9000004E  }
0xb6: {  	_ =	sfence  }
0xb7: {  	s30 =	sld [smem:$0x0];
	_ =	sdelay $0x2  }
0xb8: {  	s31 =	sshll.u32 s1, $0xD;
	s1 =	sshrl.u32 s1, $0x2  }
0xb9: {  	s3 =	sand.u32 $0x4000, s31;
	s1 =	sadd.s32 s1, s30  }
0xba: {  	s0 =	sor.u32 s3, s0;
	s1 =	sshll.u32 s1, $0x11  }
0xbb: {  	s0 =	sor.u32 s1, s0  }
0xbc: {  	s0 =	sadd.s32 $0x8F2B, s0  }
0xbd: {  	[sflag:s0] =	ssyncadd.remote.s32 $0x1  }
0xbe: {  	_ =	sfence.sel $0xFFFF  }
0xbf: {  	[dreg:$0x0] =	wrdreg $0xFFFFFFFF;
	(pc) =	sbr.abs _section_cstart, $3  }
0xc0: {  	[dreg:$0x1] =	wrdreg $0xFFFFFFFF  }
0xc1: {  	_ =	task.clear_ibuf [dreg:s6], $0x2FFFF;
	_ =	strace $0x9FFFFFFF  }
0xc2: {  	(tm) =	ssettm $0x7FFFFFFF  }
0xc3: {  	_ =	shalt  }
tec
execute0_lowered:
.L_overlay_start_1:
0x0: {  	(tag) =	ssettag $0x1  }
0x1: {  	s8 =	rddreg [dreg:$0x0]  }
0x2: {  	s1 =	rddreg [dreg:$0x1];
	s3 =	simm.s32 $0x0;
	s2 =	stileid.u32  }
0x3: {  	s5 =	srdreg.scid;
	s21 =	simm.s32 $0x1;
	s22 =	simm.s32 $0x6000  }
0x4: {  	s23 =	simm.s32 $0x0;
	[smem:$0x7FF] =	sst s3;
	s4 =	sadd.s32 $0xB4200, s8  }
0x5: {  	s11 =	sshll.u32 s2, $0xC;
	s9 =	smul.u32 $0x2700, s2;
	s10 =	sadd.s32 $0x84200, s8  }
0x6: {  	s12 =	sand.u32 $0x1, s5;
	s16 =	smul.u32 $0x4E000, s2;
	s17 =	sadd.s32 $0x102400, s8  }
0x7: {  	s20 =	sadd.s32 $0x138000, s1;
	p0 =	sne.s32 s2, $0xF;
	s31 =	sshll.u32 s2, $0x6  }
0x8: {  	_ =	strace $0x8000004D;
	s13 =	sadd.s32 s11, s8;
	s26 =	smul.u32 $0x138800, s12  }
0x9: {  	s5 =	ssub.s32 $0x2, s12;
	s14 =	sshll.u32 s12, $0x10;
	s12 =	smul.u32 $0x27100, s12  }
0xa: {  	s7 =	sadd.s32 s9, s8;
	s6 =	sshrl.u32 s5, $0x1;
	s15 =	sor.u32 s11, s14  }
0xb: {  	s25 =	sshrl.u32 s16, $0x2;
	s8 =	sadd.s32 $0x35800, s8;
	s14 =	sadd.s32 s14, s10  }
0xc: {  	s16 =	sor.u32 $0x1C03, s31;
	s18 =	ssub.s32 s5, s6;
	s5 =	sadd.s32 s10, s15  }
0xd: {  	s6 =	sadd.s32 $0xA4200, s13;
	s19 =	sadd.s32 s25, s1;
	s7 =	sadd.s32 $0xE800, s7  }
0xe: {  	s28 =	sshrl.u32 s26, $0x3;
	s9 =	sadd.s32 s9, s12;
	s30 =	sadd.s32 s11, s14  }
0xf: {  	s13 =	sadd.s32 $0xA4300, s13;
	s14 =	simm.s32 $0x3;
	s15 =	simm.s32 $0x1000  }
0x10: {  	s29 =	sadd.s32 s17, s28;
	s9 =	sadd.s32 s17, s9;
	s11 =	smax.u32 s18, $0x1  }
0x11: {  	s12 =	sadd.s32 $0x100, s30;
	s17 =	sshrl.u32 s19, $0x3;
	s18 =	sshrl.u32 @!p0 s20, $0x3  }
0x12: {  	s19 =	simm.s32 $0x80;
	s20 =	simm.s32 $0x2000;
	s10 =	sadd.s32 $0x27000, s29  }
.LBB2_1:
0x13: {  	[tilespmem:s3], [sflag:$0x3] =	stream.linear.gather [hbm4b:s5+s3], $0x500, $0x38;
	[tilespmem:$0x1D8C0] =	vst v63  }
0x14: {  	_ =	swait.ge [sflag:s14], $0x500  }
0x15: {  	[sflag:s14] =	ssyncset.done $0x0  }
0x16: {  	[sflag:s14] =	ssyncadd.s32 $0xFFFFFB00  }
0x17: {  	[tilespmem:s15], [sflag:$0x3] =	stream.linear.gather [hbm4b:s6+s3], $0x500, $0x38;
	[tilespmem:$0x1D8C0] =	vst v63  }
0x18: {  	_ =	swait.ge [sflag:s14], $0x500  }
0x19: {  	[sflag:s14] =	ssyncset.done $0x0  }
0x1a: {  	[sflag:s14] =	ssyncadd.s32 $0xFFFFFB00  }
0x1b: {  	[spmem:s17], [sflag:s16] =	dma.local [hbm:s7], $0x2700  }
0x1c: {  	_ =	swait.ge [sflag:s14], $0x2700  }
0x1d: {  	[sflag:s14] =	ssyncset.done $0x0  }
0x1e: {  	s24 =	simm.s32 @!p0 $0x3;
	[sflag:s14] =	ssyncadd.s32 $0xFFFFD900  }
0x1f: {  	[spmem:s18], [sflag:s16] =	dma.local @!p0 [hbm:s8], $0x100  }
0x20: {  	_ =	swait.ge @!p0 [sflag:s24], $0x100  }
0x21: {  	[sflag:s24] =	ssyncset.done @!p0 $0x0  }
0x22: {  	p1 =	por $0x0, $0x0;
	[sflag:s24] =	ssyncadd.s32 @!p0 $0xFFFFFF00  }
0x23: {  	s24 =	sxor.u32 @!p1 $0xFFFFFFFF, s3;
	[bflag:$0x0] =	sbarrier.arrive $0xFFFF  }
0x24: {  	[tilespmem:s20], [sflag:$0x1] =	stream.indirect.gather [hbm4b:s4+s19], $0x80, s3, s19, $0xb8;
	[tilespmem:$0x1D8C0] =	vst v63  }
0x25: {  	s25 =	simm.s32 @!p1 $0x0;
	s24 =	sand.u32 @!p1 $0x800, s24  }
0x26: {  	[tilespmem:s24], [sflag:$0x2] =	stream.linear.gather @!p1 [hbm4b:s12+s25], $0x500, $0x38;
	[tilespmem:$0x1D8C0] =	vst v63  }
0x27: {  	s26 =	sor.u32 @!p1 $0x1000, s24  }
0x28: {  	[tilespmem:s26], [sflag:$0x2] =	stream.linear.gather @!p1 [hbm4b:s13+s25], $0x500, $0x38;
	[tilespmem:$0x1D8C0] =	vst v63  }
0x29: {  	_ =	swait.ge [sflag:s21], $0x4000  }
0x2a: {  	s25 =	sand.u32 $0x800, s3;
	[sflag:s21] =	ssyncset.done $0x0  }
0x2b: {  	s30 =	sor.u32 $0x80, s25;
	[sflag:s21] =	ssyncadd.s32 $0xFFFFC000  }
0x2c: {  	[tilespmem:s22], [sflag:$0x1] =	stream.indirect.gather [hbm4b:s4+s19], $0x80, s30, s19, $0xb8;
	[tilespmem:$0x1D8C0] =	vst v63  }
0x2d: {  	s31 =	sor.u32 $0x1000, s25  }
0x2e: {  	[spmem:s1] =	stream.indirect.scatter.add.f32 [tilespmem:s20], [sflag:$0x3], $0x80, s31, s19, $0xb8;
	[tilespmem:$0x1D8C0] =	vst v63  }
0x2f: {  	_ =	swait.ge [sflag:s14], $0x4000  }
0x30: {  	[sflag:s14] =	ssyncset.done $0x0  }
0x31: {  	[sflag:s14] =	ssyncadd.s32 $0xFFFFC000  }
0x32: {  	_ =	swait.ge [sflag:s21], $0x4000  }
0x33: {  	[sflag:s21] =	ssyncset.done $0x0  }
0x34: {  	s0 =	sor.u32 $0x100, s25;
	[sflag:s21] =	ssyncadd.s32 $0xFFFFC000  }
0x35: {  	[tilespmem:s20], [sflag:$0x1] =	stream.indirect.gather [hbm4b:s4+s19], $0x80, s0, s19, $0xb8;
	[tilespmem:$0x1D8C0] =	vst v63  }
0x36: {  	s29 =	sor.u32 $0x1080, s25  }
0x37: {  	[spmem:s1] =	stream.indirect.scatter.add.f32 [tilespmem:s22], [sflag:$0x3], $0x80, s29, s19, $0xb8;
	[tilespmem:$0x1D8C0] =	vst v63  }
0x38: {  	_ =	swait.ge [sflag:s14], $0x4000  }
0x39: {  	[sflag:s14] =	ssyncset.done $0x0  }
0x3a: {  	[sflag:s14] =	ssyncadd.s32 $0xFFFFC000  }
0x3b: {  	_ =	swait.ge [sflag:s21], $0x4000  }
0x3c: {  	[sflag:s21] =	ssyncset.done $0x0  }
0x3d: {  	s30 =	sor.u32 $0x180, s25;
	[sflag:s21] =	ssyncadd.s32 $0xFFFFC000  }
0x3e: {  	[tilespmem:s22], [sflag:$0x1] =	stream.indirect.gather [hbm4b:s4+s19], $0x80, s30, s19, $0xb8;
	[tilespmem:$0x1D8C0] =	vst v63  }
0x3f: {  	s31 =	sor.u32 $0x1100, s25  }
0x40: {  	[spmem:s1] =	stream.indirect.scatter.add.f32 [tilespmem:s20], [sflag:$0x3], $0x80, s31, s19, $0xb8;
	[tilespmem:$0x1D8C0] =	vst v63  }
0x41: {  	_ =	swait.ge [sflag:s14], $0x4000  }
0x42: {  	[sflag:s14] =	ssyncset.done $0x0  }
0x43: {  	[sflag:s14] =	ssyncadd.s32 $0xFFFFC000  }
0x44: {  	_ =	swait.ge [sflag:s21], $0x4000  }
0x45: {  	[sflag:s21] =	ssyncset.done $0x0  }
0x46: {  	s0 =	sor.u32 $0x200, s25;
	[sflag:s21] =	ssyncadd.s32 $0xFFFFC000  }
0x47: {  	[tilespmem:s20], [sflag:$0x1] =	stream.indirect.gather [hbm4b:s4+s19], $0x80, s0, s19, $0xb8;
	[tilespmem:$0x1D8C0] =	vst v63  }
0x48: {  	s29 =	sor.u32 $0x1180, s25  }
0x49: {  	[spmem:s1] =	stream.indirect.scatter.add.f32 [tilespmem:s22], [sflag:$0x3], $0x80, s29, s19, $0xb8;
	[tilespmem:$0x1D8C0] =	vst v63  }
0x4a: {  	_ =	swait.ge [sflag:s14], $0x4000  }
0x4b: {  	[sflag:s14] =	ssyncset.done $0x0  }
0x4c: {  	[sflag:s14] =	ssyncadd.s32 $0xFFFFC000  }
0x4d: {  	_ =	swait.ge [sflag:s21], $0x4000  }
0x4e: {  	[sflag:s21] =	ssyncset.done $0x0  }
0x4f: {  	s30 =	sor.u32 $0x280, s25;
	[sflag:s21] =	ssyncadd.s32 $0xFFFFC000  }
0x50: {  	[tilespmem:s22], [sflag:$0x1] =	stream.indirect.gather [hbm4b:s4+s19], $0x80, s30, s19, $0xb8;
	[tilespmem:$0x1D8C0] =	vst v63  }
0x51: {  	s31 =	sor.u32 $0x1200, s25  }
0x52: {  	[spmem:s1] =	stream.indirect.scatter.add.f32 [tilespmem:s20], [sflag:$0x3], $0x80, s31, s19, $0xb8;
	[tilespmem:$0x1D8C0] =	vst v63  }
0x53: {  	_ =	swait.ge [sflag:s14], $0x4000  }
0x54: {  	[sflag:s14] =	ssyncset.done $0x0  }
0x55: {  	[sflag:s14] =	ssyncadd.s32 $0xFFFFC000  }
0x56: {  	_ =	swait.ge [sflag:s21], $0x4000  }
0x57: {  	[sflag:s21] =	ssyncset.done $0x0  }
0x58: {  	s0 =	sor.u32 $0x300, s25;
	[sflag:s21] =	ssyncadd.s32 $0xFFFFC000  }
0x59: {  	[tilespmem:s20], [sflag:$0x1] =	stream.indirect.gather [hbm4b:s4+s19], $0x80, s0, s19, $0xb8;
	[tilespmem:$0x1D8C0] =	vst v63  }
0x5a: {  	s29 =	sor.u32 $0x1280, s25  }
0x5b: {  	[spmem:s1] =	stream.indirect.scatter.add.f32 [tilespmem:s22], [sflag:$0x3], $0x80, s29, s19, $0xb8;
	[tilespmem:$0x1D8C0] =	vst v63  }
0x5c: {  	_ =	swait.ge [sflag:s14], $0x4000  }
0x5d: {  	[sflag:s14] =	ssyncset.done $0x0  }
0x5e: {  	[sflag:s14] =	ssyncadd.s32 $0xFFFFC000  }
0x5f: {  	_ =	swait.ge [sflag:s21], $0x4000  }
0x60: {  	[sflag:s21] =	ssyncset.done $0x0  }
0x61: {  	s30 =	sor.u32 $0x380, s25;
	[sflag:s21] =	ssyncadd.s32 $0xFFFFC000  }
0x62: {  	[tilespmem:s22], [sflag:$0x1] =	stream.indirect.gather [hbm4b:s4+s19], $0x80, s30, s19, $0xb8;
	[tilespmem:$0x1D8C0] =	vst v63  }
0x63: {  	s31 =	sor.u32 $0x1300, s25  }
0x64: {  	[spmem:s1] =	stream.indirect.scatter.add.f32 [tilespmem:s20], [sflag:$0x3], $0x80, s31, s19, $0xb8;
	[tilespmem:$0x1D8C0] =	vst v63  }
0x65: {  	_ =	swait.ge [sflag:s14], $0x4000  }
0x66: {  	[sflag:s14] =	ssyncset.done $0x0  }
0x67: {  	[sflag:s14] =	ssyncadd.s32 $0xFFFFC000  }
0x68: {  	_ =	swait.ge [sflag:s21], $0x4000  }
0x69: {  	[sflag:s21] =	ssyncset.done $0x0  }
0x6a: {  	s0 =	sor.u32 $0x400, s25;
	[sflag:s21] =	ssyncadd.s32 $0xFFFFC000  }
0x6b: {  	[tilespmem:s20], [sflag:$0x1] =	stream.indirect.gather [hbm4b:s4+s19], $0x80, s0, s19, $0xb8;
	[tilespmem:$0x1D8C0] =	vst v63  }
0x6c: {  	s29 =	sor.u32 $0x1380, s25  }
0x6d: {  	[spmem:s1] =	stream.indirect.scatter.add.f32 [tilespmem:s22], [sflag:$0x3], $0x80, s29, s19, $0xb8;
	[tilespmem:$0x1D8C0] =	vst v63  }
0x6e: {  	_ =	swait.ge [sflag:s14], $0x4000  }
0x6f: {  	[sflag:s14] =	ssyncset.done $0x0  }
0x70: {  	[sflag:s14] =	ssyncadd.s32 $0xFFFFC000  }
0x71: {  	_ =	swait.ge [sflag:s21], $0x4000  }
0x72: {  	[sflag:s21] =	ssyncset.done $0x0  }
0x73: {  	s30 =	sor.u32 $0x480, s25;
	[sflag:s21] =	ssyncadd.s32 $0xFFFFC000  }
0x74: {  	[tilespmem:s22], [sflag:$0x1] =	stream.indirect.gather [hbm4b:s4+s19], $0x80, s30, s19, $0xb8;
	[tilespmem:$0x1D8C0] =	vst v63  }
0x75: {  	s31 =	sor.u32 $0x1400, s25  }
0x76: {  	[spmem:s1] =	stream.indirect.scatter.add.f32 [tilespmem:s20], [sflag:$0x3], $0x80, s31, s19, $0xb8;
	[tilespmem:$0x1D8C0] =	vst v63  }
0x77: {  	_ =	swait.ge [sflag:s14], $0x4000  }
0x78: {  	[sflag:s14] =	ssyncset.done $0x0  }
0x79: {  	[sflag:s14] =	ssyncadd.s32 $0xFFFFC000  }
0x7a: {  	_ =	swait.ge [sflag:s21], $0x4000  }
0x7b: {  	[sflag:s21] =	ssyncset.done $0x0  }
0x7c: {  	s26 =	simm.s32 @!p1 $0x2;
	[sflag:s21] =	ssyncadd.s32 $0xFFFFC000  }
0x7d: {  	_ =	swait.ge @!p1 [sflag:s26], $0x500  }
0x7e: {  	[sflag:s26] =	ssyncset.done @!p1 $0x0  }
0x7f: {  	[sflag:s26] =	ssyncadd.s32 @!p1 $0xFFFFFB00  }
0x80: {  	_ =	swait.ge @!p1 [sflag:s26], $0x500  }
0x81: {  	[sflag:s26] =	ssyncset.done @!p1 $0x0  }
0x82: {  	s28 =	simm.s32 @!p1 $0x2000;
	[sflag:s26] =	ssyncadd.s32 @!p1 $0xFFFFFB00;
	s26 =	simm.s32 @!p1 $0x80  }
0x83: {  	[tilespmem:s28], [sflag:$0x1] =	stream.indirect.gather @!p1 [hbm4b:s4+s26], $0x80, s24, s26, $0xb8;
	[tilespmem:$0x1D8C0] =	vst v63  }
0x84: {  	s25 =	sadd.s32 $0x1480, s25;
	s24 =	simm.s32 $0x800  }
0x85: {  	[spmem:s1] =	stream.indirect.scatter.add.f32 [tilespmem:s22], [sflag:$0x3], $0x80, s25, s19, $0xb8;
	[tilespmem:$0x1D8C0] =	vst v63  }
0x86: {  	s28 =	simm.s32 $0x1000;
	p1 =	por $0x0, $0x0;
	_ =	swait.ge [sflag:s14], $0x4000  }
0x87: {  	s26 =	sadd.s32 $0x100, s12;
	s25 =	sadd.s32 $0x100, s13;
	[sflag:s14] =	ssyncset.done $0x0  }
.LBB2_2:
0x88: {  	s29 =	sxor.u32 @!p1 $0xFFFFFFFF, s24  }
0x89: {  	[sflag:s14] =	ssyncadd.s32 $0xFFFFC000;
	s31 =	smov.u32 s28;
	s28 =	sadd.s32 $0x800, s28  }
0x8a: {  	s30 =	simm.s32 @!p1 $0x0;
	p2 =	sne.s32 s28, $0x8000;
	s29 =	sand.u32 @!p1 $0x800, s29  }
0x8b: {  	[tilespmem:s29], [sflag:$0x2] =	stream.linear.gather @!p1 [hbm4b:s26+s30], $0x500, $0x38;
	[tilespmem:$0x1D8C0] =	vst v63  }
0x8c: {  	s0 =	sor.u32 @!p1 $0x1000, s29  }
0x8d: {  	[tilespmem:s0], [sflag:$0x2] =	stream.linear.gather @!p1 [hbm4b:s25+s30], $0x500, $0x38;
	[tilespmem:$0x1D8C0] =	vst v63  }
0x8e: {  	_ =	swait.ge [sflag:s21], $0x4000  }
0x8f: {  	s30 =	sand.u32 $0x800, s24;
	s24 =	smov.u32 s31;
	[sflag:s21] =	ssyncset.done $0x0  }
0x90: {  	s0 =	sor.u32 $0x80, s30;
	[sflag:s21] =	ssyncadd.s32 $0xFFFFC000  }
0x91: {  	[tilespmem:s22], [sflag:$0x1] =	stream.indirect.gather [hbm4b:s4+s19], $0x80, s0, s19, $0xb8;
	[tilespmem:$0x1D8C0] =	vst v63  }
0x92: {  	s0 =	sor.u32 $0x1000, s30  }
0x93: {  	[spmem:s1] =	stream.indirect.scatter.add.f32 [tilespmem:s20], [sflag:$0x3], $0x80, s0, s19, $0xb8;
	[tilespmem:$0x1D8C0] =	vst v63  }
0x94: {  	_ =	swait.ge [sflag:s14], $0x4000  }
0x95: {  	[sflag:s14] =	ssyncset.done $0x0  }
0x96: {  	[sflag:s14] =	ssyncadd.s32 $0xFFFFC000  }
0x97: {  	_ =	swait.ge [sflag:s21], $0x4000  }
0x98: {  	[sflag:s21] =	ssyncset.done $0x0  }
0x99: {  	s0 =	sor.u32 $0x100, s30;
	[sflag:s21] =	ssyncadd.s32 $0xFFFFC000  }
0x9a: {  	[tilespmem:s20], [sflag:$0x1] =	stream.indirect.gather [hbm4b:s4+s19], $0x80, s0, s19, $0xb8;
	[tilespmem:$0x1D8C0] =	vst v63  }
0x9b: {  	s0 =	sor.u32 $0x1080, s30  }
0x9c: {  	[spmem:s1] =	stream.indirect.scatter.add.f32 [tilespmem:s22], [sflag:$0x3], $0x80, s0, s19, $0xb8;
	[tilespmem:$0x1D8C0] =	vst v63  }
0x9d: {  	_ =	swait.ge [sflag:s14], $0x4000  }
0x9e: {  	[sflag:s14] =	ssyncset.done $0x0  }
0x9f: {  	[sflag:s14] =	ssyncadd.s32 $0xFFFFC000  }
0xa0: {  	_ =	swait.ge [sflag:s21], $0x4000  }
0xa1: {  	[sflag:s21] =	ssyncset.done $0x0  }
0xa2: {  	s0 =	sor.u32 $0x180, s30;
	[sflag:s21] =	ssyncadd.s32 $0xFFFFC000  }
0xa3: {  	[tilespmem:s22], [sflag:$0x1] =	stream.indirect.gather [hbm4b:s4+s19], $0x80, s0, s19, $0xb8;
	[tilespmem:$0x1D8C0] =	vst v63  }
0xa4: {  	s0 =	sor.u32 $0x1100, s30  }
0xa5: {  	[spmem:s1] =	stream.indirect.scatter.add.f32 [tilespmem:s20], [sflag:$0x3], $0x80, s0, s19, $0xb8;
	[tilespmem:$0x1D8C0] =	vst v63  }
0xa6: {  	_ =	swait.ge [sflag:s14], $0x4000  }
0xa7: {  	[sflag:s14] =	ssyncset.done $0x0  }
0xa8: {  	[sflag:s14] =	ssyncadd.s32 $0xFFFFC000  }
0xa9: {  	_ =	swait.ge [sflag:s21], $0x4000  }
0xaa: {  	[sflag:s21] =	ssyncset.done $0x0  }
0xab: {  	s0 =	sor.u32 $0x200, s30;
	[sflag:s21] =	ssyncadd.s32 $0xFFFFC000  }
0xac: {  	[tilespmem:s20], [sflag:$0x1] =	stream.indirect.gather [hbm4b:s4+s19], $0x80, s0, s19, $0xb8;
	[tilespmem:$0x1D8C0] =	vst v63  }
0xad: {  	s0 =	sor.u32 $0x1180, s30  }
0xae: {  	[spmem:s1] =	stream.indirect.scatter.add.f32 [tilespmem:s22], [sflag:$0x3], $0x80, s0, s19, $0xb8;
	[tilespmem:$0x1D8C0] =	vst v63  }
0xaf: {  	_ =	swait.ge [sflag:s14], $0x4000  }
0xb0: {  	[sflag:s14] =	ssyncset.done $0x0  }
0xb1: {  	[sflag:s14] =	ssyncadd.s32 $0xFFFFC000  }
0xb2: {  	_ =	swait.ge [sflag:s21], $0x4000  }
0xb3: {  	[sflag:s21] =	ssyncset.done $0x0  }
0xb4: {  	s0 =	sor.u32 $0x280, s30;
	[sflag:s21] =	ssyncadd.s32 $0xFFFFC000  }
0xb5: {  	[tilespmem:s22], [sflag:$0x1] =	stream.indirect.gather [hbm4b:s4+s19], $0x80, s0, s19, $0xb8;
	[tilespmem:$0x1D8C0] =	vst v63  }
0xb6: {  	s0 =	sor.u32 $0x1200, s30  }
0xb7: {  	[spmem:s1] =	stream.indirect.scatter.add.f32 [tilespmem:s20], [sflag:$0x3], $0x80, s0, s19, $0xb8;
	[tilespmem:$0x1D8C0] =	vst v63  }
0xb8: {  	_ =	swait.ge [sflag:s14], $0x4000  }
0xb9: {  	[sflag:s14] =	ssyncset.done $0x0  }
0xba: {  	[sflag:s14] =	ssyncadd.s32 $0xFFFFC000  }
0xbb: {  	_ =	swait.ge [sflag:s21], $0x4000  }
0xbc: {  	[sflag:s21] =	ssyncset.done $0x0  }
0xbd: {  	s0 =	sor.u32 $0x300, s30;
	[sflag:s21] =	ssyncadd.s32 $0xFFFFC000  }
0xbe: {  	[tilespmem:s20], [sflag:$0x1] =	stream.indirect.gather [hbm4b:s4+s19], $0x80, s0, s19, $0xb8;
	[tilespmem:$0x1D8C0] =	vst v63  }
0xbf: {  	s0 =	sor.u32 $0x1280, s30  }
0xc0: {  	[spmem:s1] =	stream.indirect.scatter.add.f32 [tilespmem:s22], [sflag:$0x3], $0x80, s0, s19, $0xb8;
	[tilespmem:$0x1D8C0] =	vst v63  }
0xc1: {  	_ =	swait.ge [sflag:s14], $0x4000  }
0xc2: {  	[sflag:s14] =	ssyncset.done $0x0  }
0xc3: {  	[sflag:s14] =	ssyncadd.s32 $0xFFFFC000  }
0xc4: {  	_ =	swait.ge [sflag:s21], $0x4000  }
0xc5: {  	[sflag:s21] =	ssyncset.done $0x0  }
0xc6: {  	s0 =	sor.u32 $0x380, s30;
	[sflag:s21] =	ssyncadd.s32 $0xFFFFC000  }
0xc7: {  	[tilespmem:s22], [sflag:$0x1] =	stream.indirect.gather [hbm4b:s4+s19], $0x80, s0, s19, $0xb8;
	[tilespmem:$0x1D8C0] =	vst v63  }
0xc8: {  	s0 =	sor.u32 $0x1300, s30  }
0xc9: {  	[spmem:s1] =	stream.indirect.scatter.add.f32 [tilespmem:s20], [sflag:$0x3], $0x80, s0, s19, $0xb8;
	[tilespmem:$0x1D8C0] =	vst v63  }
0xca: {  	_ =	swait.ge [sflag:s14], $0x4000  }
0xcb: {  	[sflag:s14] =	ssyncset.done $0x0  }
0xcc: {  	[sflag:s14] =	ssyncadd.s32 $0xFFFFC000  }
0xcd: {  	_ =	swait.ge [sflag:s21], $0x4000  }
0xce: {  	[sflag:s21] =	ssyncset.done $0x0  }
0xcf: {  	s0 =	sor.u32 $0x400, s30;
	[sflag:s21] =	ssyncadd.s32 $0xFFFFC000  }
0xd0: {  	[tilespmem:s20], [sflag:$0x1] =	stream.indirect.gather [hbm4b:s4+s19], $0x80, s0, s19, $0xb8;
	[tilespmem:$0x1D8C0] =	vst v63  }
0xd1: {  	s0 =	sor.u32 $0x1380, s30  }
0xd2: {  	[spmem:s1] =	stream.indirect.scatter.add.f32 [tilespmem:s22], [sflag:$0x3], $0x80, s0, s19, $0xb8;
	[tilespmem:$0x1D8C0] =	vst v63  }
0xd3: {  	_ =	swait.ge [sflag:s14], $0x4000  }
0xd4: {  	[sflag:s14] =	ssyncset.done $0x0  }
0xd5: {  	[sflag:s14] =	ssyncadd.s32 $0xFFFFC000  }
0xd6: {  	_ =	swait.ge [sflag:s21], $0x4000  }
0xd7: {  	[sflag:s21] =	ssyncset.done $0x0  }
0xd8: {  	s0 =	sor.u32 $0x480, s30;
	[sflag:s21] =	ssyncadd.s32 $0xFFFFC000  }
0xd9: {  	[tilespmem:s22], [sflag:$0x1] =	stream.indirect.gather [hbm4b:s4+s19], $0x80, s0, s19, $0xb8;
	[tilespmem:$0x1D8C0] =	vst v63  }
0xda: {  	s0 =	sor.u32 $0x1400, s30  }
0xdb: {  	[spmem:s1] =	stream.indirect.scatter.add.f32 [tilespmem:s20], [sflag:$0x3], $0x80, s0, s19, $0xb8;
	[tilespmem:$0x1D8C0] =	vst v63  }
0xdc: {  	_ =	swait.ge [sflag:s14], $0x4000  }
0xdd: {  	[sflag:s14] =	ssyncset.done $0x0  }
0xde: {  	[sflag:s14] =	ssyncadd.s32 $0xFFFFC000  }
0xdf: {  	_ =	swait.ge [sflag:s21], $0x4000  }
0xe0: {  	[sflag:s21] =	ssyncset.done $0x0  }
0xe1: {  	s0 =	simm.s32 @!p1 $0x2;
	[sflag:s21] =	ssyncadd.s32 $0xFFFFC000  }
0xe2: {  	_ =	swait.ge @!p1 [sflag:s0], $0x500  }
0xe3: {  	[sflag:s0] =	ssyncset.done @!p1 $0x0  }
0xe4: {  	[sflag:s0] =	ssyncadd.s32 @!p1 $0xFFFFFB00  }
0xe5: {  	_ =	swait.ge @!p1 [sflag:s0], $0x500  }
0xe6: {  	[sflag:s0] =	ssyncset.done @!p1 $0x0  }
0xe7: {  	s31 =	simm.s32 @!p1 $0x2000;
	[sflag:s0] =	ssyncadd.s32 @!p1 $0xFFFFFB00;
	s0 =	simm.s32 @!p1 $0x80  }
0xe8: {  	[tilespmem:s31], [sflag:$0x1] =	stream.indirect.gather @!p1 [hbm4b:s4+s0], $0x80, s29, s0, $0xb8;
	[tilespmem:$0x1D8C0] =	vst v63  }
.Ltmp0:
0xe9: {  	_ = 	snop;
	(pc) =	sbr.rel @p2 .LBB2_2-.Ltmp0, $4  }
0xea: {  	s0 =	sadd.s32 $0x1480, s30  }
0xeb: {  	[spmem:s1] =	stream.indirect.scatter.add.f32 [tilespmem:s22], [sflag:$0x3], $0x80, s0, s19, $0xb8;
	[tilespmem:$0x1D8C0] =	vst v63  }
0xec: {  	s25 =	sadd.s32 $0x100, s25;
	_ =	swait.ge [sflag:s14], $0x4000  }
0xed: {  	s26 =	sadd.s32 $0x100, s26;
	p1 =	seq.s32 s24, $0x7800;
	[sflag:s14] =	ssyncset.done $0x0  }
0xee: {  	s0 =	sxor.u32 @!p1 $0xFFFFFFFF, s24  }
0xef: {  	[sflag:s14] =	ssyncadd.s32 $0xFFFFC000;
	s28 =	sand.u32 @!p1 $0x800, s0;
	s0 =	simm.s32 @!p1 $0x0  }
0xf0: {  	[tilespmem:s28], [sflag:$0x2] =	stream.linear.gather @!p1 [hbm4b:s26+s0], $0x500, $0x38;
	[tilespmem:$0x1D8C0] =	vst v63  }
0xf1: {  	s26 =	sor.u32 @!p1 $0x1000, s28  }
0xf2: {  	[tilespmem:s26], [sflag:$0x2] =	stream.linear.gather @!p1 [hbm4b:s25+s0], $0x500, $0x38;
	[tilespmem:$0x1D8C0] =	vst v63  }
0xf3: {  	_ =	swait.ge [sflag:s21], $0x4000  }
0xf4: {  	s24 =	sand.u32 $0x800, s24;
	[sflag:s21] =	ssyncset.done $0x0  }
0xf5: {  	s26 =	sor.u32 $0x80, s24;
	[sflag:s21] =	ssyncadd.s32 $0xFFFFC000  }
0xf6: {  	[tilespmem:s22], [sflag:$0x1] =	stream.indirect.gather [hbm4b:s4+s19], $0x80, s26, s19, $0xb8;
	[tilespmem:$0x1D8C0] =	vst v63  }
0xf7: {  	s29 =	sor.u32 $0x1000, s24  }
0xf8: {  	[spmem:s1] =	stream.indirect.scatter.add.f32 [tilespmem:s20], [sflag:$0x3], $0x80, s29, s19, $0xb8;
	[tilespmem:$0x1D8C0] =	vst v63  }
0xf9: {  	_ =	swait.ge [sflag:s14], $0x4000  }
0xfa: {  	[sflag:s14] =	ssyncset.done $0x0  }
0xfb: {  	[sflag:s14] =	ssyncadd.s32 $0xFFFFC000  }
0xfc: {  	_ =	swait.ge [sflag:s21], $0x4000  }
0xfd: {  	[sflag:s21] =	ssyncset.done $0x0  }
0xfe: {  	s30 =	sor.u32 $0x100, s24;
	[sflag:s21] =	ssyncadd.s32 $0xFFFFC000  }
0xff: {  	[tilespmem:s20], [sflag:$0x1] =	stream.indirect.gather [hbm4b:s4+s19], $0x80, s30, s19, $0xb8;
	[tilespmem:$0x1D8C0] =	vst v63  }
0x100: {  	s31 =	sor.u32 $0x1080, s24  }
0x101: {  	[spmem:s1] =	stream.indirect.scatter.add.f32 [tilespmem:s22], [sflag:$0x3], $0x80, s31, s19, $0xb8;
	[tilespmem:$0x1D8C0] =	vst v63  }
0x102: {  	_ =	swait.ge [sflag:s14], $0x4000  }
0x103: {  	[sflag:s14] =	ssyncset.done $0x0  }
0x104: {  	[sflag:s14] =	ssyncadd.s32 $0xFFFFC000  }
0x105: {  	_ =	swait.ge [sflag:s21], $0x4000  }
0x106: {  	[sflag:s21] =	ssyncset.done $0x0  }
0x107: {  	s25 =	sor.u32 $0x180, s24;
	[sflag:s21] =	ssyncadd.s32 $0xFFFFC000  }
0x108: {  	[tilespmem:s22], [sflag:$0x1] =	stream.indirect.gather [hbm4b:s4+s19], $0x80, s25, s19, $0xb8;
	[tilespmem:$0x1D8C0] =	vst v63  }
0x109: {  	s26 =	sor.u32 $0x1100, s24  }
0x10a: {  	[spmem:s1] =	stream.indirect.scatter.add.f32 [tilespmem:s20], [sflag:$0x3], $0x80, s26, s19, $0xb8;
	[tilespmem:$0x1D8C0] =	vst v63  }
0x10b: {  	_ =	swait.ge [sflag:s14], $0x4000  }
0x10c: {  	[sflag:s14] =	ssyncset.done $0x0  }
0x10d: {  	[sflag:s14] =	ssyncadd.s32 $0xFFFFC000  }
0x10e: {  	_ =	swait.ge [sflag:s21], $0x4000  }
0x10f: {  	[sflag:s21] =	ssyncset.done $0x0  }
0x110: {  	s29 =	sor.u32 $0x200, s24;
	[sflag:s21] =	ssyncadd.s32 $0xFFFFC000  }
0x111: {  	[tilespmem:s20], [sflag:$0x1] =	stream.indirect.gather [hbm4b:s4+s19], $0x80, s29, s19, $0xb8;
	[tilespmem:$0x1D8C0] =	vst v63  }
0x112: {  	s30 =	sor.u32 $0x1180, s24  }
0x113: {  	[spmem:s1] =	stream.indirect.scatter.add.f32 [tilespmem:s22], [sflag:$0x3], $0x80, s30, s19, $0xb8;
	[tilespmem:$0x1D8C0] =	vst v63  }
0x114: {  	_ =	swait.ge [sflag:s14], $0x4000  }
0x115: {  	[sflag:s14] =	ssyncset.done $0x0  }
0x116: {  	[sflag:s14] =	ssyncadd.s32 $0xFFFFC000  }
0x117: {  	_ =	swait.ge [sflag:s21], $0x4000  }
0x118: {  	[sflag:s21] =	ssyncset.done $0x0  }
0x119: {  	s31 =	sor.u32 $0x280, s24;
	[sflag:s21] =	ssyncadd.s32 $0xFFFFC000  }
0x11a: {  	[tilespmem:s22], [sflag:$0x1] =	stream.indirect.gather [hbm4b:s4+s19], $0x80, s31, s19, $0xb8;
	[tilespmem:$0x1D8C0] =	vst v63  }
0x11b: {  	s25 =	sor.u32 $0x1200, s24  }
0x11c: {  	[spmem:s1] =	stream.indirect.scatter.add.f32 [tilespmem:s20], [sflag:$0x3], $0x80, s25, s19, $0xb8;
	[tilespmem:$0x1D8C0] =	vst v63  }
0x11d: {  	_ =	swait.ge [sflag:s14], $0x4000  }
0x11e: {  	[sflag:s14] =	ssyncset.done $0x0  }
0x11f: {  	[sflag:s14] =	ssyncadd.s32 $0xFFFFC000  }
0x120: {  	_ =	swait.ge [sflag:s21], $0x4000  }
0x121: {  	[sflag:s21] =	ssyncset.done $0x0  }
0x122: {  	s26 =	sor.u32 $0x300, s24;
	[sflag:s21] =	ssyncadd.s32 $0xFFFFC000  }
0x123: {  	[tilespmem:s20], [sflag:$0x1] =	stream.indirect.gather [hbm4b:s4+s19], $0x80, s26, s19, $0xb8;
	[tilespmem:$0x1D8C0] =	vst v63  }
0x124: {  	s29 =	sor.u32 $0x1280, s24  }
0x125: {  	[spmem:s1] =	stream.indirect.scatter.add.f32 [tilespmem:s22], [sflag:$0x3], $0x80, s29, s19, $0xb8;
	[tilespmem:$0x1D8C0] =	vst v63  }
0x126: {  	_ =	swait.ge [sflag:s14], $0x4000  }
0x127: {  	[sflag:s14] =	ssyncset.done $0x0  }
0x128: {  	[sflag:s14] =	ssyncadd.s32 $0xFFFFC000  }
0x129: {  	_ =	swait.ge [sflag:s21], $0x4000  }
0x12a: {  	[sflag:s21] =	ssyncset.done $0x0  }
0x12b: {  	s30 =	sor.u32 $0x380, s24;
	[sflag:s21] =	ssyncadd.s32 $0xFFFFC000  }
0x12c: {  	[tilespmem:s22], [sflag:$0x1] =	stream.indirect.gather [hbm4b:s4+s19], $0x80, s30, s19, $0xb8;
	[tilespmem:$0x1D8C0] =	vst v63  }
0x12d: {  	s31 =	sor.u32 $0x1300, s24  }
0x12e: {  	[spmem:s1] =	stream.indirect.scatter.add.f32 [tilespmem:s20], [sflag:$0x3], $0x80, s31, s19, $0xb8;
	[tilespmem:$0x1D8C0] =	vst v63  }
0x12f: {  	_ =	swait.ge [sflag:s14], $0x4000  }
0x130: {  	[sflag:s14] =	ssyncset.done $0x0  }
0x131: {  	[sflag:s14] =	ssyncadd.s32 $0xFFFFC000  }
0x132: {  	_ =	swait.ge [sflag:s21], $0x4000  }
0x133: {  	[sflag:s21] =	ssyncset.done $0x0  }
0x134: {  	s25 =	sor.u32 $0x400, s24;
	[sflag:s21] =	ssyncadd.s32 $0xFFFFC000  }
0x135: {  	[tilespmem:s20], [sflag:$0x1] =	stream.indirect.gather [hbm4b:s4+s19], $0x80, s25, s19, $0xb8;
	[tilespmem:$0x1D8C0] =	vst v63  }
0x136: {  	s26 =	sor.u32 $0x1380, s24  }
0x137: {  	[spmem:s1] =	stream.indirect.scatter.add.f32 [tilespmem:s22], [sflag:$0x3], $0x80, s26, s19, $0xb8;
	[tilespmem:$0x1D8C0] =	vst v63  }
0x138: {  	_ =	swait.ge [sflag:s14], $0x4000  }
0x139: {  	[sflag:s14] =	ssyncset.done $0x0  }
0x13a: {  	[sflag:s14] =	ssyncadd.s32 $0xFFFFC000  }
0x13b: {  	_ =	swait.ge [sflag:s21], $0x4000  }
0x13c: {  	[sflag:s21] =	ssyncset.done $0x0  }
0x13d: {  	s29 =	sor.u32 $0x480, s24;
	[sflag:s21] =	ssyncadd.s32 $0xFFFFC000  }
0x13e: {  	[tilespmem:s22], [sflag:$0x1] =	stream.indirect.gather [hbm4b:s4+s19], $0x80, s29, s19, $0xb8;
	[tilespmem:$0x1D8C0] =	vst v63  }
0x13f: {  	s30 =	sor.u32 $0x1400, s24  }
0x140: {  	[spmem:s1] =	stream.indirect.scatter.add.f32 [tilespmem:s20], [sflag:$0x3], $0x80, s30, s19, $0xb8;
	[tilespmem:$0x1D8C0] =	vst v63  }
0x141: {  	_ =	swait.ge [sflag:s14], $0x4000  }
0x142: {  	[sflag:s14] =	ssyncset.done $0x0  }
0x143: {  	[sflag:s14] =	ssyncadd.s32 $0xFFFFC000  }
0x144: {  	_ =	swait.ge [sflag:s21], $0x4000  }
0x145: {  	[sflag:s21] =	ssyncset.done $0x0  }
0x146: {  	s0 =	simm.s32 @!p1 $0x2;
	[sflag:s21] =	ssyncadd.s32 $0xFFFFC000  }
0x147: {  	_ =	swait.ge @!p1 [sflag:s0], $0x500  }
0x148: {  	[sflag:s0] =	ssyncset.done @!p1 $0x0  }
0x149: {  	[sflag:s0] =	ssyncadd.s32 @!p1 $0xFFFFFB00  }
0x14a: {  	_ =	swait.ge @!p1 [sflag:s0], $0x500  }
0x14b: {  	[sflag:s0] =	ssyncset.done @!p1 $0x0  }
0x14c: {  	s25 =	simm.s32 @!p1 $0x2000;
	[sflag:s0] =	ssyncadd.s32 @!p1 $0xFFFFFB00;
	s0 =	simm.s32 @!p1 $0x80  }
0x14d: {  	[tilespmem:s25], [sflag:$0x1] =	stream.indirect.gather @!p1 [hbm4b:s4+s0], $0x80, s28, s0, $0xb8;
	[tilespmem:$0x1D8C0] =	vst v63  }
0x14e: {  	s31 =	sadd.s32 $0x1480, s24  }
0x14f: {  	[spmem:s1] =	stream.indirect.scatter.add.f32 [tilespmem:s22], [sflag:$0x3], $0x80, s31, s19, $0xb8;
	[tilespmem:$0x1D8C0] =	vst v63  }
0x150: {  	_ =	swait.ge [sflag:s14], $0x4000  }
0x151: {  	[sflag:s14] =	ssyncset.done $0x0  }
0x152: {  	[sflag:s14] =	ssyncadd.s32 $0xFFFFC000  }
0x153: {  	[bflag:$0x0] =	sbarrier.arrive $0xFFFF  }
0x154: {  	[hbm:s9], [sflag:s16] =	dma.local [spmem:s17], $0x2700  }
0x155: {  	s23 =	sadd.s32 $0x1, s23;
	_ =	swait.ge [sflag:s14], $0x2700  }
0x156: {  	p1 =	sne.s32 s23, s11;
	[sflag:s14] =	ssyncset.done $0x0  }
.Ltmp1:
0x157: {  	s0 =	simm.s32 @!p0 $0x3;
	[sflag:s14] =	ssyncadd.s32 $0xFFFFD900;
	(pc) =	sbr.rel @p1 .LBB2_1-.Ltmp1, $4  }
0x158: {  	[hbm:s10], [sflag:s16] =	dma.local @!p0 [spmem:s18], $0x100  }
0x159: {  	_ =	swait.ge @!p0 [sflag:s0], $0x100  }
0x15a: {  	[sflag:s0] =	ssyncset.done @!p0 $0x0  }
0x15b: {  	[sflag:s0] =	ssyncadd.s32 @!p0 $0xFFFFFF00  }
0x15c: {  	_ =	sfence.sel $0x180000  }
0x15d: {  	[bflag:$0x0] =	sbarrier.arrive $0xFFFF  }
0x15e: {  	_ =	strace $0x9000004D  }
0x15f: {  	[bflag:$0x2] =	sbarrier.arrive $0xFFFF  }
0x160: {  	p0 =	sne.s32 s2, $0x0;
	s0 =	rddreg [dreg:$0x2]  }
0x161: {  	s0 =	sadd.s32 @!p0 $0x100000, s0  }
0x162: {  	[sflag:s0] =	ssyncadd.tile.s32 @!p0 $0x1;
	_ =	shalt  }
.Lfunc_end2:
_tile_overlayer_lowered:
.L_overlay_start_2:
0x163: {  	(tag) =	ssettag $0x2  }
0x164: {  	s0 =	rddreg [dreg:$0x0];
	s2 =	stileid.u32  }
0x165: {  	s1 =	rddreg [dreg:$0x1];
	p0 =	sne.s32 s2, $0x0  }
0x166: {  	s3 =	rddreg [dreg:$0x2];
	[bflag:$0x3] =	sbarrier.arrive $0xFFFF;
	s2 =	simm.s32 @!p0 $0x1C03  }
0x167: {  	[timem:s3], [sflag:s2] =	dma.local @!p0 [hbm:s0], s1  }
0x168: {  	s0 =	simm.s32 @!p0 $0x3  }
0x169: {  	_ =	swait.ge @!p0 [sflag:s0], s1  }
0x16a: {  	s1 =	ssub.s32 @!p0 $0x0, s1;
	[sflag:s0] =	ssyncset.done @!p0 $0x0  }
0x16b: {  	[sflag:s0] =	ssyncadd.s32 @!p0 s1  }
0x16c: {  	[bflag:$0x3] =	sbarrier.arrive $0xFFFF  }
0x16d: {  	_ =	shalt  }

// kernel: kernel.23.cloned.1.call-start
scs
__scs_entry_jumppad:
0x0: {  	(pc) =	sbr.rel $0x88, $3  }
0x1: {  	(tag) =	ssettag $0x0;
	lr =	simm.s32 $0x1  }
0x2: {  	[smem:$0x3F88] =	sst lr;
	_ =	strace $0xD0000000  }
0x3: {  	_ = 	snop  }
0x4: {  	_ = 	snop  }
0x5: {  	_ = 	snop  }
0x6: {  	_ = 	snop  }
0x7: {  	_ = 	snop  }
__scs_overlays_trampoline_lowered:
0x8: {  	[smem:$0x3F97] =	sst s0  }
0x9: {  	[smem:$0x3F98] =	sst s1  }
0xa: {  	[smem:$0x3F99] =	sst s2  }
0xb: {  	[smem:$0x3F9A] =	sst s3  }
0xc: {  	[smem:$0x3F9B] =	sst s4  }
0xd: {  	[smem:$0x3F9C] =	sst s5  }
0xe: {  	[smem:$0x3F9D] =	sst s6  }
0xf: {  	[smem:$0x3F9E] =	sst s7  }
0x10: {  	[smem:$0x3F9F] =	sst s8  }
0x11: {  	[smem:$0x3FA0] =	sst s9;
	s0 =	simm.s32 @!p0 $0x0  }
0x12: {  	s1 =	sld [smem:$0x3F86];
	s0 =	simm.s32 @p0 $0x1  }
0x13: {  	[smem:$0x3FA1] =	sst s0;
	s0 =	simm.s32 @!p1 $0x0  }
0x14: {  	s2 =	sld [smem:$0x3F85];
	s0 =	simm.s32 @p1 $0x1  }
0x15: {  	[smem:$0x3FA2] =	sst s0;
	s0 =	simm.s32 @!p2 $0x0  }
0x16: {  	s3 =	sld [smem:$0x3FDB];
	s0 =	simm.s32 @p2 $0x1  }
0x17: {  	s4 =	simm.s32 $0x1BF5;
	[smem:$0x3FA4] =	sst s0  }
0x18: {  	s0 =	sld [smem:$0x3F87];
	_ =	swait.ge [sflag:s4], $0x0  }
0x19: {  	s7 =	sld [smem:$0x3F88]  }
0x1a: {  	s8 =	sadd.s32 $0xFFFFE003, lr  }
0x1b: {  	s9 =	sadd.s32 $0xFFFFFEF7, lr;
	s5 =	simm.s32 $0xFFFFFFFF;
	p2 =	slt.u32 s8, $0xFFFFF086  }
0x1c: {  	p1 =	slt.u32 s9, $0xF7A;
	s5 =	simm.s32 @!p2 $0x0  }
0x1d: {  	s5 =	simm.s32 @p1 $0x1;
	p0 =	seq.s32 s7, s2  }
0x1e: {  	s7 =	smul.u32 @!p0 $0xF7A, s2;
	p2 =	seq.s32 @!p0 s5, $0x0  }
0x1f: {  	s9 =	smul.u32 $0xF7A, s1;
	s8 =	simm.s32 @!p0 $0x1BF5;
	p2 =	por !p2, p0  }
0x20: {  	[sflag:s8] =	ssyncset.s32 @!p0 $0xFFFFF086;
	s6 =	sadd.s32 @!p0 s3, s7;
	s7 =	simm.s32 @!p0 $0x108  }
0x21: {  	s3 =	sadd.s32 s3, s9;
	s6 =	sadd.s32 @!p0 $0x88, s6;
	s7 =	simm.s32 @p2 $0x1082  }
0x22: {  	[simem:s7], [sflag:s8] =	dma.local @!p0 [hbm:s6], $0xF7A  }
0x23: {  	s9 =	sor.u32 $0xD0000000, s2;
	s6 =	simm.s32 $0x108;
	_ =	swait.ge @!p0 [sflag:s8], $0x0  }
0x24: {  	s3 =	sadd.s32 $0x88, s3;
	s6 =	simm.s32 @!p1 $0x1082;
	[sflag:s4] =	ssyncset.s32 $0xFFFFF086  }
0x25: {  	[simem:s6], [sflag:s4] =	dma.local [hbm:s3], $0xF7A  }
0x26: {  	[smem:$0x3F88] =	sst s1;
	(tag) =	ssettag s2;
	_ =	strace s9  }
0x27: {  	s1 =	sld [smem:$0x3F98]  }
0x28: {  	s2 =	sld [smem:$0x3F99]  }
0x29: {  	s4 =	sld [smem:$0x3F9B]  }
0x2a: {  	p0 =	seq.s32 s5, $0x0;
	s5 =	sld [smem:$0x3F9C]  }
0x2b: {  	s6 =	sld [smem:$0x3F9D]  }
0x2c: {  	s7 =	sld [smem:$0x3F9E]  }
0x2d: {  	s3 =	simm.s32 $0x108;
	s8 =	sld [smem:$0x3F9F]  }
0x2e: {  	s3 =	simm.s32 @!p0 $0x1082;
	s9 =	sld [smem:$0x3FA0]  }
0x2f: {  	lr =	sadd.s32 s0, s3;
	s0 =	sld [smem:$0x3F97]  }
0x30: {  	s3 =	sld [smem:$0x3F9A]  }
0x31: {  	[smem:$0x3FA3] =	sst s10  }
0x32: {  	s10 =	sld [smem:$0x3FA1];
	_ =	sdelay $0x3  }
0x33: {  	p0 =	seq.s32 s10, $0x1;
	s10 =	sld [smem:$0x3FA3];
	_ =	sdelay $0x3  }
0x34: {  	[smem:$0x3FA3] =	sst s10  }
0x35: {  	s10 =	sld [smem:$0x3FA2];
	_ =	sdelay $0x3  }
0x36: {  	p1 =	seq.s32 s10, $0x1;
	s10 =	sld [smem:$0x3FA3];
	_ =	sdelay $0x3  }
0x37: {  	[smem:$0x3FA3] =	sst s10  }
0x38: {  	s10 =	sld [smem:$0x3FA4]  }
0x39: {  	_ = 	snop;
	(pc) =	sbr.ind lr, $3  }
0x3a: {  	_ = 	snop  }
0x3b: {  	_ = 	snop  }
0x3c: {  	p2 =	seq.s32 s10, $0x1;
	s10 =	sld [smem:$0x3FA3]  }
0x3d: {  	_ =	shalt  }
0x3e: {  	_ =	shalt  }
0x3f: {  	_ =	shalt  }
0x40: {  	_ =	shalt  }
0x41: {  	_ =	shalt  }
0x42: {  	_ =	shalt  }
0x43: {  	_ =	shalt  }
0x44: {  	_ =	shalt  }
0x45: {  	_ =	shalt  }
0x46: {  	_ =	shalt  }
0x47: {  	_ =	shalt  }
0x48: {  	_ =	shalt  }
0x49: {  	_ =	shalt  }
0x4a: {  	_ =	shalt  }
0x4b: {  	_ =	shalt  }
0x4c: {  	_ =	shalt  }
0x4d: {  	_ =	shalt  }
0x4e: {  	_ =	shalt  }
0x4f: {  	_ =	shalt  }
0x50: {  	_ =	shalt  }
0x51: {  	_ =	shalt  }
0x52: {  	_ =	shalt  }
0x53: {  	_ =	shalt  }
0x54: {  	_ =	shalt  }
0x55: {  	_ =	shalt  }
0x56: {  	_ =	shalt  }
0x57: {  	_ =	shalt  }
0x58: {  	_ =	shalt  }
0x59: {  	_ =	shalt  }
0x5a: {  	_ =	shalt  }
0x5b: {  	_ =	shalt  }
0x5c: {  	_ =	shalt  }
0x5d: {  	_ =	shalt  }
0x5e: {  	_ =	shalt  }
0x5f: {  	_ =	shalt  }
0x60: {  	_ =	shalt  }
0x61: {  	_ =	shalt  }
0x62: {  	_ =	shalt  }
0x63: {  	_ =	shalt  }
0x64: {  	_ =	shalt  }
0x65: {  	_ =	shalt  }
0x66: {  	_ =	shalt  }
0x67: {  	_ =	shalt  }
0x68: {  	_ =	shalt  }
0x69: {  	_ =	shalt  }
0x6a: {  	_ =	shalt  }
0x6b: {  	_ =	shalt  }
0x6c: {  	_ =	shalt  }
0x6d: {  	_ =	shalt  }
0x6e: {  	_ =	shalt  }
0x6f: {  	_ =	shalt  }
0x70: {  	_ =	shalt  }
0x71: {  	_ =	shalt  }
0x72: {  	_ =	shalt  }
0x73: {  	_ =	shalt  }
0x74: {  	_ =	shalt  }
0x75: {  	_ =	shalt  }
0x76: {  	_ =	shalt  }
0x77: {  	_ =	shalt  }
0x78: {  	_ =	shalt  }
0x79: {  	_ =	shalt  }
0x7a: {  	_ =	shalt  }
0x7b: {  	_ =	shalt  }
0x7c: {  	_ =	shalt  }
0x7d: {  	_ =	shalt  }
0x7e: {  	_ =	shalt  }
0x7f: {  	_ =	shalt  }
0x80: {  	_ =	shalt  }
0x81: {  	_ =	shalt  }
0x82: {  	_ =	shalt  }
0x83: {  	_ =	shalt  }
0x84: {  	_ =	shalt  }
0x85: {  	_ =	shalt  }
0x86: {  	_ =	shalt  }
0x87: {  	_ =	shalt  }
.Lfunc_end0:
.L_simem_size_0:
called_computation.3_lowered:
.L_overlay_start_0:
0x88: {  	s2 =	sld [smem:$0x3FD9]  }
0x89: {  	s3 =	sld [smem:$0x3FFE];
	_ =	sdelay $0x1  }
0x8a: {  	s1 =	srdreg.scid  }
0x8b: {  	s0 =	sand.u32 $0x1, s1  }
0x8c: {  	s16 =	sshll.u32 s0, $0xA;
	s2 =	sadd.s32 s3, s2  }
0x8d: {  	s2 =	sadd.s32 s2, s16  }
0x8e: {  	[smem:$0x3FAF] =	sst s2  }
0x8f: {  	_ = 	snop  }
0x90: {  	(tm) =	ssettm $0x1  }
0x91: {  	s17 =	sld [smem:$0x3FFB];
	_ =	sdelay $0x3  }
0x92: {  	_ =	strace s17  }
0x93: {  	s2 =	sld [smem:$0x3FFC];
	_ =	sdelay $0x3  }
0x94: {  	_ =	strace s2  }
0x95: {  	s2 =	sld [smem:$0x3FFD];
	_ =	sdelay $0x3  }
0x96: {  	_ =	strace s2  }
0x97: {  	_ =	strace $0x8FFFFFFF  }
0x98: {  	s18 =	sld [smem:$0x3FDB];
	_ =	sdelay $0x1  }
0x99: {  	s19 =	simm.s32 $_scs_section_size  }
0x9a: {  	s4 =	simm.s32 $_size__tile_overlayer_lowered;
	s5 =	simm.s32 $_tile_overlayer_lowered  }
0x9b: {  	s22 =	simm.s32 $0x1BFF;
	s21 =	sshll.u32 s5, $0x1;
	s2 =	sadd.s32 s19, s18  }
0x9c: {  	s6 =	simm.s32 $0x0;
	s20 =	sshll.u32 s4, $0x1;
	s4 =	sadd.s32 s21, s2  }
0x9d: {  	[timem:s6], [sflag:s22] =	dma.local [hbm:s4], s20  }
0x9e: {  	_ =	swait.ge [sflag:s22], s20  }
0x9f: {  	s3 =	ssub.s32 $0x0, s20;
	[sflag:s22] =	ssyncset.done $0x0  }
0xa0: {  	[sflag:s22] =	ssyncadd.s32 s3;
	_ =	sdelay $0x1  }
0xa1: {  	s23 =	simm.s32 $0x1B8B  }
0xa2: {  	_ =	swait.ge [sflag:s23], $0x1  }
0xa3: {  	[sflag:s23] =	ssyncset.done $0x0  }
0xa4: {  	s25 =	simm.s32 $0x1B8E;
	s24 =	sld [smem:$0x3FFE];
	[sflag:s23] =	ssyncadd.s32 $0xFFFFFFFF  }
0xa5: {  	s26 =	simm.s32 $execute0_lowered;
	[smem:$0x3FD2] =	sst s25  }
0xa6: {  	s4 =	sshll.u32 s26, $0x1;
	_ =	strace $0x8000004F;
	[dreg:$0x1] =	wrdreg $0xFFFFFFFF  }
0xa7: {  	s28 =	simm.s32 $_size_execute0_lowered;
	s2 =	sadd.s32 s2, s4;
	[dreg:$0x0] =	wrdreg $0x0  }
0xa8: {  	s4 =	sshll.u32 s28, $0x1;
	[dreg:$0x2] =	wrdreg s2  }
0xa9: {  	[dreg:$0x3] =	wrdreg s4  }
0xaa: {  	[dreg:$0x4] =	wrdreg $0xC0  }
0xab: {  	_ =	task [dreg:s6], $0x5FFFF  }
0xac: {  	[dreg:$0x1] =	wrdreg $0xFFFFFFFF  }
0xad: {  	[dreg:$0x0] =	wrdreg $0x60  }
0xae: {  	[dreg:$0x2] =	wrdreg s24  }
0xaf: {  	[dreg:$0x3] =	wrdreg $0xA0000  }
0xb0: {  	[dreg:$0x4] =	wrdreg $0x9  }
0xb1: {  	_ =	task.clear_ibuf [dreg:s6], $0x5FFFF;
	_ =	strace $0x9000004F  }
0xb2: {  	s29 =	simm.s32 $0x9;
	_ =	strace $0x80000051  }
0xb3: {  	_ =	swait.ge [sflag:s29], $0x1  }
0xb4: {  	[sflag:s29] =	ssyncadd.s32 $0xFFFFFFFF  }
0xb5: {  	_ =	strace $0x90000051  }
0xb6: {  	_ =	sfence  }
0xb7: {  	s30 =	sld [smem:$0x0];
	_ =	sdelay $0x2  }
0xb8: {  	s31 =	sshll.u32 s1, $0xD;
	s1 =	sshrl.u32 s1, $0x2  }
0xb9: {  	s3 =	sand.u32 $0x4000, s31;
	s1 =	sadd.s32 s1, s30  }
0xba: {  	s0 =	sor.u32 s3, s0;
	s1 =	sshll.u32 s1, $0x11  }
0xbb: {  	s0 =	sor.u32 s1, s0  }
0xbc: {  	s0 =	sadd.s32 $0x8F2B, s0  }
0xbd: {  	[sflag:s0] =	ssyncadd.remote.s32 $0x1  }
0xbe: {  	_ =	sfence.sel $0xFFFF  }
0xbf: {  	[dreg:$0x0] =	wrdreg $0xFFFFFFFF;
	(pc) =	sbr.abs _section_cstart, $3  }
0xc0: {  	[dreg:$0x1] =	wrdreg $0xFFFFFFFF  }
0xc1: {  	_ =	task.clear_ibuf [dreg:s6], $0x2FFFF;
	_ =	strace $0x9FFFFFFF  }
0xc2: {  	(tm) =	ssettm $0x7FFFFFFF  }
0xc3: {  	_ =	shalt  }
tec
execute0_lowered:
.L_overlay_start_1:
0x0: {  	(tag) =	ssettag $0x1  }
0x1: {  	s8 =	rddreg [dreg:$0x0]  }
0x2: {  	s1 =	rddreg [dreg:$0x1];
	s3 =	simm.s32 $0x0;
	s2 =	stileid.u32  }
0x3: {  	s5 =	srdreg.scid;
	s21 =	simm.s32 $0x1;
	s22 =	simm.s32 $0x6000  }
0x4: {  	s23 =	simm.s32 $0x0;
	[smem:$0x7FF] =	sst s3;
	s4 =	sadd.s32 $0xB4200, s8  }
0x5: {  	s11 =	sshll.u32 s2, $0xC;
	s9 =	smul.u32 $0x2700, s2;
	s10 =	sadd.s32 $0x84200, s8  }
0x6: {  	s12 =	sand.u32 $0x1, s5;
	s16 =	smul.u32 $0x4E000, s2;
	s17 =	sadd.s32 $0x102400, s8  }
0x7: {  	s20 =	sadd.s32 $0x138000, s1;
	p0 =	sne.s32 s2, $0xF;
	s31 =	sshll.u32 s2, $0x6  }
0x8: {  	_ =	strace $0x80000050;
	s13 =	sadd.s32 s11, s8;
	s26 =	smul.u32 $0x138800, s12  }
0x9: {  	s5 =	ssub.s32 $0x2, s12;
	s14 =	sshll.u32 s12, $0x10;
	s12 =	smul.u32 $0x27100, s12  }
0xa: {  	s7 =	sadd.s32 s9, s8;
	s6 =	sshrl.u32 s5, $0x1;
	s15 =	sor.u32 s11, s14  }
0xb: {  	s25 =	sshrl.u32 s16, $0x2;
	s8 =	sadd.s32 $0x35800, s8;
	s14 =	sadd.s32 s14, s10  }
0xc: {  	s16 =	sor.u32 $0x1C03, s31;
	s18 =	ssub.s32 s5, s6;
	s5 =	sadd.s32 s10, s15  }
0xd: {  	s6 =	sadd.s32 $0xA4200, s13;
	s19 =	sadd.s32 s25, s1;
	s7 =	sadd.s32 $0xE800, s7  }
0xe: {  	s28 =	sshrl.u32 s26, $0x3;
	s9 =	sadd.s32 s9, s12;
	s30 =	sadd.s32 s11, s14  }
0xf: {  	s13 =	sadd.s32 $0xA4300, s13;
	s14 =	simm.s32 $0x3;
	s15 =	simm.s32 $0x1000  }
0x10: {  	s29 =	sadd.s32 s17, s28;
	s9 =	sadd.s32 s17, s9;
	s11 =	smax.u32 s18, $0x1  }
0x11: {  	s12 =	sadd.s32 $0x100, s30;
	s17 =	sshrl.u32 s19, $0x3;
	s18 =	sshrl.u32 @!p0 s20, $0x3  }
0x12: {  	s19 =	simm.s32 $0x80;
	s20 =	simm.s32 $0x2000;
	s10 =	sadd.s32 $0x27000, s29  }
.LBB2_1:
0x13: {  	[tilespmem:s3], [sflag:$0x3] =	stream.linear.gather [hbm4b:s5+s3], $0x500, $0x38;
	[tilespmem:$0x1D8C0] =	vst v63  }
0x14: {  	_ =	swait.ge [sflag:s14], $0x500  }
0x15: {  	[sflag:s14] =	ssyncset.done $0x0  }
0x16: {  	[sflag:s14] =	ssyncadd.s32 $0xFFFFFB00  }
0x17: {  	[tilespmem:s15], [sflag:$0x3] =	stream.linear.gather [hbm4b:s6+s3], $0x500, $0x38;
	[tilespmem:$0x1D8C0] =	vst v63  }
0x18: {  	_ =	swait.ge [sflag:s14], $0x500  }
0x19: {  	[sflag:s14] =	ssyncset.done $0x0  }
0x1a: {  	[sflag:s14] =	ssyncadd.s32 $0xFFFFFB00  }
0x1b: {  	[spmem:s17], [sflag:s16] =	dma.local [hbm:s7], $0x2700  }
0x1c: {  	_ =	swait.ge [sflag:s14], $0x2700  }
0x1d: {  	[sflag:s14] =	ssyncset.done $0x0  }
0x1e: {  	s24 =	simm.s32 @!p0 $0x3;
	[sflag:s14] =	ssyncadd.s32 $0xFFFFD900  }
0x1f: {  	[spmem:s18], [sflag:s16] =	dma.local @!p0 [hbm:s8], $0x100  }
0x20: {  	_ =	swait.ge @!p0 [sflag:s24], $0x100  }
0x21: {  	[sflag:s24] =	ssyncset.done @!p0 $0x0  }
0x22: {  	p1 =	por $0x0, $0x0;
	[sflag:s24] =	ssyncadd.s32 @!p0 $0xFFFFFF00  }
0x23: {  	s24 =	sxor.u32 @!p1 $0xFFFFFFFF, s3;
	[bflag:$0x0] =	sbarrier.arrive $0xFFFF  }
0x24: {  	[tilespmem:s20], [sflag:$0x1] =	stream.indirect.gather [hbm4b:s4+s19], $0x80, s3, s19, $0xb8;
	[tilespmem:$0x1D8C0] =	vst v63  }
0x25: {  	s25 =	simm.s32 @!p1 $0x0;
	s24 =	sand.u32 @!p1 $0x800, s24  }
0x26: {  	[tilespmem:s24], [sflag:$0x2] =	stream.linear.gather @!p1 [hbm4b:s12+s25], $0x500, $0x38;
	[tilespmem:$0x1D8C0] =	vst v63  }
0x27: {  	s26 =	sor.u32 @!p1 $0x1000, s24  }
0x28: {  	[tilespmem:s26], [sflag:$0x2] =	stream.linear.gather @!p1 [hbm4b:s13+s25], $0x500, $0x38;
	[tilespmem:$0x1D8C0] =	vst v63  }
0x29: {  	_ =	swait.ge [sflag:s21], $0x4000  }
0x2a: {  	s25 =	sand.u32 $0x800, s3;
	[sflag:s21] =	ssyncset.done $0x0  }
0x2b: {  	s30 =	sor.u32 $0x80, s25;
	[sflag:s21] =	ssyncadd.s32 $0xFFFFC000  }
0x2c: {  	[tilespmem:s22], [sflag:$0x1] =	stream.indirect.gather [hbm4b:s4+s19], $0x80, s30, s19, $0xb8;
	[tilespmem:$0x1D8C0] =	vst v63  }
0x2d: {  	s31 =	sor.u32 $0x1000, s25  }
0x2e: {  	[spmem:s1] =	stream.indirect.scatter.add.f32 [tilespmem:s20], [sflag:$0x3], $0x80, s31, s19, $0xb8;
	[tilespmem:$0x1D8C0] =	vst v63  }
0x2f: {  	_ =	swait.ge [sflag:s14], $0x4000  }
0x30: {  	[sflag:s14] =	ssyncset.done $0x0  }
0x31: {  	[sflag:s14] =	ssyncadd.s32 $0xFFFFC000  }
0x32: {  	_ =	swait.ge [sflag:s21], $0x4000  }
0x33: {  	[sflag:s21] =	ssyncset.done $0x0  }
0x34: {  	s0 =	sor.u32 $0x100, s25;
	[sflag:s21] =	ssyncadd.s32 $0xFFFFC000  }
0x35: {  	[tilespmem:s20], [sflag:$0x1] =	stream.indirect.gather [hbm4b:s4+s19], $0x80, s0, s19, $0xb8;
	[tilespmem:$0x1D8C0] =	vst v63  }
0x36: {  	s29 =	sor.u32 $0x1080, s25  }
0x37: {  	[spmem:s1] =	stream.indirect.scatter.add.f32 [tilespmem:s22], [sflag:$0x3], $0x80, s29, s19, $0xb8;
	[tilespmem:$0x1D8C0] =	vst v63  }
0x38: {  	_ =	swait.ge [sflag:s14], $0x4000  }
0x39: {  	[sflag:s14] =	ssyncset.done $0x0  }
0x3a: {  	[sflag:s14] =	ssyncadd.s32 $0xFFFFC000  }
0x3b: {  	_ =	swait.ge [sflag:s21], $0x4000  }
0x3c: {  	[sflag:s21] =	ssyncset.done $0x0  }
0x3d: {  	s30 =	sor.u32 $0x180, s25;
	[sflag:s21] =	ssyncadd.s32 $0xFFFFC000  }
0x3e: {  	[tilespmem:s22], [sflag:$0x1] =	stream.indirect.gather [hbm4b:s4+s19], $0x80, s30, s19, $0xb8;
	[tilespmem:$0x1D8C0] =	vst v63  }
0x3f: {  	s31 =	sor.u32 $0x1100, s25  }
0x40: {  	[spmem:s1] =	stream.indirect.scatter.add.f32 [tilespmem:s20], [sflag:$0x3], $0x80, s31, s19, $0xb8;
	[tilespmem:$0x1D8C0] =	vst v63  }
0x41: {  	_ =	swait.ge [sflag:s14], $0x4000  }
0x42: {  	[sflag:s14] =	ssyncset.done $0x0  }
0x43: {  	[sflag:s14] =	ssyncadd.s32 $0xFFFFC000  }
0x44: {  	_ =	swait.ge [sflag:s21], $0x4000  }
0x45: {  	[sflag:s21] =	ssyncset.done $0x0  }
0x46: {  	s0 =	sor.u32 $0x200, s25;
	[sflag:s21] =	ssyncadd.s32 $0xFFFFC000  }
0x47: {  	[tilespmem:s20], [sflag:$0x1] =	stream.indirect.gather [hbm4b:s4+s19], $0x80, s0, s19, $0xb8;
	[tilespmem:$0x1D8C0] =	vst v63  }
0x48: {  	s29 =	sor.u32 $0x1180, s25  }
0x49: {  	[spmem:s1] =	stream.indirect.scatter.add.f32 [tilespmem:s22], [sflag:$0x3], $0x80, s29, s19, $0xb8;
	[tilespmem:$0x1D8C0] =	vst v63  }
0x4a: {  	_ =	swait.ge [sflag:s14], $0x4000  }
0x4b: {  	[sflag:s14] =	ssyncset.done $0x0  }
0x4c: {  	[sflag:s14] =	ssyncadd.s32 $0xFFFFC000  }
0x4d: {  	_ =	swait.ge [sflag:s21], $0x4000  }
0x4e: {  	[sflag:s21] =	ssyncset.done $0x0  }
0x4f: {  	s30 =	sor.u32 $0x280, s25;
	[sflag:s21] =	ssyncadd.s32 $0xFFFFC000  }
0x50: {  	[tilespmem:s22], [sflag:$0x1] =	stream.indirect.gather [hbm4b:s4+s19], $0x80, s30, s19, $0xb8;
	[tilespmem:$0x1D8C0] =	vst v63  }
0x51: {  	s31 =	sor.u32 $0x1200, s25  }
0x52: {  	[spmem:s1] =	stream.indirect.scatter.add.f32 [tilespmem:s20], [sflag:$0x3], $0x80, s31, s19, $0xb8;
	[tilespmem:$0x1D8C0] =	vst v63  }
0x53: {  	_ =	swait.ge [sflag:s14], $0x4000  }
0x54: {  	[sflag:s14] =	ssyncset.done $0x0  }
0x55: {  	[sflag:s14] =	ssyncadd.s32 $0xFFFFC000  }
0x56: {  	_ =	swait.ge [sflag:s21], $0x4000  }
0x57: {  	[sflag:s21] =	ssyncset.done $0x0  }
0x58: {  	s0 =	sor.u32 $0x300, s25;
	[sflag:s21] =	ssyncadd.s32 $0xFFFFC000  }
0x59: {  	[tilespmem:s20], [sflag:$0x1] =	stream.indirect.gather [hbm4b:s4+s19], $0x80, s0, s19, $0xb8;
	[tilespmem:$0x1D8C0] =	vst v63  }
0x5a: {  	s29 =	sor.u32 $0x1280, s25  }
0x5b: {  	[spmem:s1] =	stream.indirect.scatter.add.f32 [tilespmem:s22], [sflag:$0x3], $0x80, s29, s19, $0xb8;
	[tilespmem:$0x1D8C0] =	vst v63  }
0x5c: {  	_ =	swait.ge [sflag:s14], $0x4000  }
0x5d: {  	[sflag:s14] =	ssyncset.done $0x0  }
0x5e: {  	[sflag:s14] =	ssyncadd.s32 $0xFFFFC000  }
0x5f: {  	_ =	swait.ge [sflag:s21], $0x4000  }
0x60: {  	[sflag:s21] =	ssyncset.done $0x0  }
0x61: {  	s30 =	sor.u32 $0x380, s25;
	[sflag:s21] =	ssyncadd.s32 $0xFFFFC000  }
0x62: {  	[tilespmem:s22], [sflag:$0x1] =	stream.indirect.gather [hbm4b:s4+s19], $0x80, s30, s19, $0xb8;
	[tilespmem:$0x1D8C0] =	vst v63  }
0x63: {  	s31 =	sor.u32 $0x1300, s25  }
0x64: {  	[spmem:s1] =	stream.indirect.scatter.add.f32 [tilespmem:s20], [sflag:$0x3], $0x80, s31, s19, $0xb8;
	[tilespmem:$0x1D8C0] =	vst v63  }
0x65: {  	_ =	swait.ge [sflag:s14], $0x4000  }
0x66: {  	[sflag:s14] =	ssyncset.done $0x0  }
0x67: {  	[sflag:s14] =	ssyncadd.s32 $0xFFFFC000  }
0x68: {  	_ =	swait.ge [sflag:s21], $0x4000  }
0x69: {  	[sflag:s21] =	ssyncset.done $0x0  }
0x6a: {  	s0 =	sor.u32 $0x400, s25;
	[sflag:s21] =	ssyncadd.s32 $0xFFFFC000  }
0x6b: {  	[tilespmem:s20], [sflag:$0x1] =	stream.indirect.gather [hbm4b:s4+s19], $0x80, s0, s19, $0xb8;
	[tilespmem:$0x1D8C0] =	vst v63  }
0x6c: {  	s29 =	sor.u32 $0x1380, s25  }
0x6d: {  	[spmem:s1] =	stream.indirect.scatter.add.f32 [tilespmem:s22], [sflag:$0x3], $0x80, s29, s19, $0xb8;
	[tilespmem:$0x1D8C0] =	vst v63  }
0x6e: {  	_ =	swait.ge [sflag:s14], $0x4000  }
0x6f: {  	[sflag:s14] =	ssyncset.done $0x0  }
0x70: {  	[sflag:s14] =	ssyncadd.s32 $0xFFFFC000  }
0x71: {  	_ =	swait.ge [sflag:s21], $0x4000  }
0x72: {  	[sflag:s21] =	ssyncset.done $0x0  }
0x73: {  	s30 =	sor.u32 $0x480, s25;
	[sflag:s21] =	ssyncadd.s32 $0xFFFFC000  }
0x74: {  	[tilespmem:s22], [sflag:$0x1] =	stream.indirect.gather [hbm4b:s4+s19], $0x80, s30, s19, $0xb8;
	[tilespmem:$0x1D8C0] =	vst v63  }
0x75: {  	s31 =	sor.u32 $0x1400, s25  }
0x76: {  	[spmem:s1] =	stream.indirect.scatter.add.f32 [tilespmem:s20], [sflag:$0x3], $0x80, s31, s19, $0xb8;
	[tilespmem:$0x1D8C0] =	vst v63  }
0x77: {  	_ =	swait.ge [sflag:s14], $0x4000  }
0x78: {  	[sflag:s14] =	ssyncset.done $0x0  }
0x79: {  	[sflag:s14] =	ssyncadd.s32 $0xFFFFC000  }
0x7a: {  	_ =	swait.ge [sflag:s21], $0x4000  }
0x7b: {  	[sflag:s21] =	ssyncset.done $0x0  }
0x7c: {  	s26 =	simm.s32 @!p1 $0x2;
	[sflag:s21] =	ssyncadd.s32 $0xFFFFC000  }
0x7d: {  	_ =	swait.ge @!p1 [sflag:s26], $0x500  }
0x7e: {  	[sflag:s26] =	ssyncset.done @!p1 $0x0  }
0x7f: {  	[sflag:s26] =	ssyncadd.s32 @!p1 $0xFFFFFB00  }
0x80: {  	_ =	swait.ge @!p1 [sflag:s26], $0x500  }
0x81: {  	[sflag:s26] =	ssyncset.done @!p1 $0x0  }
0x82: {  	s28 =	simm.s32 @!p1 $0x2000;
	[sflag:s26] =	ssyncadd.s32 @!p1 $0xFFFFFB00;
	s26 =	simm.s32 @!p1 $0x80  }
0x83: {  	[tilespmem:s28], [sflag:$0x1] =	stream.indirect.gather @!p1 [hbm4b:s4+s26], $0x80, s24, s26, $0xb8;
	[tilespmem:$0x1D8C0] =	vst v63  }
0x84: {  	s25 =	sadd.s32 $0x1480, s25;
	s24 =	simm.s32 $0x800  }
0x85: {  	[spmem:s1] =	stream.indirect.scatter.add.f32 [tilespmem:s22], [sflag:$0x3], $0x80, s25, s19, $0xb8;
	[tilespmem:$0x1D8C0] =	vst v63  }
0x86: {  	s28 =	simm.s32 $0x1000;
	p1 =	por $0x0, $0x0;
	_ =	swait.ge [sflag:s14], $0x4000  }
0x87: {  	s26 =	sadd.s32 $0x100, s12;
	s25 =	sadd.s32 $0x100, s13;
	[sflag:s14] =	ssyncset.done $0x0  }
.LBB2_2:
0x88: {  	s29 =	sxor.u32 @!p1 $0xFFFFFFFF, s24  }
0x89: {  	[sflag:s14] =	ssyncadd.s32 $0xFFFFC000;
	s31 =	smov.u32 s28;
	s28 =	sadd.s32 $0x800, s28  }
0x8a: {  	s30 =	simm.s32 @!p1 $0x0;
	p2 =	sne.s32 s28, $0x8000;
	s29 =	sand.u32 @!p1 $0x800, s29  }
0x8b: {  	[tilespmem:s29], [sflag:$0x2] =	stream.linear.gather @!p1 [hbm4b:s26+s30], $0x500, $0x38;
	[tilespmem:$0x1D8C0] =	vst v63  }
0x8c: {  	s0 =	sor.u32 @!p1 $0x1000, s29  }
0x8d: {  	[tilespmem:s0], [sflag:$0x2] =	stream.linear.gather @!p1 [hbm4b:s25+s30], $0x500, $0x38;
	[tilespmem:$0x1D8C0] =	vst v63  }
0x8e: {  	_ =	swait.ge [sflag:s21], $0x4000  }
0x8f: {  	s30 =	sand.u32 $0x800, s24;
	s24 =	smov.u32 s31;
	[sflag:s21] =	ssyncset.done $0x0  }
0x90: {  	s0 =	sor.u32 $0x80, s30;
	[sflag:s21] =	ssyncadd.s32 $0xFFFFC000  }
0x91: {  	[tilespmem:s22], [sflag:$0x1] =	stream.indirect.gather [hbm4b:s4+s19], $0x80, s0, s19, $0xb8;
	[tilespmem:$0x1D8C0] =	vst v63  }
0x92: {  	s0 =	sor.u32 $0x1000, s30  }
0x93: {  	[spmem:s1] =	stream.indirect.scatter.add.f32 [tilespmem:s20], [sflag:$0x3], $0x80, s0, s19, $0xb8;
	[tilespmem:$0x1D8C0] =	vst v63  }
0x94: {  	_ =	swait.ge [sflag:s14], $0x4000  }
0x95: {  	[sflag:s14] =	ssyncset.done $0x0  }
0x96: {  	[sflag:s14] =	ssyncadd.s32 $0xFFFFC000  }
0x97: {  	_ =	swait.ge [sflag:s21], $0x4000  }
0x98: {  	[sflag:s21] =	ssyncset.done $0x0  }
0x99: {  	s0 =	sor.u32 $0x100, s30;
	[sflag:s21] =	ssyncadd.s32 $0xFFFFC000  }
0x9a: {  	[tilespmem:s20], [sflag:$0x1] =	stream.indirect.gather [hbm4b:s4+s19], $0x80, s0, s19, $0xb8;
	[tilespmem:$0x1D8C0] =	vst v63  }
0x9b: {  	s0 =	sor.u32 $0x1080, s30  }
0x9c: {  	[spmem:s1] =	stream.indirect.scatter.add.f32 [tilespmem:s22], [sflag:$0x3], $0x80, s0, s19, $0xb8;
	[tilespmem:$0x1D8C0] =	vst v63  }
0x9d: {  	_ =	swait.ge [sflag:s14], $0x4000  }
0x9e: {  	[sflag:s14] =	ssyncset.done $0x0  }
0x9f: {  	[sflag:s14] =	ssyncadd.s32 $0xFFFFC000  }
0xa0: {  	_ =	swait.ge [sflag:s21], $0x4000  }
0xa1: {  	[sflag:s21] =	ssyncset.done $0x0  }
0xa2: {  	s0 =	sor.u32 $0x180, s30;
	[sflag:s21] =	ssyncadd.s32 $0xFFFFC000  }
0xa3: {  	[tilespmem:s22], [sflag:$0x1] =	stream.indirect.gather [hbm4b:s4+s19], $0x80, s0, s19, $0xb8;
	[tilespmem:$0x1D8C0] =	vst v63  }
0xa4: {  	s0 =	sor.u32 $0x1100, s30  }
0xa5: {  	[spmem:s1] =	stream.indirect.scatter.add.f32 [tilespmem:s20], [sflag:$0x3], $0x80, s0, s19, $0xb8;
	[tilespmem:$0x1D8C0] =	vst v63  }
0xa6: {  	_ =	swait.ge [sflag:s14], $0x4000  }
0xa7: {  	[sflag:s14] =	ssyncset.done $0x0  }
0xa8: {  	[sflag:s14] =	ssyncadd.s32 $0xFFFFC000  }
0xa9: {  	_ =	swait.ge [sflag:s21], $0x4000  }
0xaa: {  	[sflag:s21] =	ssyncset.done $0x0  }
0xab: {  	s0 =	sor.u32 $0x200, s30;
	[sflag:s21] =	ssyncadd.s32 $0xFFFFC000  }
0xac: {  	[tilespmem:s20], [sflag:$0x1] =	stream.indirect.gather [hbm4b:s4+s19], $0x80, s0, s19, $0xb8;
	[tilespmem:$0x1D8C0] =	vst v63  }
0xad: {  	s0 =	sor.u32 $0x1180, s30  }
0xae: {  	[spmem:s1] =	stream.indirect.scatter.add.f32 [tilespmem:s22], [sflag:$0x3], $0x80, s0, s19, $0xb8;
	[tilespmem:$0x1D8C0] =	vst v63  }
0xaf: {  	_ =	swait.ge [sflag:s14], $0x4000  }
0xb0: {  	[sflag:s14] =	ssyncset.done $0x0  }
0xb1: {  	[sflag:s14] =	ssyncadd.s32 $0xFFFFC000  }
0xb2: {  	_ =	swait.ge [sflag:s21], $0x4000  }
0xb3: {  	[sflag:s21] =	ssyncset.done $0x0  }
0xb4: {  	s0 =	sor.u32 $0x280, s30;
	[sflag:s21] =	ssyncadd.s32 $0xFFFFC000  }
0xb5: {  	[tilespmem:s22], [sflag:$0x1] =	stream.indirect.gather [hbm4b:s4+s19], $0x80, s0, s19, $0xb8;
	[tilespmem:$0x1D8C0] =	vst v63  }
0xb6: {  	s0 =	sor.u32 $0x1200, s30  }
0xb7: {  	[spmem:s1] =	stream.indirect.scatter.add.f32 [tilespmem:s20], [sflag:$0x3], $0x80, s0, s19, $0xb8;
	[tilespmem:$0x1D8C0] =	vst v63  }
0xb8: {  	_ =	swait.ge [sflag:s14], $0x4000  }
0xb9: {  	[sflag:s14] =	ssyncset.done $0x0  }
0xba: {  	[sflag:s14] =	ssyncadd.s32 $0xFFFFC000  }
0xbb: {  	_ =	swait.ge [sflag:s21], $0x4000  }
0xbc: {  	[sflag:s21] =	ssyncset.done $0x0  }
0xbd: {  	s0 =	sor.u32 $0x300, s30;
	[sflag:s21] =	ssyncadd.s32 $0xFFFFC000  }
0xbe: {  	[tilespmem:s20], [sflag:$0x1] =	stream.indirect.gather [hbm4b:s4+s19], $0x80, s0, s19, $0xb8;
	[tilespmem:$0x1D8C0] =	vst v63  }
0xbf: {  	s0 =	sor.u32 $0x1280, s30  }
0xc0: {  	[spmem:s1] =	stream.indirect.scatter.add.f32 [tilespmem:s22], [sflag:$0x3], $0x80, s0, s19, $0xb8;
	[tilespmem:$0x1D8C0] =	vst v63  }
0xc1: {  	_ =	swait.ge [sflag:s14], $0x4000  }
0xc2: {  	[sflag:s14] =	ssyncset.done $0x0  }
0xc3: {  	[sflag:s14] =	ssyncadd.s32 $0xFFFFC000  }
0xc4: {  	_ =	swait.ge [sflag:s21], $0x4000  }
0xc5: {  	[sflag:s21] =	ssyncset.done $0x0  }
0xc6: {  	s0 =	sor.u32 $0x380, s30;
	[sflag:s21] =	ssyncadd.s32 $0xFFFFC000  }
0xc7: {  	[tilespmem:s22], [sflag:$0x1] =	stream.indirect.gather [hbm4b:s4+s19], $0x80, s0, s19, $0xb8;
	[tilespmem:$0x1D8C0] =	vst v63  }
0xc8: {  	s0 =	sor.u32 $0x1300, s30  }
0xc9: {  	[spmem:s1] =	stream.indirect.scatter.add.f32 [tilespmem:s20], [sflag:$0x3], $0x80, s0, s19, $0xb8;
	[tilespmem:$0x1D8C0] =	vst v63  }
0xca: {  	_ =	swait.ge [sflag:s14], $0x4000  }
0xcb: {  	[sflag:s14] =	ssyncset.done $0x0  }
0xcc: {  	[sflag:s14] =	ssyncadd.s32 $0xFFFFC000  }
0xcd: {  	_ =	swait.ge [sflag:s21], $0x4000  }
0xce: {  	[sflag:s21] =	ssyncset.done $0x0  }
0xcf: {  	s0 =	sor.u32 $0x400, s30;
	[sflag:s21] =	ssyncadd.s32 $0xFFFFC000  }
0xd0: {  	[tilespmem:s20], [sflag:$0x1] =	stream.indirect.gather [hbm4b:s4+s19], $0x80, s0, s19, $0xb8;
	[tilespmem:$0x1D8C0] =	vst v63  }
0xd1: {  	s0 =	sor.u32 $0x1380, s30  }
0xd2: {  	[spmem:s1] =	stream.indirect.scatter.add.f32 [tilespmem:s22], [sflag:$0x3], $0x80, s0, s19, $0xb8;
	[tilespmem:$0x1D8C0] =	vst v63  }
0xd3: {  	_ =	swait.ge [sflag:s14], $0x4000  }
0xd4: {  	[sflag:s14] =	ssyncset.done $0x0  }
0xd5: {  	[sflag:s14] =	ssyncadd.s32 $0xFFFFC000  }
0xd6: {  	_ =	swait.ge [sflag:s21], $0x4000  }
0xd7: {  	[sflag:s21] =	ssyncset.done $0x0  }
0xd8: {  	s0 =	sor.u32 $0x480, s30;
	[sflag:s21] =	ssyncadd.s32 $0xFFFFC000  }
0xd9: {  	[tilespmem:s22], [sflag:$0x1] =	stream.indirect.gather [hbm4b:s4+s19], $0x80, s0, s19, $0xb8;
	[tilespmem:$0x1D8C0] =	vst v63  }
0xda: {  	s0 =	sor.u32 $0x1400, s30  }
0xdb: {  	[spmem:s1] =	stream.indirect.scatter.add.f32 [tilespmem:s20], [sflag:$0x3], $0x80, s0, s19, $0xb8;
	[tilespmem:$0x1D8C0] =	vst v63  }
0xdc: {  	_ =	swait.ge [sflag:s14], $0x4000  }
0xdd: {  	[sflag:s14] =	ssyncset.done $0x0  }
0xde: {  	[sflag:s14] =	ssyncadd.s32 $0xFFFFC000  }
0xdf: {  	_ =	swait.ge [sflag:s21], $0x4000  }
0xe0: {  	[sflag:s21] =	ssyncset.done $0x0  }
0xe1: {  	s0 =	simm.s32 @!p1 $0x2;
	[sflag:s21] =	ssyncadd.s32 $0xFFFFC000  }
0xe2: {  	_ =	swait.ge @!p1 [sflag:s0], $0x500  }
0xe3: {  	[sflag:s0] =	ssyncset.done @!p1 $0x0  }
0xe4: {  	[sflag:s0] =	ssyncadd.s32 @!p1 $0xFFFFFB00  }
0xe5: {  	_ =	swait.ge @!p1 [sflag:s0], $0x500  }
0xe6: {  	[sflag:s0] =	ssyncset.done @!p1 $0x0  }
0xe7: {  	s31 =	simm.s32 @!p1 $0x2000;
	[sflag:s0] =	ssyncadd.s32 @!p1 $0xFFFFFB00;
	s0 =	simm.s32 @!p1 $0x80  }
0xe8: {  	[tilespmem:s31], [sflag:$0x1] =	stream.indirect.gather @!p1 [hbm4b:s4+s0], $0x80, s29, s0, $0xb8;
	[tilespmem:$0x1D8C0] =	vst v63  }
.Ltmp0:
0xe9: {  	_ = 	snop;
	(pc) =	sbr.rel @p2 .LBB2_2-.Ltmp0, $4  }
0xea: {  	s0 =	sadd.s32 $0x1480, s30  }
0xeb: {  	[spmem:s1] =	stream.indirect.scatter.add.f32 [tilespmem:s22], [sflag:$0x3], $0x80, s0, s19, $0xb8;
	[tilespmem:$0x1D8C0] =	vst v63  }
0xec: {  	s25 =	sadd.s32 $0x100, s25;
	_ =	swait.ge [sflag:s14], $0x4000  }
0xed: {  	s26 =	sadd.s32 $0x100, s26;
	p1 =	seq.s32 s24, $0x7800;
	[sflag:s14] =	ssyncset.done $0x0  }
0xee: {  	s0 =	sxor.u32 @!p1 $0xFFFFFFFF, s24  }
0xef: {  	[sflag:s14] =	ssyncadd.s32 $0xFFFFC000;
	s28 =	sand.u32 @!p1 $0x800, s0;
	s0 =	simm.s32 @!p1 $0x0  }
0xf0: {  	[tilespmem:s28], [sflag:$0x2] =	stream.linear.gather @!p1 [hbm4b:s26+s0], $0x500, $0x38;
	[tilespmem:$0x1D8C0] =	vst v63  }
0xf1: {  	s26 =	sor.u32 @!p1 $0x1000, s28  }
0xf2: {  	[tilespmem:s26], [sflag:$0x2] =	stream.linear.gather @!p1 [hbm4b:s25+s0], $0x500, $0x38;
	[tilespmem:$0x1D8C0] =	vst v63  }
0xf3: {  	_ =	swait.ge [sflag:s21], $0x4000  }
0xf4: {  	s24 =	sand.u32 $0x800, s24;
	[sflag:s21] =	ssyncset.done $0x0  }
0xf5: {  	s26 =	sor.u32 $0x80, s24;
	[sflag:s21] =	ssyncadd.s32 $0xFFFFC000  }
0xf6: {  	[tilespmem:s22], [sflag:$0x1] =	stream.indirect.gather [hbm4b:s4+s19], $0x80, s26, s19, $0xb8;
	[tilespmem:$0x1D8C0] =	vst v63  }
0xf7: {  	s29 =	sor.u32 $0x1000, s24  }
0xf8: {  	[spmem:s1] =	stream.indirect.scatter.add.f32 [tilespmem:s20], [sflag:$0x3], $0x80, s29, s19, $0xb8;
	[tilespmem:$0x1D8C0] =	vst v63  }
0xf9: {  	_ =	swait.ge [sflag:s14], $0x4000  }
0xfa: {  	[sflag:s14] =	ssyncset.done $0x0  }
0xfb: {  	[sflag:s14] =	ssyncadd.s32 $0xFFFFC000  }
0xfc: {  	_ =	swait.ge [sflag:s21], $0x4000  }
0xfd: {  	[sflag:s21] =	ssyncset.done $0x0  }
0xfe: {  	s30 =	sor.u32 $0x100, s24;
	[sflag:s21] =	ssyncadd.s32 $0xFFFFC000  }
0xff: {  	[tilespmem:s20], [sflag:$0x1] =	stream.indirect.gather [hbm4b:s4+s19], $0x80, s30, s19, $0xb8;
	[tilespmem:$0x1D8C0] =	vst v63  }
0x100: {  	s31 =	sor.u32 $0x1080, s24  }
0x101: {  	[spmem:s1] =	stream.indirect.scatter.add.f32 [tilespmem:s22], [sflag:$0x3], $0x80, s31, s19, $0xb8;
	[tilespmem:$0x1D8C0] =	vst v63  }
0x102: {  	_ =	swait.ge [sflag:s14], $0x4000  }
0x103: {  	[sflag:s14] =	ssyncset.done $0x0  }
0x104: {  	[sflag:s14] =	ssyncadd.s32 $0xFFFFC000  }
0x105: {  	_ =	swait.ge [sflag:s21], $0x4000  }
0x106: {  	[sflag:s21] =	ssyncset.done $0x0  }
0x107: {  	s25 =	sor.u32 $0x180, s24;
	[sflag:s21] =	ssyncadd.s32 $0xFFFFC000  }
0x108: {  	[tilespmem:s22], [sflag:$0x1] =	stream.indirect.gather [hbm4b:s4+s19], $0x80, s25, s19, $0xb8;
	[tilespmem:$0x1D8C0] =	vst v63  }
0x109: {  	s26 =	sor.u32 $0x1100, s24  }
0x10a: {  	[spmem:s1] =	stream.indirect.scatter.add.f32 [tilespmem:s20], [sflag:$0x3], $0x80, s26, s19, $0xb8;
	[tilespmem:$0x1D8C0] =	vst v63  }
0x10b: {  	_ =	swait.ge [sflag:s14], $0x4000  }
0x10c: {  	[sflag:s14] =	ssyncset.done $0x0  }
0x10d: {  	[sflag:s14] =	ssyncadd.s32 $0xFFFFC000  }
0x10e: {  	_ =	swait.ge [sflag:s21], $0x4000  }
0x10f: {  	[sflag:s21] =	ssyncset.done $0x0  }
0x110: {  	s29 =	sor.u32 $0x200, s24;
	[sflag:s21] =	ssyncadd.s32 $0xFFFFC000  }
0x111: {  	[tilespmem:s20], [sflag:$0x1] =	stream.indirect.gather [hbm4b:s4+s19], $0x80, s29, s19, $0xb8;
	[tilespmem:$0x1D8C0] =	vst v63  }
0x112: {  	s30 =	sor.u32 $0x1180, s24  }
0x113: {  	[spmem:s1] =	stream.indirect.scatter.add.f32 [tilespmem:s22], [sflag:$0x3], $0x80, s30, s19, $0xb8;
	[tilespmem:$0x1D8C0] =	vst v63  }
0x114: {  	_ =	swait.ge [sflag:s14], $0x4000  }
0x115: {  	[sflag:s14] =	ssyncset.done $0x0  }
0x116: {  	[sflag:s14] =	ssyncadd.s32 $0xFFFFC000  }
0x117: {  	_ =	swait.ge [sflag:s21], $0x4000  }
0x118: {  	[sflag:s21] =	ssyncset.done $0x0  }
0x119: {  	s31 =	sor.u32 $0x280, s24;
	[sflag:s21] =	ssyncadd.s32 $0xFFFFC000  }
0x11a: {  	[tilespmem:s22], [sflag:$0x1] =	stream.indirect.gather [hbm4b:s4+s19], $0x80, s31, s19, $0xb8;
	[tilespmem:$0x1D8C0] =	vst v63  }
0x11b: {  	s25 =	sor.u32 $0x1200, s24  }
0x11c: {  	[spmem:s1] =	stream.indirect.scatter.add.f32 [tilespmem:s20], [sflag:$0x3], $0x80, s25, s19, $0xb8;
	[tilespmem:$0x1D8C0] =	vst v63  }
0x11d: {  	_ =	swait.ge [sflag:s14], $0x4000  }
0x11e: {  	[sflag:s14] =	ssyncset.done $0x0  }
0x11f: {  	[sflag:s14] =	ssyncadd.s32 $0xFFFFC000  }
0x120: {  	_ =	swait.ge [sflag:s21], $0x4000  }
0x121: {  	[sflag:s21] =	ssyncset.done $0x0  }
0x122: {  	s26 =	sor.u32 $0x300, s24;
	[sflag:s21] =	ssyncadd.s32 $0xFFFFC000  }
0x123: {  	[tilespmem:s20], [sflag:$0x1] =	stream.indirect.gather [hbm4b:s4+s19], $0x80, s26, s19, $0xb8;
	[tilespmem:$0x1D8C0] =	vst v63  }
0x124: {  	s29 =	sor.u32 $0x1280, s24  }
0x125: {  	[spmem:s1] =	stream.indirect.scatter.add.f32 [tilespmem:s22], [sflag:$0x3], $0x80, s29, s19, $0xb8;
	[tilespmem:$0x1D8C0] =	vst v63  }
0x126: {  	_ =	swait.ge [sflag:s14], $0x4000  }
0x127: {  	[sflag:s14] =	ssyncset.done $0x0  }
0x128: {  	[sflag:s14] =	ssyncadd.s32 $0xFFFFC000  }
0x129: {  	_ =	swait.ge [sflag:s21], $0x4000  }
0x12a: {  	[sflag:s21] =	ssyncset.done $0x0  }
0x12b: {  	s30 =	sor.u32 $0x380, s24;
	[sflag:s21] =	ssyncadd.s32 $0xFFFFC000  }
0x12c: {  	[tilespmem:s22], [sflag:$0x1] =	stream.indirect.gather [hbm4b:s4+s19], $0x80, s30, s19, $0xb8;
	[tilespmem:$0x1D8C0] =	vst v63  }
0x12d: {  	s31 =	sor.u32 $0x1300, s24  }
0x12e: {  	[spmem:s1] =	stream.indirect.scatter.add.f32 [tilespmem:s20], [sflag:$0x3], $0x80, s31, s19, $0xb8;
	[tilespmem:$0x1D8C0] =	vst v63  }
0x12f: {  	_ =	swait.ge [sflag:s14], $0x4000  }
0x130: {  	[sflag:s14] =	ssyncset.done $0x0  }
0x131: {  	[sflag:s14] =	ssyncadd.s32 $0xFFFFC000  }
0x132: {  	_ =	swait.ge [sflag:s21], $0x4000  }
0x133: {  	[sflag:s21] =	ssyncset.done $0x0  }
0x134: {  	s25 =	sor.u32 $0x400, s24;
	[sflag:s21] =	ssyncadd.s32 $0xFFFFC000  }
0x135: {  	[tilespmem:s20], [sflag:$0x1] =	stream.indirect.gather [hbm4b:s4+s19], $0x80, s25, s19, $0xb8;
	[tilespmem:$0x1D8C0] =	vst v63  }
0x136: {  	s26 =	sor.u32 $0x1380, s24  }
0x137: {  	[spmem:s1] =	stream.indirect.scatter.add.f32 [tilespmem:s22], [sflag:$0x3], $0x80, s26, s19, $0xb8;
	[tilespmem:$0x1D8C0] =	vst v63  }
0x138: {  	_ =	swait.ge [sflag:s14], $0x4000  }
0x139: {  	[sflag:s14] =	ssyncset.done $0x0  }
0x13a: {  	[sflag:s14] =	ssyncadd.s32 $0xFFFFC000  }
0x13b: {  	_ =	swait.ge [sflag:s21], $0x4000  }
0x13c: {  	[sflag:s21] =	ssyncset.done $0x0  }
0x13d: {  	s29 =	sor.u32 $0x480, s24;
	[sflag:s21] =	ssyncadd.s32 $0xFFFFC000  }
0x13e: {  	[tilespmem:s22], [sflag:$0x1] =	stream.indirect.gather [hbm4b:s4+s19], $0x80, s29, s19, $0xb8;
	[tilespmem:$0x1D8C0] =	vst v63  }
0x13f: {  	s30 =	sor.u32 $0x1400, s24  }
0x140: {  	[spmem:s1] =	stream.indirect.scatter.add.f32 [tilespmem:s20], [sflag:$0x3], $0x80, s30, s19, $0xb8;
	[tilespmem:$0x1D8C0] =	vst v63  }
0x141: {  	_ =	swait.ge [sflag:s14], $0x4000  }
0x142: {  	[sflag:s14] =	ssyncset.done $0x0  }
0x143: {  	[sflag:s14] =	ssyncadd.s32 $0xFFFFC000  }
0x144: {  	_ =	swait.ge [sflag:s21], $0x4000  }
0x145: {  	[sflag:s21] =	ssyncset.done $0x0  }
0x146: {  	s0 =	simm.s32 @!p1 $0x2;
	[sflag:s21] =	ssyncadd.s32 $0xFFFFC000  }
0x147: {  	_ =	swait.ge @!p1 [sflag:s0], $0x500  }
0x148: {  	[sflag:s0] =	ssyncset.done @!p1 $0x0  }
0x149: {  	[sflag:s0] =	ssyncadd.s32 @!p1 $0xFFFFFB00  }
0x14a: {  	_ =	swait.ge @!p1 [sflag:s0], $0x500  }
0x14b: {  	[sflag:s0] =	ssyncset.done @!p1 $0x0  }
0x14c: {  	s25 =	simm.s32 @!p1 $0x2000;
	[sflag:s0] =	ssyncadd.s32 @!p1 $0xFFFFFB00;
	s0 =	simm.s32 @!p1 $0x80  }
0x14d: {  	[tilespmem:s25], [sflag:$0x1] =	stream.indirect.gather @!p1 [hbm4b:s4+s0], $0x80, s28, s0, $0xb8;
	[tilespmem:$0x1D8C0] =	vst v63  }
0x14e: {  	s31 =	sadd.s32 $0x1480, s24  }
0x14f: {  	[spmem:s1] =	stream.indirect.scatter.add.f32 [tilespmem:s22], [sflag:$0x3], $0x80, s31, s19, $0xb8;
	[tilespmem:$0x1D8C0] =	vst v63  }
0x150: {  	_ =	swait.ge [sflag:s14], $0x4000  }
0x151: {  	[sflag:s14] =	ssyncset.done $0x0  }
0x152: {  	[sflag:s14] =	ssyncadd.s32 $0xFFFFC000  }
0x153: {  	[bflag:$0x0] =	sbarrier.arrive $0xFFFF  }
0x154: {  	[hbm:s9], [sflag:s16] =	dma.local [spmem:s17], $0x2700  }
0x155: {  	s23 =	sadd.s32 $0x1, s23;
	_ =	swait.ge [sflag:s14], $0x2700  }
0x156: {  	p1 =	sne.s32 s23, s11;
	[sflag:s14] =	ssyncset.done $0x0  }
.Ltmp1:
0x157: {  	s0 =	simm.s32 @!p0 $0x3;
	[sflag:s14] =	ssyncadd.s32 $0xFFFFD900;
	(pc) =	sbr.rel @p1 .LBB2_1-.Ltmp1, $4  }
0x158: {  	[hbm:s10], [sflag:s16] =	dma.local @!p0 [spmem:s18], $0x100  }
0x159: {  	_ =	swait.ge @!p0 [sflag:s0], $0x100  }
0x15a: {  	[sflag:s0] =	ssyncset.done @!p0 $0x0  }
0x15b: {  	[sflag:s0] =	ssyncadd.s32 @!p0 $0xFFFFFF00  }
0x15c: {  	_ =	sfence.sel $0x180000  }
0x15d: {  	[bflag:$0x0] =	sbarrier.arrive $0xFFFF  }
0x15e: {  	_ =	strace $0x90000050  }
0x15f: {  	[bflag:$0x2] =	sbarrier.arrive $0xFFFF  }
0x160: {  	p0 =	sne.s32 s2, $0x0;
	s0 =	rddreg [dreg:$0x2]  }
0x161: {  	s0 =	sadd.s32 @!p0 $0x100000, s0  }
0x162: {  	[sflag:s0] =	ssyncadd.tile.s32 @!p0 $0x1;
	_ =	shalt  }
.Lfunc_end2:
_tile_overlayer_lowered:
.L_overlay_start_2:
0x163: {  	(tag) =	ssettag $0x2  }
0x164: {  	s0 =	rddreg [dreg:$0x0];
	s2 =	stileid.u32  }
0x165: {  	s1 =	rddreg [dreg:$0x1];
	p0 =	sne.s32 s2, $0x0  }
0x166: {  	s3 =	rddreg [dreg:$0x2];
	[bflag:$0x3] =	sbarrier.arrive $0xFFFF;
	s2 =	simm.s32 @!p0 $0x1C03  }
0x167: {  	[timem:s3], [sflag:s2] =	dma.local @!p0 [hbm:s0], s1  }
0x168: {  	s0 =	simm.s32 @!p0 $0x3  }
0x169: {  	_ =	swait.ge @!p0 [sflag:s0], s1  }
0x16a: {  	s1 =	ssub.s32 @!p0 $0x0, s1;
	[sflag:s0] =	ssyncset.done @!p0 $0x0  }
0x16b: {  	[sflag:s0] =	ssyncadd.s32 @!p0 s1  }
0x16c: {  	[bflag:$0x3] =	sbarrier.arrive $0xFFFF  }
0x16d: {  	_ =	shalt  }

</sc_bundles>
